<compile_context>
chip_gen: v7x
topology: tpu7x:2x2x1
jax: 0.10.2.dev20260603
libtpu: 0.0.44.dev20260713+nightly
codegen_flags: <defaults>
</compile_context>

<pallas_src>
import functools

import jax
import jax.numpy as jnp
from jax import lax
from jax.experimental import pallas as pl
from jax.experimental.pallas import tpu as pltpu
from jax.experimental.pallas import tpu_sc as plsc

D = 512
CW = 128
DI = D // 2
WI = DI + CW
CP = 16
NCORES = 2
NSUB = 16
NW = NCORES * NSUB



def _proj_body(x_ref, w1r_ref, w1c_ref, b1_ref, pr_ref, pc_ref):
    xb = x_ref[...]
    pr = jnp.dot(xb, w1r_ref[...],
                 preferred_element_type=jnp.float32) + b1_ref[...]
    pc = jnp.dot(xb, w1c_ref[...], preferred_element_type=jnp.float32)
    pr_ref[...] = pr.astype(jnp.bfloat16)
    pc_ref[...] = pc.astype(jnp.bfloat16)


def _project(x, w1r, w1c, b1):
    n = x.shape[0]
    bn = 1000
    return pl.pallas_call(
        _proj_body,
        grid=(n // bn,),
        in_specs=[
            pl.BlockSpec((bn, D), lambda i: (i, 0)),
            pl.BlockSpec((D, D), lambda i: (0, 0)),
            pl.BlockSpec((D, D), lambda i: (0, 0)),
            pl.BlockSpec((1, D), lambda i: (0, 0)),
        ],
        out_specs=[
            pl.BlockSpec((bn, D), lambda i: (i, 0)),
            pl.BlockSpec((bn, D), lambda i: (i, 0)),
        ],
        out_shape=[
            jax.ShapeDtypeStruct((n, D), jnp.bfloat16),
            jax.ShapeDtypeStruct((n, D), jnp.bfloat16),
        ],
    )(x, w1r, w1c, b1.reshape(1, D))


def _pack_bf16(v):
    k = v.shape[-1] // 2
    pairs = jnp.stack([v[..., :k], v[..., k:]], axis=-1)
    return jax.lax.bitcast_convert_type(pairs, jnp.int32)



def _gather_combine(trf, tcf, cpw, ncpw, row, col):
    e = row.shape[0]
    epw = e // NW
    cb = 40
    nch = epw // cb
    mesh = plsc.VectorSubcoreMesh(core_axis_name="c", subcore_axis_name="s")

    @functools.partial(
        pl.kernel,
        out_type=[jax.ShapeDtypeStruct((e // cb, cb, DI), jnp.int32),
                  jax.ShapeDtypeStruct((e // cb, cb, DI), jnp.int32),
                  jax.ShapeDtypeStruct((e // cb, cb, CW), jnp.float32)],
        mesh=mesh,
        scratch_types=[
            pltpu.VMEM((cb,), jnp.int32),
            pltpu.VMEM((cb,), jnp.int32),
            pltpu.VMEM((cb,), jnp.int32),
            pltpu.VMEM((cb,), jnp.int32),
            pltpu.VMEM((cb, DI), jnp.int32),
            pltpu.VMEM((cb, DI), jnp.int32),
            pltpu.VMEM((cb, DI), jnp.int32),
            pltpu.VMEM((cb, DI), jnp.int32),
            pltpu.VMEM((cb, CW), jnp.float32),
            pltpu.VMEM((cb, CW), jnp.float32),
            pltpu.VMEM((cb, CW), jnp.float32),
            pltpu.VMEM((cb, CW), jnp.float32),
            pltpu.SemaphoreType.DMA,
            pltpu.SemaphoreType.DMA,
            pltpu.SemaphoreType.DMA,
            pltpu.SemaphoreType.DMA,
        ],
    )
    def k(trf_hbm, tcf_hbm, cpw_hbm, ncpw_hbm, row_hbm, col_hbm,
          gr_hbm, gc_hbm, dx_hbm,
          idxr0, idxr1, idxc0, idxc1, br0, br1, bc0, bc1,
          cr0, cr1, cc0, cc1, gs0, gs1, ws0, ws1):
        idxr = (idxr0, idxr1)
        idxc = (idxc0, idxc1)
        br = (br0, br1)
        bc = (bc0, bc1)
        cr = (cr0, cr1)
        cc = (cc0, cc1)
        gs = (gs0, gs1)
        ws = (ws0, ws1)
        wid = lax.axis_index("s") * NCORES + lax.axis_index("c")
        base0 = wid * epw

        def gfire(ci, s):
            base = base0 + ci * cb
            pltpu.sync_copy(row_hbm.at[pl.ds(base, cb)], idxr[s])
            pltpu.sync_copy(col_hbm.at[pl.ds(base, cb)], idxc[s])
            pltpu.async_copy(trf_hbm.at[idxr[s]], br[s], gs[s])
            pltpu.async_copy(tcf_hbm.at[idxc[s]], bc[s], gs[s])
            pltpu.async_copy(cpw_hbm.at[idxr[s]], cr[s], gs[s])
            pltpu.async_copy(ncpw_hbm.at[idxc[s]], cc[s], gs[s])

        def gwait(s):
            pltpu.make_async_copy(trf_hbm.at[idxr[s]], br[s], gs[s]).wait()
            pltpu.make_async_copy(tcf_hbm.at[idxc[s]], bc[s], gs[s]).wait()
            pltpu.make_async_copy(cpw_hbm.at[idxr[s]], cr[s], gs[s]).wait()
            pltpu.make_async_copy(ncpw_hbm.at[idxc[s]], cc[s], gs[s]).wait()

        def add(s):
            def rowbody(r, acc):
                sl = pl.ds(0, 16)
                cr[s][r, sl] = cr[s][r, sl] + cc[s][r, sl]
                return acc
            lax.fori_loop(0, cb, rowbody, 0)

        def wfire(ci, s):
            gci = wid * nch + ci
            pltpu.async_copy(br[s], gr_hbm.at[gci], ws[s])
            pltpu.async_copy(bc[s], gc_hbm.at[gci], ws[s])
            pltpu.async_copy(cr[s], dx_hbm.at[gci], ws[s])

        def wwait(s):
            pltpu.make_async_copy(br[s], gr_hbm.at[0], ws[s]).wait()
            pltpu.make_async_copy(bc[s], gc_hbm.at[0], ws[s]).wait()
            pltpu.make_async_copy(cr[s], dx_hbm.at[0], ws[s]).wait()

        gfire(0, 0)

        def pair(pi, carry):
            for b in range(2):
                ci = 2 * pi + b
                s = b
                so = 1 - b

                @pl.when(ci > 0)
                def _():
                    wwait(so)

                @pl.when(ci + 1 < nch)
                def _():
                    gfire(ci + 1, so)

                gwait(s)
                add(s)
                wfire(ci, s)
            return carry

        lax.fori_loop(0, nch // 2, pair, 0)
        if nch % 2 == 1:
            wwait(1)
            gwait(0)
            add(0)
            wfire(nch - 1, 0)
            wwait(0)
        else:
            wwait(1)

    return k(trf, tcf, cpw, ncpw, row, col)



def _unpack_add(wr, wc):
    lo = jax.lax.bitcast_convert_type(wr << 16, jnp.float32) \
        + jax.lax.bitcast_convert_type(wc << 16, jnp.float32)
    hi = jax.lax.bitcast_convert_type(wr & jnp.int32(-65536), jnp.float32) \
        + jax.lax.bitcast_convert_type(wc & jnp.int32(-65536), jnp.float32)
    return jnp.concatenate([lo, hi], axis=-1)


def _edge_body(gr_ref, gc_ref, dx_ref, w1d_ref, w2_ref, b2_ref, w5_ref,
               b5_ref, msg_ref, cu_ref):
    bc, cb, _ = gr_ref.shape
    be = bc * cb
    gb = _unpack_add(gr_ref[...], gc_ref[...]).reshape(be, D)
    dx = dx_ref[...].reshape(be, CW)
    dist = jnp.sqrt(jnp.sum(dx * dx, axis=1, keepdims=True))
    h = gb + dist * w1d_ref[...]
    h = h * jax.nn.sigmoid(h)
    msg = jnp.dot(h.astype(jnp.bfloat16), w2_ref[...],
                  preferred_element_type=jnp.float32) + b2_ref[...]
    msg_ref[...] = msg
    cw = jax.nn.sigmoid(
        jnp.sum(msg * w5_ref[...], axis=1, keepdims=True) + b5_ref[...])
    cu_ref[...] = dx * cw


def _edge_mlp(gr3, gc3, dx3, w1d, w2, b2, w5t, b5):
    nchk, cb, _ = gr3.shape
    e = nchk * cb
    be = 800
    bc = be // cb
    return pl.pallas_call(
        _edge_body,
        grid=(e // be,),
        in_specs=[
            pl.BlockSpec((bc, cb, DI), lambda i: (i, 0, 0)),
            pl.BlockSpec((bc, cb, DI), lambda i: (i, 0, 0)),
            pl.BlockSpec((bc, cb, CW), lambda i: (i, 0, 0)),
            pl.BlockSpec((1, D), lambda i: (0, 0)),
            pl.BlockSpec((D, D), lambda i: (0, 0)),
            pl.BlockSpec((1, D), lambda i: (0, 0)),
            pl.BlockSpec((1, D), lambda i: (0, 0)),
            pl.BlockSpec((1, 1), lambda i: (0, 0)),
        ],
        out_specs=[
            pl.BlockSpec((be, D), lambda i: (i, 0)),
            pl.BlockSpec((be, CW), lambda i: (i, 0)),
        ],
        out_shape=[
            jax.ShapeDtypeStruct((e, D), jnp.float32),
            jax.ShapeDtypeStruct((e, CW), jnp.float32),
        ],
    )(gr3, gc3, dx3, w1d, w2.astype(jnp.bfloat16), b2.reshape(1, D), w5t,
      b5.reshape(1, 1))



def _scatter_combine(msg_a, cu_a, row_a, msg_b, cu_b, row_b, np_):
    ea = msg_a.shape[0]
    eb = msg_b.shape[0]
    bd = 80
    bd2 = 40
    rpt = np_ // NSUB
    fs = 128
    zr = 64
    mesh = plsc.VectorSubcoreMesh(core_axis_name="c", subcore_axis_name="s")

    @functools.partial(
        pl.kernel,
        out_type=[jax.ShapeDtypeStruct((np_, D), jnp.float32),
                  jax.ShapeDtypeStruct((2, np_, CW), jnp.float32)],
        mesh=mesh,
        scratch_types=[
            [[pltpu.VMEM((bd,), jnp.int32), pltpu.VMEM((bd2,), jnp.int32)]
             for _ in range(2)],
            pltpu.VMEM((bd, fs), jnp.float32),
            pltpu.VMEM((bd, fs), jnp.float32),
            pltpu.VMEM((zr, fs), jnp.float32),
            pltpu.VMEM_SHARED((np_, fs), jnp.float32),
            pltpu.SemaphoreType.DMA,
            pltpu.SemaphoreType.DMA,
            pltpu.SemaphoreType.DMA,
            pltpu.SemaphoreType.DMA,
        ],
    )
    def k(msga_hbm, cua_hbm, rowa_hbm, msgb_hbm, cub_hbm, rowb_hbm,
          nm_hbm, dc_hbm, idxs, mb0, mb1, zbuf, acc, ls0, ls1, ss0, ss1):
        core = lax.axis_index("c")
        tid = lax.axis_index("s")
        r0 = tid * rpt
        mb = (mb0, mb1)
        ls = (ls0, ls1)
        ss = (ss0, ss1)

        def zb(i, c):
            for kk in range(fs // 16):
                zbuf[i, pl.ds(kk * 16, 16)] = jnp.zeros((16,), jnp.float32)
            return c
        lax.fori_loop(0, zr, zb, 0)

        def zero_acc():
            for q in range(rpt // zr):
                pltpu.sync_copy(zbuf, acc.at[pl.ds(r0 + q * zr, zr)])

        def scatter_pass(src_hbm, row_hbm, joff, ebase0, nchp, bdp, ij):
            def lfire(ci, s):
                base = ebase0 + ci * bdp
                pltpu.async_copy(row_hbm.at[pl.ds(base, bdp)],
                                 idxs[s][ij], ls[s])
                pltpu.async_copy(
                    src_hbm.at[pl.ds(base, bdp), pl.ds(joff, fs)],
                    mb[s].at[pl.ds(0, bdp)], ls[s])

            def lwait(s):
                pltpu.make_async_copy(row_hbm.at[pl.ds(ebase0, bdp)],
                                      idxs[s][ij], ls[s]).wait()
                pltpu.make_async_copy(
                    src_hbm.at[pl.ds(ebase0, bdp), pl.ds(joff, fs)],
                    mb[s].at[pl.ds(0, bdp)], ls[s]).wait()

            def sfire(s):
                pltpu.async_copy(mb[s].at[pl.ds(0, bdp)],
                                 acc.at[idxs[s][ij]], ss[s], add=True)

            def swait(s):
                pltpu.make_async_copy(mb[s].at[pl.ds(0, bdp)],
                                      acc.at[idxs[s][ij]], ss[s]).wait()

            lfire(0, 0)

            def pair(pi, carry):
                for b in range(2):
                    ci = 2 * pi + b
                    s = b
                    so = 1 - b
                    lwait(s)
                    sfire(s)

                    @pl.when(ci > 0)
                    def _():
                        swait(so)

                    @pl.when(ci + 1 < nchp)
                    def _():
                        lfire(ci + 1, so)
                return carry

            lax.fori_loop(0, nchp // 2, pair, 0)
            if nchp % 2 == 1:
                lwait(0)
                sfire(0)
                swait(1)
                swait(0)
            else:
                swait(1)

        zero_acc()
        plsc.subcore_barrier()

        for p in range(2):
            joff = (core * 2 + p) * fs
            scatter_pass(msga_hbm, rowa_hbm, joff,
                         tid * (ea // NSUB), (ea // NSUB) // bd, bd, 0)
            scatter_pass(msgb_hbm, rowb_hbm, joff,
                         tid * (eb // NSUB), (eb // NSUB) // bd, bd, 0)
            plsc.subcore_barrier()
            pltpu.sync_copy(acc.at[pl.ds(r0, rpt)],
                            nm_hbm.at[pl.ds(r0, rpt), pl.ds(joff, fs)])
            zero_acc()
            plsc.subcore_barrier()

        scatter_pass(cua_hbm, rowa_hbm, 0,
                     core * (ea // 2) + tid * (ea // NW),
                     (ea // NW) // bd2, bd2, 1)
        scatter_pass(cub_hbm, rowb_hbm, 0,
                     core * (eb // 2) + tid * (eb // NW),
                     (eb // NW) // bd2, bd2, 1)
        plsc.subcore_barrier()
        pltpu.sync_copy(acc.at[pl.ds(r0, rpt)],
                        dc_hbm.at[core, pl.ds(r0, rpt)])

    return k(msg_a, cu_a, row_a, msg_b, cu_b, row_b)



def _node_body(nm_ref, x_ref, w3_ref, b3_ref, w4_ref, b4_ref,
               cp_ref, dc_ref, xo_ref, co_ref):
    t = jnp.dot(nm_ref[...], w3_ref[...],
                preferred_element_type=jnp.float32) + b3_ref[...]
    t = t * jax.nn.sigmoid(t)
    xo_ref[...] = x_ref[...] + jnp.dot(
        t, w4_ref[...], preferred_element_type=jnp.float32) + b4_ref[...]
    co_ref[...] = cp_ref[...] + dc_ref[0] + dc_ref[1]


def _node_mlp(nm, x, w3, b3, w4, b4, cp, dc):
    n = x.shape[0]
    bn = 1000
    return pl.pallas_call(
        _node_body,
        grid=(n // bn,),
        in_specs=[
            pl.BlockSpec((bn, D), lambda i: (i, 0)),
            pl.BlockSpec((bn, D), lambda i: (i, 0)),
            pl.BlockSpec((D, D), lambda i: (0, 0)),
            pl.BlockSpec((1, D), lambda i: (0, 0)),
            pl.BlockSpec((D, D), lambda i: (0, 0)),
            pl.BlockSpec((1, D), lambda i: (0, 0)),
            pl.BlockSpec((bn, CW), lambda i: (i, 0)),
            pl.BlockSpec((2, bn, CW), lambda i: (0, i, 0)),
        ],
        out_specs=[
            pl.BlockSpec((bn, D), lambda i: (i, 0)),
            pl.BlockSpec((bn, CW), lambda i: (i, 0)),
        ],
        out_shape=[
            jax.ShapeDtypeStruct((n, D), jnp.float32),
            jax.ShapeDtypeStruct((n, CW), jnp.float32),
        ],
    )(nm, x, w3, b3.reshape(1, D), w4, b4.reshape(1, D), cp, dc)


def kernel(x, coord, edge_index, W1, b1, W2, b2, W3, b3, W4, b4, W5, b5):
    n, d = x.shape
    row = edge_index[0].astype(jnp.int32)
    col = edge_index[1].astype(jnp.int32)
    w1r = W1[:d]
    w1c = W1[d:2 * d]
    w1d = W1[2 * d].reshape(1, d)
    cpw = jnp.pad(coord, ((0, 0), (0, CW - 3)))
    pr, pc = _project(x, w1r, w1c, b1)
    trf = _pack_bf16(pr)
    tcf = _pack_bf16(pc)
    ncpw = -cpw
    e = row.shape[0]
    ea = e * 3 // 5
    w5t = W5.reshape(1, d)
    gr_a, gc_a, dx_a = _gather_combine(trf, tcf, cpw, ncpw,
                                       row[:ea], col[:ea])
    gr_b, gc_b, dx_b = _gather_combine(trf, tcf, cpw, ncpw,
                                       row[ea:], col[ea:])
    msg_a, cu_a = _edge_mlp(gr_a, gc_a, dx_a, w1d, W2, b2, w5t, b5)
    msg_b, cu_b = _edge_mlp(gr_b, gc_b, dx_b, w1d, W2, b2, w5t, b5)
    np_ = ((n + 2047) // 2048) * 2048
    nm, dc = _scatter_combine(msg_a, cu_a, row[:ea],
                              msg_b, cu_b, row[ea:], np_)
    x_out, co = _node_mlp(nm, x, W3, b3, W4, b4, cpw, dc)
    return (x_out, co[:, :3])

# --- scband reference (transcript-rebuilt; emitter-appended) ---
"""Pipeline reference for scband-egnnlayer-37220186587468 (READ-ONLY COPY).

The authoritative reference and input builder live on the scoring server;
editing this copy changes nothing except your own understanding.
"""

import jax, jax.numpy as jnp
import numpy as np

D = 512
N = 10000
E = 160000

def _silu(v):
    return v * jax.nn.sigmoid(v)

def setup_inputs(seed: int = 0) -> dict:
    key = jax.random.key(seed)
    ks = jax.random.split(key, 16)
    x = jax.random.normal(ks[0], (N, D), dtype=jnp.float32)
    coord = jax.random.normal(ks[1], (N, 3), dtype=jnp.float32)
    edge_index = jax.random.randint(ks[2], (2, E), 0, N, dtype=jnp.int64)
    def lin(k, fan_in, fan_out):
        bound = 1.0 / np.sqrt(fan_in)
        kw, kb = jax.random.split(k)
        W = jax.random.uniform(kw, (fan_in, fan_out), minval=-bound, maxval=bound, dtype=jnp.float32)
        b = jax.random.uniform(kb, (fan_out,), minval=-bound, maxval=bound, dtype=jnp.float32)
        return W, b
    W1, b1 = lin(ks[3], 2 * D + 1, D)
    W2, b2 = lin(ks[4], D, D)
    W3, b3 = lin(ks[5], D, D)
    W4, b4 = lin(ks[6], D, D)
    W5, b5 = lin(ks[7], D, 1)
    return {"x": x, "coord": coord, "edge_index": edge_index,
            "W1": W1, "b1": b1, "W2": W2, "b2": b2,
            "W3": W3, "b3": b3, "W4": W4, "b4": b4,
            "W5": W5, "b5": b5}

def reference(x, coord, edge_index, W1, b1, W2, b2, W3, b3, W4, b4, W5, b5):
    row = edge_index[0]
    col = edge_index[1]
    dx = coord[row] - coord[col]
    dist = jnp.linalg.norm(dx, axis=-1, keepdims=True)
    edge_feat = jnp.concatenate([x[row], x[col], dist], axis=-1)
    msg = _silu(edge_feat @ W1 + b1) @ W2 + b2
    coord_w = jax.nn.sigmoid(msg @ W5 + b5)
    coord_update = dx * coord_w
    delta_coord = jnp.zeros_like(coord).at[row].add(coord_update)
    coord_out = coord + delta_coord
    node_msg = jnp.zeros_like(x).at[row].add(msg)
    x_out = x + _silu(node_msg @ W3 + b3) @ W4 + b4
    return (x_out, coord_out)

if __name__ == "__main__":
    import jax
    _d = setup_inputs()
    print(jax.jit(kernel)(*tuple(_d.values())))

</pallas_src>

<mosaic_0001>
#map = affine_map<(d0, d1) -> (0, 0)>
#map1 = affine_map<(d0, d1) -> (0)>
#map2 = affine_map<(d0, d1) -> (0, 0, 0)>
module attributes {stable_mosaic.version = 14 : i64} {
  func.func @k(%arg0: i32, %arg1: i32, %arg2: memref<96000x512xf32, #tpu.memory_space<hbm>>, %arg3: memref<96000x128xf32, #tpu.memory_space<hbm>>, %arg4: memref<96000xi32, #tpu.memory_space<hbm>>, %arg5: memref<64000x512xf32, #tpu.memory_space<hbm>>, %arg6: memref<64000x128xf32, #tpu.memory_space<hbm>>, %arg7: memref<64000xi32, #tpu.memory_space<hbm>>, %arg8: memref<10240x512xf32, #tpu.memory_space<hbm>>, %arg9: memref<2x10240x128xf32, #tpu.memory_space<hbm>>, %arg10: memref<80xi32, #tpu.memory_space<vmem>>, %arg11: memref<40xi32, #tpu.memory_space<vmem>>, %arg12: memref<80xi32, #tpu.memory_space<vmem>>, %arg13: memref<40xi32, #tpu.memory_space<vmem>>, %arg14: memref<80x128xf32, #tpu.memory_space<vmem>>, %arg15: memref<80x128xf32, #tpu.memory_space<vmem>>, %arg16: memref<64x128xf32, #tpu.memory_space<vmem>>, %arg17: memref<10240x128xf32, #tpu.memory_space<vmem_shared>>, %arg18: memref<!tpu.dma_semaphore, #tpu.memory_space<semaphore_mem>>, %arg19: memref<!tpu.dma_semaphore, #tpu.memory_space<semaphore_mem>>, %arg20: memref<!tpu.dma_semaphore, #tpu.memory_space<semaphore_mem>>, %arg21: memref<!tpu.dma_semaphore, #tpu.memory_space<semaphore_mem>>) attributes {dimension_semantics = [#tpu.dimension_semantics<core_parallel>, #tpu.dimension_semantics<subcore_parallel>], iteration_bounds = array<i64: 2, 16>, scalar_prefetch = 0 : i64, scratch_operands = 12 : i64, tpu.core_type = #tpu.core_type<sc_vector_subcore>, window_params = [{transform_indices = #map}, {transform_indices = #map}, {transform_indices = #map1}, {transform_indices = #map}, {transform_indices = #map}, {transform_indices = #map1}, {transform_indices = #map}, {transform_indices = #map2}]} {
    %mul3A = arith.constant 640 : i32
    %mul3A_0 = arith.muli %arg1, %mul3A : i32
    %scan3A = arith.constant 0 : i32
    %scan3A_1 = arith.constant 0 : i32
    %scan3A_2 = arith.constant 64 : i32
    %scan3A_3 = arith.addi %scan3A_1, %scan3A_2 : i32
    %scan3A_4 = arith.constant 1 : i32
    scf.for %scan3A_314 = %scan3A_1 to %scan3A_3 step %scan3A_4  : i32 {
      %broadcast_in_dim3A = arith.constant 0.000000e+00 : f32
      %broadcast_in_dim3A_315 = vector.broadcast %broadcast_in_dim3A : f32 to vector<16xf32>
      %swap3A = arith.index_cast %scan3A_314 : i32 to index
      %swap3A_316 = arith.constant 0 : index
      %swap3A_317 = tpu.vector_load %arg16[%swap3A, %swap3A_316] {strides = array<i32>} : memref<64x128xf32, #tpu.memory_space<vmem>>, vector<1x16xf32>,
      %swap3A_318 = vector.shape_cast %swap3A_317 : vector<1x16xf32> to vector<16xf32>
      %swap3A_319 = vector.shape_cast %broadcast_in_dim3A_315 : vector<16xf32> to vector<1x16xf32>
      tpu.vector_store %arg16[%swap3A, %swap3A_316], %swap3A_319 {strides = array<i32>} : memref<64x128xf32, #tpu.memory_space<vmem>>, vector<1x16xf32>,
      %broadcast_in_dim3A_320 = arith.constant 0.000000e+00 : f32
      %broadcast_in_dim3A_321 = vector.broadcast %broadcast_in_dim3A_320 : f32 to vector<16xf32>
      %swap3A_322 = arith.index_cast %scan3A_314 : i32 to index
      %swap3A_323 = arith.constant 16 : index
      %swap3A_324 = tpu.vector_load %arg16[%swap3A_322, %swap3A_323] {strides = array<i32>} : memref<64x128xf32, #tpu.memory_space<vmem>>, vector<1x16xf32>,
      %swap3A_325 = vector.shape_cast %swap3A_324 : vector<1x16xf32> to vector<16xf32>
      %swap3A_326 = vector.shape_cast %broadcast_in_dim3A_321 : vector<16xf32> to vector<1x16xf32>
      tpu.vector_store %arg16[%swap3A_322, %swap3A_323], %swap3A_326 {strides = array<i32>} : memref<64x128xf32, #tpu.memory_space<vmem>>, vector<1x16xf32>,
      %broadcast_in_dim3A_327 = arith.constant 0.000000e+00 : f32
      %broadcast_in_dim3A_328 = vector.broadcast %broadcast_in_dim3A_327 : f32 to vector<16xf32>
      %swap3A_329 = arith.index_cast %scan3A_314 : i32 to index
      %swap3A_330 = arith.constant 32 : index
      %swap3A_331 = tpu.vector_load %arg16[%swap3A_329, %swap3A_330] {strides = array<i32>} : memref<64x128xf32, #tpu.memory_space<vmem>>, vector<1x16xf32>,
      %swap3A_332 = vector.shape_cast %swap3A_331 : vector<1x16xf32> to vector<16xf32>
      %swap3A_333 = vector.shape_cast %broadcast_in_dim3A_328 : vector<16xf32> to vector<1x16xf32>
      tpu.vector_store %arg16[%swap3A_329, %swap3A_330], %swap3A_333 {strides = array<i32>} : memref<64x128xf32, #tpu.memory_space<vmem>>, vector<1x16xf32>,
      %broadcast_in_dim3A_334 = arith.constant 0.000000e+00 : f32
      %broadcast_in_dim3A_335 = vector.broadcast %broadcast_in_dim3A_334 : f32 to vector<16xf32>
      %swap3A_336 = arith.index_cast %scan3A_314 : i32 to index
      %swap3A_337 = arith.constant 48 : index
      %swap3A_338 = tpu.vector_load %arg16[%swap3A_336, %swap3A_337] {strides = array<i32>} : memref<64x128xf32, #tpu.memory_space<vmem>>, vector<1x16xf32>,
      %swap3A_339 = vector.shape_cast %swap3A_338 : vector<1x16xf32> to vector<16xf32>
      %swap3A_340 = vector.shape_cast %broadcast_in_dim3A_335 : vector<16xf32> to vector<1x16xf32>
      tpu.vector_store %arg16[%swap3A_336, %swap3A_337], %swap3A_340 {strides = array<i32>} : memref<64x128xf32, #tpu.memory_space<vmem>>, vector<1x16xf32>,
      %broadcast_in_dim3A_341 = arith.constant 0.000000e+00 : f32
      %broadcast_in_dim3A_342 = vector.broadcast %broadcast_in_dim3A_341 : f32 to vector<16xf32>
      %swap3A_343 = arith.index_cast %scan3A_314 : i32 to index
      %swap3A_344 = arith.constant 64 : index
      %swap3A_345 = tpu.vector_load %arg16[%swap3A_343, %swap3A_344] {strides = array<i32>} : memref<64x128xf32, #tpu.memory_space<vmem>>, vector<1x16xf32>,
      %swap3A_346 = vector.shape_cast %swap3A_345 : vector<1x16xf32> to vector<16xf32>
      %swap3A_347 = vector.shape_cast %broadcast_in_dim3A_342 : vector<16xf32> to vector<1x16xf32>
      tpu.vector_store %arg16[%swap3A_343, %swap3A_344], %swap3A_347 {strides = array<i32>} : memref<64x128xf32, #tpu.memory_space<vmem>>, vector<1x16xf32>,
      %broadcast_in_dim3A_348 = arith.constant 0.000000e+00 : f32
      %broadcast_in_dim3A_349 = vector.broadcast %broadcast_in_dim3A_348 : f32 to vector<16xf32>
      %swap3A_350 = arith.index_cast %scan3A_314 : i32 to index
      %swap3A_351 = arith.constant 80 : index
      %swap3A_352 = tpu.vector_load %arg16[%swap3A_350, %swap3A_351] {strides = array<i32>} : memref<64x128xf32, #tpu.memory_space<vmem>>, vector<1x16xf32>,
      %swap3A_353 = vector.shape_cast %swap3A_352 : vector<1x16xf32> to vector<16xf32>
      %swap3A_354 = vector.shape_cast %broadcast_in_dim3A_349 : vector<16xf32> to vector<1x16xf32>
      tpu.vector_store %arg16[%swap3A_350, %swap3A_351], %swap3A_354 {strides = array<i32>} : memref<64x128xf32, #tpu.memory_space<vmem>>, vector<1x16xf32>,
      %broadcast_in_dim3A_355 = arith.constant 0.000000e+00 : f32
      %broadcast_in_dim3A_356 = vector.broadcast %broadcast_in_dim3A_355 : f32 to vector<16xf32>
      %swap3A_357 = arith.index_cast %scan3A_314 : i32 to index
      %swap3A_358 = arith.constant 96 : index
      %swap3A_359 = tpu.vector_load %arg16[%swap3A_357, %swap3A_358] {strides = array<i32>} : memref<64x128xf32, #tpu.memory_space<vmem>>, vector<1x16xf32>,
      %swap3A_360 = vector.shape_cast %swap3A_359 : vector<1x16xf32> to vector<16xf32>
      %swap3A_361 = vector.shape_cast %broadcast_in_dim3A_356 : vector<16xf32> to vector<1x16xf32>
      tpu.vector_store %arg16[%swap3A_357, %swap3A_358], %swap3A_361 {strides = array<i32>} : memref<64x128xf32, #tpu.memory_space<vmem>>, vector<1x16xf32>,
      %broadcast_in_dim3A_362 = arith.constant 0.000000e+00 : f32
      %broadcast_in_dim3A_363 = vector.broadcast %broadcast_in_dim3A_362 : f32 to vector<16xf32>
      %swap3A_364 = arith.index_cast %scan3A_314 : i32 to index
      %swap3A_365 = arith.constant 112 : index
      %swap3A_366 = tpu.vector_load %arg16[%swap3A_364, %swap3A_365] {strides = array<i32>} : memref<64x128xf32, #tpu.memory_space<vmem>>, vector<1x16xf32>,
      %swap3A_367 = vector.shape_cast %swap3A_366 : vector<1x16xf32> to vector<16xf32>
      %swap3A_368 = vector.shape_cast %broadcast_in_dim3A_363 : vector<16xf32> to vector<1x16xf32>
      tpu.vector_store %arg16[%swap3A_364, %swap3A_365], %swap3A_368 {strides = array<i32>} : memref<64x128xf32, #tpu.memory_space<vmem>>, vector<1x16xf32>,
    }
    %scan3A_5 = arith.constant 64 : i32
    %add3A = arith.constant 0 : i32
    %add3A_6 = arith.addi %mul3A_0, %add3A : i32
    "tpu.region"() ({
      %run_scoped3A = tpu.sem_alloc : memref<!tpu.dma_semaphore, #tpu.memory_space<semaphore_mem>>
      %dma_start3A_314 = arith.constant 0 : i32
      %dma_start3A_315 = tpu.memref_slice %arg17[%add3A_6, %dma_start3A_314] : memref<10240x128xf32, #tpu.memory_space<vmem_shared>> -> memref<64x128xf32, #tpu.memory_space<vmem_shared>>
      %dma_start3A_316 = arith.constant 0 : i32
      %dma_start3A_317 = tpu.memref_slice %arg17[%add3A_6, %dma_start3A_316] : memref<10240x128xf32, #tpu.memory_space<vmem_shared>> -> memref<64x128xf32, #tpu.memory_space<vmem_shared>>
      tpu.enqueue_dma source(%arg16 : memref<64x128xf32, #tpu.memory_space<vmem>>) target(%dma_start3A_317 : memref<64x128xf32, #tpu.memory_space<vmem_shared>>) target_semaphore(%run_scoped3A : memref<!tpu.dma_semaphore, #tpu.memory_space<semaphore_mem>>)
      %dma_wait3A_318 = arith.constant 0 : i32
      %dma_wait3A_319 = tpu.memref_slice %arg17[%add3A_6, %dma_wait3A_318] : memref<10240x128xf32, #tpu.memory_space<vmem_shared>> -> memref<64x128xf32, #tpu.memory_space<vmem_shared>>
      %dma_wait3A_320 = arith.constant 0 : i32
      %dma_wait3A_321 = tpu.memref_slice %arg17[%add3A_6, %dma_wait3A_320] : memref<10240x128xf32, #tpu.memory_space<vmem_shared>> -> memref<64x128xf32, #tpu.memory_space<vmem_shared>>
      tpu.wait_dma2 semaphore(%run_scoped3A : memref<!tpu.dma_semaphore, #tpu.memory_space<semaphore_mem>>) src(%arg16 : memref<64x128xf32, #tpu.memory_space<vmem>>) dst(%dma_wait3A_321 : memref<64x128xf32, #tpu.memory_space<vmem_shared>>)
      tpu.yield
    }) : () -> ()
    %add3A_7 = arith.constant 64 : i32
    %add3A_8 = arith.addi %mul3A_0, %add3A_7 : i32
    "tpu.region"() ({
      %run_scoped3A = tpu.sem_alloc : memref<!tpu.dma_semaphore, #tpu.memory_space<semaphore_mem>>
      %dma_start3A_314 = arith.constant 0 : i32
      %dma_start3A_315 = tpu.memref_slice %arg17[%add3A_8, %dma_start3A_314] : memref<10240x128xf32, #tpu.memory_space<vmem_shared>> -> memref<64x128xf32, #tpu.memory_space<vmem_shared>>
      %dma_start3A_316 = arith.constant 0 : i32
      %dma_start3A_317 = tpu.memref_slice %arg17[%add3A_8, %dma_start3A_316] : memref<10240x128xf32, #tpu.memory_space<vmem_shared>> -> memref<64x128xf32, #tpu.memory_space<vmem_shared>>
      tpu.enqueue_dma source(%arg16 : memref<64x128xf32, #tpu.memory_space<vmem>>) target(%dma_start3A_317 : memref<64x128xf32, #tpu.memory_space<vmem_shared>>) target_semaphore(%run_scoped3A : memref<!tpu.dma_semaphore, #tpu.memory_space<semaphore_mem>>)
      %dma_wait3A_318 = arith.constant 0 : i32
      %dma_wait3A_319 = tpu.memref_slice %arg17[%add3A_8, %dma_wait3A_318] : memref<10240x128xf32, #tpu.memory_space<vmem_shared>> -> memref<64x128xf32, #tpu.memory_space<vmem_shared>>
      %dma_wait3A_320 = arith.constant 0 : i32
      %dma_wait3A_321 = tpu.memref_slice %arg17[%add3A_8, %dma_wait3A_320] : memref<10240x128xf32, #tpu.memory_space<vmem_shared>> -> memref<64x128xf32, #tpu.memory_space<vmem_shared>>
      tpu.wait_dma2 semaphore(%run_scoped3A : memref<!tpu.dma_semaphore, #tpu.memory_space<semaphore_mem>>) src(%arg16 : memref<64x128xf32, #tpu.memory_space<vmem>>) dst(%dma_wait3A_321 : memref<64x128xf32, #tpu.memory_space<vmem_shared>>)
      tpu.yield
    }) : () -> ()
    %add3A_9 = arith.constant 128 : i32
    %add3A_10 = arith.addi %mul3A_0, %add3A_9 : i32
    "tpu.region"() ({
      %run_scoped3A = tpu.sem_alloc : memref<!tpu.dma_semaphore, #tpu.memory_space<semaphore_mem>>
      %dma_start3A_314 = arith.constant 0 : i32
      %dma_start3A_315 = tpu.memref_slice %arg17[%add3A_10, %dma_start3A_314] : memref<10240x128xf32, #tpu.memory_space<vmem_shared>> -> memref<64x128xf32, #tpu.memory_space<vmem_shared>>
      %dma_start3A_316 = arith.constant 0 : i32
      %dma_start3A_317 = tpu.memref_slice %arg17[%add3A_10, %dma_start3A_316] : memref<10240x128xf32, #tpu.memory_space<vmem_shared>> -> memref<64x128xf32, #tpu.memory_space<vmem_shared>>
      tpu.enqueue_dma source(%arg16 : memref<64x128xf32, #tpu.memory_space<vmem>>) target(%dma_start3A_317 : memref<64x128xf32, #tpu.memory_space<vmem_shared>>) target_semaphore(%run_scoped3A : memref<!tpu.dma_semaphore, #tpu.memory_space<semaphore_mem>>)
      %dma_wait3A_318 = arith.constant 0 : i32
      %dma_wait3A_319 = tpu.memref_slice %arg17[%add3A_10, %dma_wait3A_318] : memref<10240x128xf32, #tpu.memory_space<vmem_shared>> -> memref<64x128xf32, #tpu.memory_space<vmem_shared>>
      %dma_wait3A_320 = arith.constant 0 : i32
      %dma_wait3A_321 = tpu.memref_slice %arg17[%add3A_10, %dma_wait3A_320] : memref<10240x128xf32, #tpu.memory_space<vmem_shared>> -> memref<64x128xf32, #tpu.memory_space<vmem_shared>>
      tpu.wait_dma2 semaphore(%run_scoped3A : memref<!tpu.dma_semaphore, #tpu.memory_space<semaphore_mem>>) src(%arg16 : memref<64x128xf32, #tpu.memory_space<vmem>>) dst(%dma_wait3A_321 : memref<64x128xf32, #tpu.memory_space<vmem_shared>>)
      tpu.yield
    }) : () -> ()
    %add3A_11 = arith.constant 192 : i32
    %add3A_12 = arith.addi %mul3A_0, %add3A_11 : i32
    "tpu.region"() ({
      %run_scoped3A = tpu.sem_alloc : memref<!tpu.dma_semaphore, #tpu.memory_space<semaphore_mem>>
      %dma_start3A_314 = arith.constant 0 : i32
      %dma_start3A_315 = tpu.memref_slice %arg17[%add3A_12, %dma_start3A_314] : memref<10240x128xf32, #tpu.memory_space<vmem_shared>> -> memref<64x128xf32, #tpu.memory_space<vmem_shared>>
      %dma_start3A_316 = arith.constant 0 : i32
      %dma_start3A_317 = tpu.memref_slice %arg17[%add3A_12, %dma_start3A_316] : memref<10240x128xf32, #tpu.memory_space<vmem_shared>> -> memref<64x128xf32, #tpu.memory_space<vmem_shared>>
      tpu.enqueue_dma source(%arg16 : memref<64x128xf32, #tpu.memory_space<vmem>>) target(%dma_start3A_317 : memref<64x128xf32, #tpu.memory_space<vmem_shared>>) target_semaphore(%run_scoped3A : memref<!tpu.dma_semaphore, #tpu.memory_space<semaphore_mem>>)
      %dma_wait3A_318 = arith.constant 0 : i32
      %dma_wait3A_319 = tpu.memref_slice %arg17[%add3A_12, %dma_wait3A_318] : memref<10240x128xf32, #tpu.memory_space<vmem_shared>> -> memref<64x128xf32, #tpu.memory_space<vmem_shared>>
      %dma_wait3A_320 = arith.constant 0 : i32
      %dma_wait3A_321 = tpu.memref_slice %arg17[%add3A_12, %dma_wait3A_320] : memref<10240x128xf32, #tpu.memory_space<vmem_shared>> -> memref<64x128xf32, #tpu.memory_space<vmem_shared>>
      tpu.wait_dma2 semaphore(%run_scoped3A : memref<!tpu.dma_semaphore, #tpu.memory_space<semaphore_mem>>) src(%arg16 : memref<64x128xf32, #tpu.memory_space<vmem>>) dst(%dma_wait3A_321 : memref<64x128xf32, #tpu.memory_space<vmem_shared>>)
      tpu.yield
    }) : () -> ()
    %add3A_13 = arith.constant 256 : i32
    %add3A_14 = arith.addi %mul3A_0, %add3A_13 : i32
    "tpu.region"() ({
      %run_scoped3A = tpu.sem_alloc : memref<!tpu.dma_semaphore, #tpu.memory_space<semaphore_mem>>
      %dma_start3A_314 = arith.constant 0 : i32
      %dma_start3A_315 = tpu.memref_slice %arg17[%add3A_14, %dma_start3A_314] : memref<10240x128xf32, #tpu.memory_space<vmem_shared>> -> memref<64x128xf32, #tpu.memory_space<vmem_shared>>
      %dma_start3A_316 = arith.constant 0 : i32
      %dma_start3A_317 = tpu.memref_slice %arg17[%add3A_14, %dma_start3A_316] : memref<10240x128xf32, #tpu.memory_space<vmem_shared>> -> memref<64x128xf32, #tpu.memory_space<vmem_shared>>
      tpu.enqueue_dma source(%arg16 : memref<64x128xf32, #tpu.memory_space<vmem>>) target(%dma_start3A_317 : memref<64x128xf32, #tpu.memory_space<vmem_shared>>) target_semaphore(%run_scoped3A : memref<!tpu.dma_semaphore, #tpu.memory_space<semaphore_mem>>)
      %dma_wait3A_318 = arith.constant 0 : i32
      %dma_wait3A_319 = tpu.memref_slice %arg17[%add3A_14, %dma_wait3A_318] : memref<10240x128xf32, #tpu.memory_space<vmem_shared>> -> memref<64x128xf32, #tpu.memory_space<vmem_shared>>
      %dma_wait3A_320 = arith.constant 0 : i32
      %dma_wait3A_321 = tpu.memref_slice %arg17[%add3A_14, %dma_wait3A_320] : memref<10240x128xf32, #tpu.memory_space<vmem_shared>> -> memref<64x128xf32, #tpu.memory_space<vmem_shared>>
      tpu.wait_dma2 semaphore(%run_scoped3A : memref<!tpu.dma_semaphore, #tpu.memory_space<semaphore_mem>>) src(%arg16 : memref<64x128xf32, #tpu.memory_space<vmem>>) dst(%dma_wait3A_321 : memref<64x128xf32, #tpu.memory_space<vmem_shared>>)
      tpu.yield
    }) : () -> ()
    %add3A_15 = arith.constant 320 : i32
    %add3A_16 = arith.addi %mul3A_0, %add3A_15 : i32
    "tpu.region"() ({
      %run_scoped3A = tpu.sem_alloc : memref<!tpu.dma_semaphore, #tpu.memory_space<semaphore_mem>>
      %dma_start3A_314 = arith.constant 0 : i32
      %dma_start3A_315 = tpu.memref_slice %arg17[%add3A_16, %dma_start3A_314] : memref<10240x128xf32, #tpu.memory_space<vmem_shared>> -> memref<64x128xf32, #tpu.memory_space<vmem_shared>>
      %dma_start3A_316 = arith.constant 0 : i32
      %dma_start3A_317 = tpu.memref_slice %arg17[%add3A_16, %dma_start3A_316] : memref<10240x128xf32, #tpu.memory_space<vmem_shared>> -> memref<64x128xf32, #tpu.memory_space<vmem_shared>>
      tpu.enqueue_dma source(%arg16 : memref<64x128xf32, #tpu.memory_space<vmem>>) target(%dma_start3A_317 : memref<64x128xf32, #tpu.memory_space<vmem_shared>>) target_semaphore(%run_scoped3A : memref<!tpu.dma_semaphore, #tpu.memory_space<semaphore_mem>>)
      %dma_wait3A_318 = arith.constant 0 : i32
      %dma_wait3A_319 = tpu.memref_slice %arg17[%add3A_16, %dma_wait3A_318] : memref<10240x128xf32, #tpu.memory_space<vmem_shared>> -> memref<64x128xf32, #tpu.memory_space<vmem_shared>>
      %dma_wait3A_320 = arith.constant 0 : i32
      %dma_wait3A_321 = tpu.memref_slice %arg17[%add3A_16, %dma_wait3A_320] : memref<10240x128xf32, #tpu.memory_space<vmem_shared>> -> memref<64x128xf32, #tpu.memory_space<vmem_shared>>
      tpu.wait_dma2 semaphore(%run_scoped3A : memref<!tpu.dma_semaphore, #tpu.memory_space<semaphore_mem>>) src(%arg16 : memref<64x128xf32, #tpu.memory_space<vmem>>) dst(%dma_wait3A_321 : memref<64x128xf32, #tpu.memory_space<vmem_shared>>)
      tpu.yield
    }) : () -> ()
    %add3A_17 = arith.constant 384 : i32
    %add3A_18 = arith.addi %mul3A_0, %add3A_17 : i32
    "tpu.region"() ({
      %run_scoped3A = tpu.sem_alloc : memref<!tpu.dma_semaphore, #tpu.memory_space<semaphore_mem>>
      %dma_start3A_314 = arith.constant 0 : i32
      %dma_start3A_315 = tpu.memref_slice %arg17[%add3A_18, %dma_start3A_314] : memref<10240x128xf32, #tpu.memory_space<vmem_shared>> -> memref<64x128xf32, #tpu.memory_space<vmem_shared>>
      %dma_start3A_316 = arith.constant 0 : i32
      %dma_start3A_317 = tpu.memref_slice %arg17[%add3A_18, %dma_start3A_316] : memref<10240x128xf32, #tpu.memory_space<vmem_shared>> -> memref<64x128xf32, #tpu.memory_space<vmem_shared>>
      tpu.enqueue_dma source(%arg16 : memref<64x128xf32, #tpu.memory_space<vmem>>) target(%dma_start3A_317 : memref<64x128xf32, #tpu.memory_space<vmem_shared>>) target_semaphore(%run_scoped3A : memref<!tpu.dma_semaphore, #tpu.memory_space<semaphore_mem>>)
      %dma_wait3A_318 = arith.constant 0 : i32
      %dma_wait3A_319 = tpu.memref_slice %arg17[%add3A_18, %dma_wait3A_318] : memref<10240x128xf32, #tpu.memory_space<vmem_shared>> -> memref<64x128xf32, #tpu.memory_space<vmem_shared>>
      %dma_wait3A_320 = arith.constant 0 : i32
      %dma_wait3A_321 = tpu.memref_slice %arg17[%add3A_18, %dma_wait3A_320] : memref<10240x128xf32, #tpu.memory_space<vmem_shared>> -> memref<64x128xf32, #tpu.memory_space<vmem_shared>>
      tpu.wait_dma2 semaphore(%run_scoped3A : memref<!tpu.dma_semaphore, #tpu.memory_space<semaphore_mem>>) src(%arg16 : memref<64x128xf32, #tpu.memory_space<vmem>>) dst(%dma_wait3A_321 : memref<64x128xf32, #tpu.memory_space<vmem_shared>>)
      tpu.yield
    }) : () -> ()
    %add3A_19 = arith.constant 448 : i32
    %add3A_20 = arith.addi %mul3A_0, %add3A_19 : i32
    "tpu.region"() ({
      %run_scoped3A = tpu.sem_alloc : memref<!tpu.dma_semaphore, #tpu.memory_space<semaphore_mem>>
      %dma_start3A_314 = arith.constant 0 : i32
      %dma_start3A_315 = tpu.memref_slice %arg17[%add3A_20, %dma_start3A_314] : memref<10240x128xf32, #tpu.memory_space<vmem_shared>> -> memref<64x128xf32, #tpu.memory_space<vmem_shared>>
      %dma_start3A_316 = arith.constant 0 : i32
      %dma_start3A_317 = tpu.memref_slice %arg17[%add3A_20, %dma_start3A_316] : memref<10240x128xf32, #tpu.memory_space<vmem_shared>> -> memref<64x128xf32, #tpu.memory_space<vmem_shared>>
      tpu.enqueue_dma source(%arg16 : memref<64x128xf32, #tpu.memory_space<vmem>>) target(%dma_start3A_317 : memref<64x128xf32, #tpu.memory_space<vmem_shared>>) target_semaphore(%run_scoped3A : memref<!tpu.dma_semaphore, #tpu.memory_space<semaphore_mem>>)
      %dma_wait3A_318 = arith.constant 0 : i32
      %dma_wait3A_319 = tpu.memref_slice %arg17[%add3A_20, %dma_wait3A_318] : memref<10240x128xf32, #tpu.memory_space<vmem_shared>> -> memref<64x128xf32, #tpu.memory_space<vmem_shared>>
      %dma_wait3A_320 = arith.constant 0 : i32
      %dma_wait3A_321 = tpu.memref_slice %arg17[%add3A_20, %dma_wait3A_320] : memref<10240x128xf32, #tpu.memory_space<vmem_shared>> -> memref<64x128xf32, #tpu.memory_space<vmem_shared>>
      tpu.wait_dma2 semaphore(%run_scoped3A : memref<!tpu.dma_semaphore, #tpu.memory_space<semaphore_mem>>) src(%arg16 : memref<64x128xf32, #tpu.memory_space<vmem>>) dst(%dma_wait3A_321 : memref<64x128xf32, #tpu.memory_space<vmem_shared>>)
      tpu.yield
    }) : () -> ()
    %add3A_21 = arith.constant 512 : i32
    %add3A_22 = arith.addi %mul3A_0, %add3A_21 : i32
    "tpu.region"() ({
      %run_scoped3A = tpu.sem_alloc : memref<!tpu.dma_semaphore, #tpu.memory_space<semaphore_mem>>
      %dma_start3A_314 = arith.constant 0 : i32
      %dma_start3A_315 = tpu.memref_slice %arg17[%add3A_22, %dma_start3A_314] : memref<10240x128xf32, #tpu.memory_space<vmem_shared>> -> memref<64x128xf32, #tpu.memory_space<vmem_shared>>
      %dma_start3A_316 = arith.constant 0 : i32
      %dma_start3A_317 = tpu.memref_slice %arg17[%add3A_22, %dma_start3A_316] : memref<10240x128xf32, #tpu.memory_space<vmem_shared>> -> memref<64x128xf32, #tpu.memory_space<vmem_shared>>
      tpu.enqueue_dma source(%arg16 : memref<64x128xf32, #tpu.memory_space<vmem>>) target(%dma_start3A_317 : memref<64x128xf32, #tpu.memory_space<vmem_shared>>) target_semaphore(%run_scoped3A : memref<!tpu.dma_semaphore, #tpu.memory_space<semaphore_mem>>)
      %dma_wait3A_318 = arith.constant 0 : i32
      %dma_wait3A_319 = tpu.memref_slice %arg17[%add3A_22, %dma_wait3A_318] : memref<10240x128xf32, #tpu.memory_space<vmem_shared>> -> memref<64x128xf32, #tpu.memory_space<vmem_shared>>
      %dma_wait3A_320 = arith.constant 0 : i32
      %dma_wait3A_321 = tpu.memref_slice %arg17[%add3A_22, %dma_wait3A_320] : memref<10240x128xf32, #tpu.memory_space<vmem_shared>> -> memref<64x128xf32, #tpu.memory_space<vmem_shared>>
      tpu.wait_dma2 semaphore(%run_scoped3A : memref<!tpu.dma_semaphore, #tpu.memory_space<semaphore_mem>>) src(%arg16 : memref<64x128xf32, #tpu.memory_space<vmem>>) dst(%dma_wait3A_321 : memref<64x128xf32, #tpu.memory_space<vmem_shared>>)
      tpu.yield
    }) : () -> ()
    %add3A_23 = arith.constant 576 : i32
    %add3A_24 = arith.addi %mul3A_0, %add3A_23 : i32
    "tpu.region"() ({
      %run_scoped3A = tpu.sem_alloc : memref<!tpu.dma_semaphore, #tpu.memory_space<semaphore_mem>>
      %dma_start3A_314 = arith.constant 0 : i32
      %dma_start3A_315 = tpu.memref_slice %arg17[%add3A_24, %dma_start3A_314] : memref<10240x128xf32, #tpu.memory_space<vmem_shared>> -> memref<64x128xf32, #tpu.memory_space<vmem_shared>>
      %dma_start3A_316 = arith.constant 0 : i32
      %dma_start3A_317 = tpu.memref_slice %arg17[%add3A_24, %dma_start3A_316] : memref<10240x128xf32, #tpu.memory_space<vmem_shared>> -> memref<64x128xf32, #tpu.memory_space<vmem_shared>>
      tpu.enqueue_dma source(%arg16 : memref<64x128xf32, #tpu.memory_space<vmem>>) target(%dma_start3A_317 : memref<64x128xf32, #tpu.memory_space<vmem_shared>>) target_semaphore(%run_scoped3A : memref<!tpu.dma_semaphore, #tpu.memory_space<semaphore_mem>>)
      %dma_wait3A_318 = arith.constant 0 : i32
      %dma_wait3A_319 = tpu.memref_slice %arg17[%add3A_24, %dma_wait3A_318] : memref<10240x128xf32, #tpu.memory_space<vmem_shared>> -> memref<64x128xf32, #tpu.memory_space<vmem_shared>>
      %dma_wait3A_320 = arith.constant 0 : i32
      %dma_wait3A_321 = tpu.memref_slice %arg17[%add3A_24, %dma_wait3A_320] : memref<10240x128xf32, #tpu.memory_space<vmem_shared>> -> memref<64x128xf32, #tpu.memory_space<vmem_shared>>
      tpu.wait_dma2 semaphore(%run_scoped3A : memref<!tpu.dma_semaphore, #tpu.memory_space<semaphore_mem>>) src(%arg16 : memref<64x128xf32, #tpu.memory_space<vmem>>) dst(%dma_wait3A_321 : memref<64x128xf32, #tpu.memory_space<vmem_shared>>)
      tpu.yield
    }) : () -> ()
    %barrier3A = arith.constant 0 : index
    tpu.barrier barrier_id(%barrier3A)
    %mul3A_25 = arith.constant 2 : i32
    %mul3A_26 = arith.muli %arg0, %mul3A_25 : i32
    %add3A_27 = arith.constant 0 : i32
    %add3A_28 = arith.addi %mul3A_26, %add3A_27 : i32
    %mul3A_29 = arith.constant 128 : i32
    %mul3A_30 = arith.muli %add3A_28, %mul3A_29 : i32
    %mul3A_31 = arith.constant 6000 : i32
    %mul3A_32 = arith.muli %arg1, %mul3A_31 : i32
    %add3A_33 = arith.constant 0 : i32
    %add3A_34 = arith.addi %mul3A_32, %add3A_33 : i32
    %dma_start3A = tpu.memref_slice %arg4[%add3A_34] : memref<96000xi32, #tpu.memory_space<hbm>> -> memref<80xi32, #tpu.memory_space<hbm>>
    %dma_start3A_35 = tpu.memref_slice %arg4[%add3A_34] : memref<96000xi32, #tpu.memory_space<hbm>> -> memref<80xi32, #tpu.memory_space<hbm>>
    tpu.enqueue_dma source(%dma_start3A_35 : memref<80xi32, #tpu.memory_space<hbm>>) target(%arg10 : memref<80xi32, #tpu.memory_space<vmem>>) target_semaphore(%arg18 : memref<!tpu.dma_semaphore, #tpu.memory_space<semaphore_mem>>)
    %dma_start3A_36 = arith.constant 0 : i32
    %dma_start3A_37 = arith.constant 0 : i32
    %dma_start3A_38 = tpu.memref_slice %arg14[%dma_start3A_36, %dma_start3A_37] : memref<80x128xf32, #tpu.memory_space<vmem>> -> memref<80x128xf32, #tpu.memory_space<vmem>>
    %dma_start3A_39 = tpu.memref_slice %arg2[%add3A_34, %mul3A_30] : memref<96000x512xf32, #tpu.memory_space<hbm>> -> memref<80x128xf32, #tpu.memory_space<hbm>>
    %dma_start3A_40 = arith.constant 0 : i32
    %dma_start3A_41 = arith.constant 0 : i32
    %dma_start3A_42 = tpu.memref_slice %arg14[%dma_start3A_40, %dma_start3A_41] : memref<80x128xf32, #tpu.memory_space<vmem>> -> memref<80x128xf32, #tpu.memory_space<vmem>>
    %dma_start3A_43 = tpu.memref_slice %arg2[%add3A_34, %mul3A_30] : memref<96000x512xf32, #tpu.memory_space<hbm>> -> memref<80x128xf32, #tpu.memory_space<hbm>>
    tpu.enqueue_dma source(%dma_start3A_43 : memref<80x128xf32, #tpu.memory_space<hbm>>) target(%dma_start3A_42 : memref<80x128xf32, #tpu.memory_space<vmem>>) target_semaphore(%arg18 : memref<!tpu.dma_semaphore, #tpu.memory_space<semaphore_mem>>)
    %scan3A_44 = arith.constant 0 : i32
    %scan3A_45 = arith.constant 0 : i32
    %scan3A_46 = arith.constant 37 : i32
    %scan3A_47 = arith.addi %scan3A_45, %scan3A_46 : i32
    %scan3A_48 = arith.constant 1 : i32
    scf.for %scan3A_314 = %scan3A_45 to %scan3A_47 step %scan3A_48  : i32 {
      %mul3A_315 = arith.constant 2 : i32
      %mul3A_316 = arith.muli %mul3A_315, %scan3A_314 : i32
      %add3A_317 = arith.constant 0 : i32
      %add3A_318 = arith.addi %mul3A_316, %add3A_317 : i32
      %dma_wait3A_319 = tpu.memref_slice %arg4[%mul3A_32] : memref<96000xi32, #tpu.memory_space<hbm>> -> memref<80xi32, #tpu.memory_space<hbm>>
      %dma_wait3A_320 = tpu.memref_slice %arg4[%mul3A_32] : memref<96000xi32, #tpu.memory_space<hbm>> -> memref<80xi32, #tpu.memory_space<hbm>>
      tpu.wait_dma2 semaphore(%arg18 : memref<!tpu.dma_semaphore, #tpu.memory_space<semaphore_mem>>) src(%dma_wait3A_320 : memref<80xi32, #tpu.memory_space<hbm>>) dst(%arg10 : memref<80xi32, #tpu.memory_space<vmem>>)
      %dma_wait3A_321 = arith.constant 0 : i32
      %dma_wait3A_322 = arith.constant 0 : i32
      %dma_wait3A_323 = tpu.memref_slice %arg14[%dma_wait3A_321, %dma_wait3A_322] : memref<80x128xf32, #tpu.memory_space<vmem>> -> memref<80x128xf32, #tpu.memory_space<vmem>>
      %dma_wait3A_324 = tpu.memref_slice %arg2[%mul3A_32, %mul3A_30] : memref<96000x512xf32, #tpu.memory_space<hbm>> -> memref<80x128xf32, #tpu.memory_space<hbm>>
      %dma_wait3A_325 = arith.constant 0 : i32
      %dma_wait3A_326 = arith.constant 0 : i32
      %dma_wait3A_327 = tpu.memref_slice %arg14[%dma_wait3A_325, %dma_wait3A_326] : memref<80x128xf32, #tpu.memory_space<vmem>> -> memref<80x128xf32, #tpu.memory_space<vmem>>
      %dma_wait3A_328 = tpu.memref_slice %arg2[%mul3A_32, %mul3A_30] : memref<96000x512xf32, #tpu.memory_space<hbm>> -> memref<80x128xf32, #tpu.memory_space<hbm>>
      tpu.wait_dma2 semaphore(%arg18 : memref<!tpu.dma_semaphore, #tpu.memory_space<semaphore_mem>>) src(%dma_wait3A_328 : memref<80x128xf32, #tpu.memory_space<hbm>>) dst(%dma_wait3A_327 : memref<80x128xf32, #tpu.memory_space<vmem>>)
      %dma_start3A_329 = arith.constant 0 : i32
      %dma_start3A_330 = arith.constant 0 : i32
      %dma_start3A_331 = tpu.memref_slice %arg14[%dma_start3A_329, %dma_start3A_330] : memref<80x128xf32, #tpu.memory_space<vmem>> -> memref<80x128xf32, #tpu.memory_space<vmem>>
      %dma_start3A_332 = arith.constant 0 : i32
      %dma_start3A_333 = arith.constant 0 : i32
      %dma_start3A_334 = tpu.memref_slice %arg17[%dma_start3A_332, %dma_start3A_333] : memref<10240x128xf32, #tpu.memory_space<vmem_shared>> -> memref<10240x128xf32, #tpu.memory_space<vmem_shared>>
      tpu.enqueue_indirect_dma source(%dma_start3A_331 : memref<80x128xf32, #tpu.memory_space<vmem>>) target(%dma_start3A_334 : memref<10240x128xf32, #tpu.memory_space<vmem_shared>>) offsets(%arg10 : memref<80xi32, #tpu.memory_space<vmem>>) semaphore(%arg20 : memref<!tpu.dma_semaphore, #tpu.memory_space<semaphore_mem>>) {add = true}
      %gt3A = arith.constant 0 : i32
      %gt3A_335 = arith.cmpi sgt, %add3A_318, %gt3A : i32
      %convert_element_type3A = arith.extui %gt3A_335 : i1 to i32
      %cond3A = arith.constant 0 : i32
      %cond3A_336 = arith.cmpi ne, %convert_element_type3A, %cond3A : i32
      scf.if %cond3A_336 {
        %dma_wait3A_375 = arith.constant 0 : i32
        %dma_wait3A_376 = arith.constant 0 : i32
        %dma_wait3A_377 = tpu.memref_slice %arg15[%dma_wait3A_375, %dma_wait3A_376] : memref<80x128xf32, #tpu.memory_space<vmem>> -> memref<80x128xf32, #tpu.memory_space<vmem>>
        %dma_wait3A_378 = arith.constant 0 : i32
        %dma_wait3A_379 = arith.constant 0 : i32
        %dma_wait3A_380 = tpu.memref_slice %arg17[%dma_wait3A_378, %dma_wait3A_379] : memref<10240x128xf32, #tpu.memory_space<vmem_shared>> -> memref<10240x128xf32, #tpu.memory_space<vmem_shared>>
        tpu.wait_indirect_dma semaphore(%arg21 : memref<!tpu.dma_semaphore, #tpu.memory_space<semaphore_mem>>) src(%dma_wait3A_377 : memref<80x128xf32, #tpu.memory_space<vmem>>) dst(%dma_wait3A_380 : memref<10240x128xf32, #tpu.memory_space<vmem_shared>>)
      } else {
      }
      %add3A_337 = arith.constant 1 : i32
      %add3A_338 = arith.addi %add3A_318, %add3A_337 : i32
      %lt3A = arith.constant 75 : i32
      %lt3A_339 = arith.cmpi slt, %add3A_338, %lt3A : i32
      %convert_element_type3A_340 = arith.extui %lt3A_339 : i1 to i32
      %cond3A_341 = arith.constant 0 : i32
      %cond3A_342 = arith.cmpi ne, %convert_element_type3A_340, %cond3A_341 : i32
      scf.if %cond3A_342 {
        %add3A_375 = arith.constant 1 : i32
        %add3A_376 = arith.addi %add3A_318, %add3A_375 : i32
        %mul3A_377 = arith.constant 80 : i32
        %mul3A_378 = arith.muli %add3A_376, %mul3A_377 : i32
        %add3A_379 = arith.addi %mul3A_32, %mul3A_378 : i32
        %dma_start3A_380 = tpu.memref_slice %arg4[%add3A_379] : memref<96000xi32, #tpu.memory_space<hbm>> -> memref<80xi32, #tpu.memory_space<hbm>>
        %dma_start3A_381 = tpu.memref_slice %arg4[%add3A_379] : memref<96000xi32, #tpu.memory_space<hbm>> -> memref<80xi32, #tpu.memory_space<hbm>>
        tpu.enqueue_dma source(%dma_start3A_381 : memref<80xi32, #tpu.memory_space<hbm>>) target(%arg12 : memref<80xi32, #tpu.memory_space<vmem>>) target_semaphore(%arg19 : memref<!tpu.dma_semaphore, #tpu.memory_space<semaphore_mem>>)
        %dma_start3A_382 = arith.constant 0 : i32
        %dma_start3A_383 = arith.constant 0 : i32
        %dma_start3A_384 = tpu.memref_slice %arg15[%dma_start3A_382, %dma_start3A_383] : memref<80x128xf32, #tpu.memory_space<vmem>> -> memref<80x128xf32, #tpu.memory_space<vmem>>
        %dma_start3A_385 = tpu.memref_slice %arg2[%add3A_379, %mul3A_30] : memref<96000x512xf32, #tpu.memory_space<hbm>> -> memref<80x128xf32, #tpu.memory_space<hbm>>
        %dma_start3A_386 = arith.constant 0 : i32
        %dma_start3A_387 = arith.constant 0 : i32
        %dma_start3A_388 = tpu.memref_slice %arg15[%dma_start3A_386, %dma_start3A_387] : memref<80x128xf32, #tpu.memory_space<vmem>> -> memref<80x128xf32, #tpu.memory_space<vmem>>
        %dma_start3A_389 = tpu.memref_slice %arg2[%add3A_379, %mul3A_30] : memref<96000x512xf32, #tpu.memory_space<hbm>> -> memref<80x128xf32, #tpu.memory_space<hbm>>
        tpu.enqueue_dma source(%dma_start3A_389 : memref<80x128xf32, #tpu.memory_space<hbm>>) target(%dma_start3A_388 : memref<80x128xf32, #tpu.memory_space<vmem>>) target_semaphore(%arg19 : memref<!tpu.dma_semaphore, #tpu.memory_space<semaphore_mem>>)
      } else {
      }
      %mul3A_343 = arith.constant 2 : i32
      %mul3A_344 = arith.muli %mul3A_343, %scan3A_314 : i32
      %add3A_345 = arith.constant 1 : i32
      %add3A_346 = arith.addi %mul3A_344, %add3A_345 : i32
      %dma_wait3A_347 = tpu.memref_slice %arg4[%mul3A_32] : memref<96000xi32, #tpu.memory_space<hbm>> -> memref<80xi32, #tpu.memory_space<hbm>>
      %dma_wait3A_348 = tpu.memref_slice %arg4[%mul3A_32] : memref<96000xi32, #tpu.memory_space<hbm>> -> memref<80xi32, #tpu.memory_space<hbm>>
      tpu.wait_dma2 semaphore(%arg19 : memref<!tpu.dma_semaphore, #tpu.memory_space<semaphore_mem>>) src(%dma_wait3A_348 : memref<80xi32, #tpu.memory_space<hbm>>) dst(%arg12 : memref<80xi32, #tpu.memory_space<vmem>>)
      %dma_wait3A_349 = arith.constant 0 : i32
      %dma_wait3A_350 = arith.constant 0 : i32
      %dma_wait3A_351 = tpu.memref_slice %arg15[%dma_wait3A_349, %dma_wait3A_350] : memref<80x128xf32, #tpu.memory_space<vmem>> -> memref<80x128xf32, #tpu.memory_space<vmem>>
      %dma_wait3A_352 = tpu.memref_slice %arg2[%mul3A_32, %mul3A_30] : memref<96000x512xf32, #tpu.memory_space<hbm>> -> memref<80x128xf32, #tpu.memory_space<hbm>>
      %dma_wait3A_353 = arith.constant 0 : i32
      %dma_wait3A_354 = arith.constant 0 : i32
      %dma_wait3A_355 = tpu.memref_slice %arg15[%dma_wait3A_353, %dma_wait3A_354] : memref<80x128xf32, #tpu.memory_space<vmem>> -> memref<80x128xf32, #tpu.memory_space<vmem>>
      %dma_wait3A_356 = tpu.memref_slice %arg2[%mul3A_32, %mul3A_30] : memref<96000x512xf32, #tpu.memory_space<hbm>> -> memref<80x128xf32, #tpu.memory_space<hbm>>
      tpu.wait_dma2 semaphore(%arg19 : memref<!tpu.dma_semaphore, #tpu.memory_space<semaphore_mem>>) src(%dma_wait3A_356 : memref<80x128xf32, #tpu.memory_space<hbm>>) dst(%dma_wait3A_355 : memref<80x128xf32, #tpu.memory_space<vmem>>)
      %dma_start3A_357 = arith.constant 0 : i32
      %dma_start3A_358 = arith.constant 0 : i32
      %dma_start3A_359 = tpu.memref_slice %arg15[%dma_start3A_357, %dma_start3A_358] : memref<80x128xf32, #tpu.memory_space<vmem>> -> memref<80x128xf32, #tpu.memory_space<vmem>>
      %dma_start3A_360 = arith.constant 0 : i32
      %dma_start3A_361 = arith.constant 0 : i32
      %dma_start3A_362 = tpu.memref_slice %arg17[%dma_start3A_360, %dma_start3A_361] : memref<10240x128xf32, #tpu.memory_space<vmem_shared>> -> memref<10240x128xf32, #tpu.memory_space<vmem_shared>>
      tpu.enqueue_indirect_dma source(%dma_start3A_359 : memref<80x128xf32, #tpu.memory_space<vmem>>) target(%dma_start3A_362 : memref<10240x128xf32, #tpu.memory_space<vmem_shared>>) offsets(%arg12 : memref<80xi32, #tpu.memory_space<vmem>>) semaphore(%arg21 : memref<!tpu.dma_semaphore, #tpu.memory_space<semaphore_mem>>) {add = true}
      %gt3A_363 = arith.constant 0 : i32
      %gt3A_364 = arith.cmpi sgt, %add3A_346, %gt3A_363 : i32
      %convert_element_type3A_365 = arith.extui %gt3A_364 : i1 to i32
      %cond3A_366 = arith.constant 0 : i32
      %cond3A_367 = arith.cmpi ne, %convert_element_type3A_365, %cond3A_366 : i32
      scf.if %cond3A_367 {
        %dma_wait3A_375 = arith.constant 0 : i32
        %dma_wait3A_376 = arith.constant 0 : i32
        %dma_wait3A_377 = tpu.memref_slice %arg14[%dma_wait3A_375, %dma_wait3A_376] : memref<80x128xf32, #tpu.memory_space<vmem>> -> memref<80x128xf32, #tpu.memory_space<vmem>>
        %dma_wait3A_378 = arith.constant 0 : i32
        %dma_wait3A_379 = arith.constant 0 : i32
        %dma_wait3A_380 = tpu.memref_slice %arg17[%dma_wait3A_378, %dma_wait3A_379] : memref<10240x128xf32, #tpu.memory_space<vmem_shared>> -> memref<10240x128xf32, #tpu.memory_space<vmem_shared>>
        tpu.wait_indirect_dma semaphore(%arg20 : memref<!tpu.dma_semaphore, #tpu.memory_space<semaphore_mem>>) src(%dma_wait3A_377 : memref<80x128xf32, #tpu.memory_space<vmem>>) dst(%dma_wait3A_380 : memref<10240x128xf32, #tpu.memory_space<vmem_shared>>)
      } else {
      }
      %add3A_368 = arith.constant 1 : i32
      %add3A_369 = arith.addi %add3A_346, %add3A_368 : i32
      %lt3A_370 = arith.constant 75 : i32
      %lt3A_371 = arith.cmpi slt, %add3A_369, %lt3A_370 : i32
      %convert_element_type3A_372 = arith.extui %lt3A_371 : i1 to i32
      %cond3A_373 = arith.constant 0 : i32
      %cond3A_374 = arith.cmpi ne, %convert_element_type3A_372, %cond3A_373 : i32
      scf.if %cond3A_374 {
        %add3A_375 = arith.constant 1 : i32
        %add3A_376 = arith.addi %add3A_346, %add3A_375 : i32
        %mul3A_377 = arith.constant 80 : i32
        %mul3A_378 = arith.muli %add3A_376, %mul3A_377 : i32
        %add3A_379 = arith.addi %mul3A_32, %mul3A_378 : i32
        %dma_start3A_380 = tpu.memref_slice %arg4[%add3A_379] : memref<96000xi32, #tpu.memory_space<hbm>> -> memref<80xi32, #tpu.memory_space<hbm>>
        %dma_start3A_381 = tpu.memref_slice %arg4[%add3A_379] : memref<96000xi32, #tpu.memory_space<hbm>> -> memref<80xi32, #tpu.memory_space<hbm>>
        tpu.enqueue_dma source(%dma_start3A_381 : memref<80xi32, #tpu.memory_space<hbm>>) target(%arg10 : memref<80xi32, #tpu.memory_space<vmem>>) target_semaphore(%arg18 : memref<!tpu.dma_semaphore, #tpu.memory_space<semaphore_mem>>)
        %dma_start3A_382 = arith.constant 0 : i32
        %dma_start3A_383 = arith.constant 0 : i32
        %dma_start3A_384 = tpu.memref_slice %arg14[%dma_start3A_382, %dma_start3A_383] : memref<80x128xf32, #tpu.memory_space<vmem>> -> memref<80x128xf32, #tpu.memory_space<vmem>>
        %dma_start3A_385 = tpu.memref_slice %arg2[%add3A_379, %mul3A_30] : memref<96000x512xf32, #tpu.memory_space<hbm>> -> memref<80x128xf32, #tpu.memory_space<hbm>>
        %dma_start3A_386 = arith.constant 0 : i32
        %dma_start3A_387 = arith.constant 0 : i32
        %dma_start3A_388 = tpu.memref_slice %arg14[%dma_start3A_386, %dma_start3A_387] : memref<80x128xf32, #tpu.memory_space<vmem>> -> memref<80x128xf32, #tpu.memory_space<vmem>>
        %dma_start3A_389 = tpu.memref_slice %arg2[%add3A_379, %mul3A_30] : memref<96000x512xf32, #tpu.memory_space<hbm>> -> memref<80x128xf32, #tpu.memory_space<hbm>>
        tpu.enqueue_dma source(%dma_start3A_389 : memref<80x128xf32, #tpu.memory_space<hbm>>) target(%dma_start3A_388 : memref<80x128xf32, #tpu.memory_space<vmem>>) target_semaphore(%arg18 : memref<!tpu.dma_semaphore, #tpu.memory_space<semaphore_mem>>)
      } else {
      }
    }
    %scan3A_49 = arith.constant 37 : i32
    %dma_wait3A = tpu.memref_slice %arg4[%mul3A_32] : memref<96000xi32, #tpu.memory_space<hbm>> -> memref<80xi32, #tpu.memory_space<hbm>>
    %dma_wait3A_50 = tpu.memref_slice %arg4[%mul3A_32] : memref<96000xi32, #tpu.memory_space<hbm>> -> memref<80xi32, #tpu.memory_space<hbm>>
    tpu.wait_dma2 semaphore(%arg18 : memref<!tpu.dma_semaphore, #tpu.memory_space<semaphore_mem>>) src(%dma_wait3A_50 : memref<80xi32, #tpu.memory_space<hbm>>) dst(%arg10 : memref<80xi32, #tpu.memory_space<vmem>>)
    %dma_wait3A_51 = arith.constant 0 : i32
    %dma_wait3A_52 = arith.constant 0 : i32
    %dma_wait3A_53 = tpu.memref_slice %arg14[%dma_wait3A_51, %dma_wait3A_52] : memref<80x128xf32, #tpu.memory_space<vmem>> -> memref<80x128xf32, #tpu.memory_space<vmem>>
    %dma_wait3A_54 = tpu.memref_slice %arg2[%mul3A_32, %mul3A_30] : memref<96000x512xf32, #tpu.memory_space<hbm>> -> memref<80x128xf32, #tpu.memory_space<hbm>>
    %dma_wait3A_55 = arith.constant 0 : i32
    %dma_wait3A_56 = arith.constant 0 : i32
    %dma_wait3A_57 = tpu.memref_slice %arg14[%dma_wait3A_55, %dma_wait3A_56] : memref<80x128xf32, #tpu.memory_space<vmem>> -> memref<80x128xf32, #tpu.memory_space<vmem>>
    %dma_wait3A_58 = tpu.memref_slice %arg2[%mul3A_32, %mul3A_30] : memref<96000x512xf32, #tpu.memory_space<hbm>> -> memref<80x128xf32, #tpu.memory_space<hbm>>
    tpu.wait_dma2 semaphore(%arg18 : memref<!tpu.dma_semaphore, #tpu.memory_space<semaphore_mem>>) src(%dma_wait3A_58 : memref<80x128xf32, #tpu.memory_space<hbm>>) dst(%dma_wait3A_57 : memref<80x128xf32, #tpu.memory_space<vmem>>)
    %dma_start3A_59 = arith.constant 0 : i32
    %dma_start3A_60 = arith.constant 0 : i32
    %dma_start3A_61 = tpu.memref_slice %arg14[%dma_start3A_59, %dma_start3A_60] : memref<80x128xf32, #tpu.memory_space<vmem>> -> memref<80x128xf32, #tpu.memory_space<vmem>>
    %dma_start3A_62 = arith.constant 0 : i32
    %dma_start3A_63 = arith.constant 0 : i32
    %dma_start3A_64 = tpu.memref_slice %arg17[%dma_start3A_62, %dma_start3A_63] : memref<10240x128xf32, #tpu.memory_space<vmem_shared>> -> memref<10240x128xf32, #tpu.memory_space<vmem_shared>>
    tpu.enqueue_indirect_dma source(%dma_start3A_61 : memref<80x128xf32, #tpu.memory_space<vmem>>) target(%dma_start3A_64 : memref<10240x128xf32, #tpu.memory_space<vmem_shared>>) offsets(%arg10 : memref<80xi32, #tpu.memory_space<vmem>>) semaphore(%arg20 : memref<!tpu.dma_semaphore, #tpu.memory_space<semaphore_mem>>) {add = true}
    %dma_wait3A_65 = arith.constant 0 : i32
    %dma_wait3A_66 = arith.constant 0 : i32
    %dma_wait3A_67 = tpu.memref_slice %arg15[%dma_wait3A_65, %dma_wait3A_66] : memref<80x128xf32, #tpu.memory_space<vmem>> -> memref<80x128xf32, #tpu.memory_space<vmem>>
    %dma_wait3A_68 = arith.constant 0 : i32
    %dma_wait3A_69 = arith.constant 0 : i32
    %dma_wait3A_70 = tpu.memref_slice %arg17[%dma_wait3A_68, %dma_wait3A_69] : memref<10240x128xf32, #tpu.memory_space<vmem_shared>> -> memref<10240x128xf32, #tpu.memory_space<vmem_shared>>
    tpu.wait_indirect_dma semaphore(%arg21 : memref<!tpu.dma_semaphore, #tpu.memory_space<semaphore_mem>>) src(%dma_wait3A_67 : memref<80x128xf32, #tpu.memory_space<vmem>>) dst(%dma_wait3A_70 : memref<10240x128xf32, #tpu.memory_space<vmem_shared>>)
    %dma_wait3A_71 = arith.constant 0 : i32
    %dma_wait3A_72 = arith.constant 0 : i32
    %dma_wait3A_73 = tpu.memref_slice %arg14[%dma_wait3A_71, %dma_wait3A_72] : memref<80x128xf32, #tpu.memory_space<vmem>> -> memref<80x128xf32, #tpu.memory_space<vmem>>
    %dma_wait3A_74 = arith.constant 0 : i32
    %dma_wait3A_75 = arith.constant 0 : i32
    %dma_wait3A_76 = tpu.memref_slice %arg17[%dma_wait3A_74, %dma_wait3A_75] : memref<10240x128xf32, #tpu.memory_space<vmem_shared>> -> memref<10240x128xf32, #tpu.memory_space<vmem_shared>>
    tpu.wait_indirect_dma semaphore(%arg20 : memref<!tpu.dma_semaphore, #tpu.memory_space<semaphore_mem>>) src(%dma_wait3A_73 : memref<80x128xf32, #tpu.memory_space<vmem>>) dst(%dma_wait3A_76 : memref<10240x128xf32, #tpu.memory_space<vmem_shared>>)
    %mul3A_77 = arith.constant 4000 : i32
    %mul3A_78 = arith.muli %arg1, %mul3A_77 : i32
    %add3A_79 = arith.constant 0 : i32
    %add3A_80 = arith.addi %mul3A_78, %add3A_79 : i32
    %dma_start3A_81 = tpu.memref_slice %arg7[%add3A_80] : memref<64000xi32, #tpu.memory_space<hbm>> -> memref<80xi32, #tpu.memory_space<hbm>>
    %dma_start3A_82 = tpu.memref_slice %arg7[%add3A_80] : memref<64000xi32, #tpu.memory_space<hbm>> -> memref<80xi32, #tpu.memory_space<hbm>>
    tpu.enqueue_dma source(%dma_start3A_82 : memref<80xi32, #tpu.memory_space<hbm>>) target(%arg10 : memref<80xi32, #tpu.memory_space<vmem>>) target_semaphore(%arg18 : memref<!tpu.dma_semaphore, #tpu.memory_space<semaphore_mem>>)
    %dma_start3A_83 = arith.constant 0 : i32
    %dma_start3A_84 = arith.constant 0 : i32
    %dma_start3A_85 = tpu.memref_slice %arg14[%dma_start3A_83, %dma_start3A_84] : memref<80x128xf32, #tpu.memory_space<vmem>> -> memref<80x128xf32, #tpu.memory_space<vmem>>
    %dma_start3A_86 = tpu.memref_slice %arg5[%add3A_80, %mul3A_30] : memref<64000x512xf32, #tpu.memory_space<hbm>> -> memref<80x128xf32, #tpu.memory_space<hbm>>
    %dma_start3A_87 = arith.constant 0 : i32
    %dma_start3A_88 = arith.constant 0 : i32
    %dma_start3A_89 = tpu.memref_slice %arg14[%dma_start3A_87, %dma_start3A_88] : memref<80x128xf32, #tpu.memory_space<vmem>> -> memref<80x128xf32, #tpu.memory_space<vmem>>
    %dma_start3A_90 = tpu.memref_slice %arg5[%add3A_80, %mul3A_30] : memref<64000x512xf32, #tpu.memory_space<hbm>> -> memref<80x128xf32, #tpu.memory_space<hbm>>
    tpu.enqueue_dma source(%dma_start3A_90 : memref<80x128xf32, #tpu.memory_space<hbm>>) target(%dma_start3A_89 : memref<80x128xf32, #tpu.memory_space<vmem>>) target_semaphore(%arg18 : memref<!tpu.dma_semaphore, #tpu.memory_space<semaphore_mem>>)
    %scan3A_91 = arith.constant 0 : i32
    %scan3A_92 = arith.constant 0 : i32
    %scan3A_93 = arith.constant 25 : i32
    %scan3A_94 = arith.addi %scan3A_92, %scan3A_93 : i32
    %scan3A_95 = arith.constant 1 : i32
    scf.for %scan3A_314 = %scan3A_92 to %scan3A_94 step %scan3A_95  : i32 {
      %mul3A_315 = arith.constant 2 : i32
      %mul3A_316 = arith.muli %mul3A_315, %scan3A_314 : i32
      %add3A_317 = arith.constant 0 : i32
      %add3A_318 = arith.addi %mul3A_316, %add3A_317 : i32
      %dma_wait3A_319 = tpu.memref_slice %arg7[%mul3A_78] : memref<64000xi32, #tpu.memory_space<hbm>> -> memref<80xi32, #tpu.memory_space<hbm>>
      %dma_wait3A_320 = tpu.memref_slice %arg7[%mul3A_78] : memref<64000xi32, #tpu.memory_space<hbm>> -> memref<80xi32, #tpu.memory_space<hbm>>
      tpu.wait_dma2 semaphore(%arg18 : memref<!tpu.dma_semaphore, #tpu.memory_space<semaphore_mem>>) src(%dma_wait3A_320 : memref<80xi32, #tpu.memory_space<hbm>>) dst(%arg10 : memref<80xi32, #tpu.memory_space<vmem>>)
      %dma_wait3A_321 = arith.constant 0 : i32
      %dma_wait3A_322 = arith.constant 0 : i32
      %dma_wait3A_323 = tpu.memref_slice %arg14[%dma_wait3A_321, %dma_wait3A_322] : memref<80x128xf32, #tpu.memory_space<vmem>> -> memref<80x128xf32, #tpu.memory_space<vmem>>
      %dma_wait3A_324 = tpu.memref_slice %arg5[%mul3A_78, %mul3A_30] : memref<64000x512xf32, #tpu.memory_space<hbm>> -> memref<80x128xf32, #tpu.memory_space<hbm>>
      %dma_wait3A_325 = arith.constant 0 : i32
      %dma_wait3A_326 = arith.constant 0 : i32
      %dma_wait3A_327 = tpu.memref_slice %arg14[%dma_wait3A_325, %dma_wait3A_326] : memref<80x128xf32, #tpu.memory_space<vmem>> -> memref<80x128xf32, #tpu.memory_space<vmem>>
      %dma_wait3A_328 = tpu.memref_slice %arg5[%mul3A_78, %mul3A_30] : memref<64000x512xf32, #tpu.memory_space<hbm>> -> memref<80x128xf32, #tpu.memory_space<hbm>>
      tpu.wait_dma2 semaphore(%arg18 : memref<!tpu.dma_semaphore, #tpu.memory_space<semaphore_mem>>) src(%dma_wait3A_328 : memref<80x128xf32, #tpu.memory_space<hbm>>) dst(%dma_wait3A_327 : memref<80x128xf32, #tpu.memory_space<vmem>>)
      %dma_start3A_329 = arith.constant 0 : i32
      %dma_start3A_330 = arith.constant 0 : i32
      %dma_start3A_331 = tpu.memref_slice %arg14[%dma_start3A_329, %dma_start3A_330] : memref<80x128xf32, #tpu.memory_space<vmem>> -> memref<80x128xf32, #tpu.memory_space<vmem>>
      %dma_start3A_332 = arith.constant 0 : i32
      %dma_start3A_333 = arith.constant 0 : i32
      %dma_start3A_334 = tpu.memref_slice %arg17[%dma_start3A_332, %dma_start3A_333] : memref<10240x128xf32, #tpu.memory_space<vmem_shared>> -> memref<10240x128xf32, #tpu.memory_space<vmem_shared>>
      tpu.enqueue_indirect_dma source(%dma_start3A_331 : memref<80x128xf32, #tpu.memory_space<vmem>>) target(%dma_start3A_334 : memref<10240x128xf32, #tpu.memory_space<vmem_shared>>) offsets(%arg10 : memref<80xi32, #tpu.memory_space<vmem>>) semaphore(%arg20 : memref<!tpu.dma_semaphore, #tpu.memory_space<semaphore_mem>>) {add = true}
      %gt3A = arith.constant 0 : i32
      %gt3A_335 = arith.cmpi sgt, %add3A_318, %gt3A : i32
      %convert_element_type3A = arith.extui %gt3A_335 : i1 to i32
      %cond3A = arith.constant 0 : i32
      %cond3A_336 = arith.cmpi ne, %convert_element_type3A, %cond3A : i32
      scf.if %cond3A_336 {
        %dma_wait3A_375 = arith.constant 0 : i32
        %dma_wait3A_376 = arith.constant 0 : i32
        %dma_wait3A_377 = tpu.memref_slice %arg15[%dma_wait3A_375, %dma_wait3A_376] : memref<80x128xf32, #tpu.memory_space<vmem>> -> memref<80x128xf32, #tpu.memory_space<vmem>>
        %dma_wait3A_378 = arith.constant 0 : i32
        %dma_wait3A_379 = arith.constant 0 : i32
        %dma_wait3A_380 = tpu.memref_slice %arg17[%dma_wait3A_378, %dma_wait3A_379] : memref<10240x128xf32, #tpu.memory_space<vmem_shared>> -> memref<10240x128xf32, #tpu.memory_space<vmem_shared>>
        tpu.wait_indirect_dma semaphore(%arg21 : memref<!tpu.dma_semaphore, #tpu.memory_space<semaphore_mem>>) src(%dma_wait3A_377 : memref<80x128xf32, #tpu.memory_space<vmem>>) dst(%dma_wait3A_380 : memref<10240x128xf32, #tpu.memory_space<vmem_shared>>)
      } else {
      }
      %add3A_337 = arith.constant 1 : i32
      %add3A_338 = arith.addi %add3A_318, %add3A_337 : i32
      %lt3A = arith.constant 50 : i32
      %lt3A_339 = arith.cmpi slt, %add3A_338, %lt3A : i32
      %convert_element_type3A_340 = arith.extui %lt3A_339 : i1 to i32
      %cond3A_341 = arith.constant 0 : i32
      %cond3A_342 = arith.cmpi ne, %convert_element_type3A_340, %cond3A_341 : i32
      scf.if %cond3A_342 {
        %add3A_375 = arith.constant 1 : i32
        %add3A_376 = arith.addi %add3A_318, %add3A_375 : i32
        %mul3A_377 = arith.constant 80 : i32
        %mul3A_378 = arith.muli %add3A_376, %mul3A_377 : i32
        %add3A_379 = arith.addi %mul3A_78, %mul3A_378 : i32
        %dma_start3A_380 = tpu.memref_slice %arg7[%add3A_379] : memref<64000xi32, #tpu.memory_space<hbm>> -> memref<80xi32, #tpu.memory_space<hbm>>
        %dma_start3A_381 = tpu.memref_slice %arg7[%add3A_379] : memref<64000xi32, #tpu.memory_space<hbm>> -> memref<80xi32, #tpu.memory_space<hbm>>
        tpu.enqueue_dma source(%dma_start3A_381 : memref<80xi32, #tpu.memory_space<hbm>>) target(%arg12 : memref<80xi32, #tpu.memory_space<vmem>>) target_semaphore(%arg19 : memref<!tpu.dma_semaphore, #tpu.memory_space<semaphore_mem>>)
        %dma_start3A_382 = arith.constant 0 : i32
        %dma_start3A_383 = arith.constant 0 : i32
        %dma_start3A_384 = tpu.memref_slice %arg15[%dma_start3A_382, %dma_start3A_383] : memref<80x128xf32, #tpu.memory_space<vmem>> -> memref<80x128xf32, #tpu.memory_space<vmem>>
        %dma_start3A_385 = tpu.memref_slice %arg5[%add3A_379, %mul3A_30] : memref<64000x512xf32, #tpu.memory_space<hbm>> -> memref<80x128xf32, #tpu.memory_space<hbm>>
        %dma_start3A_386 = arith.constant 0 : i32
        %dma_start3A_387 = arith.constant 0 : i32
        %dma_start3A_388 = tpu.memref_slice %arg15[%dma_start3A_386, %dma_start3A_387] : memref<80x128xf32, #tpu.memory_space<vmem>> -> memref<80x128xf32, #tpu.memory_space<vmem>>
        %dma_start3A_389 = tpu.memref_slice %arg5[%add3A_379, %mul3A_30] : memref<64000x512xf32, #tpu.memory_space<hbm>> -> memref<80x128xf32, #tpu.memory_space<hbm>>
        tpu.enqueue_dma source(%dma_start3A_389 : memref<80x128xf32, #tpu.memory_space<hbm>>) target(%dma_start3A_388 : memref<80x128xf32, #tpu.memory_space<vmem>>) target_semaphore(%arg19 : memref<!tpu.dma_semaphore, #tpu.memory_space<semaphore_mem>>)
      } else {
      }
      %mul3A_343 = arith.constant 2 : i32
      %mul3A_344 = arith.muli %mul3A_343, %scan3A_314 : i32
      %add3A_345 = arith.constant 1 : i32
      %add3A_346 = arith.addi %mul3A_344, %add3A_345 : i32
      %dma_wait3A_347 = tpu.memref_slice %arg7[%mul3A_78] : memref<64000xi32, #tpu.memory_space<hbm>> -> memref<80xi32, #tpu.memory_space<hbm>>
      %dma_wait3A_348 = tpu.memref_slice %arg7[%mul3A_78] : memref<64000xi32, #tpu.memory_space<hbm>> -> memref<80xi32, #tpu.memory_space<hbm>>
      tpu.wait_dma2 semaphore(%arg19 : memref<!tpu.dma_semaphore, #tpu.memory_space<semaphore_mem>>) src(%dma_wait3A_348 : memref<80xi32, #tpu.memory_space<hbm>>) dst(%arg12 : memref<80xi32, #tpu.memory_space<vmem>>)
      %dma_wait3A_349 = arith.constant 0 : i32
      %dma_wait3A_350 = arith.constant 0 : i32
      %dma_wait3A_351 = tpu.memref_slice %arg15[%dma_wait3A_349, %dma_wait3A_350] : memref<80x128xf32, #tpu.memory_space<vmem>> -> memref<80x128xf32, #tpu.memory_space<vmem>>
      %dma_wait3A_352 = tpu.memref_slice %arg5[%mul3A_78, %mul3A_30] : memref<64000x512xf32, #tpu.memory_space<hbm>> -> memref<80x128xf32, #tpu.memory_space<hbm>>
      %dma_wait3A_353 = arith.constant 0 : i32
      %dma_wait3A_354 = arith.constant 0 : i32
      %dma_wait3A_355 = tpu.memref_slice %arg15[%dma_wait3A_353, %dma_wait3A_354] : memref<80x128xf32, #tpu.memory_space<vmem>> -> memref<80x128xf32, #tpu.memory_space<vmem>>
      %dma_wait3A_356 = tpu.memref_slice %arg5[%mul3A_78, %mul3A_30] : memref<64000x512xf32, #tpu.memory_space<hbm>> -> memref<80x128xf32, #tpu.memory_space<hbm>>
      tpu.wait_dma2 semaphore(%arg19 : memref<!tpu.dma_semaphore, #tpu.memory_space<semaphore_mem>>) src(%dma_wait3A_356 : memref<80x128xf32, #tpu.memory_space<hbm>>) dst(%dma_wait3A_355 : memref<80x128xf32, #tpu.memory_space<vmem>>)
      %dma_start3A_357 = arith.constant 0 : i32
      %dma_start3A_358 = arith.constant 0 : i32
      %dma_start3A_359 = tpu.memref_slice %arg15[%dma_start3A_357, %dma_start3A_358] : memref<80x128xf32, #tpu.memory_space<vmem>> -> memref<80x128xf32, #tpu.memory_space<vmem>>
      %dma_start3A_360 = arith.constant 0 : i32
      %dma_start3A_361 = arith.constant 0 : i32
      %dma_start3A_362 = tpu.memref_slice %arg17[%dma_start3A_360, %dma_start3A_361] : memref<10240x128xf32, #tpu.memory_space<vmem_shared>> -> memref<10240x128xf32, #tpu.memory_space<vmem_shared>>
      tpu.enqueue_indirect_dma source(%dma_start3A_359 : memref<80x128xf32, #tpu.memory_space<vmem>>) target(%dma_start3A_362 : memref<10240x128xf32, #tpu.memory_space<vmem_shared>>) offsets(%arg12 : memref<80xi32, #tpu.memory_space<vmem>>) semaphore(%arg21 : memref<!tpu.dma_semaphore, #tpu.memory_space<semaphore_mem>>) {add = true}
      %gt3A_363 = arith.constant 0 : i32
      %gt3A_364 = arith.cmpi sgt, %add3A_346, %gt3A_363 : i32
      %convert_element_type3A_365 = arith.extui %gt3A_364 : i1 to i32
      %cond3A_366 = arith.constant 0 : i32
      %cond3A_367 = arith.cmpi ne, %convert_element_type3A_365, %cond3A_366 : i32
      scf.if %cond3A_367 {
        %dma_wait3A_375 = arith.constant 0 : i32
        %dma_wait3A_376 = arith.constant 0 : i32
        %dma_wait3A_377 = tpu.memref_slice %arg14[%dma_wait3A_375, %dma_wait3A_376] : memref<80x128xf32, #tpu.memory_space<vmem>> -> memref<80x128xf32, #tpu.memory_space<vmem>>
        %dma_wait3A_378 = arith.constant 0 : i32
        %dma_wait3A_379 = arith.constant 0 : i32
        %dma_wait3A_380 = tpu.memref_slice %arg17[%dma_wait3A_378, %dma_wait3A_379] : memref<10240x128xf32, #tpu.memory_space<vmem_shared>> -> memref<10240x128xf32, #tpu.memory_space<vmem_shared>>
        tpu.wait_indirect_dma semaphore(%arg20 : memref<!tpu.dma_semaphore, #tpu.memory_space<semaphore_mem>>) src(%dma_wait3A_377 : memref<80x128xf32, #tpu.memory_space<vmem>>) dst(%dma_wait3A_380 : memref<10240x128xf32, #tpu.memory_space<vmem_shared>>)
      } else {
      }
      %add3A_368 = arith.constant 1 : i32
      %add3A_369 = arith.addi %add3A_346, %add3A_368 : i32
      %lt3A_370 = arith.constant 50 : i32
      %lt3A_371 = arith.cmpi slt, %add3A_369, %lt3A_370 : i32
      %convert_element_type3A_372 = arith.extui %lt3A_371 : i1 to i32
      %cond3A_373 = arith.constant 0 : i32
      %cond3A_374 = arith.cmpi ne, %convert_element_type3A_372, %cond3A_373 : i32
      scf.if %cond3A_374 {
        %add3A_375 = arith.constant 1 : i32
        %add3A_376 = arith.addi %add3A_346, %add3A_375 : i32
        %mul3A_377 = arith.constant 80 : i32
        %mul3A_378 = arith.muli %add3A_376, %mul3A_377 : i32
        %add3A_379 = arith.addi %mul3A_78, %mul3A_378 : i32
        %dma_start3A_380 = tpu.memref_slice %arg7[%add3A_379] : memref<64000xi32, #tpu.memory_space<hbm>> -> memref<80xi32, #tpu.memory_space<hbm>>
        %dma_start3A_381 = tpu.memref_slice %arg7[%add3A_379] : memref<64000xi32, #tpu.memory_space<hbm>> -> memref<80xi32, #tpu.memory_space<hbm>>
        tpu.enqueue_dma source(%dma_start3A_381 : memref<80xi32, #tpu.memory_space<hbm>>) target(%arg10 : memref<80xi32, #tpu.memory_space<vmem>>) target_semaphore(%arg18 : memref<!tpu.dma_semaphore, #tpu.memory_space<semaphore_mem>>)
        %dma_start3A_382 = arith.constant 0 : i32
        %dma_start3A_383 = arith.constant 0 : i32
        %dma_start3A_384 = tpu.memref_slice %arg14[%dma_start3A_382, %dma_start3A_383] : memref<80x128xf32, #tpu.memory_space<vmem>> -> memref<80x128xf32, #tpu.memory_space<vmem>>
        %dma_start3A_385 = tpu.memref_slice %arg5[%add3A_379, %mul3A_30] : memref<64000x512xf32, #tpu.memory_space<hbm>> -> memref<80x128xf32, #tpu.memory_space<hbm>>
        %dma_start3A_386 = arith.constant 0 : i32
        %dma_start3A_387 = arith.constant 0 : i32
        %dma_start3A_388 = tpu.memref_slice %arg14[%dma_start3A_386, %dma_start3A_387] : memref<80x128xf32, #tpu.memory_space<vmem>> -> memref<80x128xf32, #tpu.memory_space<vmem>>
        %dma_start3A_389 = tpu.memref_slice %arg5[%add3A_379, %mul3A_30] : memref<64000x512xf32, #tpu.memory_space<hbm>> -> memref<80x128xf32, #tpu.memory_space<hbm>>
        tpu.enqueue_dma source(%dma_start3A_389 : memref<80x128xf32, #tpu.memory_space<hbm>>) target(%dma_start3A_388 : memref<80x128xf32, #tpu.memory_space<vmem>>) target_semaphore(%arg18 : memref<!tpu.dma_semaphore, #tpu.memory_space<semaphore_mem>>)
      } else {
      }
    }
    %scan3A_96 = arith.constant 25 : i32
    %dma_wait3A_97 = arith.constant 0 : i32
    %dma_wait3A_98 = arith.constant 0 : i32
    %dma_wait3A_99 = tpu.memref_slice %arg15[%dma_wait3A_97, %dma_wait3A_98] : memref<80x128xf32, #tpu.memory_space<vmem>> -> memref<80x128xf32, #tpu.memory_space<vmem>>
    %dma_wait3A_100 = arith.constant 0 : i32
    %dma_wait3A_101 = arith.constant 0 : i32
    %dma_wait3A_102 = tpu.memref_slice %arg17[%dma_wait3A_100, %dma_wait3A_101] : memref<10240x128xf32, #tpu.memory_space<vmem_shared>> -> memref<10240x128xf32, #tpu.memory_space<vmem_shared>>
    tpu.wait_indirect_dma semaphore(%arg21 : memref<!tpu.dma_semaphore, #tpu.memory_space<semaphore_mem>>) src(%dma_wait3A_99 : memref<80x128xf32, #tpu.memory_space<vmem>>) dst(%dma_wait3A_102 : memref<10240x128xf32, #tpu.memory_space<vmem_shared>>)
    %barrier3A_103 = arith.constant 0 : index
    tpu.barrier barrier_id(%barrier3A_103)
    "tpu.region"() ({
      %run_scoped3A = tpu.sem_alloc : memref<!tpu.dma_semaphore, #tpu.memory_space<semaphore_mem>>
      %dma_start3A_314 = tpu.memref_slice %arg8[%mul3A_0, %mul3A_30] : memref<10240x512xf32, #tpu.memory_space<hbm>> -> memref<640x128xf32, #tpu.memory_space<hbm>>
      %dma_start3A_315 = arith.constant 0 : i32
      %dma_start3A_316 = tpu.memref_slice %arg17[%mul3A_0, %dma_start3A_315] : memref<10240x128xf32, #tpu.memory_space<vmem_shared>> -> memref<640x128xf32, #tpu.memory_space<vmem_shared>>
      tpu.enqueue_dma source(%dma_start3A_316 : memref<640x128xf32, #tpu.memory_space<vmem_shared>>) target(%dma_start3A_314 : memref<640x128xf32, #tpu.memory_space<hbm>>) target_semaphore(%run_scoped3A : memref<!tpu.dma_semaphore, #tpu.memory_space<semaphore_mem>>)
      %dma_wait3A_317 = tpu.memref_slice %arg8[%mul3A_0, %mul3A_30] : memref<10240x512xf32, #tpu.memory_space<hbm>> -> memref<640x128xf32, #tpu.memory_space<hbm>>
      %dma_wait3A_318 = arith.constant 0 : i32
      %dma_wait3A_319 = tpu.memref_slice %arg17[%mul3A_0, %dma_wait3A_318] : memref<10240x128xf32, #tpu.memory_space<vmem_shared>> -> memref<640x128xf32, #tpu.memory_space<vmem_shared>>
      tpu.wait_dma2 semaphore(%run_scoped3A : memref<!tpu.dma_semaphore, #tpu.memory_space<semaphore_mem>>) src(%dma_wait3A_319 : memref<640x128xf32, #tpu.memory_space<vmem_shared>>) dst(%dma_wait3A_317 : memref<640x128xf32, #tpu.memory_space<hbm>>)
      tpu.yield
    }) : () -> ()
    %add3A_104 = arith.constant 0 : i32
    %add3A_105 = arith.addi %mul3A_0, %add3A_104 : i32
    "tpu.region"() ({
      %run_scoped3A = tpu.sem_alloc : memref<!tpu.dma_semaphore, #tpu.memory_space<semaphore_mem>>
      %dma_start3A_314 = arith.constant 0 : i32
      %dma_start3A_315 = tpu.memref_slice %arg17[%add3A_105, %dma_start3A_314] : memref<10240x128xf32, #tpu.memory_space<vmem_shared>> -> memref<64x128xf32, #tpu.memory_space<vmem_shared>>
      %dma_start3A_316 = arith.constant 0 : i32
      %dma_start3A_317 = tpu.memref_slice %arg17[%add3A_105, %dma_start3A_316] : memref<10240x128xf32, #tpu.memory_space<vmem_shared>> -> memref<64x128xf32, #tpu.memory_space<vmem_shared>>
      tpu.enqueue_dma source(%arg16 : memref<64x128xf32, #tpu.memory_space<vmem>>) target(%dma_start3A_317 : memref<64x128xf32, #tpu.memory_space<vmem_shared>>) target_semaphore(%run_scoped3A : memref<!tpu.dma_semaphore, #tpu.memory_space<semaphore_mem>>)
      %dma_wait3A_318 = arith.constant 0 : i32
      %dma_wait3A_319 = tpu.memref_slice %arg17[%add3A_105, %dma_wait3A_318] : memref<10240x128xf32, #tpu.memory_space<vmem_shared>> -> memref<64x128xf32, #tpu.memory_space<vmem_shared>>
      %dma_wait3A_320 = arith.constant 0 : i32
      %dma_wait3A_321 = tpu.memref_slice %arg17[%add3A_105, %dma_wait3A_320] : memref<10240x128xf32, #tpu.memory_space<vmem_shared>> -> memref<64x128xf32, #tpu.memory_space<vmem_shared>>
      tpu.wait_dma2 semaphore(%run_scoped3A : memref<!tpu.dma_semaphore, #tpu.memory_space<semaphore_mem>>) src(%arg16 : memref<64x128xf32, #tpu.memory_space<vmem>>) dst(%dma_wait3A_321 : memref<64x128xf32, #tpu.memory_space<vmem_shared>>)
      tpu.yield
    }) : () -> ()
    %add3A_106 = arith.constant 64 : i32
    %add3A_107 = arith.addi %mul3A_0, %add3A_106 : i32
    "tpu.region"() ({
      %run_scoped3A = tpu.sem_alloc : memref<!tpu.dma_semaphore, #tpu.memory_space<semaphore_mem>>
      %dma_start3A_314 = arith.constant 0 : i32
      %dma_start3A_315 = tpu.memref_slice %arg17[%add3A_107, %dma_start3A_314] : memref<10240x128xf32, #tpu.memory_space<vmem_shared>> -> memref<64x128xf32, #tpu.memory_space<vmem_shared>>
      %dma_start3A_316 = arith.constant 0 : i32
      %dma_start3A_317 = tpu.memref_slice %arg17[%add3A_107, %dma_start3A_316] : memref<10240x128xf32, #tpu.memory_space<vmem_shared>> -> memref<64x128xf32, #tpu.memory_space<vmem_shared>>
      tpu.enqueue_dma source(%arg16 : memref<64x128xf32, #tpu.memory_space<vmem>>) target(%dma_start3A_317 : memref<64x128xf32, #tpu.memory_space<vmem_shared>>) target_semaphore(%run_scoped3A : memref<!tpu.dma_semaphore, #tpu.memory_space<semaphore_mem>>)
      %dma_wait3A_318 = arith.constant 0 : i32
      %dma_wait3A_319 = tpu.memref_slice %arg17[%add3A_107, %dma_wait3A_318] : memref<10240x128xf32, #tpu.memory_space<vmem_shared>> -> memref<64x128xf32, #tpu.memory_space<vmem_shared>>
      %dma_wait3A_320 = arith.constant 0 : i32
      %dma_wait3A_321 = tpu.memref_slice %arg17[%add3A_107, %dma_wait3A_320] : memref<10240x128xf32, #tpu.memory_space<vmem_shared>> -> memref<64x128xf32, #tpu.memory_space<vmem_shared>>
      tpu.wait_dma2 semaphore(%run_scoped3A : memref<!tpu.dma_semaphore, #tpu.memory_space<semaphore_mem>>) src(%arg16 : memref<64x128xf32, #tpu.memory_space<vmem>>) dst(%dma_wait3A_321 : memref<64x128xf32, #tpu.memory_space<vmem_shared>>)
      tpu.yield
    }) : () -> ()
    %add3A_108 = arith.constant 128 : i32
    %add3A_109 = arith.addi %mul3A_0, %add3A_108 : i32
    "tpu.region"() ({
      %run_scoped3A = tpu.sem_alloc : memref<!tpu.dma_semaphore, #tpu.memory_space<semaphore_mem>>
      %dma_start3A_314 = arith.constant 0 : i32
      %dma_start3A_315 = tpu.memref_slice %arg17[%add3A_109, %dma_start3A_314] : memref<10240x128xf32, #tpu.memory_space<vmem_shared>> -> memref<64x128xf32, #tpu.memory_space<vmem_shared>>
      %dma_start3A_316 = arith.constant 0 : i32
      %dma_start3A_317 = tpu.memref_slice %arg17[%add3A_109, %dma_start3A_316] : memref<10240x128xf32, #tpu.memory_space<vmem_shared>> -> memref<64x128xf32, #tpu.memory_space<vmem_shared>>
      tpu.enqueue_dma source(%arg16 : memref<64x128xf32, #tpu.memory_space<vmem>>) target(%dma_start3A_317 : memref<64x128xf32, #tpu.memory_space<vmem_shared>>) target_semaphore(%run_scoped3A : memref<!tpu.dma_semaphore, #tpu.memory_space<semaphore_mem>>)
      %dma_wait3A_318 = arith.constant 0 : i32
      %dma_wait3A_319 = tpu.memref_slice %arg17[%add3A_109, %dma_wait3A_318] : memref<10240x128xf32, #tpu.memory_space<vmem_shared>> -> memref<64x128xf32, #tpu.memory_space<vmem_shared>>
      %dma_wait3A_320 = arith.constant 0 : i32
      %dma_wait3A_321 = tpu.memref_slice %arg17[%add3A_109, %dma_wait3A_320] : memref<10240x128xf32, #tpu.memory_space<vmem_shared>> -> memref<64x128xf32, #tpu.memory_space<vmem_shared>>
      tpu.wait_dma2 semaphore(%run_scoped3A : memref<!tpu.dma_semaphore, #tpu.memory_space<semaphore_mem>>) src(%arg16 : memref<64x128xf32, #tpu.memory_space<vmem>>) dst(%dma_wait3A_321 : memref<64x128xf32, #tpu.memory_space<vmem_shared>>)
      tpu.yield
    }) : () -> ()
    %add3A_110 = arith.constant 192 : i32
    %add3A_111 = arith.addi %mul3A_0, %add3A_110 : i32
    "tpu.region"() ({
      %run_scoped3A = tpu.sem_alloc : memref<!tpu.dma_semaphore, #tpu.memory_space<semaphore_mem>>
      %dma_start3A_314 = arith.constant 0 : i32
      %dma_start3A_315 = tpu.memref_slice %arg17[%add3A_111, %dma_start3A_314] : memref<10240x128xf32, #tpu.memory_space<vmem_shared>> -> memref<64x128xf32, #tpu.memory_space<vmem_shared>>
      %dma_start3A_316 = arith.constant 0 : i32
      %dma_start3A_317 = tpu.memref_slice %arg17[%add3A_111, %dma_start3A_316] : memref<10240x128xf32, #tpu.memory_space<vmem_shared>> -> memref<64x128xf32, #tpu.memory_space<vmem_shared>>
      tpu.enqueue_dma source(%arg16 : memref<64x128xf32, #tpu.memory_space<vmem>>) target(%dma_start3A_317 : memref<64x128xf32, #tpu.memory_space<vmem_shared>>) target_semaphore(%run_scoped3A : memref<!tpu.dma_semaphore, #tpu.memory_space<semaphore_mem>>)
      %dma_wait3A_318 = arith.constant 0 : i32
      %dma_wait3A_319 = tpu.memref_slice %arg17[%add3A_111, %dma_wait3A_318] : memref<10240x128xf32, #tpu.memory_space<vmem_shared>> -> memref<64x128xf32, #tpu.memory_space<vmem_shared>>
      %dma_wait3A_320 = arith.constant 0 : i32
      %dma_wait3A_321 = tpu.memref_slice %arg17[%add3A_111, %dma_wait3A_320] : memref<10240x128xf32, #tpu.memory_space<vmem_shared>> -> memref<64x128xf32, #tpu.memory_space<vmem_shared>>
      tpu.wait_dma2 semaphore(%run_scoped3A : memref<!tpu.dma_semaphore, #tpu.memory_space<semaphore_mem>>) src(%arg16 : memref<64x128xf32, #tpu.memory_space<vmem>>) dst(%dma_wait3A_321 : memref<64x128xf32, #tpu.memory_space<vmem_shared>>)
      tpu.yield
    }) : () -> ()
    %add3A_112 = arith.constant 256 : i32
    %add3A_113 = arith.addi %mul3A_0, %add3A_112 : i32
    "tpu.region"() ({
      %run_scoped3A = tpu.sem_alloc : memref<!tpu.dma_semaphore, #tpu.memory_space<semaphore_mem>>
      %dma_start3A_314 = arith.constant 0 : i32
      %dma_start3A_315 = tpu.memref_slice %arg17[%add3A_113, %dma_start3A_314] : memref<10240x128xf32, #tpu.memory_space<vmem_shared>> -> memref<64x128xf32, #tpu.memory_space<vmem_shared>>
      %dma_start3A_316 = arith.constant 0 : i32
      %dma_start3A_317 = tpu.memref_slice %arg17[%add3A_113, %dma_start3A_316] : memref<10240x128xf32, #tpu.memory_space<vmem_shared>> -> memref<64x128xf32, #tpu.memory_space<vmem_shared>>
      tpu.enqueue_dma source(%arg16 : memref<64x128xf32, #tpu.memory_space<vmem>>) target(%dma_start3A_317 : memref<64x128xf32, #tpu.memory_space<vmem_shared>>) target_semaphore(%run_scoped3A : memref<!tpu.dma_semaphore, #tpu.memory_space<semaphore_mem>>)
      %dma_wait3A_318 = arith.constant 0 : i32
      %dma_wait3A_319 = tpu.memref_slice %arg17[%add3A_113, %dma_wait3A_318] : memref<10240x128xf32, #tpu.memory_space<vmem_shared>> -> memref<64x128xf32, #tpu.memory_space<vmem_shared>>
      %dma_wait3A_320 = arith.constant 0 : i32
      %dma_wait3A_321 = tpu.memref_slice %arg17[%add3A_113, %dma_wait3A_320] : memref<10240x128xf32, #tpu.memory_space<vmem_shared>> -> memref<64x128xf32, #tpu.memory_space<vmem_shared>>
      tpu.wait_dma2 semaphore(%run_scoped3A : memref<!tpu.dma_semaphore, #tpu.memory_space<semaphore_mem>>) src(%arg16 : memref<64x128xf32, #tpu.memory_space<vmem>>) dst(%dma_wait3A_321 : memref<64x128xf32, #tpu.memory_space<vmem_shared>>)
      tpu.yield
    }) : () -> ()
    %add3A_114 = arith.constant 320 : i32
    %add3A_115 = arith.addi %mul3A_0, %add3A_114 : i32
    "tpu.region"() ({
      %run_scoped3A = tpu.sem_alloc : memref<!tpu.dma_semaphore, #tpu.memory_space<semaphore_mem>>
      %dma_start3A_314 = arith.constant 0 : i32
      %dma_start3A_315 = tpu.memref_slice %arg17[%add3A_115, %dma_start3A_314] : memref<10240x128xf32, #tpu.memory_space<vmem_shared>> -> memref<64x128xf32, #tpu.memory_space<vmem_shared>>
      %dma_start3A_316 = arith.constant 0 : i32
      %dma_start3A_317 = tpu.memref_slice %arg17[%add3A_115, %dma_start3A_316] : memref<10240x128xf32, #tpu.memory_space<vmem_shared>> -> memref<64x128xf32, #tpu.memory_space<vmem_shared>>
      tpu.enqueue_dma source(%arg16 : memref<64x128xf32, #tpu.memory_space<vmem>>) target(%dma_start3A_317 : memref<64x128xf32, #tpu.memory_space<vmem_shared>>) target_semaphore(%run_scoped3A : memref<!tpu.dma_semaphore, #tpu.memory_space<semaphore_mem>>)
      %dma_wait3A_318 = arith.constant 0 : i32
      %dma_wait3A_319 = tpu.memref_slice %arg17[%add3A_115, %dma_wait3A_318] : memref<10240x128xf32, #tpu.memory_space<vmem_shared>> -> memref<64x128xf32, #tpu.memory_space<vmem_shared>>
      %dma_wait3A_320 = arith.constant 0 : i32
      %dma_wait3A_321 = tpu.memref_slice %arg17[%add3A_115, %dma_wait3A_320] : memref<10240x128xf32, #tpu.memory_space<vmem_shared>> -> memref<64x128xf32, #tpu.memory_space<vmem_shared>>
      tpu.wait_dma2 semaphore(%run_scoped3A : memref<!tpu.dma_semaphore, #tpu.memory_space<semaphore_mem>>) src(%arg16 : memref<64x128xf32, #tpu.memory_space<vmem>>) dst(%dma_wait3A_321 : memref<64x128xf32, #tpu.memory_space<vmem_shared>>)
      tpu.yield
    }) : () -> ()
    %add3A_116 = arith.constant 384 : i32
    %add3A_117 = arith.addi %mul3A_0, %add3A_116 : i32
    "tpu.region"() ({
      %run_scoped3A = tpu.sem_alloc : memref<!tpu.dma_semaphore, #tpu.memory_space<semaphore_mem>>
      %dma_start3A_314 = arith.constant 0 : i32
      %dma_start3A_315 = tpu.memref_slice %arg17[%add3A_117, %dma_start3A_314] : memref<10240x128xf32, #tpu.memory_space<vmem_shared>> -> memref<64x128xf32, #tpu.memory_space<vmem_shared>>
      %dma_start3A_316 = arith.constant 0 : i32
      %dma_start3A_317 = tpu.memref_slice %arg17[%add3A_117, %dma_start3A_316] : memref<10240x128xf32, #tpu.memory_space<vmem_shared>> -> memref<64x128xf32, #tpu.memory_space<vmem_shared>>
      tpu.enqueue_dma source(%arg16 : memref<64x128xf32, #tpu.memory_space<vmem>>) target(%dma_start3A_317 : memref<64x128xf32, #tpu.memory_space<vmem_shared>>) target_semaphore(%run_scoped3A : memref<!tpu.dma_semaphore, #tpu.memory_space<semaphore_mem>>)
      %dma_wait3A_318 = arith.constant 0 : i32
      %dma_wait3A_319 = tpu.memref_slice %arg17[%add3A_117, %dma_wait3A_318] : memref<10240x128xf32, #tpu.memory_space<vmem_shared>> -> memref<64x128xf32, #tpu.memory_space<vmem_shared>>
      %dma_wait3A_320 = arith.constant 0 : i32
      %dma_wait3A_321 = tpu.memref_slice %arg17[%add3A_117, %dma_wait3A_320] : memref<10240x128xf32, #tpu.memory_space<vmem_shared>> -> memref<64x128xf32, #tpu.memory_space<vmem_shared>>
      tpu.wait_dma2 semaphore(%run_scoped3A : memref<!tpu.dma_semaphore, #tpu.memory_space<semaphore_mem>>) src(%arg16 : memref<64x128xf32, #tpu.memory_space<vmem>>) dst(%dma_wait3A_321 : memref<64x128xf32, #tpu.memory_space<vmem_shared>>)
      tpu.yield
    }) : () -> ()
    %add3A_118 = arith.constant 448 : i32
    %add3A_119 = arith.addi %mul3A_0, %add3A_118 : i32
    "tpu.region"() ({
      %run_scoped3A = tpu.sem_alloc : memref<!tpu.dma_semaphore, #tpu.memory_space<semaphore_mem>>
      %dma_start3A_314 = arith.constant 0 : i32
      %dma_start3A_315 = tpu.memref_slice %arg17[%add3A_119, %dma_start3A_314] : memref<10240x128xf32, #tpu.memory_space<vmem_shared>> -> memref<64x128xf32, #tpu.memory_space<vmem_shared>>
      %dma_start3A_316 = arith.constant 0 : i32
      %dma_start3A_317 = tpu.memref_slice %arg17[%add3A_119, %dma_start3A_316] : memref<10240x128xf32, #tpu.memory_space<vmem_shared>> -> memref<64x128xf32, #tpu.memory_space<vmem_shared>>
      tpu.enqueue_dma source(%arg16 : memref<64x128xf32, #tpu.memory_space<vmem>>) target(%dma_start3A_317 : memref<64x128xf32, #tpu.memory_space<vmem_shared>>) target_semaphore(%run_scoped3A : memref<!tpu.dma_semaphore, #tpu.memory_space<semaphore_mem>>)
      %dma_wait3A_318 = arith.constant 0 : i32
      %dma_wait3A_319 = tpu.memref_slice %arg17[%add3A_119, %dma_wait3A_318] : memref<10240x128xf32, #tpu.memory_space<vmem_shared>> -> memref<64x128xf32, #tpu.memory_space<vmem_shared>>
      %dma_wait3A_320 = arith.constant 0 : i32
      %dma_wait3A_321 = tpu.memref_slice %arg17[%add3A_119, %dma_wait3A_320] : memref<10240x128xf32, #tpu.memory_space<vmem_shared>> -> memref<64x128xf32, #tpu.memory_space<vmem_shared>>
      tpu.wait_dma2 semaphore(%run_scoped3A : memref<!tpu.dma_semaphore, #tpu.memory_space<semaphore_mem>>) src(%arg16 : memref<64x128xf32, #tpu.memory_space<vmem>>) dst(%dma_wait3A_321 : memref<64x128xf32, #tpu.memory_space<vmem_shared>>)
      tpu.yield
    }) : () -> ()
    %add3A_120 = arith.constant 512 : i32
    %add3A_121 = arith.addi %mul3A_0, %add3A_120 : i32
    "tpu.region"() ({
      %run_scoped3A = tpu.sem_alloc : memref<!tpu.dma_semaphore, #tpu.memory_space<semaphore_mem>>
      %dma_start3A_314 = arith.constant 0 : i32
      %dma_start3A_315 = tpu.memref_slice %arg17[%add3A_121, %dma_start3A_314] : memref<10240x128xf32, #tpu.memory_space<vmem_shared>> -> memref<64x128xf32, #tpu.memory_space<vmem_shared>>
      %dma_start3A_316 = arith.constant 0 : i32
      %dma_start3A_317 = tpu.memref_slice %arg17[%add3A_121, %dma_start3A_316] : memref<10240x128xf32, #tpu.memory_space<vmem_shared>> -> memref<64x128xf32, #tpu.memory_space<vmem_shared>>
      tpu.enqueue_dma source(%arg16 : memref<64x128xf32, #tpu.memory_space<vmem>>) target(%dma_start3A_317 : memref<64x128xf32, #tpu.memory_space<vmem_shared>>) target_semaphore(%run_scoped3A : memref<!tpu.dma_semaphore, #tpu.memory_space<semaphore_mem>>)
      %dma_wait3A_318 = arith.constant 0 : i32
      %dma_wait3A_319 = tpu.memref_slice %arg17[%add3A_121, %dma_wait3A_318] : memref<10240x128xf32, #tpu.memory_space<vmem_shared>> -> memref<64x128xf32, #tpu.memory_space<vmem_shared>>
      %dma_wait3A_320 = arith.constant 0 : i32
      %dma_wait3A_321 = tpu.memref_slice %arg17[%add3A_121, %dma_wait3A_320] : memref<10240x128xf32, #tpu.memory_space<vmem_shared>> -> memref<64x128xf32, #tpu.memory_space<vmem_shared>>
      tpu.wait_dma2 semaphore(%run_scoped3A : memref<!tpu.dma_semaphore, #tpu.memory_space<semaphore_mem>>) src(%arg16 : memref<64x128xf32, #tpu.memory_space<vmem>>) dst(%dma_wait3A_321 : memref<64x128xf32, #tpu.memory_space<vmem_shared>>)
      tpu.yield
    }) : () -> ()
    %add3A_122 = arith.constant 576 : i32
    %add3A_123 = arith.addi %mul3A_0, %add3A_122 : i32
    "tpu.region"() ({
      %run_scoped3A = tpu.sem_alloc : memref<!tpu.dma_semaphore, #tpu.memory_space<semaphore_mem>>
      %dma_start3A_314 = arith.constant 0 : i32
      %dma_start3A_315 = tpu.memref_slice %arg17[%add3A_123, %dma_start3A_314] : memref<10240x128xf32, #tpu.memory_space<vmem_shared>> -> memref<64x128xf32, #tpu.memory_space<vmem_shared>>
      %dma_start3A_316 = arith.constant 0 : i32
      %dma_start3A_317 = tpu.memref_slice %arg17[%add3A_123, %dma_start3A_316] : memref<10240x128xf32, #tpu.memory_space<vmem_shared>> -> memref<64x128xf32, #tpu.memory_space<vmem_shared>>
      tpu.enqueue_dma source(%arg16 : memref<64x128xf32, #tpu.memory_space<vmem>>) target(%dma_start3A_317 : memref<64x128xf32, #tpu.memory_space<vmem_shared>>) target_semaphore(%run_scoped3A : memref<!tpu.dma_semaphore, #tpu.memory_space<semaphore_mem>>)
      %dma_wait3A_318 = arith.constant 0 : i32
      %dma_wait3A_319 = tpu.memref_slice %arg17[%add3A_123, %dma_wait3A_318] : memref<10240x128xf32, #tpu.memory_space<vmem_shared>> -> memref<64x128xf32, #tpu.memory_space<vmem_shared>>
      %dma_wait3A_320 = arith.constant 0 : i32
      %dma_wait3A_321 = tpu.memref_slice %arg17[%add3A_123, %dma_wait3A_320] : memref<10240x128xf32, #tpu.memory_space<vmem_shared>> -> memref<64x128xf32, #tpu.memory_space<vmem_shared>>
      tpu.wait_dma2 semaphore(%run_scoped3A : memref<!tpu.dma_semaphore, #tpu.memory_space<semaphore_mem>>) src(%arg16 : memref<64x128xf32, #tpu.memory_space<vmem>>) dst(%dma_wait3A_321 : memref<64x128xf32, #tpu.memory_space<vmem_shared>>)
      tpu.yield
    }) : () -> ()
    %barrier3A_124 = arith.constant 0 : index
    tpu.barrier barrier_id(%barrier3A_124)
    %mul3A_125 = arith.constant 2 : i32
    %mul3A_126 = arith.muli %arg0, %mul3A_125 : i32
    %add3A_127 = arith.constant 1 : i32
    %add3A_128 = arith.addi %mul3A_126, %add3A_127 : i32
    %mul3A_129 = arith.constant 128 : i32
    %mul3A_130 = arith.muli %add3A_128, %mul3A_129 : i32
    %mul3A_131 = arith.constant 6000 : i32
    %mul3A_132 = arith.muli %arg1, %mul3A_131 : i32
    %add3A_133 = arith.constant 0 : i32
    %add3A_134 = arith.addi %mul3A_132, %add3A_133 : i32
    %dma_start3A_135 = tpu.memref_slice %arg4[%add3A_134] : memref<96000xi32, #tpu.memory_space<hbm>> -> memref<80xi32, #tpu.memory_space<hbm>>
    %dma_start3A_136 = tpu.memref_slice %arg4[%add3A_134] : memref<96000xi32, #tpu.memory_space<hbm>> -> memref<80xi32, #tpu.memory_space<hbm>>
    tpu.enqueue_dma source(%dma_start3A_136 : memref<80xi32, #tpu.memory_space<hbm>>) target(%arg10 : memref<80xi32, #tpu.memory_space<vmem>>) target_semaphore(%arg18 : memref<!tpu.dma_semaphore, #tpu.memory_space<semaphore_mem>>)
    %dma_start3A_137 = arith.constant 0 : i32
    %dma_start3A_138 = arith.constant 0 : i32
    %dma_start3A_139 = tpu.memref_slice %arg14[%dma_start3A_137, %dma_start3A_138] : memref<80x128xf32, #tpu.memory_space<vmem>> -> memref<80x128xf32, #tpu.memory_space<vmem>>
    %dma_start3A_140 = tpu.memref_slice %arg2[%add3A_134, %mul3A_130] : memref<96000x512xf32, #tpu.memory_space<hbm>> -> memref<80x128xf32, #tpu.memory_space<hbm>>
    %dma_start3A_141 = arith.constant 0 : i32
    %dma_start3A_142 = arith.constant 0 : i32
    %dma_start3A_143 = tpu.memref_slice %arg14[%dma_start3A_141, %dma_start3A_142] : memref<80x128xf32, #tpu.memory_space<vmem>> -> memref<80x128xf32, #tpu.memory_space<vmem>>
    %dma_start3A_144 = tpu.memref_slice %arg2[%add3A_134, %mul3A_130] : memref<96000x512xf32, #tpu.memory_space<hbm>> -> memref<80x128xf32, #tpu.memory_space<hbm>>
    tpu.enqueue_dma source(%dma_start3A_144 : memref<80x128xf32, #tpu.memory_space<hbm>>) target(%dma_start3A_143 : memref<80x128xf32, #tpu.memory_space<vmem>>) target_semaphore(%arg18 : memref<!tpu.dma_semaphore, #tpu.memory_space<semaphore_mem>>)
    %scan3A_145 = arith.constant 0 : i32
    %scan3A_146 = arith.constant 0 : i32
    %scan3A_147 = arith.constant 37 : i32
    %scan3A_148 = arith.addi %scan3A_146, %scan3A_147 : i32
    %scan3A_149 = arith.constant 1 : i32
    scf.for %scan3A_314 = %scan3A_146 to %scan3A_148 step %scan3A_149  : i32 {
      %mul3A_315 = arith.constant 2 : i32
      %mul3A_316 = arith.muli %mul3A_315, %scan3A_314 : i32
      %add3A_317 = arith.constant 0 : i32
      %add3A_318 = arith.addi %mul3A_316, %add3A_317 : i32
      %dma_wait3A_319 = tpu.memref_slice %arg4[%mul3A_132] : memref<96000xi32, #tpu.memory_space<hbm>> -> memref<80xi32, #tpu.memory_space<hbm>>
      %dma_wait3A_320 = tpu.memref_slice %arg4[%mul3A_132] : memref<96000xi32, #tpu.memory_space<hbm>> -> memref<80xi32, #tpu.memory_space<hbm>>
      tpu.wait_dma2 semaphore(%arg18 : memref<!tpu.dma_semaphore, #tpu.memory_space<semaphore_mem>>) src(%dma_wait3A_320 : memref<80xi32, #tpu.memory_space<hbm>>) dst(%arg10 : memref<80xi32, #tpu.memory_space<vmem>>)
      %dma_wait3A_321 = arith.constant 0 : i32
      %dma_wait3A_322 = arith.constant 0 : i32
      %dma_wait3A_323 = tpu.memref_slice %arg14[%dma_wait3A_321, %dma_wait3A_322] : memref<80x128xf32, #tpu.memory_space<vmem>> -> memref<80x128xf32, #tpu.memory_space<vmem>>
      %dma_wait3A_324 = tpu.memref_slice %arg2[%mul3A_132, %mul3A_130] : memref<96000x512xf32, #tpu.memory_space<hbm>> -> memref<80x128xf32, #tpu.memory_space<hbm>>
      %dma_wait3A_325 = arith.constant 0 : i32
      %dma_wait3A_326 = arith.constant 0 : i32
      %dma_wait3A_327 = tpu.memref_slice %arg14[%dma_wait3A_325, %dma_wait3A_326] : memref<80x128xf32, #tpu.memory_space<vmem>> -> memref<80x128xf32, #tpu.memory_space<vmem>>
      %dma_wait3A_328 = tpu.memref_slice %arg2[%mul3A_132, %mul3A_130] : memref<96000x512xf32, #tpu.memory_space<hbm>> -> memref<80x128xf32, #tpu.memory_space<hbm>>
      tpu.wait_dma2 semaphore(%arg18 : memref<!tpu.dma_semaphore, #tpu.memory_space<semaphore_mem>>) src(%dma_wait3A_328 : memref<80x128xf32, #tpu.memory_space<hbm>>) dst(%dma_wait3A_327 : memref<80x128xf32, #tpu.memory_space<vmem>>)
      %dma_start3A_329 = arith.constant 0 : i32
      %dma_start3A_330 = arith.constant 0 : i32
      %dma_start3A_331 = tpu.memref_slice %arg14[%dma_start3A_329, %dma_start3A_330] : memref<80x128xf32, #tpu.memory_space<vmem>> -> memref<80x128xf32, #tpu.memory_space<vmem>>
      %dma_start3A_332 = arith.constant 0 : i32
      %dma_start3A_333 = arith.constant 0 : i32
      %dma_start3A_334 = tpu.memref_slice %arg17[%dma_start3A_332, %dma_start3A_333] : memref<10240x128xf32, #tpu.memory_space<vmem_shared>> -> memref<10240x128xf32, #tpu.memory_space<vmem_shared>>
      tpu.enqueue_indirect_dma source(%dma_start3A_331 : memref<80x128xf32, #tpu.memory_space<vmem>>) target(%dma_start3A_334 : memref<10240x128xf32, #tpu.memory_space<vmem_shared>>) offsets(%arg10 : memref<80xi32, #tpu.memory_space<vmem>>) semaphore(%arg20 : memref<!tpu.dma_semaphore, #tpu.memory_space<semaphore_mem>>) {add = true}
      %gt3A = arith.constant 0 : i32
      %gt3A_335 = arith.cmpi sgt, %add3A_318, %gt3A : i32
      %convert_element_type3A = arith.extui %gt3A_335 : i1 to i32
      %cond3A = arith.constant 0 : i32
      %cond3A_336 = arith.cmpi ne, %convert_element_type3A, %cond3A : i32
      scf.if %cond3A_336 {
        %dma_wait3A_375 = arith.constant 0 : i32
        %dma_wait3A_376 = arith.constant 0 : i32
        %dma_wait3A_377 = tpu.memref_slice %arg15[%dma_wait3A_375, %dma_wait3A_376] : memref<80x128xf32, #tpu.memory_space<vmem>> -> memref<80x128xf32, #tpu.memory_space<vmem>>
        %dma_wait3A_378 = arith.constant 0 : i32
        %dma_wait3A_379 = arith.constant 0 : i32
        %dma_wait3A_380 = tpu.memref_slice %arg17[%dma_wait3A_378, %dma_wait3A_379] : memref<10240x128xf32, #tpu.memory_space<vmem_shared>> -> memref<10240x128xf32, #tpu.memory_space<vmem_shared>>
        tpu.wait_indirect_dma semaphore(%arg21 : memref<!tpu.dma_semaphore, #tpu.memory_space<semaphore_mem>>) src(%dma_wait3A_377 : memref<80x128xf32, #tpu.memory_space<vmem>>) dst(%dma_wait3A_380 : memref<10240x128xf32, #tpu.memory_space<vmem_shared>>)
      } else {
      }
      %add3A_337 = arith.constant 1 : i32
      %add3A_338 = arith.addi %add3A_318, %add3A_337 : i32
      %lt3A = arith.constant 75 : i32
      %lt3A_339 = arith.cmpi slt, %add3A_338, %lt3A : i32
      %convert_element_type3A_340 = arith.extui %lt3A_339 : i1 to i32
      %cond3A_341 = arith.constant 0 : i32
      %cond3A_342 = arith.cmpi ne, %convert_element_type3A_340, %cond3A_341 : i32
      scf.if %cond3A_342 {
        %add3A_375 = arith.constant 1 : i32
        %add3A_376 = arith.addi %add3A_318, %add3A_375 : i32
        %mul3A_377 = arith.constant 80 : i32
        %mul3A_378 = arith.muli %add3A_376, %mul3A_377 : i32
        %add3A_379 = arith.addi %mul3A_132, %mul3A_378 : i32
        %dma_start3A_380 = tpu.memref_slice %arg4[%add3A_379] : memref<96000xi32, #tpu.memory_space<hbm>> -> memref<80xi32, #tpu.memory_space<hbm>>
        %dma_start3A_381 = tpu.memref_slice %arg4[%add3A_379] : memref<96000xi32, #tpu.memory_space<hbm>> -> memref<80xi32, #tpu.memory_space<hbm>>
        tpu.enqueue_dma source(%dma_start3A_381 : memref<80xi32, #tpu.memory_space<hbm>>) target(%arg12 : memref<80xi32, #tpu.memory_space<vmem>>) target_semaphore(%arg19 : memref<!tpu.dma_semaphore, #tpu.memory_space<semaphore_mem>>)
        %dma_start3A_382 = arith.constant 0 : i32
        %dma_start3A_383 = arith.constant 0 : i32
        %dma_start3A_384 = tpu.memref_slice %arg15[%dma_start3A_382, %dma_start3A_383] : memref<80x128xf32, #tpu.memory_space<vmem>> -> memref<80x128xf32, #tpu.memory_space<vmem>>
        %dma_start3A_385 = tpu.memref_slice %arg2[%add3A_379, %mul3A_130] : memref<96000x512xf32, #tpu.memory_space<hbm>> -> memref<80x128xf32, #tpu.memory_space<hbm>>
        %dma_start3A_386 = arith.constant 0 : i32
        %dma_start3A_387 = arith.constant 0 : i32
        %dma_start3A_388 = tpu.memref_slice %arg15[%dma_start3A_386, %dma_start3A_387] : memref<80x128xf32, #tpu.memory_space<vmem>> -> memref<80x128xf32, #tpu.memory_space<vmem>>
        %dma_start3A_389 = tpu.memref_slice %arg2[%add3A_379, %mul3A_130] : memref<96000x512xf32, #tpu.memory_space<hbm>> -> memref<80x128xf32, #tpu.memory_space<hbm>>
        tpu.enqueue_dma source(%dma_start3A_389 : memref<80x128xf32, #tpu.memory_space<hbm>>) target(%dma_start3A_388 : memref<80x128xf32, #tpu.memory_space<vmem>>) target_semaphore(%arg19 : memref<!tpu.dma_semaphore, #tpu.memory_space<semaphore_mem>>)
      } else {
      }
      %mul3A_343 = arith.constant 2 : i32
      %mul3A_344 = arith.muli %mul3A_343, %scan3A_314 : i32
      %add3A_345 = arith.constant 1 : i32
      %add3A_346 = arith.addi %mul3A_344, %add3A_345 : i32
      %dma_wait3A_347 = tpu.memref_slice %arg4[%mul3A_132] : memref<96000xi32, #tpu.memory_space<hbm>> -> memref<80xi32, #tpu.memory_space<hbm>>
      %dma_wait3A_348 = tpu.memref_slice %arg4[%mul3A_132] : memref<96000xi32, #tpu.memory_space<hbm>> -> memref<80xi32, #tpu.memory_space<hbm>>
      tpu.wait_dma2 semaphore(%arg19 : memref<!tpu.dma_semaphore, #tpu.memory_space<semaphore_mem>>) src(%dma_wait3A_348 : memref<80xi32, #tpu.memory_space<hbm>>) dst(%arg12 : memref<80xi32, #tpu.memory_space<vmem>>)
      %dma_wait3A_349 = arith.constant 0 : i32
      %dma_wait3A_350 = arith.constant 0 : i32
      %dma_wait3A_351 = tpu.memref_slice %arg15[%dma_wait3A_349, %dma_wait3A_350] : memref<80x128xf32, #tpu.memory_space<vmem>> -> memref<80x128xf32, #tpu.memory_space<vmem>>
      %dma_wait3A_352 = tpu.memref_slice %arg2[%mul3A_132, %mul3A_130] : memref<96000x512xf32, #tpu.memory_space<hbm>> -> memref<80x128xf32, #tpu.memory_space<hbm>>
      %dma_wait3A_353 = arith.constant 0 : i32
      %dma_wait3A_354 = arith.constant 0 : i32
      %dma_wait3A_355 = tpu.memref_slice %arg15[%dma_wait3A_353, %dma_wait3A_354] : memref<80x128xf32, #tpu.memory_space<vmem>> -> memref<80x128xf32, #tpu.memory_space<vmem>>
      %dma_wait3A_356 = tpu.memref_slice %arg2[%mul3A_132, %mul3A_130] : memref<96000x512xf32, #tpu.memory_space<hbm>> -> memref<80x128xf32, #tpu.memory_space<hbm>>
      tpu.wait_dma2 semaphore(%arg19 : memref<!tpu.dma_semaphore, #tpu.memory_space<semaphore_mem>>) src(%dma_wait3A_356 : memref<80x128xf32, #tpu.memory_space<hbm>>) dst(%dma_wait3A_355 : memref<80x128xf32, #tpu.memory_space<vmem>>)
      %dma_start3A_357 = arith.constant 0 : i32
      %dma_start3A_358 = arith.constant 0 : i32
      %dma_start3A_359 = tpu.memref_slice %arg15[%dma_start3A_357, %dma_start3A_358] : memref<80x128xf32, #tpu.memory_space<vmem>> -> memref<80x128xf32, #tpu.memory_space<vmem>>
      %dma_start3A_360 = arith.constant 0 : i32
      %dma_start3A_361 = arith.constant 0 : i32
      %dma_start3A_362 = tpu.memref_slice %arg17[%dma_start3A_360, %dma_start3A_361] : memref<10240x128xf32, #tpu.memory_space<vmem_shared>> -> memref<10240x128xf32, #tpu.memory_space<vmem_shared>>
      tpu.enqueue_indirect_dma source(%dma_start3A_359 : memref<80x128xf32, #tpu.memory_space<vmem>>) target(%dma_start3A_362 : memref<10240x128xf32, #tpu.memory_space<vmem_shared>>) offsets(%arg12 : memref<80xi32, #tpu.memory_space<vmem>>) semaphore(%arg21 : memref<!tpu.dma_semaphore, #tpu.memory_space<semaphore_mem>>) {add = true}
      %gt3A_363 = arith.constant 0 : i32
      %gt3A_364 = arith.cmpi sgt, %add3A_346, %gt3A_363 : i32
      %convert_element_type3A_365 = arith.extui %gt3A_364 : i1 to i32
      %cond3A_366 = arith.constant 0 : i32
      %cond3A_367 = arith.cmpi ne, %convert_element_type3A_365, %cond3A_366 : i32
      scf.if %cond3A_367 {
        %dma_wait3A_375 = arith.constant 0 : i32
        %dma_wait3A_376 = arith.constant 0 : i32
        %dma_wait3A_377 = tpu.memref_slice %arg14[%dma_wait3A_375, %dma_wait3A_376] : memref<80x128xf32, #tpu.memory_space<vmem>> -> memref<80x128xf32, #tpu.memory_space<vmem>>
        %dma_wait3A_378 = arith.constant 0 : i32
        %dma_wait3A_379 = arith.constant 0 : i32
        %dma_wait3A_380 = tpu.memref_slice %arg17[%dma_wait3A_378, %dma_wait3A_379] : memref<10240x128xf32, #tpu.memory_space<vmem_shared>> -> memref<10240x128xf32, #tpu.memory_space<vmem_shared>>
        tpu.wait_indirect_dma semaphore(%arg20 : memref<!tpu.dma_semaphore, #tpu.memory_space<semaphore_mem>>) src(%dma_wait3A_377 : memref<80x128xf32, #tpu.memory_space<vmem>>) dst(%dma_wait3A_380 : memref<10240x128xf32, #tpu.memory_space<vmem_shared>>)
      } else {
      }
      %add3A_368 = arith.constant 1 : i32
      %add3A_369 = arith.addi %add3A_346, %add3A_368 : i32
      %lt3A_370 = arith.constant 75 : i32
      %lt3A_371 = arith.cmpi slt, %add3A_369, %lt3A_370 : i32
      %convert_element_type3A_372 = arith.extui %lt3A_371 : i1 to i32
      %cond3A_373 = arith.constant 0 : i32
      %cond3A_374 = arith.cmpi ne, %convert_element_type3A_372, %cond3A_373 : i32
      scf.if %cond3A_374 {
        %add3A_375 = arith.constant 1 : i32
        %add3A_376 = arith.addi %add3A_346, %add3A_375 : i32
        %mul3A_377 = arith.constant 80 : i32
        %mul3A_378 = arith.muli %add3A_376, %mul3A_377 : i32
        %add3A_379 = arith.addi %mul3A_132, %mul3A_378 : i32
        %dma_start3A_380 = tpu.memref_slice %arg4[%add3A_379] : memref<96000xi32, #tpu.memory_space<hbm>> -> memref<80xi32, #tpu.memory_space<hbm>>
        %dma_start3A_381 = tpu.memref_slice %arg4[%add3A_379] : memref<96000xi32, #tpu.memory_space<hbm>> -> memref<80xi32, #tpu.memory_space<hbm>>
        tpu.enqueue_dma source(%dma_start3A_381 : memref<80xi32, #tpu.memory_space<hbm>>) target(%arg10 : memref<80xi32, #tpu.memory_space<vmem>>) target_semaphore(%arg18 : memref<!tpu.dma_semaphore, #tpu.memory_space<semaphore_mem>>)
        %dma_start3A_382 = arith.constant 0 : i32
        %dma_start3A_383 = arith.constant 0 : i32
        %dma_start3A_384 = tpu.memref_slice %arg14[%dma_start3A_382, %dma_start3A_383] : memref<80x128xf32, #tpu.memory_space<vmem>> -> memref<80x128xf32, #tpu.memory_space<vmem>>
        %dma_start3A_385 = tpu.memref_slice %arg2[%add3A_379, %mul3A_130] : memref<96000x512xf32, #tpu.memory_space<hbm>> -> memref<80x128xf32, #tpu.memory_space<hbm>>
        %dma_start3A_386 = arith.constant 0 : i32
        %dma_start3A_387 = arith.constant 0 : i32
        %dma_start3A_388 = tpu.memref_slice %arg14[%dma_start3A_386, %dma_start3A_387] : memref<80x128xf32, #tpu.memory_space<vmem>> -> memref<80x128xf32, #tpu.memory_space<vmem>>
        %dma_start3A_389 = tpu.memref_slice %arg2[%add3A_379, %mul3A_130] : memref<96000x512xf32, #tpu.memory_space<hbm>> -> memref<80x128xf32, #tpu.memory_space<hbm>>
        tpu.enqueue_dma source(%dma_start3A_389 : memref<80x128xf32, #tpu.memory_space<hbm>>) target(%dma_start3A_388 : memref<80x128xf32, #tpu.memory_space<vmem>>) target_semaphore(%arg18 : memref<!tpu.dma_semaphore, #tpu.memory_space<semaphore_mem>>)
      } else {
      }
    }
    %scan3A_150 = arith.constant 37 : i32
    %dma_wait3A_151 = tpu.memref_slice %arg4[%mul3A_132] : memref<96000xi32, #tpu.memory_space<hbm>> -> memref<80xi32, #tpu.memory_space<hbm>>
    %dma_wait3A_152 = tpu.memref_slice %arg4[%mul3A_132] : memref<96000xi32, #tpu.memory_space<hbm>> -> memref<80xi32, #tpu.memory_space<hbm>>
    tpu.wait_dma2 semaphore(%arg18 : memref<!tpu.dma_semaphore, #tpu.memory_space<semaphore_mem>>) src(%dma_wait3A_152 : memref<80xi32, #tpu.memory_space<hbm>>) dst(%arg10 : memref<80xi32, #tpu.memory_space<vmem>>)
    %dma_wait3A_153 = arith.constant 0 : i32
    %dma_wait3A_154 = arith.constant 0 : i32
    %dma_wait3A_155 = tpu.memref_slice %arg14[%dma_wait3A_153, %dma_wait3A_154] : memref<80x128xf32, #tpu.memory_space<vmem>> -> memref<80x128xf32, #tpu.memory_space<vmem>>
    %dma_wait3A_156 = tpu.memref_slice %arg2[%mul3A_132, %mul3A_130] : memref<96000x512xf32, #tpu.memory_space<hbm>> -> memref<80x128xf32, #tpu.memory_space<hbm>>
    %dma_wait3A_157 = arith.constant 0 : i32
    %dma_wait3A_158 = arith.constant 0 : i32
    %dma_wait3A_159 = tpu.memref_slice %arg14[%dma_wait3A_157, %dma_wait3A_158] : memref<80x128xf32, #tpu.memory_space<vmem>> -> memref<80x128xf32, #tpu.memory_space<vmem>>
    %dma_wait3A_160 = tpu.memref_slice %arg2[%mul3A_132, %mul3A_130] : memref<96000x512xf32, #tpu.memory_space<hbm>> -> memref<80x128xf32, #tpu.memory_space<hbm>>
    tpu.wait_dma2 semaphore(%arg18 : memref<!tpu.dma_semaphore, #tpu.memory_space<semaphore_mem>>) src(%dma_wait3A_160 : memref<80x128xf32, #tpu.memory_space<hbm>>) dst(%dma_wait3A_159 : memref<80x128xf32, #tpu.memory_space<vmem>>)
    %dma_start3A_161 = arith.constant 0 : i32
    %dma_start3A_162 = arith.constant 0 : i32
    %dma_start3A_163 = tpu.memref_slice %arg14[%dma_start3A_161, %dma_start3A_162] : memref<80x128xf32, #tpu.memory_space<vmem>> -> memref<80x128xf32, #tpu.memory_space<vmem>>
    %dma_start3A_164 = arith.constant 0 : i32
    %dma_start3A_165 = arith.constant 0 : i32
    %dma_start3A_166 = tpu.memref_slice %arg17[%dma_start3A_164, %dma_start3A_165] : memref<10240x128xf32, #tpu.memory_space<vmem_shared>> -> memref<10240x128xf32, #tpu.memory_space<vmem_shared>>
    tpu.enqueue_indirect_dma source(%dma_start3A_163 : memref<80x128xf32, #tpu.memory_space<vmem>>) target(%dma_start3A_166 : memref<10240x128xf32, #tpu.memory_space<vmem_shared>>) offsets(%arg10 : memref<80xi32, #tpu.memory_space<vmem>>) semaphore(%arg20 : memref<!tpu.dma_semaphore, #tpu.memory_space<semaphore_mem>>) {add = true}
    %dma_wait3A_167 = arith.constant 0 : i32
    %dma_wait3A_168 = arith.constant 0 : i32
    %dma_wait3A_169 = tpu.memref_slice %arg15[%dma_wait3A_167, %dma_wait3A_168] : memref<80x128xf32, #tpu.memory_space<vmem>> -> memref<80x128xf32, #tpu.memory_space<vmem>>
    %dma_wait3A_170 = arith.constant 0 : i32
    %dma_wait3A_171 = arith.constant 0 : i32
    %dma_wait3A_172 = tpu.memref_slice %arg17[%dma_wait3A_170, %dma_wait3A_171] : memref<10240x128xf32, #tpu.memory_space<vmem_shared>> -> memref<10240x128xf32, #tpu.memory_space<vmem_shared>>
    tpu.wait_indirect_dma semaphore(%arg21 : memref<!tpu.dma_semaphore, #tpu.memory_space<semaphore_mem>>) src(%dma_wait3A_169 : memref<80x128xf32, #tpu.memory_space<vmem>>) dst(%dma_wait3A_172 : memref<10240x128xf32, #tpu.memory_space<vmem_shared>>)
    %dma_wait3A_173 = arith.constant 0 : i32
    %dma_wait3A_174 = arith.constant 0 : i32
    %dma_wait3A_175 = tpu.memref_slice %arg14[%dma_wait3A_173, %dma_wait3A_174] : memref<80x128xf32, #tpu.memory_space<vmem>> -> memref<80x128xf32, #tpu.memory_space<vmem>>
    %dma_wait3A_176 = arith.constant 0 : i32
    %dma_wait3A_177 = arith.constant 0 : i32
    %dma_wait3A_178 = tpu.memref_slice %arg17[%dma_wait3A_176, %dma_wait3A_177] : memref<10240x128xf32, #tpu.memory_space<vmem_shared>> -> memref<10240x128xf32, #tpu.memory_space<vmem_shared>>
    tpu.wait_indirect_dma semaphore(%arg20 : memref<!tpu.dma_semaphore, #tpu.memory_space<semaphore_mem>>) src(%dma_wait3A_175 : memref<80x128xf32, #tpu.memory_space<vmem>>) dst(%dma_wait3A_178 : memref<10240x128xf32, #tpu.memory_space<vmem_shared>>)
    %mul3A_179 = arith.constant 4000 : i32
    %mul3A_180 = arith.muli %arg1, %mul3A_179 : i32
    %add3A_181 = arith.constant 0 : i32
    %add3A_182 = arith.addi %mul3A_180, %add3A_181 : i32
    %dma_start3A_183 = tpu.memref_slice %arg7[%add3A_182] : memref<64000xi32, #tpu.memory_space<hbm>> -> memref<80xi32, #tpu.memory_space<hbm>>
    %dma_start3A_184 = tpu.memref_slice %arg7[%add3A_182] : memref<64000xi32, #tpu.memory_space<hbm>> -> memref<80xi32, #tpu.memory_space<hbm>>
    tpu.enqueue_dma source(%dma_start3A_184 : memref<80xi32, #tpu.memory_space<hbm>>) target(%arg10 : memref<80xi32, #tpu.memory_space<vmem>>) target_semaphore(%arg18 : memref<!tpu.dma_semaphore, #tpu.memory_space<semaphore_mem>>)
    %dma_start3A_185 = arith.constant 0 : i32
    %dma_start3A_186 = arith.constant 0 : i32
    %dma_start3A_187 = tpu.memref_slice %arg14[%dma_start3A_185, %dma_start3A_186] : memref<80x128xf32, #tpu.memory_space<vmem>> -> memref<80x128xf32, #tpu.memory_space<vmem>>
    %dma_start3A_188 = tpu.memref_slice %arg5[%add3A_182, %mul3A_130] : memref<64000x512xf32, #tpu.memory_space<hbm>> -> memref<80x128xf32, #tpu.memory_space<hbm>>
    %dma_start3A_189 = arith.constant 0 : i32
    %dma_start3A_190 = arith.constant 0 : i32
    %dma_start3A_191 = tpu.memref_slice %arg14[%dma_start3A_189, %dma_start3A_190] : memref<80x128xf32, #tpu.memory_space<vmem>> -> memref<80x128xf32, #tpu.memory_space<vmem>>
    %dma_start3A_192 = tpu.memref_slice %arg5[%add3A_182, %mul3A_130] : memref<64000x512xf32, #tpu.memory_space<hbm>> -> memref<80x128xf32, #tpu.memory_space<hbm>>
    tpu.enqueue_dma source(%dma_start3A_192 : memref<80x128xf32, #tpu.memory_space<hbm>>) target(%dma_start3A_191 : memref<80x128xf32, #tpu.memory_space<vmem>>) target_semaphore(%arg18 : memref<!tpu.dma_semaphore, #tpu.memory_space<semaphore_mem>>)
    %scan3A_193 = arith.constant 0 : i32
    %scan3A_194 = arith.constant 0 : i32
    %scan3A_195 = arith.constant 25 : i32
    %scan3A_196 = arith.addi %scan3A_194, %scan3A_195 : i32
    %scan3A_197 = arith.constant 1 : i32
    scf.for %scan3A_314 = %scan3A_194 to %scan3A_196 step %scan3A_197  : i32 {
      %mul3A_315 = arith.constant 2 : i32
      %mul3A_316 = arith.muli %mul3A_315, %scan3A_314 : i32
      %add3A_317 = arith.constant 0 : i32
      %add3A_318 = arith.addi %mul3A_316, %add3A_317 : i32
      %dma_wait3A_319 = tpu.memref_slice %arg7[%mul3A_180] : memref<64000xi32, #tpu.memory_space<hbm>> -> memref<80xi32, #tpu.memory_space<hbm>>
      %dma_wait3A_320 = tpu.memref_slice %arg7[%mul3A_180] : memref<64000xi32, #tpu.memory_space<hbm>> -> memref<80xi32, #tpu.memory_space<hbm>>
      tpu.wait_dma2 semaphore(%arg18 : memref<!tpu.dma_semaphore, #tpu.memory_space<semaphore_mem>>) src(%dma_wait3A_320 : memref<80xi32, #tpu.memory_space<hbm>>) dst(%arg10 : memref<80xi32, #tpu.memory_space<vmem>>)
      %dma_wait3A_321 = arith.constant 0 : i32
      %dma_wait3A_322 = arith.constant 0 : i32
      %dma_wait3A_323 = tpu.memref_slice %arg14[%dma_wait3A_321, %dma_wait3A_322] : memref<80x128xf32, #tpu.memory_space<vmem>> -> memref<80x128xf32, #tpu.memory_space<vmem>>
      %dma_wait3A_324 = tpu.memref_slice %arg5[%mul3A_180, %mul3A_130] : memref<64000x512xf32, #tpu.memory_space<hbm>> -> memref<80x128xf32, #tpu.memory_space<hbm>>
      %dma_wait3A_325 = arith.constant 0 : i32
      %dma_wait3A_326 = arith.constant 0 : i32
      %dma_wait3A_327 = tpu.memref_slice %arg14[%dma_wait3A_325, %dma_wait3A_326] : memref<80x128xf32, #tpu.memory_space<vmem>> -> memref<80x128xf32, #tpu.memory_space<vmem>>
      %dma_wait3A_328 = tpu.memref_slice %arg5[%mul3A_180, %mul3A_130] : memref<64000x512xf32, #tpu.memory_space<hbm>> -> memref<80x128xf32, #tpu.memory_space<hbm>>
      tpu.wait_dma2 semaphore(%arg18 : memref<!tpu.dma_semaphore, #tpu.memory_space<semaphore_mem>>) src(%dma_wait3A_328 : memref<80x128xf32, #tpu.memory_space<hbm>>) dst(%dma_wait3A_327 : memref<80x128xf32, #tpu.memory_space<vmem>>)
      %dma_start3A_329 = arith.constant 0 : i32
      %dma_start3A_330 = arith.constant 0 : i32
      %dma_start3A_331 = tpu.memref_slice %arg14[%dma_start3A_329, %dma_start3A_330] : memref<80x128xf32, #tpu.memory_space<vmem>> -> memref<80x128xf32, #tpu.memory_space<vmem>>
      %dma_start3A_332 = arith.constant 0 : i32
      %dma_start3A_333 = arith.constant 0 : i32
      %dma_start3A_334 = tpu.memref_slice %arg17[%dma_start3A_332, %dma_start3A_333] : memref<10240x128xf32, #tpu.memory_space<vmem_shared>> -> memref<10240x128xf32, #tpu.memory_space<vmem_shared>>
      tpu.enqueue_indirect_dma source(%dma_start3A_331 : memref<80x128xf32, #tpu.memory_space<vmem>>) target(%dma_start3A_334 : memref<10240x128xf32, #tpu.memory_space<vmem_shared>>) offsets(%arg10 : memref<80xi32, #tpu.memory_space<vmem>>) semaphore(%arg20 : memref<!tpu.dma_semaphore, #tpu.memory_space<semaphore_mem>>) {add = true}
      %gt3A = arith.constant 0 : i32
      %gt3A_335 = arith.cmpi sgt, %add3A_318, %gt3A : i32
      %convert_element_type3A = arith.extui %gt3A_335 : i1 to i32
      %cond3A = arith.constant 0 : i32
      %cond3A_336 = arith.cmpi ne, %convert_element_type3A, %cond3A : i32
      scf.if %cond3A_336 {
        %dma_wait3A_375 = arith.constant 0 : i32
        %dma_wait3A_376 = arith.constant 0 : i32
        %dma_wait3A_377 = tpu.memref_slice %arg15[%dma_wait3A_375, %dma_wait3A_376] : memref<80x128xf32, #tpu.memory_space<vmem>> -> memref<80x128xf32, #tpu.memory_space<vmem>>
        %dma_wait3A_378 = arith.constant 0 : i32
        %dma_wait3A_379 = arith.constant 0 : i32
        %dma_wait3A_380 = tpu.memref_slice %arg17[%dma_wait3A_378, %dma_wait3A_379] : memref<10240x128xf32, #tpu.memory_space<vmem_shared>> -> memref<10240x128xf32, #tpu.memory_space<vmem_shared>>
        tpu.wait_indirect_dma semaphore(%arg21 : memref<!tpu.dma_semaphore, #tpu.memory_space<semaphore_mem>>) src(%dma_wait3A_377 : memref<80x128xf32, #tpu.memory_space<vmem>>) dst(%dma_wait3A_380 : memref<10240x128xf32, #tpu.memory_space<vmem_shared>>)
      } else {
      }
      %add3A_337 = arith.constant 1 : i32
      %add3A_338 = arith.addi %add3A_318, %add3A_337 : i32
      %lt3A = arith.constant 50 : i32
      %lt3A_339 = arith.cmpi slt, %add3A_338, %lt3A : i32
      %convert_element_type3A_340 = arith.extui %lt3A_339 : i1 to i32
      %cond3A_341 = arith.constant 0 : i32
      %cond3A_342 = arith.cmpi ne, %convert_element_type3A_340, %cond3A_341 : i32
      scf.if %cond3A_342 {
        %add3A_375 = arith.constant 1 : i32
        %add3A_376 = arith.addi %add3A_318, %add3A_375 : i32
        %mul3A_377 = arith.constant 80 : i32
        %mul3A_378 = arith.muli %add3A_376, %mul3A_377 : i32
        %add3A_379 = arith.addi %mul3A_180, %mul3A_378 : i32
        %dma_start3A_380 = tpu.memref_slice %arg7[%add3A_379] : memref<64000xi32, #tpu.memory_space<hbm>> -> memref<80xi32, #tpu.memory_space<hbm>>
        %dma_start3A_381 = tpu.memref_slice %arg7[%add3A_379] : memref<64000xi32, #tpu.memory_space<hbm>> -> memref<80xi32, #tpu.memory_space<hbm>>
        tpu.enqueue_dma source(%dma_start3A_381 : memref<80xi32, #tpu.memory_space<hbm>>) target(%arg12 : memref<80xi32, #tpu.memory_space<vmem>>) target_semaphore(%arg19 : memref<!tpu.dma_semaphore, #tpu.memory_space<semaphore_mem>>)
        %dma_start3A_382 = arith.constant 0 : i32
        %dma_start3A_383 = arith.constant 0 : i32
        %dma_start3A_384 = tpu.memref_slice %arg15[%dma_start3A_382, %dma_start3A_383] : memref<80x128xf32, #tpu.memory_space<vmem>> -> memref<80x128xf32, #tpu.memory_space<vmem>>
        %dma_start3A_385 = tpu.memref_slice %arg5[%add3A_379, %mul3A_130] : memref<64000x512xf32, #tpu.memory_space<hbm>> -> memref<80x128xf32, #tpu.memory_space<hbm>>
        %dma_start3A_386 = arith.constant 0 : i32
        %dma_start3A_387 = arith.constant 0 : i32
        %dma_start3A_388 = tpu.memref_slice %arg15[%dma_start3A_386, %dma_start3A_387] : memref<80x128xf32, #tpu.memory_space<vmem>> -> memref<80x128xf32, #tpu.memory_space<vmem>>
        %dma_start3A_389 = tpu.memref_slice %arg5[%add3A_379, %mul3A_130] : memref<64000x512xf32, #tpu.memory_space<hbm>> -> memref<80x128xf32, #tpu.memory_space<hbm>>
        tpu.enqueue_dma source(%dma_start3A_389 : memref<80x128xf32, #tpu.memory_space<hbm>>) target(%dma_start3A_388 : memref<80x128xf32, #tpu.memory_space<vmem>>) target_semaphore(%arg19 : memref<!tpu.dma_semaphore, #tpu.memory_space<semaphore_mem>>)
      } else {
      }
      %mul3A_343 = arith.constant 2 : i32
      %mul3A_344 = arith.muli %mul3A_343, %scan3A_314 : i32
      %add3A_345 = arith.constant 1 : i32
      %add3A_346 = arith.addi %mul3A_344, %add3A_345 : i32
      %dma_wait3A_347 = tpu.memref_slice %arg7[%mul3A_180] : memref<64000xi32, #tpu.memory_space<hbm>> -> memref<80xi32, #tpu.memory_space<hbm>>
      %dma_wait3A_348 = tpu.memref_slice %arg7[%mul3A_180] : memref<64000xi32, #tpu.memory_space<hbm>> -> memref<80xi32, #tpu.memory_space<hbm>>
      tpu.wait_dma2 semaphore(%arg19 : memref<!tpu.dma_semaphore, #tpu.memory_space<semaphore_mem>>) src(%dma_wait3A_348 : memref<80xi32, #tpu.memory_space<hbm>>) dst(%arg12 : memref<80xi32, #tpu.memory_space<vmem>>)
      %dma_wait3A_349 = arith.constant 0 : i32
      %dma_wait3A_350 = arith.constant 0 : i32
      %dma_wait3A_351 = tpu.memref_slice %arg15[%dma_wait3A_349, %dma_wait3A_350] : memref<80x128xf32, #tpu.memory_space<vmem>> -> memref<80x128xf32, #tpu.memory_space<vmem>>
      %dma_wait3A_352 = tpu.memref_slice %arg5[%mul3A_180, %mul3A_130] : memref<64000x512xf32, #tpu.memory_space<hbm>> -> memref<80x128xf32, #tpu.memory_space<hbm>>
      %dma_wait3A_353 = arith.constant 0 : i32
      %dma_wait3A_354 = arith.constant 0 : i32
      %dma_wait3A_355 = tpu.memref_slice %arg15[%dma_wait3A_353, %dma_wait3A_354] : memref<80x128xf32, #tpu.memory_space<vmem>> -> memref<80x128xf32, #tpu.memory_space<vmem>>
      %dma_wait3A_356 = tpu.memref_slice %arg5[%mul3A_180, %mul3A_130] : memref<64000x512xf32, #tpu.memory_space<hbm>> -> memref<80x128xf32, #tpu.memory_space<hbm>>
      tpu.wait_dma2 semaphore(%arg19 : memref<!tpu.dma_semaphore, #tpu.memory_space<semaphore_mem>>) src(%dma_wait3A_356 : memref<80x128xf32, #tpu.memory_space<hbm>>) dst(%dma_wait3A_355 : memref<80x128xf32, #tpu.memory_space<vmem>>)
      %dma_start3A_357 = arith.constant 0 : i32
      %dma_start3A_358 = arith.constant 0 : i32
      %dma_start3A_359 = tpu.memref_slice %arg15[%dma_start3A_357, %dma_start3A_358] : memref<80x128xf32, #tpu.memory_space<vmem>> -> memref<80x128xf32, #tpu.memory_space<vmem>>
      %dma_start3A_360 = arith.constant 0 : i32
      %dma_start3A_361 = arith.constant 0 : i32
      %dma_start3A_362 = tpu.memref_slice %arg17[%dma_start3A_360, %dma_start3A_361] : memref<10240x128xf32, #tpu.memory_space<vmem_shared>> -> memref<10240x128xf32, #tpu.memory_space<vmem_shared>>
      tpu.enqueue_indirect_dma source(%dma_start3A_359 : memref<80x128xf32, #tpu.memory_space<vmem>>) target(%dma_start3A_362 : memref<10240x128xf32, #tpu.memory_space<vmem_shared>>) offsets(%arg12 : memref<80xi32, #tpu.memory_space<vmem>>) semaphore(%arg21 : memref<!tpu.dma_semaphore, #tpu.memory_space<semaphore_mem>>) {add = true}
      %gt3A_363 = arith.constant 0 : i32
      %gt3A_364 = arith.cmpi sgt, %add3A_346, %gt3A_363 : i32
      %convert_element_type3A_365 = arith.extui %gt3A_364 : i1 to i32
      %cond3A_366 = arith.constant 0 : i32
      %cond3A_367 = arith.cmpi ne, %convert_element_type3A_365, %cond3A_366 : i32
      scf.if %cond3A_367 {
        %dma_wait3A_375 = arith.constant 0 : i32
        %dma_wait3A_376 = arith.constant 0 : i32
        %dma_wait3A_377 = tpu.memref_slice %arg14[%dma_wait3A_375, %dma_wait3A_376] : memref<80x128xf32, #tpu.memory_space<vmem>> -> memref<80x128xf32, #tpu.memory_space<vmem>>
        %dma_wait3A_378 = arith.constant 0 : i32
        %dma_wait3A_379 = arith.constant 0 : i32
        %dma_wait3A_380 = tpu.memref_slice %arg17[%dma_wait3A_378, %dma_wait3A_379] : memref<10240x128xf32, #tpu.memory_space<vmem_shared>> -> memref<10240x128xf32, #tpu.memory_space<vmem_shared>>
        tpu.wait_indirect_dma semaphore(%arg20 : memref<!tpu.dma_semaphore, #tpu.memory_space<semaphore_mem>>) src(%dma_wait3A_377 : memref<80x128xf32, #tpu.memory_space<vmem>>) dst(%dma_wait3A_380 : memref<10240x128xf32, #tpu.memory_space<vmem_shared>>)
      } else {
      }
      %add3A_368 = arith.constant 1 : i32
      %add3A_369 = arith.addi %add3A_346, %add3A_368 : i32
      %lt3A_370 = arith.constant 50 : i32
      %lt3A_371 = arith.cmpi slt, %add3A_369, %lt3A_370 : i32
      %convert_element_type3A_372 = arith.extui %lt3A_371 : i1 to i32
      %cond3A_373 = arith.constant 0 : i32
      %cond3A_374 = arith.cmpi ne, %convert_element_type3A_372, %cond3A_373 : i32
      scf.if %cond3A_374 {
        %add3A_375 = arith.constant 1 : i32
        %add3A_376 = arith.addi %add3A_346, %add3A_375 : i32
        %mul3A_377 = arith.constant 80 : i32
        %mul3A_378 = arith.muli %add3A_376, %mul3A_377 : i32
        %add3A_379 = arith.addi %mul3A_180, %mul3A_378 : i32
        %dma_start3A_380 = tpu.memref_slice %arg7[%add3A_379] : memref<64000xi32, #tpu.memory_space<hbm>> -> memref<80xi32, #tpu.memory_space<hbm>>
        %dma_start3A_381 = tpu.memref_slice %arg7[%add3A_379] : memref<64000xi32, #tpu.memory_space<hbm>> -> memref<80xi32, #tpu.memory_space<hbm>>
        tpu.enqueue_dma source(%dma_start3A_381 : memref<80xi32, #tpu.memory_space<hbm>>) target(%arg10 : memref<80xi32, #tpu.memory_space<vmem>>) target_semaphore(%arg18 : memref<!tpu.dma_semaphore, #tpu.memory_space<semaphore_mem>>)
        %dma_start3A_382 = arith.constant 0 : i32
        %dma_start3A_383 = arith.constant 0 : i32
        %dma_start3A_384 = tpu.memref_slice %arg14[%dma_start3A_382, %dma_start3A_383] : memref<80x128xf32, #tpu.memory_space<vmem>> -> memref<80x128xf32, #tpu.memory_space<vmem>>
        %dma_start3A_385 = tpu.memref_slice %arg5[%add3A_379, %mul3A_130] : memref<64000x512xf32, #tpu.memory_space<hbm>> -> memref<80x128xf32, #tpu.memory_space<hbm>>
        %dma_start3A_386 = arith.constant 0 : i32
        %dma_start3A_387 = arith.constant 0 : i32
        %dma_start3A_388 = tpu.memref_slice %arg14[%dma_start3A_386, %dma_start3A_387] : memref<80x128xf32, #tpu.memory_space<vmem>> -> memref<80x128xf32, #tpu.memory_space<vmem>>
        %dma_start3A_389 = tpu.memref_slice %arg5[%add3A_379, %mul3A_130] : memref<64000x512xf32, #tpu.memory_space<hbm>> -> memref<80x128xf32, #tpu.memory_space<hbm>>
        tpu.enqueue_dma source(%dma_start3A_389 : memref<80x128xf32, #tpu.memory_space<hbm>>) target(%dma_start3A_388 : memref<80x128xf32, #tpu.memory_space<vmem>>) target_semaphore(%arg18 : memref<!tpu.dma_semaphore, #tpu.memory_space<semaphore_mem>>)
      } else {
      }
    }
    %scan3A_198 = arith.constant 25 : i32
    %dma_wait3A_199 = arith.constant 0 : i32
    %dma_wait3A_200 = arith.constant 0 : i32
    %dma_wait3A_201 = tpu.memref_slice %arg15[%dma_wait3A_199, %dma_wait3A_200] : memref<80x128xf32, #tpu.memory_space<vmem>> -> memref<80x128xf32, #tpu.memory_space<vmem>>
    %dma_wait3A_202 = arith.constant 0 : i32
    %dma_wait3A_203 = arith.constant 0 : i32
    %dma_wait3A_204 = tpu.memref_slice %arg17[%dma_wait3A_202, %dma_wait3A_203] : memref<10240x128xf32, #tpu.memory_space<vmem_shared>> -> memref<10240x128xf32, #tpu.memory_space<vmem_shared>>
    tpu.wait_indirect_dma semaphore(%arg21 : memref<!tpu.dma_semaphore, #tpu.memory_space<semaphore_mem>>) src(%dma_wait3A_201 : memref<80x128xf32, #tpu.memory_space<vmem>>) dst(%dma_wait3A_204 : memref<10240x128xf32, #tpu.memory_space<vmem_shared>>)
    %barrier3A_205 = arith.constant 0 : index
    tpu.barrier barrier_id(%barrier3A_205)
    "tpu.region"() ({
      %run_scoped3A = tpu.sem_alloc : memref<!tpu.dma_semaphore, #tpu.memory_space<semaphore_mem>>
      %dma_start3A_314 = tpu.memref_slice %arg8[%mul3A_0, %mul3A_130] : memref<10240x512xf32, #tpu.memory_space<hbm>> -> memref<640x128xf32, #tpu.memory_space<hbm>>
      %dma_start3A_315 = arith.constant 0 : i32
      %dma_start3A_316 = tpu.memref_slice %arg17[%mul3A_0, %dma_start3A_315] : memref<10240x128xf32, #tpu.memory_space<vmem_shared>> -> memref<640x128xf32, #tpu.memory_space<vmem_shared>>
      tpu.enqueue_dma source(%dma_start3A_316 : memref<640x128xf32, #tpu.memory_space<vmem_shared>>) target(%dma_start3A_314 : memref<640x128xf32, #tpu.memory_space<hbm>>) target_semaphore(%run_scoped3A : memref<!tpu.dma_semaphore, #tpu.memory_space<semaphore_mem>>)
      %dma_wait3A_317 = tpu.memref_slice %arg8[%mul3A_0, %mul3A_130] : memref<10240x512xf32, #tpu.memory_space<hbm>> -> memref<640x128xf32, #tpu.memory_space<hbm>>
      %dma_wait3A_318 = arith.constant 0 : i32
      %dma_wait3A_319 = tpu.memref_slice %arg17[%mul3A_0, %dma_wait3A_318] : memref<10240x128xf32, #tpu.memory_space<vmem_shared>> -> memref<640x128xf32, #tpu.memory_space<vmem_shared>>
      tpu.wait_dma2 semaphore(%run_scoped3A : memref<!tpu.dma_semaphore, #tpu.memory_space<semaphore_mem>>) src(%dma_wait3A_319 : memref<640x128xf32, #tpu.memory_space<vmem_shared>>) dst(%dma_wait3A_317 : memref<640x128xf32, #tpu.memory_space<hbm>>)
      tpu.yield
    }) : () -> ()
    %add3A_206 = arith.constant 0 : i32
    %add3A_207 = arith.addi %mul3A_0, %add3A_206 : i32
    "tpu.region"() ({
      %run_scoped3A = tpu.sem_alloc : memref<!tpu.dma_semaphore, #tpu.memory_space<semaphore_mem>>
      %dma_start3A_314 = arith.constant 0 : i32
      %dma_start3A_315 = tpu.memref_slice %arg17[%add3A_207, %dma_start3A_314] : memref<10240x128xf32, #tpu.memory_space<vmem_shared>> -> memref<64x128xf32, #tpu.memory_space<vmem_shared>>
      %dma_start3A_316 = arith.constant 0 : i32
      %dma_start3A_317 = tpu.memref_slice %arg17[%add3A_207, %dma_start3A_316] : memref<10240x128xf32, #tpu.memory_space<vmem_shared>> -> memref<64x128xf32, #tpu.memory_space<vmem_shared>>
      tpu.enqueue_dma source(%arg16 : memref<64x128xf32, #tpu.memory_space<vmem>>) target(%dma_start3A_317 : memref<64x128xf32, #tpu.memory_space<vmem_shared>>) target_semaphore(%run_scoped3A : memref<!tpu.dma_semaphore, #tpu.memory_space<semaphore_mem>>)
      %dma_wait3A_318 = arith.constant 0 : i32
      %dma_wait3A_319 = tpu.memref_slice %arg17[%add3A_207, %dma_wait3A_318] : memref<10240x128xf32, #tpu.memory_space<vmem_shared>> -> memref<64x128xf32, #tpu.memory_space<vmem_shared>>
      %dma_wait3A_320 = arith.constant 0 : i32
      %dma_wait3A_321 = tpu.memref_slice %arg17[%add3A_207, %dma_wait3A_320] : memref<10240x128xf32, #tpu.memory_space<vmem_shared>> -> memref<64x128xf32, #tpu.memory_space<vmem_shared>>
      tpu.wait_dma2 semaphore(%run_scoped3A : memref<!tpu.dma_semaphore, #tpu.memory_space<semaphore_mem>>) src(%arg16 : memref<64x128xf32, #tpu.memory_space<vmem>>) dst(%dma_wait3A_321 : memref<64x128xf32, #tpu.memory_space<vmem_shared>>)
      tpu.yield
    }) : () -> ()
    %add3A_208 = arith.constant 64 : i32
    %add3A_209 = arith.addi %mul3A_0, %add3A_208 : i32
    "tpu.region"() ({
      %run_scoped3A = tpu.sem_alloc : memref<!tpu.dma_semaphore, #tpu.memory_space<semaphore_mem>>
      %dma_start3A_314 = arith.constant 0 : i32
      %dma_start3A_315 = tpu.memref_slice %arg17[%add3A_209, %dma_start3A_314] : memref<10240x128xf32, #tpu.memory_space<vmem_shared>> -> memref<64x128xf32, #tpu.memory_space<vmem_shared>>
      %dma_start3A_316 = arith.constant 0 : i32
      %dma_start3A_317 = tpu.memref_slice %arg17[%add3A_209, %dma_start3A_316] : memref<10240x128xf32, #tpu.memory_space<vmem_shared>> -> memref<64x128xf32, #tpu.memory_space<vmem_shared>>
      tpu.enqueue_dma source(%arg16 : memref<64x128xf32, #tpu.memory_space<vmem>>) target(%dma_start3A_317 : memref<64x128xf32, #tpu.memory_space<vmem_shared>>) target_semaphore(%run_scoped3A : memref<!tpu.dma_semaphore, #tpu.memory_space<semaphore_mem>>)
      %dma_wait3A_318 = arith.constant 0 : i32
      %dma_wait3A_319 = tpu.memref_slice %arg17[%add3A_209, %dma_wait3A_318] : memref<10240x128xf32, #tpu.memory_space<vmem_shared>> -> memref<64x128xf32, #tpu.memory_space<vmem_shared>>
      %dma_wait3A_320 = arith.constant 0 : i32
      %dma_wait3A_321 = tpu.memref_slice %arg17[%add3A_209, %dma_wait3A_320] : memref<10240x128xf32, #tpu.memory_space<vmem_shared>> -> memref<64x128xf32, #tpu.memory_space<vmem_shared>>
      tpu.wait_dma2 semaphore(%run_scoped3A : memref<!tpu.dma_semaphore, #tpu.memory_space<semaphore_mem>>) src(%arg16 : memref<64x128xf32, #tpu.memory_space<vmem>>) dst(%dma_wait3A_321 : memref<64x128xf32, #tpu.memory_space<vmem_shared>>)
      tpu.yield
    }) : () -> ()
    %add3A_210 = arith.constant 128 : i32
    %add3A_211 = arith.addi %mul3A_0, %add3A_210 : i32
    "tpu.region"() ({
      %run_scoped3A = tpu.sem_alloc : memref<!tpu.dma_semaphore, #tpu.memory_space<semaphore_mem>>
      %dma_start3A_314 = arith.constant 0 : i32
      %dma_start3A_315 = tpu.memref_slice %arg17[%add3A_211, %dma_start3A_314] : memref<10240x128xf32, #tpu.memory_space<vmem_shared>> -> memref<64x128xf32, #tpu.memory_space<vmem_shared>>
      %dma_start3A_316 = arith.constant 0 : i32
      %dma_start3A_317 = tpu.memref_slice %arg17[%add3A_211, %dma_start3A_316] : memref<10240x128xf32, #tpu.memory_space<vmem_shared>> -> memref<64x128xf32, #tpu.memory_space<vmem_shared>>
      tpu.enqueue_dma source(%arg16 : memref<64x128xf32, #tpu.memory_space<vmem>>) target(%dma_start3A_317 : memref<64x128xf32, #tpu.memory_space<vmem_shared>>) target_semaphore(%run_scoped3A : memref<!tpu.dma_semaphore, #tpu.memory_space<semaphore_mem>>)
      %dma_wait3A_318 = arith.constant 0 : i32
      %dma_wait3A_319 = tpu.memref_slice %arg17[%add3A_211, %dma_wait3A_318] : memref<10240x128xf32, #tpu.memory_space<vmem_shared>> -> memref<64x128xf32, #tpu.memory_space<vmem_shared>>
      %dma_wait3A_320 = arith.constant 0 : i32
      %dma_wait3A_321 = tpu.memref_slice %arg17[%add3A_211, %dma_wait3A_320] : memref<10240x128xf32, #tpu.memory_space<vmem_shared>> -> memref<64x128xf32, #tpu.memory_space<vmem_shared>>
      tpu.wait_dma2 semaphore(%run_scoped3A : memref<!tpu.dma_semaphore, #tpu.memory_space<semaphore_mem>>) src(%arg16 : memref<64x128xf32, #tpu.memory_space<vmem>>) dst(%dma_wait3A_321 : memref<64x128xf32, #tpu.memory_space<vmem_shared>>)
      tpu.yield
    }) : () -> ()
    %add3A_212 = arith.constant 192 : i32
    %add3A_213 = arith.addi %mul3A_0, %add3A_212 : i32
    "tpu.region"() ({
      %run_scoped3A = tpu.sem_alloc : memref<!tpu.dma_semaphore, #tpu.memory_space<semaphore_mem>>
      %dma_start3A_314 = arith.constant 0 : i32
      %dma_start3A_315 = tpu.memref_slice %arg17[%add3A_213, %dma_start3A_314] : memref<10240x128xf32, #tpu.memory_space<vmem_shared>> -> memref<64x128xf32, #tpu.memory_space<vmem_shared>>
      %dma_start3A_316 = arith.constant 0 : i32
      %dma_start3A_317 = tpu.memref_slice %arg17[%add3A_213, %dma_start3A_316] : memref<10240x128xf32, #tpu.memory_space<vmem_shared>> -> memref<64x128xf32, #tpu.memory_space<vmem_shared>>
      tpu.enqueue_dma source(%arg16 : memref<64x128xf32, #tpu.memory_space<vmem>>) target(%dma_start3A_317 : memref<64x128xf32, #tpu.memory_space<vmem_shared>>) target_semaphore(%run_scoped3A : memref<!tpu.dma_semaphore, #tpu.memory_space<semaphore_mem>>)
      %dma_wait3A_318 = arith.constant 0 : i32
      %dma_wait3A_319 = tpu.memref_slice %arg17[%add3A_213, %dma_wait3A_318] : memref<10240x128xf32, #tpu.memory_space<vmem_shared>> -> memref<64x128xf32, #tpu.memory_space<vmem_shared>>
      %dma_wait3A_320 = arith.constant 0 : i32
      %dma_wait3A_321 = tpu.memref_slice %arg17[%add3A_213, %dma_wait3A_320] : memref<10240x128xf32, #tpu.memory_space<vmem_shared>> -> memref<64x128xf32, #tpu.memory_space<vmem_shared>>
      tpu.wait_dma2 semaphore(%run_scoped3A : memref<!tpu.dma_semaphore, #tpu.memory_space<semaphore_mem>>) src(%arg16 : memref<64x128xf32, #tpu.memory_space<vmem>>) dst(%dma_wait3A_321 : memref<64x128xf32, #tpu.memory_space<vmem_shared>>)
      tpu.yield
    }) : () -> ()
    %add3A_214 = arith.constant 256 : i32
    %add3A_215 = arith.addi %mul3A_0, %add3A_214 : i32
    "tpu.region"() ({
      %run_scoped3A = tpu.sem_alloc : memref<!tpu.dma_semaphore, #tpu.memory_space<semaphore_mem>>
      %dma_start3A_314 = arith.constant 0 : i32
      %dma_start3A_315 = tpu.memref_slice %arg17[%add3A_215, %dma_start3A_314] : memref<10240x128xf32, #tpu.memory_space<vmem_shared>> -> memref<64x128xf32, #tpu.memory_space<vmem_shared>>
      %dma_start3A_316 = arith.constant 0 : i32
      %dma_start3A_317 = tpu.memref_slice %arg17[%add3A_215, %dma_start3A_316] : memref<10240x128xf32, #tpu.memory_space<vmem_shared>> -> memref<64x128xf32, #tpu.memory_space<vmem_shared>>
      tpu.enqueue_dma source(%arg16 : memref<64x128xf32, #tpu.memory_space<vmem>>) target(%dma_start3A_317 : memref<64x128xf32, #tpu.memory_space<vmem_shared>>) target_semaphore(%run_scoped3A : memref<!tpu.dma_semaphore, #tpu.memory_space<semaphore_mem>>)
      %dma_wait3A_318 = arith.constant 0 : i32
      %dma_wait3A_319 = tpu.memref_slice %arg17[%add3A_215, %dma_wait3A_318] : memref<10240x128xf32, #tpu.memory_space<vmem_shared>> -> memref<64x128xf32, #tpu.memory_space<vmem_shared>>
      %dma_wait3A_320 = arith.constant 0 : i32
      %dma_wait3A_321 = tpu.memref_slice %arg17[%add3A_215, %dma_wait3A_320] : memref<10240x128xf32, #tpu.memory_space<vmem_shared>> -> memref<64x128xf32, #tpu.memory_space<vmem_shared>>
      tpu.wait_dma2 semaphore(%run_scoped3A : memref<!tpu.dma_semaphore, #tpu.memory_space<semaphore_mem>>) src(%arg16 : memref<64x128xf32, #tpu.memory_space<vmem>>) dst(%dma_wait3A_321 : memref<64x128xf32, #tpu.memory_space<vmem_shared>>)
      tpu.yield
    }) : () -> ()
    %add3A_216 = arith.constant 320 : i32
    %add3A_217 = arith.addi %mul3A_0, %add3A_216 : i32
    "tpu.region"() ({
      %run_scoped3A = tpu.sem_alloc : memref<!tpu.dma_semaphore, #tpu.memory_space<semaphore_mem>>
      %dma_start3A_314 = arith.constant 0 : i32
      %dma_start3A_315 = tpu.memref_slice %arg17[%add3A_217, %dma_start3A_314] : memref<10240x128xf32, #tpu.memory_space<vmem_shared>> -> memref<64x128xf32, #tpu.memory_space<vmem_shared>>
      %dma_start3A_316 = arith.constant 0 : i32
      %dma_start3A_317 = tpu.memref_slice %arg17[%add3A_217, %dma_start3A_316] : memref<10240x128xf32, #tpu.memory_space<vmem_shared>> -> memref<64x128xf32, #tpu.memory_space<vmem_shared>>
      tpu.enqueue_dma source(%arg16 : memref<64x128xf32, #tpu.memory_space<vmem>>) target(%dma_start3A_317 : memref<64x128xf32, #tpu.memory_space<vmem_shared>>) target_semaphore(%run_scoped3A : memref<!tpu.dma_semaphore, #tpu.memory_space<semaphore_mem>>)
      %dma_wait3A_318 = arith.constant 0 : i32
      %dma_wait3A_319 = tpu.memref_slice %arg17[%add3A_217, %dma_wait3A_318] : memref<10240x128xf32, #tpu.memory_space<vmem_shared>> -> memref<64x128xf32, #tpu.memory_space<vmem_shared>>
      %dma_wait3A_320 = arith.constant 0 : i32
      %dma_wait3A_321 = tpu.memref_slice %arg17[%add3A_217, %dma_wait3A_320] : memref<10240x128xf32, #tpu.memory_space<vmem_shared>> -> memref<64x128xf32, #tpu.memory_space<vmem_shared>>
      tpu.wait_dma2 semaphore(%run_scoped3A : memref<!tpu.dma_semaphore, #tpu.memory_space<semaphore_mem>>) src(%arg16 : memref<64x128xf32, #tpu.memory_space<vmem>>) dst(%dma_wait3A_321 : memref<64x128xf32, #tpu.memory_space<vmem_shared>>)
      tpu.yield
    }) : () -> ()
    %add3A_218 = arith.constant 384 : i32
    %add3A_219 = arith.addi %mul3A_0, %add3A_218 : i32
    "tpu.region"() ({
      %run_scoped3A = tpu.sem_alloc : memref<!tpu.dma_semaphore, #tpu.memory_space<semaphore_mem>>
      %dma_start3A_314 = arith.constant 0 : i32
      %dma_start3A_315 = tpu.memref_slice %arg17[%add3A_219, %dma_start3A_314] : memref<10240x128xf32, #tpu.memory_space<vmem_shared>> -> memref<64x128xf32, #tpu.memory_space<vmem_shared>>
      %dma_start3A_316 = arith.constant 0 : i32
      %dma_start3A_317 = tpu.memref_slice %arg17[%add3A_219, %dma_start3A_316] : memref<10240x128xf32, #tpu.memory_space<vmem_shared>> -> memref<64x128xf32, #tpu.memory_space<vmem_shared>>
      tpu.enqueue_dma source(%arg16 : memref<64x128xf32, #tpu.memory_space<vmem>>) target(%dma_start3A_317 : memref<64x128xf32, #tpu.memory_space<vmem_shared>>) target_semaphore(%run_scoped3A : memref<!tpu.dma_semaphore, #tpu.memory_space<semaphore_mem>>)
      %dma_wait3A_318 = arith.constant 0 : i32
      %dma_wait3A_319 = tpu.memref_slice %arg17[%add3A_219, %dma_wait3A_318] : memref<10240x128xf32, #tpu.memory_space<vmem_shared>> -> memref<64x128xf32, #tpu.memory_space<vmem_shared>>
      %dma_wait3A_320 = arith.constant 0 : i32
      %dma_wait3A_321 = tpu.memref_slice %arg17[%add3A_219, %dma_wait3A_320] : memref<10240x128xf32, #tpu.memory_space<vmem_shared>> -> memref<64x128xf32, #tpu.memory_space<vmem_shared>>
      tpu.wait_dma2 semaphore(%run_scoped3A : memref<!tpu.dma_semaphore, #tpu.memory_space<semaphore_mem>>) src(%arg16 : memref<64x128xf32, #tpu.memory_space<vmem>>) dst(%dma_wait3A_321 : memref<64x128xf32, #tpu.memory_space<vmem_shared>>)
      tpu.yield
    }) : () -> ()
    %add3A_220 = arith.constant 448 : i32
    %add3A_221 = arith.addi %mul3A_0, %add3A_220 : i32
    "tpu.region"() ({
      %run_scoped3A = tpu.sem_alloc : memref<!tpu.dma_semaphore, #tpu.memory_space<semaphore_mem>>
      %dma_start3A_314 = arith.constant 0 : i32
      %dma_start3A_315 = tpu.memref_slice %arg17[%add3A_221, %dma_start3A_314] : memref<10240x128xf32, #tpu.memory_space<vmem_shared>> -> memref<64x128xf32, #tpu.memory_space<vmem_shared>>
      %dma_start3A_316 = arith.constant 0 : i32
      %dma_start3A_317 = tpu.memref_slice %arg17[%add3A_221, %dma_start3A_316] : memref<10240x128xf32, #tpu.memory_space<vmem_shared>> -> memref<64x128xf32, #tpu.memory_space<vmem_shared>>
      tpu.enqueue_dma source(%arg16 : memref<64x128xf32, #tpu.memory_space<vmem>>) target(%dma_start3A_317 : memref<64x128xf32, #tpu.memory_space<vmem_shared>>) target_semaphore(%run_scoped3A : memref<!tpu.dma_semaphore, #tpu.memory_space<semaphore_mem>>)
      %dma_wait3A_318 = arith.constant 0 : i32
      %dma_wait3A_319 = tpu.memref_slice %arg17[%add3A_221, %dma_wait3A_318] : memref<10240x128xf32, #tpu.memory_space<vmem_shared>> -> memref<64x128xf32, #tpu.memory_space<vmem_shared>>
      %dma_wait3A_320 = arith.constant 0 : i32
      %dma_wait3A_321 = tpu.memref_slice %arg17[%add3A_221, %dma_wait3A_320] : memref<10240x128xf32, #tpu.memory_space<vmem_shared>> -> memref<64x128xf32, #tpu.memory_space<vmem_shared>>
      tpu.wait_dma2 semaphore(%run_scoped3A : memref<!tpu.dma_semaphore, #tpu.memory_space<semaphore_mem>>) src(%arg16 : memref<64x128xf32, #tpu.memory_space<vmem>>) dst(%dma_wait3A_321 : memref<64x128xf32, #tpu.memory_space<vmem_shared>>)
      tpu.yield
    }) : () -> ()
    %add3A_222 = arith.constant 512 : i32
    %add3A_223 = arith.addi %mul3A_0, %add3A_222 : i32
    "tpu.region"() ({
      %run_scoped3A = tpu.sem_alloc : memref<!tpu.dma_semaphore, #tpu.memory_space<semaphore_mem>>
      %dma_start3A_314 = arith.constant 0 : i32
      %dma_start3A_315 = tpu.memref_slice %arg17[%add3A_223, %dma_start3A_314] : memref<10240x128xf32, #tpu.memory_space<vmem_shared>> -> memref<64x128xf32, #tpu.memory_space<vmem_shared>>
      %dma_start3A_316 = arith.constant 0 : i32
      %dma_start3A_317 = tpu.memref_slice %arg17[%add3A_223, %dma_start3A_316] : memref<10240x128xf32, #tpu.memory_space<vmem_shared>> -> memref<64x128xf32, #tpu.memory_space<vmem_shared>>
      tpu.enqueue_dma source(%arg16 : memref<64x128xf32, #tpu.memory_space<vmem>>) target(%dma_start3A_317 : memref<64x128xf32, #tpu.memory_space<vmem_shared>>) target_semaphore(%run_scoped3A : memref<!tpu.dma_semaphore, #tpu.memory_space<semaphore_mem>>)
      %dma_wait3A_318 = arith.constant 0 : i32
      %dma_wait3A_319 = tpu.memref_slice %arg17[%add3A_223, %dma_wait3A_318] : memref<10240x128xf32, #tpu.memory_space<vmem_shared>> -> memref<64x128xf32, #tpu.memory_space<vmem_shared>>
      %dma_wait3A_320 = arith.constant 0 : i32
      %dma_wait3A_321 = tpu.memref_slice %arg17[%add3A_223, %dma_wait3A_320] : memref<10240x128xf32, #tpu.memory_space<vmem_shared>> -> memref<64x128xf32, #tpu.memory_space<vmem_shared>>
      tpu.wait_dma2 semaphore(%run_scoped3A : memref<!tpu.dma_semaphore, #tpu.memory_space<semaphore_mem>>) src(%arg16 : memref<64x128xf32, #tpu.memory_space<vmem>>) dst(%dma_wait3A_321 : memref<64x128xf32, #tpu.memory_space<vmem_shared>>)
      tpu.yield
    }) : () -> ()
    %add3A_224 = arith.constant 576 : i32
    %add3A_225 = arith.addi %mul3A_0, %add3A_224 : i32
    "tpu.region"() ({
      %run_scoped3A = tpu.sem_alloc : memref<!tpu.dma_semaphore, #tpu.memory_space<semaphore_mem>>
      %dma_start3A_314 = arith.constant 0 : i32
      %dma_start3A_315 = tpu.memref_slice %arg17[%add3A_225, %dma_start3A_314] : memref<10240x128xf32, #tpu.memory_space<vmem_shared>> -> memref<64x128xf32, #tpu.memory_space<vmem_shared>>
      %dma_start3A_316 = arith.constant 0 : i32
      %dma_start3A_317 = tpu.memref_slice %arg17[%add3A_225, %dma_start3A_316] : memref<10240x128xf32, #tpu.memory_space<vmem_shared>> -> memref<64x128xf32, #tpu.memory_space<vmem_shared>>
      tpu.enqueue_dma source(%arg16 : memref<64x128xf32, #tpu.memory_space<vmem>>) target(%dma_start3A_317 : memref<64x128xf32, #tpu.memory_space<vmem_shared>>) target_semaphore(%run_scoped3A : memref<!tpu.dma_semaphore, #tpu.memory_space<semaphore_mem>>)
      %dma_wait3A_318 = arith.constant 0 : i32
      %dma_wait3A_319 = tpu.memref_slice %arg17[%add3A_225, %dma_wait3A_318] : memref<10240x128xf32, #tpu.memory_space<vmem_shared>> -> memref<64x128xf32, #tpu.memory_space<vmem_shared>>
      %dma_wait3A_320 = arith.constant 0 : i32
      %dma_wait3A_321 = tpu.memref_slice %arg17[%add3A_225, %dma_wait3A_320] : memref<10240x128xf32, #tpu.memory_space<vmem_shared>> -> memref<64x128xf32, #tpu.memory_space<vmem_shared>>
      tpu.wait_dma2 semaphore(%run_scoped3A : memref<!tpu.dma_semaphore, #tpu.memory_space<semaphore_mem>>) src(%arg16 : memref<64x128xf32, #tpu.memory_space<vmem>>) dst(%dma_wait3A_321 : memref<64x128xf32, #tpu.memory_space<vmem_shared>>)
      tpu.yield
    }) : () -> ()
    %barrier3A_226 = arith.constant 0 : index
    tpu.barrier barrier_id(%barrier3A_226)
    %mul3A_227 = arith.constant 48000 : i32
    %mul3A_228 = arith.muli %arg0, %mul3A_227 : i32
    %mul3A_229 = arith.constant 3000 : i32
    %mul3A_230 = arith.muli %arg1, %mul3A_229 : i32
    %add3A_231 = arith.addi %mul3A_228, %mul3A_230 : i32
    %add3A_232 = arith.constant 0 : i32
    %add3A_233 = arith.addi %add3A_231, %add3A_232 : i32
    %dma_start3A_234 = tpu.memref_slice %arg4[%add3A_233] : memref<96000xi32, #tpu.memory_space<hbm>> -> memref<40xi32, #tpu.memory_space<hbm>>
    %dma_start3A_235 = tpu.memref_slice %arg4[%add3A_233] : memref<96000xi32, #tpu.memory_space<hbm>> -> memref<40xi32, #tpu.memory_space<hbm>>
    tpu.enqueue_dma source(%dma_start3A_235 : memref<40xi32, #tpu.memory_space<hbm>>) target(%arg11 : memref<40xi32, #tpu.memory_space<vmem>>) target_semaphore(%arg18 : memref<!tpu.dma_semaphore, #tpu.memory_space<semaphore_mem>>)
    %dma_start3A_236 = arith.constant 0 : i32
    %dma_start3A_237 = arith.constant 0 : i32
    %dma_start3A_238 = tpu.memref_slice %arg14[%dma_start3A_236, %dma_start3A_237] : memref<80x128xf32, #tpu.memory_space<vmem>> -> memref<40x128xf32, #tpu.memory_space<vmem>>
    %dma_start3A_239 = arith.constant 0 : i32
    %dma_start3A_240 = tpu.memref_slice %arg3[%add3A_233, %dma_start3A_239] : memref<96000x128xf32, #tpu.memory_space<hbm>> -> memref<40x128xf32, #tpu.memory_space<hbm>>
    %dma_start3A_241 = arith.constant 0 : i32
    %dma_start3A_242 = arith.constant 0 : i32
    %dma_start3A_243 = tpu.memref_slice %arg14[%dma_start3A_241, %dma_start3A_242] : memref<80x128xf32, #tpu.memory_space<vmem>> -> memref<40x128xf32, #tpu.memory_space<vmem>>
    %dma_start3A_244 = arith.constant 0 : i32
    %dma_start3A_245 = tpu.memref_slice %arg3[%add3A_233, %dma_start3A_244] : memref<96000x128xf32, #tpu.memory_space<hbm>> -> memref<40x128xf32, #tpu.memory_space<hbm>>
    tpu.enqueue_dma source(%dma_start3A_245 : memref<40x128xf32, #tpu.memory_space<hbm>>) target(%dma_start3A_243 : memref<40x128xf32, #tpu.memory_space<vmem>>) target_semaphore(%arg18 : memref<!tpu.dma_semaphore, #tpu.memory_space<semaphore_mem>>)
    %scan3A_246 = arith.constant 0 : i32
    %scan3A_247 = arith.constant 0 : i32
    %scan3A_248 = arith.constant 37 : i32
    %scan3A_249 = arith.addi %scan3A_247, %scan3A_248 : i32
    %scan3A_250 = arith.constant 1 : i32
    scf.for %scan3A_314 = %scan3A_247 to %scan3A_249 step %scan3A_250  : i32 {
      %mul3A_315 = arith.constant 2 : i32
      %mul3A_316 = arith.muli %mul3A_315, %scan3A_314 : i32
      %add3A_317 = arith.constant 0 : i32
      %add3A_318 = arith.addi %mul3A_316, %add3A_317 : i32
      %dma_wait3A_319 = tpu.memref_slice %arg4[%add3A_231] : memref<96000xi32, #tpu.memory_space<hbm>> -> memref<40xi32, #tpu.memory_space<hbm>>
      %dma_wait3A_320 = tpu.memref_slice %arg4[%add3A_231] : memref<96000xi32, #tpu.memory_space<hbm>> -> memref<40xi32, #tpu.memory_space<hbm>>
      tpu.wait_dma2 semaphore(%arg18 : memref<!tpu.dma_semaphore, #tpu.memory_space<semaphore_mem>>) src(%dma_wait3A_320 : memref<40xi32, #tpu.memory_space<hbm>>) dst(%arg11 : memref<40xi32, #tpu.memory_space<vmem>>)
      %dma_wait3A_321 = arith.constant 0 : i32
      %dma_wait3A_322 = arith.constant 0 : i32
      %dma_wait3A_323 = tpu.memref_slice %arg14[%dma_wait3A_321, %dma_wait3A_322] : memref<80x128xf32, #tpu.memory_space<vmem>> -> memref<40x128xf32, #tpu.memory_space<vmem>>
      %dma_wait3A_324 = arith.constant 0 : i32
      %dma_wait3A_325 = tpu.memref_slice %arg3[%add3A_231, %dma_wait3A_324] : memref<96000x128xf32, #tpu.memory_space<hbm>> -> memref<40x128xf32, #tpu.memory_space<hbm>>
      %dma_wait3A_326 = arith.constant 0 : i32
      %dma_wait3A_327 = arith.constant 0 : i32
      %dma_wait3A_328 = tpu.memref_slice %arg14[%dma_wait3A_326, %dma_wait3A_327] : memref<80x128xf32, #tpu.memory_space<vmem>> -> memref<40x128xf32, #tpu.memory_space<vmem>>
      %dma_wait3A_329 = arith.constant 0 : i32
      %dma_wait3A_330 = tpu.memref_slice %arg3[%add3A_231, %dma_wait3A_329] : memref<96000x128xf32, #tpu.memory_space<hbm>> -> memref<40x128xf32, #tpu.memory_space<hbm>>
      tpu.wait_dma2 semaphore(%arg18 : memref<!tpu.dma_semaphore, #tpu.memory_space<semaphore_mem>>) src(%dma_wait3A_330 : memref<40x128xf32, #tpu.memory_space<hbm>>) dst(%dma_wait3A_328 : memref<40x128xf32, #tpu.memory_space<vmem>>)
      %dma_start3A_331 = arith.constant 0 : i32
      %dma_start3A_332 = arith.constant 0 : i32
      %dma_start3A_333 = tpu.memref_slice %arg14[%dma_start3A_331, %dma_start3A_332] : memref<80x128xf32, #tpu.memory_space<vmem>> -> memref<40x128xf32, #tpu.memory_space<vmem>>
      %dma_start3A_334 = arith.constant 0 : i32
      %dma_start3A_335 = arith.constant 0 : i32
      %dma_start3A_336 = tpu.memref_slice %arg17[%dma_start3A_334, %dma_start3A_335] : memref<10240x128xf32, #tpu.memory_space<vmem_shared>> -> memref<10240x128xf32, #tpu.memory_space<vmem_shared>>
      tpu.enqueue_indirect_dma source(%dma_start3A_333 : memref<40x128xf32, #tpu.memory_space<vmem>>) target(%dma_start3A_336 : memref<10240x128xf32, #tpu.memory_space<vmem_shared>>) offsets(%arg11 : memref<40xi32, #tpu.memory_space<vmem>>) semaphore(%arg20 : memref<!tpu.dma_semaphore, #tpu.memory_space<semaphore_mem>>) {add = true}
      %gt3A = arith.constant 0 : i32
      %gt3A_337 = arith.cmpi sgt, %add3A_318, %gt3A : i32
      %convert_element_type3A = arith.extui %gt3A_337 : i1 to i32
      %cond3A = arith.constant 0 : i32
      %cond3A_338 = arith.cmpi ne, %convert_element_type3A, %cond3A : i32
      scf.if %cond3A_338 {
        %dma_wait3A_379 = arith.constant 0 : i32
        %dma_wait3A_380 = arith.constant 0 : i32
        %dma_wait3A_381 = tpu.memref_slice %arg15[%dma_wait3A_379, %dma_wait3A_380] : memref<80x128xf32, #tpu.memory_space<vmem>> -> memref<40x128xf32, #tpu.memory_space<vmem>>
        %dma_wait3A_382 = arith.constant 0 : i32
        %dma_wait3A_383 = arith.constant 0 : i32
        %dma_wait3A_384 = tpu.memref_slice %arg17[%dma_wait3A_382, %dma_wait3A_383] : memref<10240x128xf32, #tpu.memory_space<vmem_shared>> -> memref<10240x128xf32, #tpu.memory_space<vmem_shared>>
        tpu.wait_indirect_dma semaphore(%arg21 : memref<!tpu.dma_semaphore, #tpu.memory_space<semaphore_mem>>) src(%dma_wait3A_381 : memref<40x128xf32, #tpu.memory_space<vmem>>) dst(%dma_wait3A_384 : memref<10240x128xf32, #tpu.memory_space<vmem_shared>>)
      } else {
      }
      %add3A_339 = arith.constant 1 : i32
      %add3A_340 = arith.addi %add3A_318, %add3A_339 : i32
      %lt3A = arith.constant 75 : i32
      %lt3A_341 = arith.cmpi slt, %add3A_340, %lt3A : i32
      %convert_element_type3A_342 = arith.extui %lt3A_341 : i1 to i32
      %cond3A_343 = arith.constant 0 : i32
      %cond3A_344 = arith.cmpi ne, %convert_element_type3A_342, %cond3A_343 : i32
      scf.if %cond3A_344 {
        %add3A_379 = arith.constant 1 : i32
        %add3A_380 = arith.addi %add3A_318, %add3A_379 : i32
        %mul3A_381 = arith.constant 40 : i32
        %mul3A_382 = arith.muli %add3A_380, %mul3A_381 : i32
        %add3A_383 = arith.addi %add3A_231, %mul3A_382 : i32
        %dma_start3A_384 = tpu.memref_slice %arg4[%add3A_383] : memref<96000xi32, #tpu.memory_space<hbm>> -> memref<40xi32, #tpu.memory_space<hbm>>
        %dma_start3A_385 = tpu.memref_slice %arg4[%add3A_383] : memref<96000xi32, #tpu.memory_space<hbm>> -> memref<40xi32, #tpu.memory_space<hbm>>
        tpu.enqueue_dma source(%dma_start3A_385 : memref<40xi32, #tpu.memory_space<hbm>>) target(%arg13 : memref<40xi32, #tpu.memory_space<vmem>>) target_semaphore(%arg19 : memref<!tpu.dma_semaphore, #tpu.memory_space<semaphore_mem>>)
        %dma_start3A_386 = arith.constant 0 : i32
        %dma_start3A_387 = arith.constant 0 : i32
        %dma_start3A_388 = tpu.memref_slice %arg15[%dma_start3A_386, %dma_start3A_387] : memref<80x128xf32, #tpu.memory_space<vmem>> -> memref<40x128xf32, #tpu.memory_space<vmem>>
        %dma_start3A_389 = arith.constant 0 : i32
        %dma_start3A_390 = tpu.memref_slice %arg3[%add3A_383, %dma_start3A_389] : memref<96000x128xf32, #tpu.memory_space<hbm>> -> memref<40x128xf32, #tpu.memory_space<hbm>>
        %dma_start3A_391 = arith.constant 0 : i32
        %dma_start3A_392 = arith.constant 0 : i32
        %dma_start3A_393 = tpu.memref_slice %arg15[%dma_start3A_391, %dma_start3A_392] : memref<80x128xf32, #tpu.memory_space<vmem>> -> memref<40x128xf32, #tpu.memory_space<vmem>>
        %dma_start3A_394 = arith.constant 0 : i32
        %dma_start3A_395 = tpu.memref_slice %arg3[%add3A_383, %dma_start3A_394] : memref<96000x128xf32, #tpu.memory_space<hbm>> -> memref<40x128xf32, #tpu.memory_space<hbm>>
        tpu.enqueue_dma source(%dma_start3A_395 : memref<40x128xf32, #tpu.memory_space<hbm>>) target(%dma_start3A_393 : memref<40x128xf32, #tpu.memory_space<vmem>>) target_semaphore(%arg19 : memref<!tpu.dma_semaphore, #tpu.memory_space<semaphore_mem>>)
      } else {
      }
      %mul3A_345 = arith.constant 2 : i32
      %mul3A_346 = arith.muli %mul3A_345, %scan3A_314 : i32
      %add3A_347 = arith.constant 1 : i32
      %add3A_348 = arith.addi %mul3A_346, %add3A_347 : i32
      %dma_wait3A_349 = tpu.memref_slice %arg4[%add3A_231] : memref<96000xi32, #tpu.memory_space<hbm>> -> memref<40xi32, #tpu.memory_space<hbm>>
      %dma_wait3A_350 = tpu.memref_slice %arg4[%add3A_231] : memref<96000xi32, #tpu.memory_space<hbm>> -> memref<40xi32, #tpu.memory_space<hbm>>
      tpu.wait_dma2 semaphore(%arg19 : memref<!tpu.dma_semaphore, #tpu.memory_space<semaphore_mem>>) src(%dma_wait3A_350 : memref<40xi32, #tpu.memory_space<hbm>>) dst(%arg13 : memref<40xi32, #tpu.memory_space<vmem>>)
      %dma_wait3A_351 = arith.constant 0 : i32
      %dma_wait3A_352 = arith.constant 0 : i32
      %dma_wait3A_353 = tpu.memref_slice %arg15[%dma_wait3A_351, %dma_wait3A_352] : memref<80x128xf32, #tpu.memory_space<vmem>> -> memref<40x128xf32, #tpu.memory_space<vmem>>
      %dma_wait3A_354 = arith.constant 0 : i32
      %dma_wait3A_355 = tpu.memref_slice %arg3[%add3A_231, %dma_wait3A_354] : memref<96000x128xf32, #tpu.memory_space<hbm>> -> memref<40x128xf32, #tpu.memory_space<hbm>>
      %dma_wait3A_356 = arith.constant 0 : i32
      %dma_wait3A_357 = arith.constant 0 : i32
      %dma_wait3A_358 = tpu.memref_slice %arg15[%dma_wait3A_356, %dma_wait3A_357] : memref<80x128xf32, #tpu.memory_space<vmem>> -> memref<40x128xf32, #tpu.memory_space<vmem>>
      %dma_wait3A_359 = arith.constant 0 : i32
      %dma_wait3A_360 = tpu.memref_slice %arg3[%add3A_231, %dma_wait3A_359] : memref<96000x128xf32, #tpu.memory_space<hbm>> -> memref<40x128xf32, #tpu.memory_space<hbm>>
      tpu.wait_dma2 semaphore(%arg19 : memref<!tpu.dma_semaphore, #tpu.memory_space<semaphore_mem>>) src(%dma_wait3A_360 : memref<40x128xf32, #tpu.memory_space<hbm>>) dst(%dma_wait3A_358 : memref<40x128xf32, #tpu.memory_space<vmem>>)
      %dma_start3A_361 = arith.constant 0 : i32
      %dma_start3A_362 = arith.constant 0 : i32
      %dma_start3A_363 = tpu.memref_slice %arg15[%dma_start3A_361, %dma_start3A_362] : memref<80x128xf32, #tpu.memory_space<vmem>> -> memref<40x128xf32, #tpu.memory_space<vmem>>
      %dma_start3A_364 = arith.constant 0 : i32
      %dma_start3A_365 = arith.constant 0 : i32
      %dma_start3A_366 = tpu.memref_slice %arg17[%dma_start3A_364, %dma_start3A_365] : memref<10240x128xf32, #tpu.memory_space<vmem_shared>> -> memref<10240x128xf32, #tpu.memory_space<vmem_shared>>
      tpu.enqueue_indirect_dma source(%dma_start3A_363 : memref<40x128xf32, #tpu.memory_space<vmem>>) target(%dma_start3A_366 : memref<10240x128xf32, #tpu.memory_space<vmem_shared>>) offsets(%arg13 : memref<40xi32, #tpu.memory_space<vmem>>) semaphore(%arg21 : memref<!tpu.dma_semaphore, #tpu.memory_space<semaphore_mem>>) {add = true}
      %gt3A_367 = arith.constant 0 : i32
      %gt3A_368 = arith.cmpi sgt, %add3A_348, %gt3A_367 : i32
      %convert_element_type3A_369 = arith.extui %gt3A_368 : i1 to i32
      %cond3A_370 = arith.constant 0 : i32
      %cond3A_371 = arith.cmpi ne, %convert_element_type3A_369, %cond3A_370 : i32
      scf.if %cond3A_371 {
        %dma_wait3A_379 = arith.constant 0 : i32
        %dma_wait3A_380 = arith.constant 0 : i32
        %dma_wait3A_381 = tpu.memref_slice %arg14[%dma_wait3A_379, %dma_wait3A_380] : memref<80x128xf32, #tpu.memory_space<vmem>> -> memref<40x128xf32, #tpu.memory_space<vmem>>
        %dma_wait3A_382 = arith.constant 0 : i32
        %dma_wait3A_383 = arith.constant 0 : i32
        %dma_wait3A_384 = tpu.memref_slice %arg17[%dma_wait3A_382, %dma_wait3A_383] : memref<10240x128xf32, #tpu.memory_space<vmem_shared>> -> memref<10240x128xf32, #tpu.memory_space<vmem_shared>>
        tpu.wait_indirect_dma semaphore(%arg20 : memref<!tpu.dma_semaphore, #tpu.memory_space<semaphore_mem>>) src(%dma_wait3A_381 : memref<40x128xf32, #tpu.memory_space<vmem>>) dst(%dma_wait3A_384 : memref<10240x128xf32, #tpu.memory_space<vmem_shared>>)
      } else {
      }
      %add3A_372 = arith.constant 1 : i32
      %add3A_373 = arith.addi %add3A_348, %add3A_372 : i32
      %lt3A_374 = arith.constant 75 : i32
      %lt3A_375 = arith.cmpi slt, %add3A_373, %lt3A_374 : i32
      %convert_element_type3A_376 = arith.extui %lt3A_375 : i1 to i32
      %cond3A_377 = arith.constant 0 : i32
      %cond3A_378 = arith.cmpi ne, %convert_element_type3A_376, %cond3A_377 : i32
      scf.if %cond3A_378 {
        %add3A_379 = arith.constant 1 : i32
        %add3A_380 = arith.addi %add3A_348, %add3A_379 : i32
        %mul3A_381 = arith.constant 40 : i32
        %mul3A_382 = arith.muli %add3A_380, %mul3A_381 : i32
        %add3A_383 = arith.addi %add3A_231, %mul3A_382 : i32
        %dma_start3A_384 = tpu.memref_slice %arg4[%add3A_383] : memref<96000xi32, #tpu.memory_space<hbm>> -> memref<40xi32, #tpu.memory_space<hbm>>
        %dma_start3A_385 = tpu.memref_slice %arg4[%add3A_383] : memref<96000xi32, #tpu.memory_space<hbm>> -> memref<40xi32, #tpu.memory_space<hbm>>
        tpu.enqueue_dma source(%dma_start3A_385 : memref<40xi32, #tpu.memory_space<hbm>>) target(%arg11 : memref<40xi32, #tpu.memory_space<vmem>>) target_semaphore(%arg18 : memref<!tpu.dma_semaphore, #tpu.memory_space<semaphore_mem>>)
        %dma_start3A_386 = arith.constant 0 : i32
        %dma_start3A_387 = arith.constant 0 : i32
        %dma_start3A_388 = tpu.memref_slice %arg14[%dma_start3A_386, %dma_start3A_387] : memref<80x128xf32, #tpu.memory_space<vmem>> -> memref<40x128xf32, #tpu.memory_space<vmem>>
        %dma_start3A_389 = arith.constant 0 : i32
        %dma_start3A_390 = tpu.memref_slice %arg3[%add3A_383, %dma_start3A_389] : memref<96000x128xf32, #tpu.memory_space<hbm>> -> memref<40x128xf32, #tpu.memory_space<hbm>>
        %dma_start3A_391 = arith.constant 0 : i32
        %dma_start3A_392 = arith.constant 0 : i32
        %dma_start3A_393 = tpu.memref_slice %arg14[%dma_start3A_391, %dma_start3A_392] : memref<80x128xf32, #tpu.memory_space<vmem>> -> memref<40x128xf32, #tpu.memory_space<vmem>>
        %dma_start3A_394 = arith.constant 0 : i32
        %dma_start3A_395 = tpu.memref_slice %arg3[%add3A_383, %dma_start3A_394] : memref<96000x128xf32, #tpu.memory_space<hbm>> -> memref<40x128xf32, #tpu.memory_space<hbm>>
        tpu.enqueue_dma source(%dma_start3A_395 : memref<40x128xf32, #tpu.memory_space<hbm>>) target(%dma_start3A_393 : memref<40x128xf32, #tpu.memory_space<vmem>>) target_semaphore(%arg18 : memref<!tpu.dma_semaphore, #tpu.memory_space<semaphore_mem>>)
      } else {
      }
    }
    %scan3A_251 = arith.constant 37 : i32
    %dma_wait3A_252 = tpu.memref_slice %arg4[%add3A_231] : memref<96000xi32, #tpu.memory_space<hbm>> -> memref<40xi32, #tpu.memory_space<hbm>>
    %dma_wait3A_253 = tpu.memref_slice %arg4[%add3A_231] : memref<96000xi32, #tpu.memory_space<hbm>> -> memref<40xi32, #tpu.memory_space<hbm>>
    tpu.wait_dma2 semaphore(%arg18 : memref<!tpu.dma_semaphore, #tpu.memory_space<semaphore_mem>>) src(%dma_wait3A_253 : memref<40xi32, #tpu.memory_space<hbm>>) dst(%arg11 : memref<40xi32, #tpu.memory_space<vmem>>)
    %dma_wait3A_254 = arith.constant 0 : i32
    %dma_wait3A_255 = arith.constant 0 : i32
    %dma_wait3A_256 = tpu.memref_slice %arg14[%dma_wait3A_254, %dma_wait3A_255] : memref<80x128xf32, #tpu.memory_space<vmem>> -> memref<40x128xf32, #tpu.memory_space<vmem>>
    %dma_wait3A_257 = arith.constant 0 : i32
    %dma_wait3A_258 = tpu.memref_slice %arg3[%add3A_231, %dma_wait3A_257] : memref<96000x128xf32, #tpu.memory_space<hbm>> -> memref<40x128xf32, #tpu.memory_space<hbm>>
    %dma_wait3A_259 = arith.constant 0 : i32
    %dma_wait3A_260 = arith.constant 0 : i32
    %dma_wait3A_261 = tpu.memref_slice %arg14[%dma_wait3A_259, %dma_wait3A_260] : memref<80x128xf32, #tpu.memory_space<vmem>> -> memref<40x128xf32, #tpu.memory_space<vmem>>
    %dma_wait3A_262 = arith.constant 0 : i32
    %dma_wait3A_263 = tpu.memref_slice %arg3[%add3A_231, %dma_wait3A_262] : memref<96000x128xf32, #tpu.memory_space<hbm>> -> memref<40x128xf32, #tpu.memory_space<hbm>>
    tpu.wait_dma2 semaphore(%arg18 : memref<!tpu.dma_semaphore, #tpu.memory_space<semaphore_mem>>) src(%dma_wait3A_263 : memref<40x128xf32, #tpu.memory_space<hbm>>) dst(%dma_wait3A_261 : memref<40x128xf32, #tpu.memory_space<vmem>>)
    %dma_start3A_264 = arith.constant 0 : i32
    %dma_start3A_265 = arith.constant 0 : i32
    %dma_start3A_266 = tpu.memref_slice %arg14[%dma_start3A_264, %dma_start3A_265] : memref<80x128xf32, #tpu.memory_space<vmem>> -> memref<40x128xf32, #tpu.memory_space<vmem>>
    %dma_start3A_267 = arith.constant 0 : i32
    %dma_start3A_268 = arith.constant 0 : i32
    %dma_start3A_269 = tpu.memref_slice %arg17[%dma_start3A_267, %dma_start3A_268] : memref<10240x128xf32, #tpu.memory_space<vmem_shared>> -> memref<10240x128xf32, #tpu.memory_space<vmem_shared>>
    tpu.enqueue_indirect_dma source(%dma_start3A_266 : memref<40x128xf32, #tpu.memory_space<vmem>>) target(%dma_start3A_269 : memref<10240x128xf32, #tpu.memory_space<vmem_shared>>) offsets(%arg11 : memref<40xi32, #tpu.memory_space<vmem>>) semaphore(%arg20 : memref<!tpu.dma_semaphore, #tpu.memory_space<semaphore_mem>>) {add = true}
    %dma_wait3A_270 = arith.constant 0 : i32
    %dma_wait3A_271 = arith.constant 0 : i32
    %dma_wait3A_272 = tpu.memref_slice %arg15[%dma_wait3A_270, %dma_wait3A_271] : memref<80x128xf32, #tpu.memory_space<vmem>> -> memref<40x128xf32, #tpu.memory_space<vmem>>
    %dma_wait3A_273 = arith.constant 0 : i32
    %dma_wait3A_274 = arith.constant 0 : i32
    %dma_wait3A_275 = tpu.memref_slice %arg17[%dma_wait3A_273, %dma_wait3A_274] : memref<10240x128xf32, #tpu.memory_space<vmem_shared>> -> memref<10240x128xf32, #tpu.memory_space<vmem_shared>>
    tpu.wait_indirect_dma semaphore(%arg21 : memref<!tpu.dma_semaphore, #tpu.memory_space<semaphore_mem>>) src(%dma_wait3A_272 : memref<40x128xf32, #tpu.memory_space<vmem>>) dst(%dma_wait3A_275 : memref<10240x128xf32, #tpu.memory_space<vmem_shared>>)
    %dma_wait3A_276 = arith.constant 0 : i32
    %dma_wait3A_277 = arith.constant 0 : i32
    %dma_wait3A_278 = tpu.memref_slice %arg14[%dma_wait3A_276, %dma_wait3A_277] : memref<80x128xf32, #tpu.memory_space<vmem>> -> memref<40x128xf32, #tpu.memory_space<vmem>>
    %dma_wait3A_279 = arith.constant 0 : i32
    %dma_wait3A_280 = arith.constant 0 : i32
    %dma_wait3A_281 = tpu.memref_slice %arg17[%dma_wait3A_279, %dma_wait3A_280] : memref<10240x128xf32, #tpu.memory_space<vmem_shared>> -> memref<10240x128xf32, #tpu.memory_space<vmem_shared>>
    tpu.wait_indirect_dma semaphore(%arg20 : memref<!tpu.dma_semaphore, #tpu.memory_space<semaphore_mem>>) src(%dma_wait3A_278 : memref<40x128xf32, #tpu.memory_space<vmem>>) dst(%dma_wait3A_281 : memref<10240x128xf32, #tpu.memory_space<vmem_shared>>)
    %mul3A_282 = arith.constant 32000 : i32
    %mul3A_283 = arith.muli %arg0, %mul3A_282 : i32
    %mul3A_284 = arith.constant 2000 : i32
    %mul3A_285 = arith.muli %arg1, %mul3A_284 : i32
    %add3A_286 = arith.addi %mul3A_283, %mul3A_285 : i32
    %add3A_287 = arith.constant 0 : i32
    %add3A_288 = arith.addi %add3A_286, %add3A_287 : i32
    %dma_start3A_289 = tpu.memref_slice %arg7[%add3A_288] : memref<64000xi32, #tpu.memory_space<hbm>> -> memref<40xi32, #tpu.memory_space<hbm>>
    %dma_start3A_290 = tpu.memref_slice %arg7[%add3A_288] : memref<64000xi32, #tpu.memory_space<hbm>> -> memref<40xi32, #tpu.memory_space<hbm>>
    tpu.enqueue_dma source(%dma_start3A_290 : memref<40xi32, #tpu.memory_space<hbm>>) target(%arg11 : memref<40xi32, #tpu.memory_space<vmem>>) target_semaphore(%arg18 : memref<!tpu.dma_semaphore, #tpu.memory_space<semaphore_mem>>)
    %dma_start3A_291 = arith.constant 0 : i32
    %dma_start3A_292 = arith.constant 0 : i32
    %dma_start3A_293 = tpu.memref_slice %arg14[%dma_start3A_291, %dma_start3A_292] : memref<80x128xf32, #tpu.memory_space<vmem>> -> memref<40x128xf32, #tpu.memory_space<vmem>>
    %dma_start3A_294 = arith.constant 0 : i32
    %dma_start3A_295 = tpu.memref_slice %arg6[%add3A_288, %dma_start3A_294] : memref<64000x128xf32, #tpu.memory_space<hbm>> -> memref<40x128xf32, #tpu.memory_space<hbm>>
    %dma_start3A_296 = arith.constant 0 : i32
    %dma_start3A_297 = arith.constant 0 : i32
    %dma_start3A_298 = tpu.memref_slice %arg14[%dma_start3A_296, %dma_start3A_297] : memref<80x128xf32, #tpu.memory_space<vmem>> -> memref<40x128xf32, #tpu.memory_space<vmem>>
    %dma_start3A_299 = arith.constant 0 : i32
    %dma_start3A_300 = tpu.memref_slice %arg6[%add3A_288, %dma_start3A_299] : memref<64000x128xf32, #tpu.memory_space<hbm>> -> memref<40x128xf32, #tpu.memory_space<hbm>>
    tpu.enqueue_dma source(%dma_start3A_300 : memref<40x128xf32, #tpu.memory_space<hbm>>) target(%dma_start3A_298 : memref<40x128xf32, #tpu.memory_space<vmem>>) target_semaphore(%arg18 : memref<!tpu.dma_semaphore, #tpu.memory_space<semaphore_mem>>)
    %scan3A_301 = arith.constant 0 : i32
    %scan3A_302 = arith.constant 0 : i32
    %scan3A_303 = arith.constant 25 : i32
    %scan3A_304 = arith.addi %scan3A_302, %scan3A_303 : i32
    %scan3A_305 = arith.constant 1 : i32
    scf.for %scan3A_314 = %scan3A_302 to %scan3A_304 step %scan3A_305  : i32 {
      %mul3A_315 = arith.constant 2 : i32
      %mul3A_316 = arith.muli %mul3A_315, %scan3A_314 : i32
      %add3A_317 = arith.constant 0 : i32
      %add3A_318 = arith.addi %mul3A_316, %add3A_317 : i32
      %dma_wait3A_319 = tpu.memref_slice %arg7[%add3A_286] : memref<64000xi32, #tpu.memory_space<hbm>> -> memref<40xi32, #tpu.memory_space<hbm>>
      %dma_wait3A_320 = tpu.memref_slice %arg7[%add3A_286] : memref<64000xi32, #tpu.memory_space<hbm>> -> memref<40xi32, #tpu.memory_space<hbm>>
      tpu.wait_dma2 semaphore(%arg18 : memref<!tpu.dma_semaphore, #tpu.memory_space<semaphore_mem>>) src(%dma_wait3A_320 : memref<40xi32, #tpu.memory_space<hbm>>) dst(%arg11 : memref<40xi32, #tpu.memory_space<vmem>>)
      %dma_wait3A_321 = arith.constant 0 : i32
      %dma_wait3A_322 = arith.constant 0 : i32
      %dma_wait3A_323 = tpu.memref_slice %arg14[%dma_wait3A_321, %dma_wait3A_322] : memref<80x128xf32, #tpu.memory_space<vmem>> -> memref<40x128xf32, #tpu.memory_space<vmem>>
      %dma_wait3A_324 = arith.constant 0 : i32
      %dma_wait3A_325 = tpu.memref_slice %arg6[%add3A_286, %dma_wait3A_324] : memref<64000x128xf32, #tpu.memory_space<hbm>> -> memref<40x128xf32, #tpu.memory_space<hbm>>
      %dma_wait3A_326 = arith.constant 0 : i32
      %dma_wait3A_327 = arith.constant 0 : i32
      %dma_wait3A_328 = tpu.memref_slice %arg14[%dma_wait3A_326, %dma_wait3A_327] : memref<80x128xf32, #tpu.memory_space<vmem>> -> memref<40x128xf32, #tpu.memory_space<vmem>>
      %dma_wait3A_329 = arith.constant 0 : i32
      %dma_wait3A_330 = tpu.memref_slice %arg6[%add3A_286, %dma_wait3A_329] : memref<64000x128xf32, #tpu.memory_space<hbm>> -> memref<40x128xf32, #tpu.memory_space<hbm>>
      tpu.wait_dma2 semaphore(%arg18 : memref<!tpu.dma_semaphore, #tpu.memory_space<semaphore_mem>>) src(%dma_wait3A_330 : memref<40x128xf32, #tpu.memory_space<hbm>>) dst(%dma_wait3A_328 : memref<40x128xf32, #tpu.memory_space<vmem>>)
      %dma_start3A_331 = arith.constant 0 : i32
      %dma_start3A_332 = arith.constant 0 : i32
      %dma_start3A_333 = tpu.memref_slice %arg14[%dma_start3A_331, %dma_start3A_332] : memref<80x128xf32, #tpu.memory_space<vmem>> -> memref<40x128xf32, #tpu.memory_space<vmem>>
      %dma_start3A_334 = arith.constant 0 : i32
      %dma_start3A_335 = arith.constant 0 : i32
      %dma_start3A_336 = tpu.memref_slice %arg17[%dma_start3A_334, %dma_start3A_335] : memref<10240x128xf32, #tpu.memory_space<vmem_shared>> -> memref<10240x128xf32, #tpu.memory_space<vmem_shared>>
      tpu.enqueue_indirect_dma source(%dma_start3A_333 : memref<40x128xf32, #tpu.memory_space<vmem>>) target(%dma_start3A_336 : memref<10240x128xf32, #tpu.memory_space<vmem_shared>>) offsets(%arg11 : memref<40xi32, #tpu.memory_space<vmem>>) semaphore(%arg20 : memref<!tpu.dma_semaphore, #tpu.memory_space<semaphore_mem>>) {add = true}
      %gt3A = arith.constant 0 : i32
      %gt3A_337 = arith.cmpi sgt, %add3A_318, %gt3A : i32
      %convert_element_type3A = arith.extui %gt3A_337 : i1 to i32
      %cond3A = arith.constant 0 : i32
      %cond3A_338 = arith.cmpi ne, %convert_element_type3A, %cond3A : i32
      scf.if %cond3A_338 {
        %dma_wait3A_379 = arith.constant 0 : i32
        %dma_wait3A_380 = arith.constant 0 : i32
        %dma_wait3A_381 = tpu.memref_slice %arg15[%dma_wait3A_379, %dma_wait3A_380] : memref<80x128xf32, #tpu.memory_space<vmem>> -> memref<40x128xf32, #tpu.memory_space<vmem>>
        %dma_wait3A_382 = arith.constant 0 : i32
        %dma_wait3A_383 = arith.constant 0 : i32
        %dma_wait3A_384 = tpu.memref_slice %arg17[%dma_wait3A_382, %dma_wait3A_383] : memref<10240x128xf32, #tpu.memory_space<vmem_shared>> -> memref<10240x128xf32, #tpu.memory_space<vmem_shared>>
        tpu.wait_indirect_dma semaphore(%arg21 : memref<!tpu.dma_semaphore, #tpu.memory_space<semaphore_mem>>) src(%dma_wait3A_381 : memref<40x128xf32, #tpu.memory_space<vmem>>) dst(%dma_wait3A_384 : memref<10240x128xf32, #tpu.memory_space<vmem_shared>>)
      } else {
      }
      %add3A_339 = arith.constant 1 : i32
      %add3A_340 = arith.addi %add3A_318, %add3A_339 : i32
      %lt3A = arith.constant 50 : i32
      %lt3A_341 = arith.cmpi slt, %add3A_340, %lt3A : i32
      %convert_element_type3A_342 = arith.extui %lt3A_341 : i1 to i32
      %cond3A_343 = arith.constant 0 : i32
      %cond3A_344 = arith.cmpi ne, %convert_element_type3A_342, %cond3A_343 : i32
      scf.if %cond3A_344 {
        %add3A_379 = arith.constant 1 : i32
        %add3A_380 = arith.addi %add3A_318, %add3A_379 : i32
        %mul3A_381 = arith.constant 40 : i32
        %mul3A_382 = arith.muli %add3A_380, %mul3A_381 : i32
        %add3A_383 = arith.addi %add3A_286, %mul3A_382 : i32
        %dma_start3A_384 = tpu.memref_slice %arg7[%add3A_383] : memref<64000xi32, #tpu.memory_space<hbm>> -> memref<40xi32, #tpu.memory_space<hbm>>
        %dma_start3A_385 = tpu.memref_slice %arg7[%add3A_383] : memref<64000xi32, #tpu.memory_space<hbm>> -> memref<40xi32, #tpu.memory_space<hbm>>
        tpu.enqueue_dma source(%dma_start3A_385 : memref<40xi32, #tpu.memory_space<hbm>>) target(%arg13 : memref<40xi32, #tpu.memory_space<vmem>>) target_semaphore(%arg19 : memref<!tpu.dma_semaphore, #tpu.memory_space<semaphore_mem>>)
        %dma_start3A_386 = arith.constant 0 : i32
        %dma_start3A_387 = arith.constant 0 : i32
        %dma_start3A_388 = tpu.memref_slice %arg15[%dma_start3A_386, %dma_start3A_387] : memref<80x128xf32, #tpu.memory_space<vmem>> -> memref<40x128xf32, #tpu.memory_space<vmem>>
        %dma_start3A_389 = arith.constant 0 : i32
        %dma_start3A_390 = tpu.memref_slice %arg6[%add3A_383, %dma_start3A_389] : memref<64000x128xf32, #tpu.memory_space<hbm>> -> memref<40x128xf32, #tpu.memory_space<hbm>>
        %dma_start3A_391 = arith.constant 0 : i32
        %dma_start3A_392 = arith.constant 0 : i32
        %dma_start3A_393 = tpu.memref_slice %arg15[%dma_start3A_391, %dma_start3A_392] : memref<80x128xf32, #tpu.memory_space<vmem>> -> memref<40x128xf32, #tpu.memory_space<vmem>>
        %dma_start3A_394 = arith.constant 0 : i32
        %dma_start3A_395 = tpu.memref_slice %arg6[%add3A_383, %dma_start3A_394] : memref<64000x128xf32, #tpu.memory_space<hbm>> -> memref<40x128xf32, #tpu.memory_space<hbm>>
        tpu.enqueue_dma source(%dma_start3A_395 : memref<40x128xf32, #tpu.memory_space<hbm>>) target(%dma_start3A_393 : memref<40x128xf32, #tpu.memory_space<vmem>>) target_semaphore(%arg19 : memref<!tpu.dma_semaphore, #tpu.memory_space<semaphore_mem>>)
      } else {
      }
      %mul3A_345 = arith.constant 2 : i32
      %mul3A_346 = arith.muli %mul3A_345, %scan3A_314 : i32
      %add3A_347 = arith.constant 1 : i32
      %add3A_348 = arith.addi %mul3A_346, %add3A_347 : i32
      %dma_wait3A_349 = tpu.memref_slice %arg7[%add3A_286] : memref<64000xi32, #tpu.memory_space<hbm>> -> memref<40xi32, #tpu.memory_space<hbm>>
      %dma_wait3A_350 = tpu.memref_slice %arg7[%add3A_286] : memref<64000xi32, #tpu.memory_space<hbm>> -> memref<40xi32, #tpu.memory_space<hbm>>
      tpu.wait_dma2 semaphore(%arg19 : memref<!tpu.dma_semaphore, #tpu.memory_space<semaphore_mem>>) src(%dma_wait3A_350 : memref<40xi32, #tpu.memory_space<hbm>>) dst(%arg13 : memref<40xi32, #tpu.memory_space<vmem>>)
      %dma_wait3A_351 = arith.constant 0 : i32
      %dma_wait3A_352 = arith.constant 0 : i32
      %dma_wait3A_353 = tpu.memref_slice %arg15[%dma_wait3A_351, %dma_wait3A_352] : memref<80x128xf32, #tpu.memory_space<vmem>> -> memref<40x128xf32, #tpu.memory_space<vmem>>
      %dma_wait3A_354 = arith.constant 0 : i32
      %dma_wait3A_355 = tpu.memref_slice %arg6[%add3A_286, %dma_wait3A_354] : memref<64000x128xf32, #tpu.memory_space<hbm>> -> memref<40x128xf32, #tpu.memory_space<hbm>>
      %dma_wait3A_356 = arith.constant 0 : i32
      %dma_wait3A_357 = arith.constant 0 : i32
      %dma_wait3A_358 = tpu.memref_slice %arg15[%dma_wait3A_356, %dma_wait3A_357] : memref<80x128xf32, #tpu.memory_space<vmem>> -> memref<40x128xf32, #tpu.memory_space<vmem>>
      %dma_wait3A_359 = arith.constant 0 : i32
      %dma_wait3A_360 = tpu.memref_slice %arg6[%add3A_286, %dma_wait3A_359] : memref<64000x128xf32, #tpu.memory_space<hbm>> -> memref<40x128xf32, #tpu.memory_space<hbm>>
      tpu.wait_dma2 semaphore(%arg19 : memref<!tpu.dma_semaphore, #tpu.memory_space<semaphore_mem>>) src(%dma_wait3A_360 : memref<40x128xf32, #tpu.memory_space<hbm>>) dst(%dma_wait3A_358 : memref<40x128xf32, #tpu.memory_space<vmem>>)
      %dma_start3A_361 = arith.constant 0 : i32
      %dma_start3A_362 = arith.constant 0 : i32
      %dma_start3A_363 = tpu.memref_slice %arg15[%dma_start3A_361, %dma_start3A_362] : memref<80x128xf32, #tpu.memory_space<vmem>> -> memref<40x128xf32, #tpu.memory_space<vmem>>
      %dma_start3A_364 = arith.constant 0 : i32
      %dma_start3A_365 = arith.constant 0 : i32
      %dma_start3A_366 = tpu.memref_slice %arg17[%dma_start3A_364, %dma_start3A_365] : memref<10240x128xf32, #tpu.memory_space<vmem_shared>> -> memref<10240x128xf32, #tpu.memory_space<vmem_shared>>
      tpu.enqueue_indirect_dma source(%dma_start3A_363 : memref<40x128xf32, #tpu.memory_space<vmem>>) target(%dma_start3A_366 : memref<10240x128xf32, #tpu.memory_space<vmem_shared>>) offsets(%arg13 : memref<40xi32, #tpu.memory_space<vmem>>) semaphore(%arg21 : memref<!tpu.dma_semaphore, #tpu.memory_space<semaphore_mem>>) {add = true}
      %gt3A_367 = arith.constant 0 : i32
      %gt3A_368 = arith.cmpi sgt, %add3A_348, %gt3A_367 : i32
      %convert_element_type3A_369 = arith.extui %gt3A_368 : i1 to i32
      %cond3A_370 = arith.constant 0 : i32
      %cond3A_371 = arith.cmpi ne, %convert_element_type3A_369, %cond3A_370 : i32
      scf.if %cond3A_371 {
        %dma_wait3A_379 = arith.constant 0 : i32
        %dma_wait3A_380 = arith.constant 0 : i32
        %dma_wait3A_381 = tpu.memref_slice %arg14[%dma_wait3A_379, %dma_wait3A_380] : memref<80x128xf32, #tpu.memory_space<vmem>> -> memref<40x128xf32, #tpu.memory_space<vmem>>
        %dma_wait3A_382 = arith.constant 0 : i32
        %dma_wait3A_383 = arith.constant 0 : i32
        %dma_wait3A_384 = tpu.memref_slice %arg17[%dma_wait3A_382, %dma_wait3A_383] : memref<10240x128xf32, #tpu.memory_space<vmem_shared>> -> memref<10240x128xf32, #tpu.memory_space<vmem_shared>>
        tpu.wait_indirect_dma semaphore(%arg20 : memref<!tpu.dma_semaphore, #tpu.memory_space<semaphore_mem>>) src(%dma_wait3A_381 : memref<40x128xf32, #tpu.memory_space<vmem>>) dst(%dma_wait3A_384 : memref<10240x128xf32, #tpu.memory_space<vmem_shared>>)
      } else {
      }
      %add3A_372 = arith.constant 1 : i32
      %add3A_373 = arith.addi %add3A_348, %add3A_372 : i32
      %lt3A_374 = arith.constant 50 : i32
      %lt3A_375 = arith.cmpi slt, %add3A_373, %lt3A_374 : i32
      %convert_element_type3A_376 = arith.extui %lt3A_375 : i1 to i32
      %cond3A_377 = arith.constant 0 : i32
      %cond3A_378 = arith.cmpi ne, %convert_element_type3A_376, %cond3A_377 : i32
      scf.if %cond3A_378 {
        %add3A_379 = arith.constant 1 : i32
        %add3A_380 = arith.addi %add3A_348, %add3A_379 : i32
        %mul3A_381 = arith.constant 40 : i32
        %mul3A_382 = arith.muli %add3A_380, %mul3A_381 : i32
        %add3A_383 = arith.addi %add3A_286, %mul3A_382 : i32
        %dma_start3A_384 = tpu.memref_slice %arg7[%add3A_383] : memref<64000xi32, #tpu.memory_space<hbm>> -> memref<40xi32, #tpu.memory_space<hbm>>
        %dma_start3A_385 = tpu.memref_slice %arg7[%add3A_383] : memref<64000xi32, #tpu.memory_space<hbm>> -> memref<40xi32, #tpu.memory_space<hbm>>
        tpu.enqueue_dma source(%dma_start3A_385 : memref<40xi32, #tpu.memory_space<hbm>>) target(%arg11 : memref<40xi32, #tpu.memory_space<vmem>>) target_semaphore(%arg18 : memref<!tpu.dma_semaphore, #tpu.memory_space<semaphore_mem>>)
        %dma_start3A_386 = arith.constant 0 : i32
        %dma_start3A_387 = arith.constant 0 : i32
        %dma_start3A_388 = tpu.memref_slice %arg14[%dma_start3A_386, %dma_start3A_387] : memref<80x128xf32, #tpu.memory_space<vmem>> -> memref<40x128xf32, #tpu.memory_space<vmem>>
        %dma_start3A_389 = arith.constant 0 : i32
        %dma_start3A_390 = tpu.memref_slice %arg6[%add3A_383, %dma_start3A_389] : memref<64000x128xf32, #tpu.memory_space<hbm>> -> memref<40x128xf32, #tpu.memory_space<hbm>>
        %dma_start3A_391 = arith.constant 0 : i32
        %dma_start3A_392 = arith.constant 0 : i32
        %dma_start3A_393 = tpu.memref_slice %arg14[%dma_start3A_391, %dma_start3A_392] : memref<80x128xf32, #tpu.memory_space<vmem>> -> memref<40x128xf32, #tpu.memory_space<vmem>>
        %dma_start3A_394 = arith.constant 0 : i32
        %dma_start3A_395 = tpu.memref_slice %arg6[%add3A_383, %dma_start3A_394] : memref<64000x128xf32, #tpu.memory_space<hbm>> -> memref<40x128xf32, #tpu.memory_space<hbm>>
        tpu.enqueue_dma source(%dma_start3A_395 : memref<40x128xf32, #tpu.memory_space<hbm>>) target(%dma_start3A_393 : memref<40x128xf32, #tpu.memory_space<vmem>>) target_semaphore(%arg18 : memref<!tpu.dma_semaphore, #tpu.memory_space<semaphore_mem>>)
      } else {
      }
    }
    %scan3A_306 = arith.constant 25 : i32
    %dma_wait3A_307 = arith.constant 0 : i32
    %dma_wait3A_308 = arith.constant 0 : i32
    %dma_wait3A_309 = tpu.memref_slice %arg15[%dma_wait3A_307, %dma_wait3A_308] : memref<80x128xf32, #tpu.memory_space<vmem>> -> memref<40x128xf32, #tpu.memory_space<vmem>>
    %dma_wait3A_310 = arith.constant 0 : i32
    %dma_wait3A_311 = arith.constant 0 : i32
    %dma_wait3A_312 = tpu.memref_slice %arg17[%dma_wait3A_310, %dma_wait3A_311] : memref<10240x128xf32, #tpu.memory_space<vmem_shared>> -> memref<10240x128xf32, #tpu.memory_space<vmem_shared>>
    tpu.wait_indirect_dma semaphore(%arg21 : memref<!tpu.dma_semaphore, #tpu.memory_space<semaphore_mem>>) src(%dma_wait3A_309 : memref<40x128xf32, #tpu.memory_space<vmem>>) dst(%dma_wait3A_312 : memref<10240x128xf32, #tpu.memory_space<vmem_shared>>)
    %barrier3A_313 = arith.constant 0 : index
    tpu.barrier barrier_id(%barrier3A_313)
    "tpu.region"() ({
      %run_scoped3A = tpu.sem_alloc : memref<!tpu.dma_semaphore, #tpu.memory_space<semaphore_mem>>
      %dma_start3A_314 = arith.constant 0 : i32
      %dma_start3A_315 = tpu.memref_slice %arg9[%arg0, %mul3A_0, %dma_start3A_314] : memref<2x10240x128xf32, #tpu.memory_space<hbm>> -> memref<1x640x128xf32, #tpu.memory_space<hbm>>
      %dma_start3A_316 = tpu.memref_squeeze %dma_start3A_315 : memref<1x640x128xf32, #tpu.memory_space<hbm>> -> memref<640x128xf32, #tpu.memory_space<hbm>>
      %dma_start3A_317 = arith.constant 0 : i32
      %dma_start3A_318 = tpu.memref_slice %arg17[%mul3A_0, %dma_start3A_317] : memref<10240x128xf32, #tpu.memory_space<vmem_shared>> -> memref<640x128xf32, #tpu.memory_space<vmem_shared>>
      tpu.enqueue_dma source(%dma_start3A_318 : memref<640x128xf32, #tpu.memory_space<vmem_shared>>) target(%dma_start3A_316 : memref<640x128xf32, #tpu.memory_space<hbm>>) target_semaphore(%run_scoped3A : memref<!tpu.dma_semaphore, #tpu.memory_space<semaphore_mem>>)
      %dma_wait3A_319 = arith.constant 0 : i32
      %dma_wait3A_320 = tpu.memref_slice %arg9[%arg0, %mul3A_0, %dma_wait3A_319] : memref<2x10240x128xf32, #tpu.memory_space<hbm>> -> memref<1x640x128xf32, #tpu.memory_space<hbm>>
      %dma_wait3A_321 = tpu.memref_squeeze %dma_wait3A_320 : memref<1x640x128xf32, #tpu.memory_space<hbm>> -> memref<640x128xf32, #tpu.memory_space<hbm>>
      %dma_wait3A_322 = arith.constant 0 : i32
      %dma_wait3A_323 = tpu.memref_slice %arg17[%mul3A_0, %dma_wait3A_322] : memref<10240x128xf32, #tpu.memory_space<vmem_shared>> -> memref<640x128xf32, #tpu.memory_space<vmem_shared>>
      tpu.wait_dma2 semaphore(%run_scoped3A : memref<!tpu.dma_semaphore, #tpu.memory_space<semaphore_mem>>) src(%dma_wait3A_323 : memref<640x128xf32, #tpu.memory_space<vmem_shared>>) dst(%dma_wait3A_321 : memref<640x128xf32, #tpu.memory_space<hbm>>)
      tpu.yield
    }) : () -> ()
    return
  }
}

#map = affine_map<(d0, d1) -> (0, 0)>
#map1 = affine_map<(d0, d1) -> (0)>
#map2 = affine_map<(d0, d1) -> (0, 0, 0)>
module attributes {stable_mosaic.version = 14 : i64} {
  func.func @k(%arg0: i32, %arg1: i32, %arg2: memref<10000x256xi32, #tpu.memory_space<hbm>>, %arg3: memref<10000x256xi32, #tpu.memory_space<hbm>>, %arg4: memref<10000x128xf32, #tpu.memory_space<hbm>>, %arg5: memref<10000x128xf32, #tpu.memory_space<hbm>>, %arg6: memref<64000xi32, #tpu.memory_space<hbm>>, %arg7: memref<64000xi32, #tpu.memory_space<hbm>>, %arg8: memref<1600x40x256xi32, #tpu.memory_space<hbm>>, %arg9: memref<1600x40x256xi32, #tpu.memory_space<hbm>>, %arg10: memref<1600x40x128xf32, #tpu.memory_space<hbm>>, %arg11: memref<40xi32, #tpu.memory_space<vmem>>, %arg12: memref<40xi32, #tpu.memory_space<vmem>>, %arg13: memref<40xi32, #tpu.memory_space<vmem>>, %arg14: memref<40xi32, #tpu.memory_space<vmem>>, %arg15: memref<40x256xi32, #tpu.memory_space<vmem>>, %arg16: memref<40x256xi32, #tpu.memory_space<vmem>>, %arg17: memref<40x256xi32, #tpu.memory_space<vmem>>, %arg18: memref<40x256xi32, #tpu.memory_space<vmem>>, %arg19: memref<40x128xf32, #tpu.memory_space<vmem>>, %arg20: memref<40x128xf32, #tpu.memory_space<vmem>>, %arg21: memref<40x128xf32, #tpu.memory_space<vmem>>, %arg22: memref<40x128xf32, #tpu.memory_space<vmem>>, %arg23: memref<!tpu.dma_semaphore, #tpu.memory_space<semaphore_mem>>, %arg24: memref<!tpu.dma_semaphore, #tpu.memory_space<semaphore_mem>>, %arg25: memref<!tpu.dma_semaphore, #tpu.memory_space<semaphore_mem>>, %arg26: memref<!tpu.dma_semaphore, #tpu.memory_space<semaphore_mem>>) attributes {dimension_semantics = [#tpu.dimension_semantics<core_parallel>, #tpu.dimension_semantics<subcore_parallel>], iteration_bounds = array<i64: 2, 16>, scalar_prefetch = 0 : i64, scratch_operands = 16 : i64, tpu.core_type = #tpu.core_type<sc_vector_subcore>, window_params = [{transform_indices = #map}, {transform_indices = #map}, {transform_indices = #map}, {transform_indices = #map}, {transform_indices = #map1}, {transform_indices = #map1}, {transform_indices = #map2}, {transform_indices = #map2}, {transform_indices = #map2}]} {
    %mul3A = arith.constant 2 : i32
    %mul3A_0 = arith.muli %arg1, %mul3A : i32
    %add3A = arith.addi %mul3A_0, %arg0 : i32
    %mul3A_1 = arith.constant 2000 : i32
    %mul3A_2 = arith.muli %add3A, %mul3A_1 : i32
    %add3A_3 = arith.constant 0 : i32
    %add3A_4 = arith.addi %mul3A_2, %add3A_3 : i32
    "tpu.region"() ({
      %run_scoped3A = tpu.sem_alloc : memref<!tpu.dma_semaphore, #tpu.memory_space<semaphore_mem>>
      %dma_start3A_47 = tpu.memref_slice %arg6[%add3A_4] : memref<64000xi32, #tpu.memory_space<hbm>> -> memref<40xi32, #tpu.memory_space<hbm>>
      %dma_start3A_48 = tpu.memref_slice %arg6[%add3A_4] : memref<64000xi32, #tpu.memory_space<hbm>> -> memref<40xi32, #tpu.memory_space<hbm>>
      tpu.enqueue_dma source(%dma_start3A_48 : memref<40xi32, #tpu.memory_space<hbm>>) target(%arg11 : memref<40xi32, #tpu.memory_space<vmem>>) target_semaphore(%run_scoped3A : memref<!tpu.dma_semaphore, #tpu.memory_space<semaphore_mem>>)
      %dma_wait3A_49 = tpu.memref_slice %arg6[%add3A_4] : memref<64000xi32, #tpu.memory_space<hbm>> -> memref<40xi32, #tpu.memory_space<hbm>>
      %dma_wait3A_50 = tpu.memref_slice %arg6[%add3A_4] : memref<64000xi32, #tpu.memory_space<hbm>> -> memref<40xi32, #tpu.memory_space<hbm>>
      tpu.wait_dma2 semaphore(%run_scoped3A : memref<!tpu.dma_semaphore, #tpu.memory_space<semaphore_mem>>) src(%dma_wait3A_50 : memref<40xi32, #tpu.memory_space<hbm>>) dst(%arg11 : memref<40xi32, #tpu.memory_space<vmem>>)
      tpu.yield
    }) : () -> ()
    "tpu.region"() ({
      %run_scoped3A = tpu.sem_alloc : memref<!tpu.dma_semaphore, #tpu.memory_space<semaphore_mem>>
      %dma_start3A_47 = tpu.memref_slice %arg7[%add3A_4] : memref<64000xi32, #tpu.memory_space<hbm>> -> memref<40xi32, #tpu.memory_space<hbm>>
      %dma_start3A_48 = tpu.memref_slice %arg7[%add3A_4] : memref<64000xi32, #tpu.memory_space<hbm>> -> memref<40xi32, #tpu.memory_space<hbm>>
      tpu.enqueue_dma source(%dma_start3A_48 : memref<40xi32, #tpu.memory_space<hbm>>) target(%arg13 : memref<40xi32, #tpu.memory_space<vmem>>) target_semaphore(%run_scoped3A : memref<!tpu.dma_semaphore, #tpu.memory_space<semaphore_mem>>)
      %dma_wait3A_49 = tpu.memref_slice %arg7[%add3A_4] : memref<64000xi32, #tpu.memory_space<hbm>> -> memref<40xi32, #tpu.memory_space<hbm>>
      %dma_wait3A_50 = tpu.memref_slice %arg7[%add3A_4] : memref<64000xi32, #tpu.memory_space<hbm>> -> memref<40xi32, #tpu.memory_space<hbm>>
      tpu.wait_dma2 semaphore(%run_scoped3A : memref<!tpu.dma_semaphore, #tpu.memory_space<semaphore_mem>>) src(%dma_wait3A_50 : memref<40xi32, #tpu.memory_space<hbm>>) dst(%arg13 : memref<40xi32, #tpu.memory_space<vmem>>)
      tpu.yield
    }) : () -> ()
    %dma_start3A = arith.constant 0 : i32
    %dma_start3A_5 = arith.constant 0 : i32
    %dma_start3A_6 = tpu.memref_slice %arg2[%dma_start3A, %dma_start3A_5] : memref<10000x256xi32, #tpu.memory_space<hbm>> -> memref<10000x256xi32, #tpu.memory_space<hbm>>
    tpu.enqueue_indirect_dma source(%dma_start3A_6 : memref<10000x256xi32, #tpu.memory_space<hbm>>) target(%arg15 : memref<40x256xi32, #tpu.memory_space<vmem>>) offsets(%arg11 : memref<40xi32, #tpu.memory_space<vmem>>) semaphore(%arg23 : memref<!tpu.dma_semaphore, #tpu.memory_space<semaphore_mem>>)
    %dma_start3A_7 = arith.constant 0 : i32
    %dma_start3A_8 = arith.constant 0 : i32
    %dma_start3A_9 = tpu.memref_slice %arg3[%dma_start3A_7, %dma_start3A_8] : memref<10000x256xi32, #tpu.memory_space<hbm>> -> memref<10000x256xi32, #tpu.memory_space<hbm>>
    tpu.enqueue_indirect_dma source(%dma_start3A_9 : memref<10000x256xi32, #tpu.memory_space<hbm>>) target(%arg17 : memref<40x256xi32, #tpu.memory_space<vmem>>) offsets(%arg13 : memref<40xi32, #tpu.memory_space<vmem>>) semaphore(%arg23 : memref<!tpu.dma_semaphore, #tpu.memory_space<semaphore_mem>>)
    %dma_start3A_10 = arith.constant 0 : i32
    %dma_start3A_11 = arith.constant 0 : i32
    %dma_start3A_12 = tpu.memref_slice %arg4[%dma_start3A_10, %dma_start3A_11] : memref<10000x128xf32, #tpu.memory_space<hbm>> -> memref<10000x128xf32, #tpu.memory_space<hbm>>
    tpu.enqueue_indirect_dma source(%dma_start3A_12 : memref<10000x128xf32, #tpu.memory_space<hbm>>) target(%arg19 : memref<40x128xf32, #tpu.memory_space<vmem>>) offsets(%arg11 : memref<40xi32, #tpu.memory_space<vmem>>) semaphore(%arg23 : memref<!tpu.dma_semaphore, #tpu.memory_space<semaphore_mem>>)
    %dma_start3A_13 = arith.constant 0 : i32
    %dma_start3A_14 = arith.constant 0 : i32
    %dma_start3A_15 = tpu.memref_slice %arg5[%dma_start3A_13, %dma_start3A_14] : memref<10000x128xf32, #tpu.memory_space<hbm>> -> memref<10000x128xf32, #tpu.memory_space<hbm>>
    tpu.enqueue_indirect_dma source(%dma_start3A_15 : memref<10000x128xf32, #tpu.memory_space<hbm>>) target(%arg21 : memref<40x128xf32, #tpu.memory_space<vmem>>) offsets(%arg13 : memref<40xi32, #tpu.memory_space<vmem>>) semaphore(%arg23 : memref<!tpu.dma_semaphore, #tpu.memory_space<semaphore_mem>>)
    %scan3A = arith.constant 0 : i32
    %scan3A_16 = arith.constant 0 : i32
    %scan3A_17 = arith.constant 25 : i32
    %scan3A_18 = arith.addi %scan3A_16, %scan3A_17 : i32
    %scan3A_19 = arith.constant 1 : i32
    scf.for %scan3A_47 = %scan3A_16 to %scan3A_18 step %scan3A_19  : i32 {
      %mul3A_48 = arith.constant 2 : i32
      %mul3A_49 = arith.muli %mul3A_48, %scan3A_47 : i32
      %add3A_50 = arith.constant 0 : i32
      %add3A_51 = arith.addi %mul3A_49, %add3A_50 : i32
      %gt3A = arith.constant 0 : i32
      %gt3A_52 = arith.cmpi sgt, %add3A_51, %gt3A : i32
      %convert_element_type3A = arith.extui %gt3A_52 : i1 to i32
      %cond3A = arith.constant 0 : i32
      %cond3A_53 = arith.cmpi ne, %convert_element_type3A, %cond3A : i32
      scf.if %cond3A_53 {
        %dma_wait3A_166 = arith.constant 0 : i32
        %dma_wait3A_167 = arith.constant 0 : i32
        %dma_wait3A_168 = arith.constant 0 : i32
        %dma_wait3A_169 = tpu.memref_slice %arg8[%dma_wait3A_166, %dma_wait3A_167, %dma_wait3A_168] : memref<1600x40x256xi32, #tpu.memory_space<hbm>> -> memref<1x40x256xi32, #tpu.memory_space<hbm>>
        %dma_wait3A_170 = tpu.memref_squeeze %dma_wait3A_169 : memref<1x40x256xi32, #tpu.memory_space<hbm>> -> memref<40x256xi32, #tpu.memory_space<hbm>>
        %dma_wait3A_171 = arith.constant 0 : i32
        %dma_wait3A_172 = arith.constant 0 : i32
        %dma_wait3A_173 = tpu.memref_slice %arg8[%dma_wait3A_166, %dma_wait3A_171, %dma_wait3A_172] : memref<1600x40x256xi32, #tpu.memory_space<hbm>> -> memref<1x40x256xi32, #tpu.memory_space<hbm>>
        %dma_wait3A_174 = tpu.memref_squeeze %dma_wait3A_173 : memref<1x40x256xi32, #tpu.memory_space<hbm>> -> memref<40x256xi32, #tpu.memory_space<hbm>>
        tpu.wait_dma2 semaphore(%arg26 : memref<!tpu.dma_semaphore, #tpu.memory_space<semaphore_mem>>) src(%arg16 : memref<40x256xi32, #tpu.memory_space<vmem>>) dst(%dma_wait3A_174 : memref<40x256xi32, #tpu.memory_space<hbm>>)
        %dma_wait3A_175 = arith.constant 0 : i32
        %dma_wait3A_176 = arith.constant 0 : i32
        %dma_wait3A_177 = arith.constant 0 : i32
        %dma_wait3A_178 = tpu.memref_slice %arg9[%dma_wait3A_175, %dma_wait3A_176, %dma_wait3A_177] : memref<1600x40x256xi32, #tpu.memory_space<hbm>> -> memref<1x40x256xi32, #tpu.memory_space<hbm>>
        %dma_wait3A_179 = tpu.memref_squeeze %dma_wait3A_178 : memref<1x40x256xi32, #tpu.memory_space<hbm>> -> memref<40x256xi32, #tpu.memory_space<hbm>>
        %dma_wait3A_180 = arith.constant 0 : i32
        %dma_wait3A_181 = arith.constant 0 : i32
        %dma_wait3A_182 = tpu.memref_slice %arg9[%dma_wait3A_175, %dma_wait3A_180, %dma_wait3A_181] : memref<1600x40x256xi32, #tpu.memory_space<hbm>> -> memref<1x40x256xi32, #tpu.memory_space<hbm>>
        %dma_wait3A_183 = tpu.memref_squeeze %dma_wait3A_182 : memref<1x40x256xi32, #tpu.memory_space<hbm>> -> memref<40x256xi32, #tpu.memory_space<hbm>>
        tpu.wait_dma2 semaphore(%arg26 : memref<!tpu.dma_semaphore, #tpu.memory_space<semaphore_mem>>) src(%arg18 : memref<40x256xi32, #tpu.memory_space<vmem>>) dst(%dma_wait3A_183 : memref<40x256xi32, #tpu.memory_space<hbm>>)
        %dma_wait3A_184 = arith.constant 0 : i32
        %dma_wait3A_185 = arith.constant 0 : i32
        %dma_wait3A_186 = arith.constant 0 : i32
        %dma_wait3A_187 = tpu.memref_slice %arg10[%dma_wait3A_184, %dma_wait3A_185, %dma_wait3A_186] : memref<1600x40x128xf32, #tpu.memory_space<hbm>> -> memref<1x40x128xf32, #tpu.memory_space<hbm>>
        %dma_wait3A_188 = tpu.memref_squeeze %dma_wait3A_187 : memref<1x40x128xf32, #tpu.memory_space<hbm>> -> memref<40x128xf32, #tpu.memory_space<hbm>>
        %dma_wait3A_189 = arith.constant 0 : i32
        %dma_wait3A_190 = arith.constant 0 : i32
        %dma_wait3A_191 = tpu.memref_slice %arg10[%dma_wait3A_184, %dma_wait3A_189, %dma_wait3A_190] : memref<1600x40x128xf32, #tpu.memory_space<hbm>> -> memref<1x40x128xf32, #tpu.memory_space<hbm>>
        %dma_wait3A_192 = tpu.memref_squeeze %dma_wait3A_191 : memref<1x40x128xf32, #tpu.memory_space<hbm>> -> memref<40x128xf32, #tpu.memory_space<hbm>>
        tpu.wait_dma2 semaphore(%arg26 : memref<!tpu.dma_semaphore, #tpu.memory_space<semaphore_mem>>) src(%arg20 : memref<40x128xf32, #tpu.memory_space<vmem>>) dst(%dma_wait3A_192 : memref<40x128xf32, #tpu.memory_space<hbm>>)
      } else {
      }
      %add3A_54 = arith.constant 1 : i32
      %add3A_55 = arith.addi %add3A_51, %add3A_54 : i32
      %lt3A = arith.constant 50 : i32
      %lt3A_56 = arith.cmpi slt, %add3A_55, %lt3A : i32
      %convert_element_type3A_57 = arith.extui %lt3A_56 : i1 to i32
      %cond3A_58 = arith.constant 0 : i32
      %cond3A_59 = arith.cmpi ne, %convert_element_type3A_57, %cond3A_58 : i32
      scf.if %cond3A_59 {
        %add3A_166 = arith.constant 1 : i32
        %add3A_167 = arith.addi %add3A_51, %add3A_166 : i32
        %mul3A_168 = arith.constant 40 : i32
        %mul3A_169 = arith.muli %add3A_167, %mul3A_168 : i32
        %add3A_170 = arith.addi %mul3A_2, %mul3A_169 : i32
        "tpu.region"() ({
          %run_scoped3A = tpu.sem_alloc : memref<!tpu.dma_semaphore, #tpu.memory_space<semaphore_mem>>
          %dma_start3A_183 = tpu.memref_slice %arg6[%add3A_170] : memref<64000xi32, #tpu.memory_space<hbm>> -> memref<40xi32, #tpu.memory_space<hbm>>
          %dma_start3A_184 = tpu.memref_slice %arg6[%add3A_170] : memref<64000xi32, #tpu.memory_space<hbm>> -> memref<40xi32, #tpu.memory_space<hbm>>
          tpu.enqueue_dma source(%dma_start3A_184 : memref<40xi32, #tpu.memory_space<hbm>>) target(%arg12 : memref<40xi32, #tpu.memory_space<vmem>>) target_semaphore(%run_scoped3A : memref<!tpu.dma_semaphore, #tpu.memory_space<semaphore_mem>>)
          %dma_wait3A_185 = tpu.memref_slice %arg6[%add3A_170] : memref<64000xi32, #tpu.memory_space<hbm>> -> memref<40xi32, #tpu.memory_space<hbm>>
          %dma_wait3A_186 = tpu.memref_slice %arg6[%add3A_170] : memref<64000xi32, #tpu.memory_space<hbm>> -> memref<40xi32, #tpu.memory_space<hbm>>
          tpu.wait_dma2 semaphore(%run_scoped3A : memref<!tpu.dma_semaphore, #tpu.memory_space<semaphore_mem>>) src(%dma_wait3A_186 : memref<40xi32, #tpu.memory_space<hbm>>) dst(%arg12 : memref<40xi32, #tpu.memory_space<vmem>>)
          tpu.yield
        }) : () -> ()
        "tpu.region"() ({
          %run_scoped3A = tpu.sem_alloc : memref<!tpu.dma_semaphore, #tpu.memory_space<semaphore_mem>>
          %dma_start3A_183 = tpu.memref_slice %arg7[%add3A_170] : memref<64000xi32, #tpu.memory_space<hbm>> -> memref<40xi32, #tpu.memory_space<hbm>>
          %dma_start3A_184 = tpu.memref_slice %arg7[%add3A_170] : memref<64000xi32, #tpu.memory_space<hbm>> -> memref<40xi32, #tpu.memory_space<hbm>>
          tpu.enqueue_dma source(%dma_start3A_184 : memref<40xi32, #tpu.memory_space<hbm>>) target(%arg14 : memref<40xi32, #tpu.memory_space<vmem>>) target_semaphore(%run_scoped3A : memref<!tpu.dma_semaphore, #tpu.memory_space<semaphore_mem>>)
          %dma_wait3A_185 = tpu.memref_slice %arg7[%add3A_170] : memref<64000xi32, #tpu.memory_space<hbm>> -> memref<40xi32, #tpu.memory_space<hbm>>
          %dma_wait3A_186 = tpu.memref_slice %arg7[%add3A_170] : memref<64000xi32, #tpu.memory_space<hbm>> -> memref<40xi32, #tpu.memory_space<hbm>>
          tpu.wait_dma2 semaphore(%run_scoped3A : memref<!tpu.dma_semaphore, #tpu.memory_space<semaphore_mem>>) src(%dma_wait3A_186 : memref<40xi32, #tpu.memory_space<hbm>>) dst(%arg14 : memref<40xi32, #tpu.memory_space<vmem>>)
          tpu.yield
        }) : () -> ()
        %dma_start3A_171 = arith.constant 0 : i32
        %dma_start3A_172 = arith.constant 0 : i32
        %dma_start3A_173 = tpu.memref_slice %arg2[%dma_start3A_171, %dma_start3A_172] : memref<10000x256xi32, #tpu.memory_space<hbm>> -> memref<10000x256xi32, #tpu.memory_space<hbm>>
        tpu.enqueue_indirect_dma source(%dma_start3A_173 : memref<10000x256xi32, #tpu.memory_space<hbm>>) target(%arg16 : memref<40x256xi32, #tpu.memory_space<vmem>>) offsets(%arg12 : memref<40xi32, #tpu.memory_space<vmem>>) semaphore(%arg24 : memref<!tpu.dma_semaphore, #tpu.memory_space<semaphore_mem>>)
        %dma_start3A_174 = arith.constant 0 : i32
        %dma_start3A_175 = arith.constant 0 : i32
        %dma_start3A_176 = tpu.memref_slice %arg3[%dma_start3A_174, %dma_start3A_175] : memref<10000x256xi32, #tpu.memory_space<hbm>> -> memref<10000x256xi32, #tpu.memory_space<hbm>>
        tpu.enqueue_indirect_dma source(%dma_start3A_176 : memref<10000x256xi32, #tpu.memory_space<hbm>>) target(%arg18 : memref<40x256xi32, #tpu.memory_space<vmem>>) offsets(%arg14 : memref<40xi32, #tpu.memory_space<vmem>>) semaphore(%arg24 : memref<!tpu.dma_semaphore, #tpu.memory_space<semaphore_mem>>)
        %dma_start3A_177 = arith.constant 0 : i32
        %dma_start3A_178 = arith.constant 0 : i32
        %dma_start3A_179 = tpu.memref_slice %arg4[%dma_start3A_177, %dma_start3A_178] : memref<10000x128xf32, #tpu.memory_space<hbm>> -> memref<10000x128xf32, #tpu.memory_space<hbm>>
        tpu.enqueue_indirect_dma source(%dma_start3A_179 : memref<10000x128xf32, #tpu.memory_space<hbm>>) target(%arg20 : memref<40x128xf32, #tpu.memory_space<vmem>>) offsets(%arg12 : memref<40xi32, #tpu.memory_space<vmem>>) semaphore(%arg24 : memref<!tpu.dma_semaphore, #tpu.memory_space<semaphore_mem>>)
        %dma_start3A_180 = arith.constant 0 : i32
        %dma_start3A_181 = arith.constant 0 : i32
        %dma_start3A_182 = tpu.memref_slice %arg5[%dma_start3A_180, %dma_start3A_181] : memref<10000x128xf32, #tpu.memory_space<hbm>> -> memref<10000x128xf32, #tpu.memory_space<hbm>>
        tpu.enqueue_indirect_dma source(%dma_start3A_182 : memref<10000x128xf32, #tpu.memory_space<hbm>>) target(%arg22 : memref<40x128xf32, #tpu.memory_space<vmem>>) offsets(%arg14 : memref<40xi32, #tpu.memory_space<vmem>>) semaphore(%arg24 : memref<!tpu.dma_semaphore, #tpu.memory_space<semaphore_mem>>)
      } else {
      }
      %dma_wait3A_60 = arith.constant 0 : i32
      %dma_wait3A_61 = arith.constant 0 : i32
      %dma_wait3A_62 = tpu.memref_slice %arg2[%dma_wait3A_60, %dma_wait3A_61] : memref<10000x256xi32, #tpu.memory_space<hbm>> -> memref<10000x256xi32, #tpu.memory_space<hbm>>
      tpu.wait_indirect_dma semaphore(%arg23 : memref<!tpu.dma_semaphore, #tpu.memory_space<semaphore_mem>>) src(%dma_wait3A_62 : memref<10000x256xi32, #tpu.memory_space<hbm>>) dst(%arg15 : memref<40x256xi32, #tpu.memory_space<vmem>>)
      %dma_wait3A_63 = arith.constant 0 : i32
      %dma_wait3A_64 = arith.constant 0 : i32
      %dma_wait3A_65 = tpu.memref_slice %arg3[%dma_wait3A_63, %dma_wait3A_64] : memref<10000x256xi32, #tpu.memory_space<hbm>> -> memref<10000x256xi32, #tpu.memory_space<hbm>>
      tpu.wait_indirect_dma semaphore(%arg23 : memref<!tpu.dma_semaphore, #tpu.memory_space<semaphore_mem>>) src(%dma_wait3A_65 : memref<10000x256xi32, #tpu.memory_space<hbm>>) dst(%arg17 : memref<40x256xi32, #tpu.memory_space<vmem>>)
      %dma_wait3A_66 = arith.constant 0 : i32
      %dma_wait3A_67 = arith.constant 0 : i32
      %dma_wait3A_68 = tpu.memref_slice %arg4[%dma_wait3A_66, %dma_wait3A_67] : memref<10000x128xf32, #tpu.memory_space<hbm>> -> memref<10000x128xf32, #tpu.memory_space<hbm>>
      tpu.wait_indirect_dma semaphore(%arg23 : memref<!tpu.dma_semaphore, #tpu.memory_space<semaphore_mem>>) src(%dma_wait3A_68 : memref<10000x128xf32, #tpu.memory_space<hbm>>) dst(%arg19 : memref<40x128xf32, #tpu.memory_space<vmem>>)
      %dma_wait3A_69 = arith.constant 0 : i32
      %dma_wait3A_70 = arith.constant 0 : i32
      %dma_wait3A_71 = tpu.memref_slice %arg5[%dma_wait3A_69, %dma_wait3A_70] : memref<10000x128xf32, #tpu.memory_space<hbm>> -> memref<10000x128xf32, #tpu.memory_space<hbm>>
      tpu.wait_indirect_dma semaphore(%arg23 : memref<!tpu.dma_semaphore, #tpu.memory_space<semaphore_mem>>) src(%dma_wait3A_71 : memref<10000x128xf32, #tpu.memory_space<hbm>>) dst(%arg21 : memref<40x128xf32, #tpu.memory_space<vmem>>)
      %scan3A_72 = arith.constant 0 : i32
      %scan3A_73 = arith.constant 0 : i32
      %scan3A_74 = arith.constant 40 : i32
      %scan3A_75 = arith.addi %scan3A_73, %scan3A_74 : i32
      %scan3A_76 = arith.constant 1 : i32
      scf.for %scan3A_166 = %scan3A_73 to %scan3A_75 step %scan3A_76  : i32 {
        %get3A = arith.index_cast %scan3A_166 : i32 to index
        %get3A_167 = arith.constant 0 : index
        %get3A_168 = tpu.vector_load %arg19[%get3A, %get3A_167] {strides = array<i32>} : memref<40x128xf32, #tpu.memory_space<vmem>>, vector<1x16xf32>,
        %get3A_169 = vector.shape_cast %get3A_168 : vector<1x16xf32> to vector<16xf32>
        %get3A_170 = arith.index_cast %scan3A_166 : i32 to index
        %get3A_171 = arith.constant 0 : index
        %get3A_172 = tpu.vector_load %arg21[%get3A_170, %get3A_171] {strides = array<i32>} : memref<40x128xf32, #tpu.memory_space<vmem>>, vector<1x16xf32>,
        %get3A_173 = vector.shape_cast %get3A_172 : vector<1x16xf32> to vector<16xf32>
        %add3A_174 = arith.addf %get3A_169, %get3A_173 : vector<16xf32>
        %swap3A = arith.index_cast %scan3A_166 : i32 to index
        %swap3A_175 = arith.constant 0 : index
        %swap3A_176 = tpu.vector_load %arg19[%swap3A, %swap3A_175] {strides = array<i32>} : memref<40x128xf32, #tpu.memory_space<vmem>>, vector<1x16xf32>,
        %swap3A_177 = vector.shape_cast %swap3A_176 : vector<1x16xf32> to vector<16xf32>
        %swap3A_178 = vector.shape_cast %add3A_174 : vector<16xf32> to vector<1x16xf32>
        tpu.vector_store %arg19[%swap3A, %swap3A_175], %swap3A_178 {strides = array<i32>} : memref<40x128xf32, #tpu.memory_space<vmem>>, vector<1x16xf32>,
      }
      %scan3A_77 = arith.constant 40 : i32
      %mul3A_78 = arith.constant 50 : i32
      %mul3A_79 = arith.muli %add3A, %mul3A_78 : i32
      %add3A_80 = arith.addi %mul3A_79, %add3A_51 : i32
      %dma_start3A_81 = arith.constant 0 : i32
      %dma_start3A_82 = arith.constant 0 : i32
      %dma_start3A_83 = tpu.memref_slice %arg8[%add3A_80, %dma_start3A_81, %dma_start3A_82] : memref<1600x40x256xi32, #tpu.memory_space<hbm>> -> memref<1x40x256xi32, #tpu.memory_space<hbm>>
      %dma_start3A_84 = tpu.memref_squeeze %dma_start3A_83 : memref<1x40x256xi32, #tpu.memory_space<hbm>> -> memref<40x256xi32, #tpu.memory_space<hbm>>
      %dma_start3A_85 = arith.constant 0 : i32
      %dma_start3A_86 = arith.constant 0 : i32
      %dma_start3A_87 = tpu.memref_slice %arg8[%add3A_80, %dma_start3A_85, %dma_start3A_86] : memref<1600x40x256xi32, #tpu.memory_space<hbm>> -> memref<1x40x256xi32, #tpu.memory_space<hbm>>
      %dma_start3A_88 = tpu.memref_squeeze %dma_start3A_87 : memref<1x40x256xi32, #tpu.memory_space<hbm>> -> memref<40x256xi32, #tpu.memory_space<hbm>>
      tpu.enqueue_dma source(%arg15 : memref<40x256xi32, #tpu.memory_space<vmem>>) target(%dma_start3A_88 : memref<40x256xi32, #tpu.memory_space<hbm>>) target_semaphore(%arg25 : memref<!tpu.dma_semaphore, #tpu.memory_space<semaphore_mem>>)
      %dma_start3A_89 = arith.constant 0 : i32
      %dma_start3A_90 = arith.constant 0 : i32
      %dma_start3A_91 = tpu.memref_slice %arg9[%add3A_80, %dma_start3A_89, %dma_start3A_90] : memref<1600x40x256xi32, #tpu.memory_space<hbm>> -> memref<1x40x256xi32, #tpu.memory_space<hbm>>
      %dma_start3A_92 = tpu.memref_squeeze %dma_start3A_91 : memref<1x40x256xi32, #tpu.memory_space<hbm>> -> memref<40x256xi32, #tpu.memory_space<hbm>>
      %dma_start3A_93 = arith.constant 0 : i32
      %dma_start3A_94 = arith.constant 0 : i32
      %dma_start3A_95 = tpu.memref_slice %arg9[%add3A_80, %dma_start3A_93, %dma_start3A_94] : memref<1600x40x256xi32, #tpu.memory_space<hbm>> -> memref<1x40x256xi32, #tpu.memory_space<hbm>>
      %dma_start3A_96 = tpu.memref_squeeze %dma_start3A_95 : memref<1x40x256xi32, #tpu.memory_space<hbm>> -> memref<40x256xi32, #tpu.memory_space<hbm>>
      tpu.enqueue_dma source(%arg17 : memref<40x256xi32, #tpu.memory_space<vmem>>) target(%dma_start3A_96 : memref<40x256xi32, #tpu.memory_space<hbm>>) target_semaphore(%arg25 : memref<!tpu.dma_semaphore, #tpu.memory_space<semaphore_mem>>)
      %dma_start3A_97 = arith.constant 0 : i32
      %dma_start3A_98 = arith.constant 0 : i32
      %dma_start3A_99 = tpu.memref_slice %arg10[%add3A_80, %dma_start3A_97, %dma_start3A_98] : memref<1600x40x128xf32, #tpu.memory_space<hbm>> -> memref<1x40x128xf32, #tpu.memory_space<hbm>>
      %dma_start3A_100 = tpu.memref_squeeze %dma_start3A_99 : memref<1x40x128xf32, #tpu.memory_space<hbm>> -> memref<40x128xf32, #tpu.memory_space<hbm>>
      %dma_start3A_101 = arith.constant 0 : i32
      %dma_start3A_102 = arith.constant 0 : i32
      %dma_start3A_103 = tpu.memref_slice %arg10[%add3A_80, %dma_start3A_101, %dma_start3A_102] : memref<1600x40x128xf32, #tpu.memory_space<hbm>> -> memref<1x40x128xf32, #tpu.memory_space<hbm>>
      %dma_start3A_104 = tpu.memref_squeeze %dma_start3A_103 : memref<1x40x128xf32, #tpu.memory_space<hbm>> -> memref<40x128xf32, #tpu.memory_space<hbm>>
      tpu.enqueue_dma source(%arg19 : memref<40x128xf32, #tpu.memory_space<vmem>>) target(%dma_start3A_104 : memref<40x128xf32, #tpu.memory_space<hbm>>) target_semaphore(%arg25 : memref<!tpu.dma_semaphore, #tpu.memory_space<semaphore_mem>>)
      %mul3A_105 = arith.constant 2 : i32
      %mul3A_106 = arith.muli %mul3A_105, %scan3A_47 : i32
      %add3A_107 = arith.constant 1 : i32
      %add3A_108 = arith.addi %mul3A_106, %add3A_107 : i32
      %gt3A_109 = arith.constant 0 : i32
      %gt3A_110 = arith.cmpi sgt, %add3A_108, %gt3A_109 : i32
      %convert_element_type3A_111 = arith.extui %gt3A_110 : i1 to i32
      %cond3A_112 = arith.constant 0 : i32
      %cond3A_113 = arith.cmpi ne, %convert_element_type3A_111, %cond3A_112 : i32
      scf.if %cond3A_113 {
        %dma_wait3A_166 = arith.constant 0 : i32
        %dma_wait3A_167 = arith.constant 0 : i32
        %dma_wait3A_168 = arith.constant 0 : i32
        %dma_wait3A_169 = tpu.memref_slice %arg8[%dma_wait3A_166, %dma_wait3A_167, %dma_wait3A_168] : memref<1600x40x256xi32, #tpu.memory_space<hbm>> -> memref<1x40x256xi32, #tpu.memory_space<hbm>>
        %dma_wait3A_170 = tpu.memref_squeeze %dma_wait3A_169 : memref<1x40x256xi32, #tpu.memory_space<hbm>> -> memref<40x256xi32, #tpu.memory_space<hbm>>
        %dma_wait3A_171 = arith.constant 0 : i32
        %dma_wait3A_172 = arith.constant 0 : i32
        %dma_wait3A_173 = tpu.memref_slice %arg8[%dma_wait3A_166, %dma_wait3A_171, %dma_wait3A_172] : memref<1600x40x256xi32, #tpu.memory_space<hbm>> -> memref<1x40x256xi32, #tpu.memory_space<hbm>>
        %dma_wait3A_174 = tpu.memref_squeeze %dma_wait3A_173 : memref<1x40x256xi32, #tpu.memory_space<hbm>> -> memref<40x256xi32, #tpu.memory_space<hbm>>
        tpu.wait_dma2 semaphore(%arg25 : memref<!tpu.dma_semaphore, #tpu.memory_space<semaphore_mem>>) src(%arg15 : memref<40x256xi32, #tpu.memory_space<vmem>>) dst(%dma_wait3A_174 : memref<40x256xi32, #tpu.memory_space<hbm>>)
        %dma_wait3A_175 = arith.constant 0 : i32
        %dma_wait3A_176 = arith.constant 0 : i32
        %dma_wait3A_177 = arith.constant 0 : i32
        %dma_wait3A_178 = tpu.memref_slice %arg9[%dma_wait3A_175, %dma_wait3A_176, %dma_wait3A_177] : memref<1600x40x256xi32, #tpu.memory_space<hbm>> -> memref<1x40x256xi32, #tpu.memory_space<hbm>>
        %dma_wait3A_179 = tpu.memref_squeeze %dma_wait3A_178 : memref<1x40x256xi32, #tpu.memory_space<hbm>> -> memref<40x256xi32, #tpu.memory_space<hbm>>
        %dma_wait3A_180 = arith.constant 0 : i32
        %dma_wait3A_181 = arith.constant 0 : i32
        %dma_wait3A_182 = tpu.memref_slice %arg9[%dma_wait3A_175, %dma_wait3A_180, %dma_wait3A_181] : memref<1600x40x256xi32, #tpu.memory_space<hbm>> -> memref<1x40x256xi32, #tpu.memory_space<hbm>>
        %dma_wait3A_183 = tpu.memref_squeeze %dma_wait3A_182 : memref<1x40x256xi32, #tpu.memory_space<hbm>> -> memref<40x256xi32, #tpu.memory_space<hbm>>
        tpu.wait_dma2 semaphore(%arg25 : memref<!tpu.dma_semaphore, #tpu.memory_space<semaphore_mem>>) src(%arg17 : memref<40x256xi32, #tpu.memory_space<vmem>>) dst(%dma_wait3A_183 : memref<40x256xi32, #tpu.memory_space<hbm>>)
        %dma_wait3A_184 = arith.constant 0 : i32
        %dma_wait3A_185 = arith.constant 0 : i32
        %dma_wait3A_186 = arith.constant 0 : i32
        %dma_wait3A_187 = tpu.memref_slice %arg10[%dma_wait3A_184, %dma_wait3A_185, %dma_wait3A_186] : memref<1600x40x128xf32, #tpu.memory_space<hbm>> -> memref<1x40x128xf32, #tpu.memory_space<hbm>>
        %dma_wait3A_188 = tpu.memref_squeeze %dma_wait3A_187 : memref<1x40x128xf32, #tpu.memory_space<hbm>> -> memref<40x128xf32, #tpu.memory_space<hbm>>
        %dma_wait3A_189 = arith.constant 0 : i32
        %dma_wait3A_190 = arith.constant 0 : i32
        %dma_wait3A_191 = tpu.memref_slice %arg10[%dma_wait3A_184, %dma_wait3A_189, %dma_wait3A_190] : memref<1600x40x128xf32, #tpu.memory_space<hbm>> -> memref<1x40x128xf32, #tpu.memory_space<hbm>>
        %dma_wait3A_192 = tpu.memref_squeeze %dma_wait3A_191 : memref<1x40x128xf32, #tpu.memory_space<hbm>> -> memref<40x128xf32, #tpu.memory_space<hbm>>
        tpu.wait_dma2 semaphore(%arg25 : memref<!tpu.dma_semaphore, #tpu.memory_space<semaphore_mem>>) src(%arg19 : memref<40x128xf32, #tpu.memory_space<vmem>>) dst(%dma_wait3A_192 : memref<40x128xf32, #tpu.memory_space<hbm>>)
      } else {
      }
      %add3A_114 = arith.constant 1 : i32
      %add3A_115 = arith.addi %add3A_108, %add3A_114 : i32
      %lt3A_116 = arith.constant 50 : i32
      %lt3A_117 = arith.cmpi slt, %add3A_115, %lt3A_116 : i32
      %convert_element_type3A_118 = arith.extui %lt3A_117 : i1 to i32
      %cond3A_119 = arith.constant 0 : i32
      %cond3A_120 = arith.cmpi ne, %convert_element_type3A_118, %cond3A_119 : i32
      scf.if %cond3A_120 {
        %add3A_166 = arith.constant 1 : i32
        %add3A_167 = arith.addi %add3A_108, %add3A_166 : i32
        %mul3A_168 = arith.constant 40 : i32
        %mul3A_169 = arith.muli %add3A_167, %mul3A_168 : i32
        %add3A_170 = arith.addi %mul3A_2, %mul3A_169 : i32
        "tpu.region"() ({
          %run_scoped3A = tpu.sem_alloc : memref<!tpu.dma_semaphore, #tpu.memory_space<semaphore_mem>>
          %dma_start3A_183 = tpu.memref_slice %arg6[%add3A_170] : memref<64000xi32, #tpu.memory_space<hbm>> -> memref<40xi32, #tpu.memory_space<hbm>>
          %dma_start3A_184 = tpu.memref_slice %arg6[%add3A_170] : memref<64000xi32, #tpu.memory_space<hbm>> -> memref<40xi32, #tpu.memory_space<hbm>>
          tpu.enqueue_dma source(%dma_start3A_184 : memref<40xi32, #tpu.memory_space<hbm>>) target(%arg11 : memref<40xi32, #tpu.memory_space<vmem>>) target_semaphore(%run_scoped3A : memref<!tpu.dma_semaphore, #tpu.memory_space<semaphore_mem>>)
          %dma_wait3A_185 = tpu.memref_slice %arg6[%add3A_170] : memref<64000xi32, #tpu.memory_space<hbm>> -> memref<40xi32, #tpu.memory_space<hbm>>
          %dma_wait3A_186 = tpu.memref_slice %arg6[%add3A_170] : memref<64000xi32, #tpu.memory_space<hbm>> -> memref<40xi32, #tpu.memory_space<hbm>>
          tpu.wait_dma2 semaphore(%run_scoped3A : memref<!tpu.dma_semaphore, #tpu.memory_space<semaphore_mem>>) src(%dma_wait3A_186 : memref<40xi32, #tpu.memory_space<hbm>>) dst(%arg11 : memref<40xi32, #tpu.memory_space<vmem>>)
          tpu.yield
        }) : () -> ()
        "tpu.region"() ({
          %run_scoped3A = tpu.sem_alloc : memref<!tpu.dma_semaphore, #tpu.memory_space<semaphore_mem>>
          %dma_start3A_183 = tpu.memref_slice %arg7[%add3A_170] : memref<64000xi32, #tpu.memory_space<hbm>> -> memref<40xi32, #tpu.memory_space<hbm>>
          %dma_start3A_184 = tpu.memref_slice %arg7[%add3A_170] : memref<64000xi32, #tpu.memory_space<hbm>> -> memref<40xi32, #tpu.memory_space<hbm>>
          tpu.enqueue_dma source(%dma_start3A_184 : memref<40xi32, #tpu.memory_space<hbm>>) target(%arg13 : memref<40xi32, #tpu.memory_space<vmem>>) target_semaphore(%run_scoped3A : memref<!tpu.dma_semaphore, #tpu.memory_space<semaphore_mem>>)
          %dma_wait3A_185 = tpu.memref_slice %arg7[%add3A_170] : memref<64000xi32, #tpu.memory_space<hbm>> -> memref<40xi32, #tpu.memory_space<hbm>>
          %dma_wait3A_186 = tpu.memref_slice %arg7[%add3A_170] : memref<64000xi32, #tpu.memory_space<hbm>> -> memref<40xi32, #tpu.memory_space<hbm>>
          tpu.wait_dma2 semaphore(%run_scoped3A : memref<!tpu.dma_semaphore, #tpu.memory_space<semaphore_mem>>) src(%dma_wait3A_186 : memref<40xi32, #tpu.memory_space<hbm>>) dst(%arg13 : memref<40xi32, #tpu.memory_space<vmem>>)
          tpu.yield
        }) : () -> ()
        %dma_start3A_171 = arith.constant 0 : i32
        %dma_start3A_172 = arith.constant 0 : i32
        %dma_start3A_173 = tpu.memref_slice %arg2[%dma_start3A_171, %dma_start3A_172] : memref<10000x256xi32, #tpu.memory_space<hbm>> -> memref<10000x256xi32, #tpu.memory_space<hbm>>
        tpu.enqueue_indirect_dma source(%dma_start3A_173 : memref<10000x256xi32, #tpu.memory_space<hbm>>) target(%arg15 : memref<40x256xi32, #tpu.memory_space<vmem>>) offsets(%arg11 : memref<40xi32, #tpu.memory_space<vmem>>) semaphore(%arg23 : memref<!tpu.dma_semaphore, #tpu.memory_space<semaphore_mem>>)
        %dma_start3A_174 = arith.constant 0 : i32
        %dma_start3A_175 = arith.constant 0 : i32
        %dma_start3A_176 = tpu.memref_slice %arg3[%dma_start3A_174, %dma_start3A_175] : memref<10000x256xi32, #tpu.memory_space<hbm>> -> memref<10000x256xi32, #tpu.memory_space<hbm>>
        tpu.enqueue_indirect_dma source(%dma_start3A_176 : memref<10000x256xi32, #tpu.memory_space<hbm>>) target(%arg17 : memref<40x256xi32, #tpu.memory_space<vmem>>) offsets(%arg13 : memref<40xi32, #tpu.memory_space<vmem>>) semaphore(%arg23 : memref<!tpu.dma_semaphore, #tpu.memory_space<semaphore_mem>>)
        %dma_start3A_177 = arith.constant 0 : i32
        %dma_start3A_178 = arith.constant 0 : i32
        %dma_start3A_179 = tpu.memref_slice %arg4[%dma_start3A_177, %dma_start3A_178] : memref<10000x128xf32, #tpu.memory_space<hbm>> -> memref<10000x128xf32, #tpu.memory_space<hbm>>
        tpu.enqueue_indirect_dma source(%dma_start3A_179 : memref<10000x128xf32, #tpu.memory_space<hbm>>) target(%arg19 : memref<40x128xf32, #tpu.memory_space<vmem>>) offsets(%arg11 : memref<40xi32, #tpu.memory_space<vmem>>) semaphore(%arg23 : memref<!tpu.dma_semaphore, #tpu.memory_space<semaphore_mem>>)
        %dma_start3A_180 = arith.constant 0 : i32
        %dma_start3A_181 = arith.constant 0 : i32
        %dma_start3A_182 = tpu.memref_slice %arg5[%dma_start3A_180, %dma_start3A_181] : memref<10000x128xf32, #tpu.memory_space<hbm>> -> memref<10000x128xf32, #tpu.memory_space<hbm>>
        tpu.enqueue_indirect_dma source(%dma_start3A_182 : memref<10000x128xf32, #tpu.memory_space<hbm>>) target(%arg21 : memref<40x128xf32, #tpu.memory_space<vmem>>) offsets(%arg13 : memref<40xi32, #tpu.memory_space<vmem>>) semaphore(%arg23 : memref<!tpu.dma_semaphore, #tpu.memory_space<semaphore_mem>>)
      } else {
      }
      %dma_wait3A_121 = arith.constant 0 : i32
      %dma_wait3A_122 = arith.constant 0 : i32
      %dma_wait3A_123 = tpu.memref_slice %arg2[%dma_wait3A_121, %dma_wait3A_122] : memref<10000x256xi32, #tpu.memory_space<hbm>> -> memref<10000x256xi32, #tpu.memory_space<hbm>>
      tpu.wait_indirect_dma semaphore(%arg24 : memref<!tpu.dma_semaphore, #tpu.memory_space<semaphore_mem>>) src(%dma_wait3A_123 : memref<10000x256xi32, #tpu.memory_space<hbm>>) dst(%arg16 : memref<40x256xi32, #tpu.memory_space<vmem>>)
      %dma_wait3A_124 = arith.constant 0 : i32
      %dma_wait3A_125 = arith.constant 0 : i32
      %dma_wait3A_126 = tpu.memref_slice %arg3[%dma_wait3A_124, %dma_wait3A_125] : memref<10000x256xi32, #tpu.memory_space<hbm>> -> memref<10000x256xi32, #tpu.memory_space<hbm>>
      tpu.wait_indirect_dma semaphore(%arg24 : memref<!tpu.dma_semaphore, #tpu.memory_space<semaphore_mem>>) src(%dma_wait3A_126 : memref<10000x256xi32, #tpu.memory_space<hbm>>) dst(%arg18 : memref<40x256xi32, #tpu.memory_space<vmem>>)
      %dma_wait3A_127 = arith.constant 0 : i32
      %dma_wait3A_128 = arith.constant 0 : i32
      %dma_wait3A_129 = tpu.memref_slice %arg4[%dma_wait3A_127, %dma_wait3A_128] : memref<10000x128xf32, #tpu.memory_space<hbm>> -> memref<10000x128xf32, #tpu.memory_space<hbm>>
      tpu.wait_indirect_dma semaphore(%arg24 : memref<!tpu.dma_semaphore, #tpu.memory_space<semaphore_mem>>) src(%dma_wait3A_129 : memref<10000x128xf32, #tpu.memory_space<hbm>>) dst(%arg20 : memref<40x128xf32, #tpu.memory_space<vmem>>)
      %dma_wait3A_130 = arith.constant 0 : i32
      %dma_wait3A_131 = arith.constant 0 : i32
      %dma_wait3A_132 = tpu.memref_slice %arg5[%dma_wait3A_130, %dma_wait3A_131] : memref<10000x128xf32, #tpu.memory_space<hbm>> -> memref<10000x128xf32, #tpu.memory_space<hbm>>
      tpu.wait_indirect_dma semaphore(%arg24 : memref<!tpu.dma_semaphore, #tpu.memory_space<semaphore_mem>>) src(%dma_wait3A_132 : memref<10000x128xf32, #tpu.memory_space<hbm>>) dst(%arg22 : memref<40x128xf32, #tpu.memory_space<vmem>>)
      %scan3A_133 = arith.constant 0 : i32
      %scan3A_134 = arith.constant 0 : i32
      %scan3A_135 = arith.constant 40 : i32
      %scan3A_136 = arith.addi %scan3A_134, %scan3A_135 : i32
      %scan3A_137 = arith.constant 1 : i32
      scf.for %scan3A_166 = %scan3A_134 to %scan3A_136 step %scan3A_137  : i32 {
        %get3A = arith.index_cast %scan3A_166 : i32 to index
        %get3A_167 = arith.constant 0 : index
        %get3A_168 = tpu.vector_load %arg20[%get3A, %get3A_167] {strides = array<i32>} : memref<40x128xf32, #tpu.memory_space<vmem>>, vector<1x16xf32>,
        %get3A_169 = vector.shape_cast %get3A_168 : vector<1x16xf32> to vector<16xf32>
        %get3A_170 = arith.index_cast %scan3A_166 : i32 to index
        %get3A_171 = arith.constant 0 : index
        %get3A_172 = tpu.vector_load %arg22[%get3A_170, %get3A_171] {strides = array<i32>} : memref<40x128xf32, #tpu.memory_space<vmem>>, vector<1x16xf32>,
        %get3A_173 = vector.shape_cast %get3A_172 : vector<1x16xf32> to vector<16xf32>
        %add3A_174 = arith.addf %get3A_169, %get3A_173 : vector<16xf32>
        %swap3A = arith.index_cast %scan3A_166 : i32 to index
        %swap3A_175 = arith.constant 0 : index
        %swap3A_176 = tpu.vector_load %arg20[%swap3A, %swap3A_175] {strides = array<i32>} : memref<40x128xf32, #tpu.memory_space<vmem>>, vector<1x16xf32>,
        %swap3A_177 = vector.shape_cast %swap3A_176 : vector<1x16xf32> to vector<16xf32>
        %swap3A_178 = vector.shape_cast %add3A_174 : vector<16xf32> to vector<1x16xf32>
        tpu.vector_store %arg20[%swap3A, %swap3A_175], %swap3A_178 {strides = array<i32>} : memref<40x128xf32, #tpu.memory_space<vmem>>, vector<1x16xf32>,
      }
      %scan3A_138 = arith.constant 40 : i32
      %mul3A_139 = arith.constant 50 : i32
      %mul3A_140 = arith.muli %add3A, %mul3A_139 : i32
      %add3A_141 = arith.addi %mul3A_140, %add3A_108 : i32
      %dma_start3A_142 = arith.constant 0 : i32
      %dma_start3A_143 = arith.constant 0 : i32
      %dma_start3A_144 = tpu.memref_slice %arg8[%add3A_141, %dma_start3A_142, %dma_start3A_143] : memref<1600x40x256xi32, #tpu.memory_space<hbm>> -> memref<1x40x256xi32, #tpu.memory_space<hbm>>
      %dma_start3A_145 = tpu.memref_squeeze %dma_start3A_144 : memref<1x40x256xi32, #tpu.memory_space<hbm>> -> memref<40x256xi32, #tpu.memory_space<hbm>>
      %dma_start3A_146 = arith.constant 0 : i32
      %dma_start3A_147 = arith.constant 0 : i32
      %dma_start3A_148 = tpu.memref_slice %arg8[%add3A_141, %dma_start3A_146, %dma_start3A_147] : memref<1600x40x256xi32, #tpu.memory_space<hbm>> -> memref<1x40x256xi32, #tpu.memory_space<hbm>>
      %dma_start3A_149 = tpu.memref_squeeze %dma_start3A_148 : memref<1x40x256xi32, #tpu.memory_space<hbm>> -> memref<40x256xi32, #tpu.memory_space<hbm>>
      tpu.enqueue_dma source(%arg16 : memref<40x256xi32, #tpu.memory_space<vmem>>) target(%dma_start3A_149 : memref<40x256xi32, #tpu.memory_space<hbm>>) target_semaphore(%arg26 : memref<!tpu.dma_semaphore, #tpu.memory_space<semaphore_mem>>)
      %dma_start3A_150 = arith.constant 0 : i32
      %dma_start3A_151 = arith.constant 0 : i32
      %dma_start3A_152 = tpu.memref_slice %arg9[%add3A_141, %dma_start3A_150, %dma_start3A_151] : memref<1600x40x256xi32, #tpu.memory_space<hbm>> -> memref<1x40x256xi32, #tpu.memory_space<hbm>>
      %dma_start3A_153 = tpu.memref_squeeze %dma_start3A_152 : memref<1x40x256xi32, #tpu.memory_space<hbm>> -> memref<40x256xi32, #tpu.memory_space<hbm>>
      %dma_start3A_154 = arith.constant 0 : i32
      %dma_start3A_155 = arith.constant 0 : i32
      %dma_start3A_156 = tpu.memref_slice %arg9[%add3A_141, %dma_start3A_154, %dma_start3A_155] : memref<1600x40x256xi32, #tpu.memory_space<hbm>> -> memref<1x40x256xi32, #tpu.memory_space<hbm>>
      %dma_start3A_157 = tpu.memref_squeeze %dma_start3A_156 : memref<1x40x256xi32, #tpu.memory_space<hbm>> -> memref<40x256xi32, #tpu.memory_space<hbm>>
      tpu.enqueue_dma source(%arg18 : memref<40x256xi32, #tpu.memory_space<vmem>>) target(%dma_start3A_157 : memref<40x256xi32, #tpu.memory_space<hbm>>) target_semaphore(%arg26 : memref<!tpu.dma_semaphore, #tpu.memory_space<semaphore_mem>>)
      %dma_start3A_158 = arith.constant 0 : i32
      %dma_start3A_159 = arith.constant 0 : i32
      %dma_start3A_160 = tpu.memref_slice %arg10[%add3A_141, %dma_start3A_158, %dma_start3A_159] : memref<1600x40x128xf32, #tpu.memory_space<hbm>> -> memref<1x40x128xf32, #tpu.memory_space<hbm>>
      %dma_start3A_161 = tpu.memref_squeeze %dma_start3A_160 : memref<1x40x128xf32, #tpu.memory_space<hbm>> -> memref<40x128xf32, #tpu.memory_space<hbm>>
      %dma_start3A_162 = arith.constant 0 : i32
      %dma_start3A_163 = arith.constant 0 : i32
      %dma_start3A_164 = tpu.memref_slice %arg10[%add3A_141, %dma_start3A_162, %dma_start3A_163] : memref<1600x40x128xf32, #tpu.memory_space<hbm>> -> memref<1x40x128xf32, #tpu.memory_space<hbm>>
      %dma_start3A_165 = tpu.memref_squeeze %dma_start3A_164 : memref<1x40x128xf32, #tpu.memory_space<hbm>> -> memref<40x128xf32, #tpu.memory_space<hbm>>
      tpu.enqueue_dma source(%arg20 : memref<40x128xf32, #tpu.memory_space<vmem>>) target(%dma_start3A_165 : memref<40x128xf32, #tpu.memory_space<hbm>>) target_semaphore(%arg26 : memref<!tpu.dma_semaphore, #tpu.memory_space<semaphore_mem>>)
    }
    %scan3A_20 = arith.constant 25 : i32
    %dma_wait3A = arith.constant 0 : i32
    %dma_wait3A_21 = arith.constant 0 : i32
    %dma_wait3A_22 = arith.constant 0 : i32
    %dma_wait3A_23 = tpu.memref_slice %arg8[%dma_wait3A, %dma_wait3A_21, %dma_wait3A_22] : memref<1600x40x256xi32, #tpu.memory_space<hbm>> -> memref<1x40x256xi32, #tpu.memory_space<hbm>>
    %dma_wait3A_24 = tpu.memref_squeeze %dma_wait3A_23 : memref<1x40x256xi32, #tpu.memory_space<hbm>> -> memref<40x256xi32, #tpu.memory_space<hbm>>
    %dma_wait3A_25 = arith.constant 0 : i32
    %dma_wait3A_26 = arith.constant 0 : i32
    %dma_wait3A_27 = tpu.memref_slice %arg8[%dma_wait3A, %dma_wait3A_25, %dma_wait3A_26] : memref<1600x40x256xi32, #tpu.memory_space<hbm>> -> memref<1x40x256xi32, #tpu.memory_space<hbm>>
    %dma_wait3A_28 = tpu.memref_squeeze %dma_wait3A_27 : memref<1x40x256xi32, #tpu.memory_space<hbm>> -> memref<40x256xi32, #tpu.memory_space<hbm>>
    tpu.wait_dma2 semaphore(%arg26 : memref<!tpu.dma_semaphore, #tpu.memory_space<semaphore_mem>>) src(%arg16 : memref<40x256xi32, #tpu.memory_space<vmem>>) dst(%dma_wait3A_28 : memref<40x256xi32, #tpu.memory_space<hbm>>)
    %dma_wait3A_29 = arith.constant 0 : i32
    %dma_wait3A_30 = arith.constant 0 : i32
    %dma_wait3A_31 = arith.constant 0 : i32
    %dma_wait3A_32 = tpu.memref_slice %arg9[%dma_wait3A_29, %dma_wait3A_30, %dma_wait3A_31] : memref<1600x40x256xi32, #tpu.memory_space<hbm>> -> memref<1x40x256xi32, #tpu.memory_space<hbm>>
    %dma_wait3A_33 = tpu.memref_squeeze %dma_wait3A_32 : memref<1x40x256xi32, #tpu.memory_space<hbm>> -> memref<40x256xi32, #tpu.memory_space<hbm>>
    %dma_wait3A_34 = arith.constant 0 : i32
    %dma_wait3A_35 = arith.constant 0 : i32
    %dma_wait3A_36 = tpu.memref_slice %arg9[%dma_wait3A_29, %dma_wait3A_34, %dma_wait3A_35] : memref<1600x40x256xi32, #tpu.memory_space<hbm>> -> memref<1x40x256xi32, #tpu.memory_space<hbm>>
    %dma_wait3A_37 = tpu.memref_squeeze %dma_wait3A_36 : memref<1x40x256xi32, #tpu.memory_space<hbm>> -> memref<40x256xi32, #tpu.memory_space<hbm>>
    tpu.wait_dma2 semaphore(%arg26 : memref<!tpu.dma_semaphore, #tpu.memory_space<semaphore_mem>>) src(%arg18 : memref<40x256xi32, #tpu.memory_space<vmem>>) dst(%dma_wait3A_37 : memref<40x256xi32, #tpu.memory_space<hbm>>)
    %dma_wait3A_38 = arith.constant 0 : i32
    %dma_wait3A_39 = arith.constant 0 : i32
    %dma_wait3A_40 = arith.constant 0 : i32
    %dma_wait3A_41 = tpu.memref_slice %arg10[%dma_wait3A_38, %dma_wait3A_39, %dma_wait3A_40] : memref<1600x40x128xf32, #tpu.memory_space<hbm>> -> memref<1x40x128xf32, #tpu.memory_space<hbm>>
    %dma_wait3A_42 = tpu.memref_squeeze %dma_wait3A_41 : memref<1x40x128xf32, #tpu.memory_space<hbm>> -> memref<40x128xf32, #tpu.memory_space<hbm>>
    %dma_wait3A_43 = arith.constant 0 : i32
    %dma_wait3A_44 = arith.constant 0 : i32
    %dma_wait3A_45 = tpu.memref_slice %arg10[%dma_wait3A_38, %dma_wait3A_43, %dma_wait3A_44] : memref<1600x40x128xf32, #tpu.memory_space<hbm>> -> memref<1x40x128xf32, #tpu.memory_space<hbm>>
    %dma_wait3A_46 = tpu.memref_squeeze %dma_wait3A_45 : memref<1x40x128xf32, #tpu.memory_space<hbm>> -> memref<40x128xf32, #tpu.memory_space<hbm>>
    tpu.wait_dma2 semaphore(%arg26 : memref<!tpu.dma_semaphore, #tpu.memory_space<semaphore_mem>>) src(%arg20 : memref<40x128xf32, #tpu.memory_space<vmem>>) dst(%dma_wait3A_46 : memref<40x128xf32, #tpu.memory_space<hbm>>)
    return
  }
}

#map = affine_map<(d0, d1) -> (0, 0)>
#map1 = affine_map<(d0, d1) -> (0)>
#map2 = affine_map<(d0, d1) -> (0, 0, 0)>
module attributes {stable_mosaic.version = 14 : i64} {
  func.func @k(%arg0: i32, %arg1: i32, %arg2: memref<10000x256xi32, #tpu.memory_space<hbm>>, %arg3: memref<10000x256xi32, #tpu.memory_space<hbm>>, %arg4: memref<10000x128xf32, #tpu.memory_space<hbm>>, %arg5: memref<10000x128xf32, #tpu.memory_space<hbm>>, %arg6: memref<96000xi32, #tpu.memory_space<hbm>>, %arg7: memref<96000xi32, #tpu.memory_space<hbm>>, %arg8: memref<2400x40x256xi32, #tpu.memory_space<hbm>>, %arg9: memref<2400x40x256xi32, #tpu.memory_space<hbm>>, %arg10: memref<2400x40x128xf32, #tpu.memory_space<hbm>>, %arg11: memref<40xi32, #tpu.memory_space<vmem>>, %arg12: memref<40xi32, #tpu.memory_space<vmem>>, %arg13: memref<40xi32, #tpu.memory_space<vmem>>, %arg14: memref<40xi32, #tpu.memory_space<vmem>>, %arg15: memref<40x256xi32, #tpu.memory_space<vmem>>, %arg16: memref<40x256xi32, #tpu.memory_space<vmem>>, %arg17: memref<40x256xi32, #tpu.memory_space<vmem>>, %arg18: memref<40x256xi32, #tpu.memory_space<vmem>>, %arg19: memref<40x128xf32, #tpu.memory_space<vmem>>, %arg20: memref<40x128xf32, #tpu.memory_space<vmem>>, %arg21: memref<40x128xf32, #tpu.memory_space<vmem>>, %arg22: memref<40x128xf32, #tpu.memory_space<vmem>>, %arg23: memref<!tpu.dma_semaphore, #tpu.memory_space<semaphore_mem>>, %arg24: memref<!tpu.dma_semaphore, #tpu.memory_space<semaphore_mem>>, %arg25: memref<!tpu.dma_semaphore, #tpu.memory_space<semaphore_mem>>, %arg26: memref<!tpu.dma_semaphore, #tpu.memory_space<semaphore_mem>>) attributes {dimension_semantics = [#tpu.dimension_semantics<core_parallel>, #tpu.dimension_semantics<subcore_parallel>], iteration_bounds = array<i64: 2, 16>, scalar_prefetch = 0 : i64, scratch_operands = 16 : i64, tpu.core_type = #tpu.core_type<sc_vector_subcore>, window_params = [{transform_indices = #map}, {transform_indices = #map}, {transform_indices = #map}, {transform_indices = #map}, {transform_indices = #map1}, {transform_indices = #map1}, {transform_indices = #map2}, {transform_indices = #map2}, {transform_indices = #map2}]} {
    %mul3A = arith.constant 2 : i32
    %mul3A_0 = arith.muli %arg1, %mul3A : i32
    %add3A = arith.addi %mul3A_0, %arg0 : i32
    %mul3A_1 = arith.constant 3000 : i32
    %mul3A_2 = arith.muli %add3A, %mul3A_1 : i32
    %add3A_3 = arith.constant 0 : i32
    %add3A_4 = arith.addi %mul3A_2, %add3A_3 : i32
    "tpu.region"() ({
      %run_scoped3A = tpu.sem_alloc : memref<!tpu.dma_semaphore, #tpu.memory_space<semaphore_mem>>
      %dma_start3A_120 = tpu.memref_slice %arg6[%add3A_4] : memref<96000xi32, #tpu.memory_space<hbm>> -> memref<40xi32, #tpu.memory_space<hbm>>
      %dma_start3A_121 = tpu.memref_slice %arg6[%add3A_4] : memref<96000xi32, #tpu.memory_space<hbm>> -> memref<40xi32, #tpu.memory_space<hbm>>
      tpu.enqueue_dma source(%dma_start3A_121 : memref<40xi32, #tpu.memory_space<hbm>>) target(%arg11 : memref<40xi32, #tpu.memory_space<vmem>>) target_semaphore(%run_scoped3A : memref<!tpu.dma_semaphore, #tpu.memory_space<semaphore_mem>>)
      %dma_wait3A_122 = tpu.memref_slice %arg6[%add3A_4] : memref<96000xi32, #tpu.memory_space<hbm>> -> memref<40xi32, #tpu.memory_space<hbm>>
      %dma_wait3A_123 = tpu.memref_slice %arg6[%add3A_4] : memref<96000xi32, #tpu.memory_space<hbm>> -> memref<40xi32, #tpu.memory_space<hbm>>
      tpu.wait_dma2 semaphore(%run_scoped3A : memref<!tpu.dma_semaphore, #tpu.memory_space<semaphore_mem>>) src(%dma_wait3A_123 : memref<40xi32, #tpu.memory_space<hbm>>) dst(%arg11 : memref<40xi32, #tpu.memory_space<vmem>>)
      tpu.yield
    }) : () -> ()
    "tpu.region"() ({
      %run_scoped3A = tpu.sem_alloc : memref<!tpu.dma_semaphore, #tpu.memory_space<semaphore_mem>>
      %dma_start3A_120 = tpu.memref_slice %arg7[%add3A_4] : memref<96000xi32, #tpu.memory_space<hbm>> -> memref<40xi32, #tpu.memory_space<hbm>>
      %dma_start3A_121 = tpu.memref_slice %arg7[%add3A_4] : memref<96000xi32, #tpu.memory_space<hbm>> -> memref<40xi32, #tpu.memory_space<hbm>>
      tpu.enqueue_dma source(%dma_start3A_121 : memref<40xi32, #tpu.memory_space<hbm>>) target(%arg13 : memref<40xi32, #tpu.memory_space<vmem>>) target_semaphore(%run_scoped3A : memref<!tpu.dma_semaphore, #tpu.memory_space<semaphore_mem>>)
      %dma_wait3A_122 = tpu.memref_slice %arg7[%add3A_4] : memref<96000xi32, #tpu.memory_space<hbm>> -> memref<40xi32, #tpu.memory_space<hbm>>
      %dma_wait3A_123 = tpu.memref_slice %arg7[%add3A_4] : memref<96000xi32, #tpu.memory_space<hbm>> -> memref<40xi32, #tpu.memory_space<hbm>>
      tpu.wait_dma2 semaphore(%run_scoped3A : memref<!tpu.dma_semaphore, #tpu.memory_space<semaphore_mem>>) src(%dma_wait3A_123 : memref<40xi32, #tpu.memory_space<hbm>>) dst(%arg13 : memref<40xi32, #tpu.memory_space<vmem>>)
      tpu.yield
    }) : () -> ()
    %dma_start3A = arith.constant 0 : i32
    %dma_start3A_5 = arith.constant 0 : i32
    %dma_start3A_6 = tpu.memref_slice %arg2[%dma_start3A, %dma_start3A_5] : memref<10000x256xi32, #tpu.memory_space<hbm>> -> memref<10000x256xi32, #tpu.memory_space<hbm>>
    tpu.enqueue_indirect_dma source(%dma_start3A_6 : memref<10000x256xi32, #tpu.memory_space<hbm>>) target(%arg15 : memref<40x256xi32, #tpu.memory_space<vmem>>) offsets(%arg11 : memref<40xi32, #tpu.memory_space<vmem>>) semaphore(%arg23 : memref<!tpu.dma_semaphore, #tpu.memory_space<semaphore_mem>>)
    %dma_start3A_7 = arith.constant 0 : i32
    %dma_start3A_8 = arith.constant 0 : i32
    %dma_start3A_9 = tpu.memref_slice %arg3[%dma_start3A_7, %dma_start3A_8] : memref<10000x256xi32, #tpu.memory_space<hbm>> -> memref<10000x256xi32, #tpu.memory_space<hbm>>
    tpu.enqueue_indirect_dma source(%dma_start3A_9 : memref<10000x256xi32, #tpu.memory_space<hbm>>) target(%arg17 : memref<40x256xi32, #tpu.memory_space<vmem>>) offsets(%arg13 : memref<40xi32, #tpu.memory_space<vmem>>) semaphore(%arg23 : memref<!tpu.dma_semaphore, #tpu.memory_space<semaphore_mem>>)
    %dma_start3A_10 = arith.constant 0 : i32
    %dma_start3A_11 = arith.constant 0 : i32
    %dma_start3A_12 = tpu.memref_slice %arg4[%dma_start3A_10, %dma_start3A_11] : memref<10000x128xf32, #tpu.memory_space<hbm>> -> memref<10000x128xf32, #tpu.memory_space<hbm>>
    tpu.enqueue_indirect_dma source(%dma_start3A_12 : memref<10000x128xf32, #tpu.memory_space<hbm>>) target(%arg19 : memref<40x128xf32, #tpu.memory_space<vmem>>) offsets(%arg11 : memref<40xi32, #tpu.memory_space<vmem>>) semaphore(%arg23 : memref<!tpu.dma_semaphore, #tpu.memory_space<semaphore_mem>>)
    %dma_start3A_13 = arith.constant 0 : i32
    %dma_start3A_14 = arith.constant 0 : i32
    %dma_start3A_15 = tpu.memref_slice %arg5[%dma_start3A_13, %dma_start3A_14] : memref<10000x128xf32, #tpu.memory_space<hbm>> -> memref<10000x128xf32, #tpu.memory_space<hbm>>
    tpu.enqueue_indirect_dma source(%dma_start3A_15 : memref<10000x128xf32, #tpu.memory_space<hbm>>) target(%arg21 : memref<40x128xf32, #tpu.memory_space<vmem>>) offsets(%arg13 : memref<40xi32, #tpu.memory_space<vmem>>) semaphore(%arg23 : memref<!tpu.dma_semaphore, #tpu.memory_space<semaphore_mem>>)
    %scan3A = arith.constant 0 : i32
    %scan3A_16 = arith.constant 0 : i32
    %scan3A_17 = arith.constant 37 : i32
    %scan3A_18 = arith.addi %scan3A_16, %scan3A_17 : i32
    %scan3A_19 = arith.constant 1 : i32
    scf.for %scan3A_120 = %scan3A_16 to %scan3A_18 step %scan3A_19  : i32 {
      %mul3A_121 = arith.constant 2 : i32
      %mul3A_122 = arith.muli %mul3A_121, %scan3A_120 : i32
      %add3A_123 = arith.constant 0 : i32
      %add3A_124 = arith.addi %mul3A_122, %add3A_123 : i32
      %gt3A = arith.constant 0 : i32
      %gt3A_125 = arith.cmpi sgt, %add3A_124, %gt3A : i32
      %convert_element_type3A = arith.extui %gt3A_125 : i1 to i32
      %cond3A = arith.constant 0 : i32
      %cond3A_126 = arith.cmpi ne, %convert_element_type3A, %cond3A : i32
      scf.if %cond3A_126 {
        %dma_wait3A_239 = arith.constant 0 : i32
        %dma_wait3A_240 = arith.constant 0 : i32
        %dma_wait3A_241 = arith.constant 0 : i32
        %dma_wait3A_242 = tpu.memref_slice %arg8[%dma_wait3A_239, %dma_wait3A_240, %dma_wait3A_241] : memref<2400x40x256xi32, #tpu.memory_space<hbm>> -> memref<1x40x256xi32, #tpu.memory_space<hbm>>
        %dma_wait3A_243 = tpu.memref_squeeze %dma_wait3A_242 : memref<1x40x256xi32, #tpu.memory_space<hbm>> -> memref<40x256xi32, #tpu.memory_space<hbm>>
        %dma_wait3A_244 = arith.constant 0 : i32
        %dma_wait3A_245 = arith.constant 0 : i32
        %dma_wait3A_246 = tpu.memref_slice %arg8[%dma_wait3A_239, %dma_wait3A_244, %dma_wait3A_245] : memref<2400x40x256xi32, #tpu.memory_space<hbm>> -> memref<1x40x256xi32, #tpu.memory_space<hbm>>
        %dma_wait3A_247 = tpu.memref_squeeze %dma_wait3A_246 : memref<1x40x256xi32, #tpu.memory_space<hbm>> -> memref<40x256xi32, #tpu.memory_space<hbm>>
        tpu.wait_dma2 semaphore(%arg26 : memref<!tpu.dma_semaphore, #tpu.memory_space<semaphore_mem>>) src(%arg16 : memref<40x256xi32, #tpu.memory_space<vmem>>) dst(%dma_wait3A_247 : memref<40x256xi32, #tpu.memory_space<hbm>>)
        %dma_wait3A_248 = arith.constant 0 : i32
        %dma_wait3A_249 = arith.constant 0 : i32
        %dma_wait3A_250 = arith.constant 0 : i32
        %dma_wait3A_251 = tpu.memref_slice %arg9[%dma_wait3A_248, %dma_wait3A_249, %dma_wait3A_250] : memref<2400x40x256xi32, #tpu.memory_space<hbm>> -> memref<1x40x256xi32, #tpu.memory_space<hbm>>
        %dma_wait3A_252 = tpu.memref_squeeze %dma_wait3A_251 : memref<1x40x256xi32, #tpu.memory_space<hbm>> -> memref<40x256xi32, #tpu.memory_space<hbm>>
        %dma_wait3A_253 = arith.constant 0 : i32
        %dma_wait3A_254 = arith.constant 0 : i32
        %dma_wait3A_255 = tpu.memref_slice %arg9[%dma_wait3A_248, %dma_wait3A_253, %dma_wait3A_254] : memref<2400x40x256xi32, #tpu.memory_space<hbm>> -> memref<1x40x256xi32, #tpu.memory_space<hbm>>
        %dma_wait3A_256 = tpu.memref_squeeze %dma_wait3A_255 : memref<1x40x256xi32, #tpu.memory_space<hbm>> -> memref<40x256xi32, #tpu.memory_space<hbm>>
        tpu.wait_dma2 semaphore(%arg26 : memref<!tpu.dma_semaphore, #tpu.memory_space<semaphore_mem>>) src(%arg18 : memref<40x256xi32, #tpu.memory_space<vmem>>) dst(%dma_wait3A_256 : memref<40x256xi32, #tpu.memory_space<hbm>>)
        %dma_wait3A_257 = arith.constant 0 : i32
        %dma_wait3A_258 = arith.constant 0 : i32
        %dma_wait3A_259 = arith.constant 0 : i32
        %dma_wait3A_260 = tpu.memref_slice %arg10[%dma_wait3A_257, %dma_wait3A_258, %dma_wait3A_259] : memref<2400x40x128xf32, #tpu.memory_space<hbm>> -> memref<1x40x128xf32, #tpu.memory_space<hbm>>
        %dma_wait3A_261 = tpu.memref_squeeze %dma_wait3A_260 : memref<1x40x128xf32, #tpu.memory_space<hbm>> -> memref<40x128xf32, #tpu.memory_space<hbm>>
        %dma_wait3A_262 = arith.constant 0 : i32
        %dma_wait3A_263 = arith.constant 0 : i32
        %dma_wait3A_264 = tpu.memref_slice %arg10[%dma_wait3A_257, %dma_wait3A_262, %dma_wait3A_263] : memref<2400x40x128xf32, #tpu.memory_space<hbm>> -> memref<1x40x128xf32, #tpu.memory_space<hbm>>
        %dma_wait3A_265 = tpu.memref_squeeze %dma_wait3A_264 : memref<1x40x128xf32, #tpu.memory_space<hbm>> -> memref<40x128xf32, #tpu.memory_space<hbm>>
        tpu.wait_dma2 semaphore(%arg26 : memref<!tpu.dma_semaphore, #tpu.memory_space<semaphore_mem>>) src(%arg20 : memref<40x128xf32, #tpu.memory_space<vmem>>) dst(%dma_wait3A_265 : memref<40x128xf32, #tpu.memory_space<hbm>>)
      } else {
      }
      %add3A_127 = arith.constant 1 : i32
      %add3A_128 = arith.addi %add3A_124, %add3A_127 : i32
      %lt3A = arith.constant 75 : i32
      %lt3A_129 = arith.cmpi slt, %add3A_128, %lt3A : i32
      %convert_element_type3A_130 = arith.extui %lt3A_129 : i1 to i32
      %cond3A_131 = arith.constant 0 : i32
      %cond3A_132 = arith.cmpi ne, %convert_element_type3A_130, %cond3A_131 : i32
      scf.if %cond3A_132 {
        %add3A_239 = arith.constant 1 : i32
        %add3A_240 = arith.addi %add3A_124, %add3A_239 : i32
        %mul3A_241 = arith.constant 40 : i32
        %mul3A_242 = arith.muli %add3A_240, %mul3A_241 : i32
        %add3A_243 = arith.addi %mul3A_2, %mul3A_242 : i32
        "tpu.region"() ({
          %run_scoped3A = tpu.sem_alloc : memref<!tpu.dma_semaphore, #tpu.memory_space<semaphore_mem>>
          %dma_start3A_256 = tpu.memref_slice %arg6[%add3A_243] : memref<96000xi32, #tpu.memory_space<hbm>> -> memref<40xi32, #tpu.memory_space<hbm>>
          %dma_start3A_257 = tpu.memref_slice %arg6[%add3A_243] : memref<96000xi32, #tpu.memory_space<hbm>> -> memref<40xi32, #tpu.memory_space<hbm>>
          tpu.enqueue_dma source(%dma_start3A_257 : memref<40xi32, #tpu.memory_space<hbm>>) target(%arg12 : memref<40xi32, #tpu.memory_space<vmem>>) target_semaphore(%run_scoped3A : memref<!tpu.dma_semaphore, #tpu.memory_space<semaphore_mem>>)
          %dma_wait3A_258 = tpu.memref_slice %arg6[%add3A_243] : memref<96000xi32, #tpu.memory_space<hbm>> -> memref<40xi32, #tpu.memory_space<hbm>>
          %dma_wait3A_259 = tpu.memref_slice %arg6[%add3A_243] : memref<96000xi32, #tpu.memory_space<hbm>> -> memref<40xi32, #tpu.memory_space<hbm>>
          tpu.wait_dma2 semaphore(%run_scoped3A : memref<!tpu.dma_semaphore, #tpu.memory_space<semaphore_mem>>) src(%dma_wait3A_259 : memref<40xi32, #tpu.memory_space<hbm>>) dst(%arg12 : memref<40xi32, #tpu.memory_space<vmem>>)
          tpu.yield
        }) : () -> ()
        "tpu.region"() ({
          %run_scoped3A = tpu.sem_alloc : memref<!tpu.dma_semaphore, #tpu.memory_space<semaphore_mem>>
          %dma_start3A_256 = tpu.memref_slice %arg7[%add3A_243] : memref<96000xi32, #tpu.memory_space<hbm>> -> memref<40xi32, #tpu.memory_space<hbm>>
          %dma_start3A_257 = tpu.memref_slice %arg7[%add3A_243] : memref<96000xi32, #tpu.memory_space<hbm>> -> memref<40xi32, #tpu.memory_space<hbm>>
          tpu.enqueue_dma source(%dma_start3A_257 : memref<40xi32, #tpu.memory_space<hbm>>) target(%arg14 : memref<40xi32, #tpu.memory_space<vmem>>) target_semaphore(%run_scoped3A : memref<!tpu.dma_semaphore, #tpu.memory_space<semaphore_mem>>)
          %dma_wait3A_258 = tpu.memref_slice %arg7[%add3A_243] : memref<96000xi32, #tpu.memory_space<hbm>> -> memref<40xi32, #tpu.memory_space<hbm>>
          %dma_wait3A_259 = tpu.memref_slice %arg7[%add3A_243] : memref<96000xi32, #tpu.memory_space<hbm>> -> memref<40xi32, #tpu.memory_space<hbm>>
          tpu.wait_dma2 semaphore(%run_scoped3A : memref<!tpu.dma_semaphore, #tpu.memory_space<semaphore_mem>>) src(%dma_wait3A_259 : memref<40xi32, #tpu.memory_space<hbm>>) dst(%arg14 : memref<40xi32, #tpu.memory_space<vmem>>)
          tpu.yield
        }) : () -> ()
        %dma_start3A_244 = arith.constant 0 : i32
        %dma_start3A_245 = arith.constant 0 : i32
        %dma_start3A_246 = tpu.memref_slice %arg2[%dma_start3A_244, %dma_start3A_245] : memref<10000x256xi32, #tpu.memory_space<hbm>> -> memref<10000x256xi32, #tpu.memory_space<hbm>>
        tpu.enqueue_indirect_dma source(%dma_start3A_246 : memref<10000x256xi32, #tpu.memory_space<hbm>>) target(%arg16 : memref<40x256xi32, #tpu.memory_space<vmem>>) offsets(%arg12 : memref<40xi32, #tpu.memory_space<vmem>>) semaphore(%arg24 : memref<!tpu.dma_semaphore, #tpu.memory_space<semaphore_mem>>)
        %dma_start3A_247 = arith.constant 0 : i32
        %dma_start3A_248 = arith.constant 0 : i32
        %dma_start3A_249 = tpu.memref_slice %arg3[%dma_start3A_247, %dma_start3A_248] : memref<10000x256xi32, #tpu.memory_space<hbm>> -> memref<10000x256xi32, #tpu.memory_space<hbm>>
        tpu.enqueue_indirect_dma source(%dma_start3A_249 : memref<10000x256xi32, #tpu.memory_space<hbm>>) target(%arg18 : memref<40x256xi32, #tpu.memory_space<vmem>>) offsets(%arg14 : memref<40xi32, #tpu.memory_space<vmem>>) semaphore(%arg24 : memref<!tpu.dma_semaphore, #tpu.memory_space<semaphore_mem>>)
        %dma_start3A_250 = arith.constant 0 : i32
        %dma_start3A_251 = arith.constant 0 : i32
        %dma_start3A_252 = tpu.memref_slice %arg4[%dma_start3A_250, %dma_start3A_251] : memref<10000x128xf32, #tpu.memory_space<hbm>> -> memref<10000x128xf32, #tpu.memory_space<hbm>>
        tpu.enqueue_indirect_dma source(%dma_start3A_252 : memref<10000x128xf32, #tpu.memory_space<hbm>>) target(%arg20 : memref<40x128xf32, #tpu.memory_space<vmem>>) offsets(%arg12 : memref<40xi32, #tpu.memory_space<vmem>>) semaphore(%arg24 : memref<!tpu.dma_semaphore, #tpu.memory_space<semaphore_mem>>)
        %dma_start3A_253 = arith.constant 0 : i32
        %dma_start3A_254 = arith.constant 0 : i32
        %dma_start3A_255 = tpu.memref_slice %arg5[%dma_start3A_253, %dma_start3A_254] : memref<10000x128xf32, #tpu.memory_space<hbm>> -> memref<10000x128xf32, #tpu.memory_space<hbm>>
        tpu.enqueue_indirect_dma source(%dma_start3A_255 : memref<10000x128xf32, #tpu.memory_space<hbm>>) target(%arg22 : memref<40x128xf32, #tpu.memory_space<vmem>>) offsets(%arg14 : memref<40xi32, #tpu.memory_space<vmem>>) semaphore(%arg24 : memref<!tpu.dma_semaphore, #tpu.memory_space<semaphore_mem>>)
      } else {
      }
      %dma_wait3A_133 = arith.constant 0 : i32
      %dma_wait3A_134 = arith.constant 0 : i32
      %dma_wait3A_135 = tpu.memref_slice %arg2[%dma_wait3A_133, %dma_wait3A_134] : memref<10000x256xi32, #tpu.memory_space<hbm>> -> memref<10000x256xi32, #tpu.memory_space<hbm>>
      tpu.wait_indirect_dma semaphore(%arg23 : memref<!tpu.dma_semaphore, #tpu.memory_space<semaphore_mem>>) src(%dma_wait3A_135 : memref<10000x256xi32, #tpu.memory_space<hbm>>) dst(%arg15 : memref<40x256xi32, #tpu.memory_space<vmem>>)
      %dma_wait3A_136 = arith.constant 0 : i32
      %dma_wait3A_137 = arith.constant 0 : i32
      %dma_wait3A_138 = tpu.memref_slice %arg3[%dma_wait3A_136, %dma_wait3A_137] : memref<10000x256xi32, #tpu.memory_space<hbm>> -> memref<10000x256xi32, #tpu.memory_space<hbm>>
      tpu.wait_indirect_dma semaphore(%arg23 : memref<!tpu.dma_semaphore, #tpu.memory_space<semaphore_mem>>) src(%dma_wait3A_138 : memref<10000x256xi32, #tpu.memory_space<hbm>>) dst(%arg17 : memref<40x256xi32, #tpu.memory_space<vmem>>)
      %dma_wait3A_139 = arith.constant 0 : i32
      %dma_wait3A_140 = arith.constant 0 : i32
      %dma_wait3A_141 = tpu.memref_slice %arg4[%dma_wait3A_139, %dma_wait3A_140] : memref<10000x128xf32, #tpu.memory_space<hbm>> -> memref<10000x128xf32, #tpu.memory_space<hbm>>
      tpu.wait_indirect_dma semaphore(%arg23 : memref<!tpu.dma_semaphore, #tpu.memory_space<semaphore_mem>>) src(%dma_wait3A_141 : memref<10000x128xf32, #tpu.memory_space<hbm>>) dst(%arg19 : memref<40x128xf32, #tpu.memory_space<vmem>>)
      %dma_wait3A_142 = arith.constant 0 : i32
      %dma_wait3A_143 = arith.constant 0 : i32
      %dma_wait3A_144 = tpu.memref_slice %arg5[%dma_wait3A_142, %dma_wait3A_143] : memref<10000x128xf32, #tpu.memory_space<hbm>> -> memref<10000x128xf32, #tpu.memory_space<hbm>>
      tpu.wait_indirect_dma semaphore(%arg23 : memref<!tpu.dma_semaphore, #tpu.memory_space<semaphore_mem>>) src(%dma_wait3A_144 : memref<10000x128xf32, #tpu.memory_space<hbm>>) dst(%arg21 : memref<40x128xf32, #tpu.memory_space<vmem>>)
      %scan3A_145 = arith.constant 0 : i32
      %scan3A_146 = arith.constant 0 : i32
      %scan3A_147 = arith.constant 40 : i32
      %scan3A_148 = arith.addi %scan3A_146, %scan3A_147 : i32
      %scan3A_149 = arith.constant 1 : i32
      scf.for %scan3A_239 = %scan3A_146 to %scan3A_148 step %scan3A_149  : i32 {
        %get3A = arith.index_cast %scan3A_239 : i32 to index
        %get3A_240 = arith.constant 0 : index
        %get3A_241 = tpu.vector_load %arg19[%get3A, %get3A_240] {strides = array<i32>} : memref<40x128xf32, #tpu.memory_space<vmem>>, vector<1x16xf32>,
        %get3A_242 = vector.shape_cast %get3A_241 : vector<1x16xf32> to vector<16xf32>
        %get3A_243 = arith.index_cast %scan3A_239 : i32 to index
        %get3A_244 = arith.constant 0 : index
        %get3A_245 = tpu.vector_load %arg21[%get3A_243, %get3A_244] {strides = array<i32>} : memref<40x128xf32, #tpu.memory_space<vmem>>, vector<1x16xf32>,
        %get3A_246 = vector.shape_cast %get3A_245 : vector<1x16xf32> to vector<16xf32>
        %add3A_247 = arith.addf %get3A_242, %get3A_246 : vector<16xf32>
        %swap3A = arith.index_cast %scan3A_239 : i32 to index
        %swap3A_248 = arith.constant 0 : index
        %swap3A_249 = tpu.vector_load %arg19[%swap3A, %swap3A_248] {strides = array<i32>} : memref<40x128xf32, #tpu.memory_space<vmem>>, vector<1x16xf32>,
        %swap3A_250 = vector.shape_cast %swap3A_249 : vector<1x16xf32> to vector<16xf32>
        %swap3A_251 = vector.shape_cast %add3A_247 : vector<16xf32> to vector<1x16xf32>
        tpu.vector_store %arg19[%swap3A, %swap3A_248], %swap3A_251 {strides = array<i32>} : memref<40x128xf32, #tpu.memory_space<vmem>>, vector<1x16xf32>,
      }
      %scan3A_150 = arith.constant 40 : i32
      %mul3A_151 = arith.constant 75 : i32
      %mul3A_152 = arith.muli %add3A, %mul3A_151 : i32
      %add3A_153 = arith.addi %mul3A_152, %add3A_124 : i32
      %dma_start3A_154 = arith.constant 0 : i32
      %dma_start3A_155 = arith.constant 0 : i32
      %dma_start3A_156 = tpu.memref_slice %arg8[%add3A_153, %dma_start3A_154, %dma_start3A_155] : memref<2400x40x256xi32, #tpu.memory_space<hbm>> -> memref<1x40x256xi32, #tpu.memory_space<hbm>>
      %dma_start3A_157 = tpu.memref_squeeze %dma_start3A_156 : memref<1x40x256xi32, #tpu.memory_space<hbm>> -> memref<40x256xi32, #tpu.memory_space<hbm>>
      %dma_start3A_158 = arith.constant 0 : i32
      %dma_start3A_159 = arith.constant 0 : i32
      %dma_start3A_160 = tpu.memref_slice %arg8[%add3A_153, %dma_start3A_158, %dma_start3A_159] : memref<2400x40x256xi32, #tpu.memory_space<hbm>> -> memref<1x40x256xi32, #tpu.memory_space<hbm>>
      %dma_start3A_161 = tpu.memref_squeeze %dma_start3A_160 : memref<1x40x256xi32, #tpu.memory_space<hbm>> -> memref<40x256xi32, #tpu.memory_space<hbm>>
      tpu.enqueue_dma source(%arg15 : memref<40x256xi32, #tpu.memory_space<vmem>>) target(%dma_start3A_161 : memref<40x256xi32, #tpu.memory_space<hbm>>) target_semaphore(%arg25 : memref<!tpu.dma_semaphore, #tpu.memory_space<semaphore_mem>>)
      %dma_start3A_162 = arith.constant 0 : i32
      %dma_start3A_163 = arith.constant 0 : i32
      %dma_start3A_164 = tpu.memref_slice %arg9[%add3A_153, %dma_start3A_162, %dma_start3A_163] : memref<2400x40x256xi32, #tpu.memory_space<hbm>> -> memref<1x40x256xi32, #tpu.memory_space<hbm>>
      %dma_start3A_165 = tpu.memref_squeeze %dma_start3A_164 : memref<1x40x256xi32, #tpu.memory_space<hbm>> -> memref<40x256xi32, #tpu.memory_space<hbm>>
      %dma_start3A_166 = arith.constant 0 : i32
      %dma_start3A_167 = arith.constant 0 : i32
      %dma_start3A_168 = tpu.memref_slice %arg9[%add3A_153, %dma_start3A_166, %dma_start3A_167] : memref<2400x40x256xi32, #tpu.memory_space<hbm>> -> memref<1x40x256xi32, #tpu.memory_space<hbm>>
      %dma_start3A_169 = tpu.memref_squeeze %dma_start3A_168 : memref<1x40x256xi32, #tpu.memory_space<hbm>> -> memref<40x256xi32, #tpu.memory_space<hbm>>
      tpu.enqueue_dma source(%arg17 : memref<40x256xi32, #tpu.memory_space<vmem>>) target(%dma_start3A_169 : memref<40x256xi32, #tpu.memory_space<hbm>>) target_semaphore(%arg25 : memref<!tpu.dma_semaphore, #tpu.memory_space<semaphore_mem>>)
      %dma_start3A_170 = arith.constant 0 : i32
      %dma_start3A_171 = arith.constant 0 : i32
      %dma_start3A_172 = tpu.memref_slice %arg10[%add3A_153, %dma_start3A_170, %dma_start3A_171] : memref<2400x40x128xf32, #tpu.memory_space<hbm>> -> memref<1x40x128xf32, #tpu.memory_space<hbm>>
      %dma_start3A_173 = tpu.memref_squeeze %dma_start3A_172 : memref<1x40x128xf32, #tpu.memory_space<hbm>> -> memref<40x128xf32, #tpu.memory_space<hbm>>
      %dma_start3A_174 = arith.constant 0 : i32
      %dma_start3A_175 = arith.constant 0 : i32
      %dma_start3A_176 = tpu.memref_slice %arg10[%add3A_153, %dma_start3A_174, %dma_start3A_175] : memref<2400x40x128xf32, #tpu.memory_space<hbm>> -> memref<1x40x128xf32, #tpu.memory_space<hbm>>
      %dma_start3A_177 = tpu.memref_squeeze %dma_start3A_176 : memref<1x40x128xf32, #tpu.memory_space<hbm>> -> memref<40x128xf32, #tpu.memory_space<hbm>>
      tpu.enqueue_dma source(%arg19 : memref<40x128xf32, #tpu.memory_space<vmem>>) target(%dma_start3A_177 : memref<40x128xf32, #tpu.memory_space<hbm>>) target_semaphore(%arg25 : memref<!tpu.dma_semaphore, #tpu.memory_space<semaphore_mem>>)
      %mul3A_178 = arith.constant 2 : i32
      %mul3A_179 = arith.muli %mul3A_178, %scan3A_120 : i32
      %add3A_180 = arith.constant 1 : i32
      %add3A_181 = arith.addi %mul3A_179, %add3A_180 : i32
      %gt3A_182 = arith.constant 0 : i32
      %gt3A_183 = arith.cmpi sgt, %add3A_181, %gt3A_182 : i32
      %convert_element_type3A_184 = arith.extui %gt3A_183 : i1 to i32
      %cond3A_185 = arith.constant 0 : i32
      %cond3A_186 = arith.cmpi ne, %convert_element_type3A_184, %cond3A_185 : i32
      scf.if %cond3A_186 {
        %dma_wait3A_239 = arith.constant 0 : i32
        %dma_wait3A_240 = arith.constant 0 : i32
        %dma_wait3A_241 = arith.constant 0 : i32
        %dma_wait3A_242 = tpu.memref_slice %arg8[%dma_wait3A_239, %dma_wait3A_240, %dma_wait3A_241] : memref<2400x40x256xi32, #tpu.memory_space<hbm>> -> memref<1x40x256xi32, #tpu.memory_space<hbm>>
        %dma_wait3A_243 = tpu.memref_squeeze %dma_wait3A_242 : memref<1x40x256xi32, #tpu.memory_space<hbm>> -> memref<40x256xi32, #tpu.memory_space<hbm>>
        %dma_wait3A_244 = arith.constant 0 : i32
        %dma_wait3A_245 = arith.constant 0 : i32
        %dma_wait3A_246 = tpu.memref_slice %arg8[%dma_wait3A_239, %dma_wait3A_244, %dma_wait3A_245] : memref<2400x40x256xi32, #tpu.memory_space<hbm>> -> memref<1x40x256xi32, #tpu.memory_space<hbm>>
        %dma_wait3A_247 = tpu.memref_squeeze %dma_wait3A_246 : memref<1x40x256xi32, #tpu.memory_space<hbm>> -> memref<40x256xi32, #tpu.memory_space<hbm>>
        tpu.wait_dma2 semaphore(%arg25 : memref<!tpu.dma_semaphore, #tpu.memory_space<semaphore_mem>>) src(%arg15 : memref<40x256xi32, #tpu.memory_space<vmem>>) dst(%dma_wait3A_247 : memref<40x256xi32, #tpu.memory_space<hbm>>)
        %dma_wait3A_248 = arith.constant 0 : i32
        %dma_wait3A_249 = arith.constant 0 : i32
        %dma_wait3A_250 = arith.constant 0 : i32
        %dma_wait3A_251 = tpu.memref_slice %arg9[%dma_wait3A_248, %dma_wait3A_249, %dma_wait3A_250] : memref<2400x40x256xi32, #tpu.memory_space<hbm>> -> memref<1x40x256xi32, #tpu.memory_space<hbm>>
        %dma_wait3A_252 = tpu.memref_squeeze %dma_wait3A_251 : memref<1x40x256xi32, #tpu.memory_space<hbm>> -> memref<40x256xi32, #tpu.memory_space<hbm>>
        %dma_wait3A_253 = arith.constant 0 : i32
        %dma_wait3A_254 = arith.constant 0 : i32
        %dma_wait3A_255 = tpu.memref_slice %arg9[%dma_wait3A_248, %dma_wait3A_253, %dma_wait3A_254] : memref<2400x40x256xi32, #tpu.memory_space<hbm>> -> memref<1x40x256xi32, #tpu.memory_space<hbm>>
        %dma_wait3A_256 = tpu.memref_squeeze %dma_wait3A_255 : memref<1x40x256xi32, #tpu.memory_space<hbm>> -> memref<40x256xi32, #tpu.memory_space<hbm>>
        tpu.wait_dma2 semaphore(%arg25 : memref<!tpu.dma_semaphore, #tpu.memory_space<semaphore_mem>>) src(%arg17 : memref<40x256xi32, #tpu.memory_space<vmem>>) dst(%dma_wait3A_256 : memref<40x256xi32, #tpu.memory_space<hbm>>)
        %dma_wait3A_257 = arith.constant 0 : i32
        %dma_wait3A_258 = arith.constant 0 : i32
        %dma_wait3A_259 = arith.constant 0 : i32
        %dma_wait3A_260 = tpu.memref_slice %arg10[%dma_wait3A_257, %dma_wait3A_258, %dma_wait3A_259] : memref<2400x40x128xf32, #tpu.memory_space<hbm>> -> memref<1x40x128xf32, #tpu.memory_space<hbm>>
        %dma_wait3A_261 = tpu.memref_squeeze %dma_wait3A_260 : memref<1x40x128xf32, #tpu.memory_space<hbm>> -> memref<40x128xf32, #tpu.memory_space<hbm>>
        %dma_wait3A_262 = arith.constant 0 : i32
        %dma_wait3A_263 = arith.constant 0 : i32
        %dma_wait3A_264 = tpu.memref_slice %arg10[%dma_wait3A_257, %dma_wait3A_262, %dma_wait3A_263] : memref<2400x40x128xf32, #tpu.memory_space<hbm>> -> memref<1x40x128xf32, #tpu.memory_space<hbm>>
        %dma_wait3A_265 = tpu.memref_squeeze %dma_wait3A_264 : memref<1x40x128xf32, #tpu.memory_space<hbm>> -> memref<40x128xf32, #tpu.memory_space<hbm>>
        tpu.wait_dma2 semaphore(%arg25 : memref<!tpu.dma_semaphore, #tpu.memory_space<semaphore_mem>>) src(%arg19 : memref<40x128xf32, #tpu.memory_space<vmem>>) dst(%dma_wait3A_265 : memref<40x128xf32, #tpu.memory_space<hbm>>)
      } else {
      }
      %add3A_187 = arith.constant 1 : i32
      %add3A_188 = arith.addi %add3A_181, %add3A_187 : i32
      %lt3A_189 = arith.constant 75 : i32
      %lt3A_190 = arith.cmpi slt, %add3A_188, %lt3A_189 : i32
      %convert_element_type3A_191 = arith.extui %lt3A_190 : i1 to i32
      %cond3A_192 = arith.constant 0 : i32
      %cond3A_193 = arith.cmpi ne, %convert_element_type3A_191, %cond3A_192 : i32
      scf.if %cond3A_193 {
        %add3A_239 = arith.constant 1 : i32
        %add3A_240 = arith.addi %add3A_181, %add3A_239 : i32
        %mul3A_241 = arith.constant 40 : i32
        %mul3A_242 = arith.muli %add3A_240, %mul3A_241 : i32
        %add3A_243 = arith.addi %mul3A_2, %mul3A_242 : i32
        "tpu.region"() ({
          %run_scoped3A = tpu.sem_alloc : memref<!tpu.dma_semaphore, #tpu.memory_space<semaphore_mem>>
          %dma_start3A_256 = tpu.memref_slice %arg6[%add3A_243] : memref<96000xi32, #tpu.memory_space<hbm>> -> memref<40xi32, #tpu.memory_space<hbm>>
          %dma_start3A_257 = tpu.memref_slice %arg6[%add3A_243] : memref<96000xi32, #tpu.memory_space<hbm>> -> memref<40xi32, #tpu.memory_space<hbm>>
          tpu.enqueue_dma source(%dma_start3A_257 : memref<40xi32, #tpu.memory_space<hbm>>) target(%arg11 : memref<40xi32, #tpu.memory_space<vmem>>) target_semaphore(%run_scoped3A : memref<!tpu.dma_semaphore, #tpu.memory_space<semaphore_mem>>)
          %dma_wait3A_258 = tpu.memref_slice %arg6[%add3A_243] : memref<96000xi32, #tpu.memory_space<hbm>> -> memref<40xi32, #tpu.memory_space<hbm>>
          %dma_wait3A_259 = tpu.memref_slice %arg6[%add3A_243] : memref<96000xi32, #tpu.memory_space<hbm>> -> memref<40xi32, #tpu.memory_space<hbm>>
          tpu.wait_dma2 semaphore(%run_scoped3A : memref<!tpu.dma_semaphore, #tpu.memory_space<semaphore_mem>>) src(%dma_wait3A_259 : memref<40xi32, #tpu.memory_space<hbm>>) dst(%arg11 : memref<40xi32, #tpu.memory_space<vmem>>)
          tpu.yield
        }) : () -> ()
        "tpu.region"() ({
          %run_scoped3A = tpu.sem_alloc : memref<!tpu.dma_semaphore, #tpu.memory_space<semaphore_mem>>
          %dma_start3A_256 = tpu.memref_slice %arg7[%add3A_243] : memref<96000xi32, #tpu.memory_space<hbm>> -> memref<40xi32, #tpu.memory_space<hbm>>
          %dma_start3A_257 = tpu.memref_slice %arg7[%add3A_243] : memref<96000xi32, #tpu.memory_space<hbm>> -> memref<40xi32, #tpu.memory_space<hbm>>
          tpu.enqueue_dma source(%dma_start3A_257 : memref<40xi32, #tpu.memory_space<hbm>>) target(%arg13 : memref<40xi32, #tpu.memory_space<vmem>>) target_semaphore(%run_scoped3A : memref<!tpu.dma_semaphore, #tpu.memory_space<semaphore_mem>>)
          %dma_wait3A_258 = tpu.memref_slice %arg7[%add3A_243] : memref<96000xi32, #tpu.memory_space<hbm>> -> memref<40xi32, #tpu.memory_space<hbm>>
          %dma_wait3A_259 = tpu.memref_slice %arg7[%add3A_243] : memref<96000xi32, #tpu.memory_space<hbm>> -> memref<40xi32, #tpu.memory_space<hbm>>
          tpu.wait_dma2 semaphore(%run_scoped3A : memref<!tpu.dma_semaphore, #tpu.memory_space<semaphore_mem>>) src(%dma_wait3A_259 : memref<40xi32, #tpu.memory_space<hbm>>) dst(%arg13 : memref<40xi32, #tpu.memory_space<vmem>>)
          tpu.yield
        }) : () -> ()
        %dma_start3A_244 = arith.constant 0 : i32
        %dma_start3A_245 = arith.constant 0 : i32
        %dma_start3A_246 = tpu.memref_slice %arg2[%dma_start3A_244, %dma_start3A_245] : memref<10000x256xi32, #tpu.memory_space<hbm>> -> memref<10000x256xi32, #tpu.memory_space<hbm>>
        tpu.enqueue_indirect_dma source(%dma_start3A_246 : memref<10000x256xi32, #tpu.memory_space<hbm>>) target(%arg15 : memref<40x256xi32, #tpu.memory_space<vmem>>) offsets(%arg11 : memref<40xi32, #tpu.memory_space<vmem>>) semaphore(%arg23 : memref<!tpu.dma_semaphore, #tpu.memory_space<semaphore_mem>>)
        %dma_start3A_247 = arith.constant 0 : i32
        %dma_start3A_248 = arith.constant 0 : i32
        %dma_start3A_249 = tpu.memref_slice %arg3[%dma_start3A_247, %dma_start3A_248] : memref<10000x256xi32, #tpu.memory_space<hbm>> -> memref<10000x256xi32, #tpu.memory_space<hbm>>
        tpu.enqueue_indirect_dma source(%dma_start3A_249 : memref<10000x256xi32, #tpu.memory_space<hbm>>) target(%arg17 : memref<40x256xi32, #tpu.memory_space<vmem>>) offsets(%arg13 : memref<40xi32, #tpu.memory_space<vmem>>) semaphore(%arg23 : memref<!tpu.dma_semaphore, #tpu.memory_space<semaphore_mem>>)
        %dma_start3A_250 = arith.constant 0 : i32
        %dma_start3A_251 = arith.constant 0 : i32
        %dma_start3A_252 = tpu.memref_slice %arg4[%dma_start3A_250, %dma_start3A_251] : memref<10000x128xf32, #tpu.memory_space<hbm>> -> memref<10000x128xf32, #tpu.memory_space<hbm>>
        tpu.enqueue_indirect_dma source(%dma_start3A_252 : memref<10000x128xf32, #tpu.memory_space<hbm>>) target(%arg19 : memref<40x128xf32, #tpu.memory_space<vmem>>) offsets(%arg11 : memref<40xi32, #tpu.memory_space<vmem>>) semaphore(%arg23 : memref<!tpu.dma_semaphore, #tpu.memory_space<semaphore_mem>>)
        %dma_start3A_253 = arith.constant 0 : i32
        %dma_start3A_254 = arith.constant 0 : i32
        %dma_start3A_255 = tpu.memref_slice %arg5[%dma_start3A_253, %dma_start3A_254] : memref<10000x128xf32, #tpu.memory_space<hbm>> -> memref<10000x128xf32, #tpu.memory_space<hbm>>
        tpu.enqueue_indirect_dma source(%dma_start3A_255 : memref<10000x128xf32, #tpu.memory_space<hbm>>) target(%arg21 : memref<40x128xf32, #tpu.memory_space<vmem>>) offsets(%arg13 : memref<40xi32, #tpu.memory_space<vmem>>) semaphore(%arg23 : memref<!tpu.dma_semaphore, #tpu.memory_space<semaphore_mem>>)
      } else {
      }
      %dma_wait3A_194 = arith.constant 0 : i32
      %dma_wait3A_195 = arith.constant 0 : i32
      %dma_wait3A_196 = tpu.memref_slice %arg2[%dma_wait3A_194, %dma_wait3A_195] : memref<10000x256xi32, #tpu.memory_space<hbm>> -> memref<10000x256xi32, #tpu.memory_space<hbm>>
      tpu.wait_indirect_dma semaphore(%arg24 : memref<!tpu.dma_semaphore, #tpu.memory_space<semaphore_mem>>) src(%dma_wait3A_196 : memref<10000x256xi32, #tpu.memory_space<hbm>>) dst(%arg16 : memref<40x256xi32, #tpu.memory_space<vmem>>)
      %dma_wait3A_197 = arith.constant 0 : i32
      %dma_wait3A_198 = arith.constant 0 : i32
      %dma_wait3A_199 = tpu.memref_slice %arg3[%dma_wait3A_197, %dma_wait3A_198] : memref<10000x256xi32, #tpu.memory_space<hbm>> -> memref<10000x256xi32, #tpu.memory_space<hbm>>
      tpu.wait_indirect_dma semaphore(%arg24 : memref<!tpu.dma_semaphore, #tpu.memory_space<semaphore_mem>>) src(%dma_wait3A_199 : memref<10000x256xi32, #tpu.memory_space<hbm>>) dst(%arg18 : memref<40x256xi32, #tpu.memory_space<vmem>>)
      %dma_wait3A_200 = arith.constant 0 : i32
      %dma_wait3A_201 = arith.constant 0 : i32
      %dma_wait3A_202 = tpu.memref_slice %arg4[%dma_wait3A_200, %dma_wait3A_201] : memref<10000x128xf32, #tpu.memory_space<hbm>> -> memref<10000x128xf32, #tpu.memory_space<hbm>>
      tpu.wait_indirect_dma semaphore(%arg24 : memref<!tpu.dma_semaphore, #tpu.memory_space<semaphore_mem>>) src(%dma_wait3A_202 : memref<10000x128xf32, #tpu.memory_space<hbm>>) dst(%arg20 : memref<40x128xf32, #tpu.memory_space<vmem>>)
      %dma_wait3A_203 = arith.constant 0 : i32
      %dma_wait3A_204 = arith.constant 0 : i32
      %dma_wait3A_205 = tpu.memref_slice %arg5[%dma_wait3A_203, %dma_wait3A_204] : memref<10000x128xf32, #tpu.memory_space<hbm>> -> memref<10000x128xf32, #tpu.memory_space<hbm>>
      tpu.wait_indirect_dma semaphore(%arg24 : memref<!tpu.dma_semaphore, #tpu.memory_space<semaphore_mem>>) src(%dma_wait3A_205 : memref<10000x128xf32, #tpu.memory_space<hbm>>) dst(%arg22 : memref<40x128xf32, #tpu.memory_space<vmem>>)
      %scan3A_206 = arith.constant 0 : i32
      %scan3A_207 = arith.constant 0 : i32
      %scan3A_208 = arith.constant 40 : i32
      %scan3A_209 = arith.addi %scan3A_207, %scan3A_208 : i32
      %scan3A_210 = arith.constant 1 : i32
      scf.for %scan3A_239 = %scan3A_207 to %scan3A_209 step %scan3A_210  : i32 {
        %get3A = arith.index_cast %scan3A_239 : i32 to index
        %get3A_240 = arith.constant 0 : index
        %get3A_241 = tpu.vector_load %arg20[%get3A, %get3A_240] {strides = array<i32>} : memref<40x128xf32, #tpu.memory_space<vmem>>, vector<1x16xf32>,
        %get3A_242 = vector.shape_cast %get3A_241 : vector<1x16xf32> to vector<16xf32>
        %get3A_243 = arith.index_cast %scan3A_239 : i32 to index
        %get3A_244 = arith.constant 0 : index
        %get3A_245 = tpu.vector_load %arg22[%get3A_243, %get3A_244] {strides = array<i32>} : memref<40x128xf32, #tpu.memory_space<vmem>>, vector<1x16xf32>,
        %get3A_246 = vector.shape_cast %get3A_245 : vector<1x16xf32> to vector<16xf32>
        %add3A_247 = arith.addf %get3A_242, %get3A_246 : vector<16xf32>
        %swap3A = arith.index_cast %scan3A_239 : i32 to index
        %swap3A_248 = arith.constant 0 : index
        %swap3A_249 = tpu.vector_load %arg20[%swap3A, %swap3A_248] {strides = array<i32>} : memref<40x128xf32, #tpu.memory_space<vmem>>, vector<1x16xf32>,
        %swap3A_250 = vector.shape_cast %swap3A_249 : vector<1x16xf32> to vector<16xf32>
        %swap3A_251 = vector.shape_cast %add3A_247 : vector<16xf32> to vector<1x16xf32>
        tpu.vector_store %arg20[%swap3A, %swap3A_248], %swap3A_251 {strides = array<i32>} : memref<40x128xf32, #tpu.memory_space<vmem>>, vector<1x16xf32>,
      }
      %scan3A_211 = arith.constant 40 : i32
      %mul3A_212 = arith.constant 75 : i32
      %mul3A_213 = arith.muli %add3A, %mul3A_212 : i32
      %add3A_214 = arith.addi %mul3A_213, %add3A_181 : i32
      %dma_start3A_215 = arith.constant 0 : i32
      %dma_start3A_216 = arith.constant 0 : i32
      %dma_start3A_217 = tpu.memref_slice %arg8[%add3A_214, %dma_start3A_215, %dma_start3A_216] : memref<2400x40x256xi32, #tpu.memory_space<hbm>> -> memref<1x40x256xi32, #tpu.memory_space<hbm>>
      %dma_start3A_218 = tpu.memref_squeeze %dma_start3A_217 : memref<1x40x256xi32, #tpu.memory_space<hbm>> -> memref<40x256xi32, #tpu.memory_space<hbm>>
      %dma_start3A_219 = arith.constant 0 : i32
      %dma_start3A_220 = arith.constant 0 : i32
      %dma_start3A_221 = tpu.memref_slice %arg8[%add3A_214, %dma_start3A_219, %dma_start3A_220] : memref<2400x40x256xi32, #tpu.memory_space<hbm>> -> memref<1x40x256xi32, #tpu.memory_space<hbm>>
      %dma_start3A_222 = tpu.memref_squeeze %dma_start3A_221 : memref<1x40x256xi32, #tpu.memory_space<hbm>> -> memref<40x256xi32, #tpu.memory_space<hbm>>
      tpu.enqueue_dma source(%arg16 : memref<40x256xi32, #tpu.memory_space<vmem>>) target(%dma_start3A_222 : memref<40x256xi32, #tpu.memory_space<hbm>>) target_semaphore(%arg26 : memref<!tpu.dma_semaphore, #tpu.memory_space<semaphore_mem>>)
      %dma_start3A_223 = arith.constant 0 : i32
      %dma_start3A_224 = arith.constant 0 : i32
      %dma_start3A_225 = tpu.memref_slice %arg9[%add3A_214, %dma_start3A_223, %dma_start3A_224] : memref<2400x40x256xi32, #tpu.memory_space<hbm>> -> memref<1x40x256xi32, #tpu.memory_space<hbm>>
      %dma_start3A_226 = tpu.memref_squeeze %dma_start3A_225 : memref<1x40x256xi32, #tpu.memory_space<hbm>> -> memref<40x256xi32, #tpu.memory_space<hbm>>
      %dma_start3A_227 = arith.constant 0 : i32
      %dma_start3A_228 = arith.constant 0 : i32
      %dma_start3A_229 = tpu.memref_slice %arg9[%add3A_214, %dma_start3A_227, %dma_start3A_228] : memref<2400x40x256xi32, #tpu.memory_space<hbm>> -> memref<1x40x256xi32, #tpu.memory_space<hbm>>
      %dma_start3A_230 = tpu.memref_squeeze %dma_start3A_229 : memref<1x40x256xi32, #tpu.memory_space<hbm>> -> memref<40x256xi32, #tpu.memory_space<hbm>>
      tpu.enqueue_dma source(%arg18 : memref<40x256xi32, #tpu.memory_space<vmem>>) target(%dma_start3A_230 : memref<40x256xi32, #tpu.memory_space<hbm>>) target_semaphore(%arg26 : memref<!tpu.dma_semaphore, #tpu.memory_space<semaphore_mem>>)
      %dma_start3A_231 = arith.constant 0 : i32
      %dma_start3A_232 = arith.constant 0 : i32
      %dma_start3A_233 = tpu.memref_slice %arg10[%add3A_214, %dma_start3A_231, %dma_start3A_232] : memref<2400x40x128xf32, #tpu.memory_space<hbm>> -> memref<1x40x128xf32, #tpu.memory_space<hbm>>
      %dma_start3A_234 = tpu.memref_squeeze %dma_start3A_233 : memref<1x40x128xf32, #tpu.memory_space<hbm>> -> memref<40x128xf32, #tpu.memory_space<hbm>>
      %dma_start3A_235 = arith.constant 0 : i32
      %dma_start3A_236 = arith.constant 0 : i32
      %dma_start3A_237 = tpu.memref_slice %arg10[%add3A_214, %dma_start3A_235, %dma_start3A_236] : memref<2400x40x128xf32, #tpu.memory_space<hbm>> -> memref<1x40x128xf32, #tpu.memory_space<hbm>>
      %dma_start3A_238 = tpu.memref_squeeze %dma_start3A_237 : memref<1x40x128xf32, #tpu.memory_space<hbm>> -> memref<40x128xf32, #tpu.memory_space<hbm>>
      tpu.enqueue_dma source(%arg20 : memref<40x128xf32, #tpu.memory_space<vmem>>) target(%dma_start3A_238 : memref<40x128xf32, #tpu.memory_space<hbm>>) target_semaphore(%arg26 : memref<!tpu.dma_semaphore, #tpu.memory_space<semaphore_mem>>)
    }
    %scan3A_20 = arith.constant 37 : i32
    %dma_wait3A = arith.constant 0 : i32
    %dma_wait3A_21 = arith.constant 0 : i32
    %dma_wait3A_22 = arith.constant 0 : i32
    %dma_wait3A_23 = tpu.memref_slice %arg8[%dma_wait3A, %dma_wait3A_21, %dma_wait3A_22] : memref<2400x40x256xi32, #tpu.memory_space<hbm>> -> memref<1x40x256xi32, #tpu.memory_space<hbm>>
    %dma_wait3A_24 = tpu.memref_squeeze %dma_wait3A_23 : memref<1x40x256xi32, #tpu.memory_space<hbm>> -> memref<40x256xi32, #tpu.memory_space<hbm>>
    %dma_wait3A_25 = arith.constant 0 : i32
    %dma_wait3A_26 = arith.constant 0 : i32
    %dma_wait3A_27 = tpu.memref_slice %arg8[%dma_wait3A, %dma_wait3A_25, %dma_wait3A_26] : memref<2400x40x256xi32, #tpu.memory_space<hbm>> -> memref<1x40x256xi32, #tpu.memory_space<hbm>>
    %dma_wait3A_28 = tpu.memref_squeeze %dma_wait3A_27 : memref<1x40x256xi32, #tpu.memory_space<hbm>> -> memref<40x256xi32, #tpu.memory_space<hbm>>
    tpu.wait_dma2 semaphore(%arg26 : memref<!tpu.dma_semaphore, #tpu.memory_space<semaphore_mem>>) src(%arg16 : memref<40x256xi32, #tpu.memory_space<vmem>>) dst(%dma_wait3A_28 : memref<40x256xi32, #tpu.memory_space<hbm>>)
    %dma_wait3A_29 = arith.constant 0 : i32
    %dma_wait3A_30 = arith.constant 0 : i32
    %dma_wait3A_31 = arith.constant 0 : i32
    %dma_wait3A_32 = tpu.memref_slice %arg9[%dma_wait3A_29, %dma_wait3A_30, %dma_wait3A_31] : memref<2400x40x256xi32, #tpu.memory_space<hbm>> -> memref<1x40x256xi32, #tpu.memory_space<hbm>>
    %dma_wait3A_33 = tpu.memref_squeeze %dma_wait3A_32 : memref<1x40x256xi32, #tpu.memory_space<hbm>> -> memref<40x256xi32, #tpu.memory_space<hbm>>
    %dma_wait3A_34 = arith.constant 0 : i32
    %dma_wait3A_35 = arith.constant 0 : i32
    %dma_wait3A_36 = tpu.memref_slice %arg9[%dma_wait3A_29, %dma_wait3A_34, %dma_wait3A_35] : memref<2400x40x256xi32, #tpu.memory_space<hbm>> -> memref<1x40x256xi32, #tpu.memory_space<hbm>>
    %dma_wait3A_37 = tpu.memref_squeeze %dma_wait3A_36 : memref<1x40x256xi32, #tpu.memory_space<hbm>> -> memref<40x256xi32, #tpu.memory_space<hbm>>
    tpu.wait_dma2 semaphore(%arg26 : memref<!tpu.dma_semaphore, #tpu.memory_space<semaphore_mem>>) src(%arg18 : memref<40x256xi32, #tpu.memory_space<vmem>>) dst(%dma_wait3A_37 : memref<40x256xi32, #tpu.memory_space<hbm>>)
    %dma_wait3A_38 = arith.constant 0 : i32
    %dma_wait3A_39 = arith.constant 0 : i32
    %dma_wait3A_40 = arith.constant 0 : i32
    %dma_wait3A_41 = tpu.memref_slice %arg10[%dma_wait3A_38, %dma_wait3A_39, %dma_wait3A_40] : memref<2400x40x128xf32, #tpu.memory_space<hbm>> -> memref<1x40x128xf32, #tpu.memory_space<hbm>>
    %dma_wait3A_42 = tpu.memref_squeeze %dma_wait3A_41 : memref<1x40x128xf32, #tpu.memory_space<hbm>> -> memref<40x128xf32, #tpu.memory_space<hbm>>
    %dma_wait3A_43 = arith.constant 0 : i32
    %dma_wait3A_44 = arith.constant 0 : i32
    %dma_wait3A_45 = tpu.memref_slice %arg10[%dma_wait3A_38, %dma_wait3A_43, %dma_wait3A_44] : memref<2400x40x128xf32, #tpu.memory_space<hbm>> -> memref<1x40x128xf32, #tpu.memory_space<hbm>>
    %dma_wait3A_46 = tpu.memref_squeeze %dma_wait3A_45 : memref<1x40x128xf32, #tpu.memory_space<hbm>> -> memref<40x128xf32, #tpu.memory_space<hbm>>
    tpu.wait_dma2 semaphore(%arg26 : memref<!tpu.dma_semaphore, #tpu.memory_space<semaphore_mem>>) src(%arg20 : memref<40x128xf32, #tpu.memory_space<vmem>>) dst(%dma_wait3A_46 : memref<40x128xf32, #tpu.memory_space<hbm>>)
    %dma_wait3A_47 = arith.constant 0 : i32
    %dma_wait3A_48 = arith.constant 0 : i32
    %dma_wait3A_49 = tpu.memref_slice %arg2[%dma_wait3A_47, %dma_wait3A_48] : memref<10000x256xi32, #tpu.memory_space<hbm>> -> memref<10000x256xi32, #tpu.memory_space<hbm>>
    tpu.wait_indirect_dma semaphore(%arg23 : memref<!tpu.dma_semaphore, #tpu.memory_space<semaphore_mem>>) src(%dma_wait3A_49 : memref<10000x256xi32, #tpu.memory_space<hbm>>) dst(%arg15 : memref<40x256xi32, #tpu.memory_space<vmem>>)
    %dma_wait3A_50 = arith.constant 0 : i32
    %dma_wait3A_51 = arith.constant 0 : i32
    %dma_wait3A_52 = tpu.memref_slice %arg3[%dma_wait3A_50, %dma_wait3A_51] : memref<10000x256xi32, #tpu.memory_space<hbm>> -> memref<10000x256xi32, #tpu.memory_space<hbm>>
    tpu.wait_indirect_dma semaphore(%arg23 : memref<!tpu.dma_semaphore, #tpu.memory_space<semaphore_mem>>) src(%dma_wait3A_52 : memref<10000x256xi32, #tpu.memory_space<hbm>>) dst(%arg17 : memref<40x256xi32, #tpu.memory_space<vmem>>)
    %dma_wait3A_53 = arith.constant 0 : i32
    %dma_wait3A_54 = arith.constant 0 : i32
    %dma_wait3A_55 = tpu.memref_slice %arg4[%dma_wait3A_53, %dma_wait3A_54] : memref<10000x128xf32, #tpu.memory_space<hbm>> -> memref<10000x128xf32, #tpu.memory_space<hbm>>
    tpu.wait_indirect_dma semaphore(%arg23 : memref<!tpu.dma_semaphore, #tpu.memory_space<semaphore_mem>>) src(%dma_wait3A_55 : memref<10000x128xf32, #tpu.memory_space<hbm>>) dst(%arg19 : memref<40x128xf32, #tpu.memory_space<vmem>>)
    %dma_wait3A_56 = arith.constant 0 : i32
    %dma_wait3A_57 = arith.constant 0 : i32
    %dma_wait3A_58 = tpu.memref_slice %arg5[%dma_wait3A_56, %dma_wait3A_57] : memref<10000x128xf32, #tpu.memory_space<hbm>> -> memref<10000x128xf32, #tpu.memory_space<hbm>>
    tpu.wait_indirect_dma semaphore(%arg23 : memref<!tpu.dma_semaphore, #tpu.memory_space<semaphore_mem>>) src(%dma_wait3A_58 : memref<10000x128xf32, #tpu.memory_space<hbm>>) dst(%arg21 : memref<40x128xf32, #tpu.memory_space<vmem>>)
    %scan3A_59 = arith.constant 0 : i32
    %scan3A_60 = arith.constant 0 : i32
    %scan3A_61 = arith.constant 40 : i32
    %scan3A_62 = arith.addi %scan3A_60, %scan3A_61 : i32
    %scan3A_63 = arith.constant 1 : i32
    scf.for %scan3A_120 = %scan3A_60 to %scan3A_62 step %scan3A_63  : i32 {
      %get3A = arith.index_cast %scan3A_120 : i32 to index
      %get3A_121 = arith.constant 0 : index
      %get3A_122 = tpu.vector_load %arg19[%get3A, %get3A_121] {strides = array<i32>} : memref<40x128xf32, #tpu.memory_space<vmem>>, vector<1x16xf32>,
      %get3A_123 = vector.shape_cast %get3A_122 : vector<1x16xf32> to vector<16xf32>
      %get3A_124 = arith.index_cast %scan3A_120 : i32 to index
      %get3A_125 = arith.constant 0 : index
      %get3A_126 = tpu.vector_load %arg21[%get3A_124, %get3A_125] {strides = array<i32>} : memref<40x128xf32, #tpu.memory_space<vmem>>, vector<1x16xf32>,
      %get3A_127 = vector.shape_cast %get3A_126 : vector<1x16xf32> to vector<16xf32>
      %add3A_128 = arith.addf %get3A_123, %get3A_127 : vector<16xf32>
      %swap3A = arith.index_cast %scan3A_120 : i32 to index
      %swap3A_129 = arith.constant 0 : index
      %swap3A_130 = tpu.vector_load %arg19[%swap3A, %swap3A_129] {strides = array<i32>} : memref<40x128xf32, #tpu.memory_space<vmem>>, vector<1x16xf32>,
      %swap3A_131 = vector.shape_cast %swap3A_130 : vector<1x16xf32> to vector<16xf32>
      %swap3A_132 = vector.shape_cast %add3A_128 : vector<16xf32> to vector<1x16xf32>
      tpu.vector_store %arg19[%swap3A, %swap3A_129], %swap3A_132 {strides = array<i32>} : memref<40x128xf32, #tpu.memory_space<vmem>>, vector<1x16xf32>,
    }
    %scan3A_64 = arith.constant 40 : i32
    %mul3A_65 = arith.constant 75 : i32
    %mul3A_66 = arith.muli %add3A, %mul3A_65 : i32
    %add3A_67 = arith.constant 74 : i32
    %add3A_68 = arith.addi %mul3A_66, %add3A_67 : i32
    %dma_start3A_69 = arith.constant 0 : i32
    %dma_start3A_70 = arith.constant 0 : i32
    %dma_start3A_71 = tpu.memref_slice %arg8[%add3A_68, %dma_start3A_69, %dma_start3A_70] : memref<2400x40x256xi32, #tpu.memory_space<hbm>> -> memref<1x40x256xi32, #tpu.memory_space<hbm>>
    %dma_start3A_72 = tpu.memref_squeeze %dma_start3A_71 : memref<1x40x256xi32, #tpu.memory_space<hbm>> -> memref<40x256xi32, #tpu.memory_space<hbm>>
    %dma_start3A_73 = arith.constant 0 : i32
    %dma_start3A_74 = arith.constant 0 : i32
    %dma_start3A_75 = tpu.memref_slice %arg8[%add3A_68, %dma_start3A_73, %dma_start3A_74] : memref<2400x40x256xi32, #tpu.memory_space<hbm>> -> memref<1x40x256xi32, #tpu.memory_space<hbm>>
    %dma_start3A_76 = tpu.memref_squeeze %dma_start3A_75 : memref<1x40x256xi32, #tpu.memory_space<hbm>> -> memref<40x256xi32, #tpu.memory_space<hbm>>
    tpu.enqueue_dma source(%arg15 : memref<40x256xi32, #tpu.memory_space<vmem>>) target(%dma_start3A_76 : memref<40x256xi32, #tpu.memory_space<hbm>>) target_semaphore(%arg25 : memref<!tpu.dma_semaphore, #tpu.memory_space<semaphore_mem>>)
    %dma_start3A_77 = arith.constant 0 : i32
    %dma_start3A_78 = arith.constant 0 : i32
    %dma_start3A_79 = tpu.memref_slice %arg9[%add3A_68, %dma_start3A_77, %dma_start3A_78] : memref<2400x40x256xi32, #tpu.memory_space<hbm>> -> memref<1x40x256xi32, #tpu.memory_space<hbm>>
    %dma_start3A_80 = tpu.memref_squeeze %dma_start3A_79 : memref<1x40x256xi32, #tpu.memory_space<hbm>> -> memref<40x256xi32, #tpu.memory_space<hbm>>
    %dma_start3A_81 = arith.constant 0 : i32
    %dma_start3A_82 = arith.constant 0 : i32
    %dma_start3A_83 = tpu.memref_slice %arg9[%add3A_68, %dma_start3A_81, %dma_start3A_82] : memref<2400x40x256xi32, #tpu.memory_space<hbm>> -> memref<1x40x256xi32, #tpu.memory_space<hbm>>
    %dma_start3A_84 = tpu.memref_squeeze %dma_start3A_83 : memref<1x40x256xi32, #tpu.memory_space<hbm>> -> memref<40x256xi32, #tpu.memory_space<hbm>>
    tpu.enqueue_dma source(%arg17 : memref<40x256xi32, #tpu.memory_space<vmem>>) target(%dma_start3A_84 : memref<40x256xi32, #tpu.memory_space<hbm>>) target_semaphore(%arg25 : memref<!tpu.dma_semaphore, #tpu.memory_space<semaphore_mem>>)
    %dma_start3A_85 = arith.constant 0 : i32
    %dma_start3A_86 = arith.constant 0 : i32
    %dma_start3A_87 = tpu.memref_slice %arg10[%add3A_68, %dma_start3A_85, %dma_start3A_86] : memref<2400x40x128xf32, #tpu.memory_space<hbm>> -> memref<1x40x128xf32, #tpu.memory_space<hbm>>
    %dma_start3A_88 = tpu.memref_squeeze %dma_start3A_87 : memref<1x40x128xf32, #tpu.memory_space<hbm>> -> memref<40x128xf32, #tpu.memory_space<hbm>>
    %dma_start3A_89 = arith.constant 0 : i32
    %dma_start3A_90 = arith.constant 0 : i32
    %dma_start3A_91 = tpu.memref_slice %arg10[%add3A_68, %dma_start3A_89, %dma_start3A_90] : memref<2400x40x128xf32, #tpu.memory_space<hbm>> -> memref<1x40x128xf32, #tpu.memory_space<hbm>>
    %dma_start3A_92 = tpu.memref_squeeze %dma_start3A_91 : memref<1x40x128xf32, #tpu.memory_space<hbm>> -> memref<40x128xf32, #tpu.memory_space<hbm>>
    tpu.enqueue_dma source(%arg19 : memref<40x128xf32, #tpu.memory_space<vmem>>) target(%dma_start3A_92 : memref<40x128xf32, #tpu.memory_space<hbm>>) target_semaphore(%arg25 : memref<!tpu.dma_semaphore, #tpu.memory_space<semaphore_mem>>)
    %dma_wait3A_93 = arith.constant 0 : i32
    %dma_wait3A_94 = arith.constant 0 : i32
    %dma_wait3A_95 = arith.constant 0 : i32
    %dma_wait3A_96 = tpu.memref_slice %arg8[%dma_wait3A_93, %dma_wait3A_94, %dma_wait3A_95] : memref<2400x40x256xi32, #tpu.memory_space<hbm>> -> memref<1x40x256xi32, #tpu.memory_space<hbm>>
    %dma_wait3A_97 = tpu.memref_squeeze %dma_wait3A_96 : memref<1x40x256xi32, #tpu.memory_space<hbm>> -> memref<40x256xi32, #tpu.memory_space<hbm>>
    %dma_wait3A_98 = arith.constant 0 : i32
    %dma_wait3A_99 = arith.constant 0 : i32
    %dma_wait3A_100 = tpu.memref_slice %arg8[%dma_wait3A_93, %dma_wait3A_98, %dma_wait3A_99] : memref<2400x40x256xi32, #tpu.memory_space<hbm>> -> memref<1x40x256xi32, #tpu.memory_space<hbm>>
    %dma_wait3A_101 = tpu.memref_squeeze %dma_wait3A_100 : memref<1x40x256xi32, #tpu.memory_space<hbm>> -> memref<40x256xi32, #tpu.memory_space<hbm>>
    tpu.wait_dma2 semaphore(%arg25 : memref<!tpu.dma_semaphore, #tpu.memory_space<semaphore_mem>>) src(%arg15 : memref<40x256xi32, #tpu.memory_space<vmem>>) dst(%dma_wait3A_101 : memref<40x256xi32, #tpu.memory_space<hbm>>)
    %dma_wait3A_102 = arith.constant 0 : i32
    %dma_wait3A_103 = arith.constant 0 : i32
    %dma_wait3A_104 = arith.constant 0 : i32
    %dma_wait3A_105 = tpu.memref_slice %arg9[%dma_wait3A_102, %dma_wait3A_103, %dma_wait3A_104] : memref<2400x40x256xi32, #tpu.memory_space<hbm>> -> memref<1x40x256xi32, #tpu.memory_space<hbm>>
    %dma_wait3A_106 = tpu.memref_squeeze %dma_wait3A_105 : memref<1x40x256xi32, #tpu.memory_space<hbm>> -> memref<40x256xi32, #tpu.memory_space<hbm>>
    %dma_wait3A_107 = arith.constant 0 : i32
    %dma_wait3A_108 = arith.constant 0 : i32
    %dma_wait3A_109 = tpu.memref_slice %arg9[%dma_wait3A_102, %dma_wait3A_107, %dma_wait3A_108] : memref<2400x40x256xi32, #tpu.memory_space<hbm>> -> memref<1x40x256xi32, #tpu.memory_space<hbm>>
    %dma_wait3A_110 = tpu.memref_squeeze %dma_wait3A_109 : memref<1x40x256xi32, #tpu.memory_space<hbm>> -> memref<40x256xi32, #tpu.memory_space<hbm>>
    tpu.wait_dma2 semaphore(%arg25 : memref<!tpu.dma_semaphore, #tpu.memory_space<semaphore_mem>>) src(%arg17 : memref<40x256xi32, #tpu.memory_space<vmem>>) dst(%dma_wait3A_110 : memref<40x256xi32, #tpu.memory_space<hbm>>)
    %dma_wait3A_111 = arith.constant 0 : i32
    %dma_wait3A_112 = arith.constant 0 : i32
    %dma_wait3A_113 = arith.constant 0 : i32
    %dma_wait3A_114 = tpu.memref_slice %arg10[%dma_wait3A_111, %dma_wait3A_112, %dma_wait3A_113] : memref<2400x40x128xf32, #tpu.memory_space<hbm>> -> memref<1x40x128xf32, #tpu.memory_space<hbm>>
    %dma_wait3A_115 = tpu.memref_squeeze %dma_wait3A_114 : memref<1x40x128xf32, #tpu.memory_space<hbm>> -> memref<40x128xf32, #tpu.memory_space<hbm>>
    %dma_wait3A_116 = arith.constant 0 : i32
    %dma_wait3A_117 = arith.constant 0 : i32
    %dma_wait3A_118 = tpu.memref_slice %arg10[%dma_wait3A_111, %dma_wait3A_116, %dma_wait3A_117] : memref<2400x40x128xf32, #tpu.memory_space<hbm>> -> memref<1x40x128xf32, #tpu.memory_space<hbm>>
    %dma_wait3A_119 = tpu.memref_squeeze %dma_wait3A_118 : memref<1x40x128xf32, #tpu.memory_space<hbm>> -> memref<40x128xf32, #tpu.memory_space<hbm>>
    tpu.wait_dma2 semaphore(%arg25 : memref<!tpu.dma_semaphore, #tpu.memory_space<semaphore_mem>>) src(%arg19 : memref<40x128xf32, #tpu.memory_space<vmem>>) dst(%dma_wait3A_119 : memref<40x128xf32, #tpu.memory_space<hbm>>)
    return
  }
}

module attributes {stable_mosaic.version = 14 : i64} {
  func.func @_proj_body(%arg0: i32, %arg1: memref<1000x512xf32, #tpu.memory_space<vmem>>, %arg2: memref<512x512xf32, #tpu.memory_space<vmem>>, %arg3: memref<512x512xf32, #tpu.memory_space<vmem>>, %arg4: memref<1x512xf32, #tpu.memory_space<vmem>>, %arg5: memref<1000x512xbf16, #tpu.memory_space<vmem>>, %arg6: memref<1000x512xbf16, #tpu.memory_space<vmem>>) attributes {dimension_semantics = [#tpu.dimension_semantics<arbitrary>], iteration_bounds = array<i64: 10>, scalar_prefetch = 0 : i64, scratch_operands = 0 : i64, tpu.core_type = #tpu.core_type<tc>, window_params = [{transform_indices = @transform_0, window_bounds = array<i64: 1000, 512>}, {pipeline_mode = #tpu.pipeline_mode<synchronous>, transform_indices = @transform_1, window_bounds = array<i64: 512, 512>}, {pipeline_mode = #tpu.pipeline_mode<synchronous>, transform_indices = @transform_2, window_bounds = array<i64: 512, 512>}, {pipeline_mode = #tpu.pipeline_mode<synchronous>, transform_indices = @transform_3, window_bounds = array<i64: 1, 512>}, {transform_indices = @transform_4, window_bounds = array<i64: 1000, 512>}, {transform_indices = @transform_5, window_bounds = array<i64: 1000, 512>}]} {
    %get3A = arith.constant 0 : index
    %get3A_0 = arith.constant 0 : index
    %get3A_1 = vector.load %arg1[%get3A, %get3A_0] : memref<1000x512xf32, #tpu.memory_space<vmem>>, vector<1000x512xf32>
    %get3A_2 = arith.constant 0 : index
    %get3A_3 = arith.constant 0 : index
    %get3A_4 = vector.load %arg2[%get3A_2, %get3A_3] : memref<512x512xf32, #tpu.memory_space<vmem>>, vector<512x512xf32>
    %dot_general3A = arith.constant dense<0.000000e+00> : vector<1000x512xf32>
    %dot_general3A_5 = tpu.matmul %get3A_1, %get3A_4, %dot_general3A {dimension_numbers = #tpu.dot_dimension_numbers<[1], [0], [0], [1], [0, 0, 1, 1], [], []>, transpose_lhs_hint = false} : vector<1000x512xf32>, vector<512x512xf32>, vector<1000x512xf32> -> vector<1000x512xf32>
    %get3A_6 = arith.constant 0 : index
    %get3A_7 = arith.constant 0 : index
    %get3A_8 = vector.load %arg4[%get3A_6, %get3A_7] : memref<1x512xf32, #tpu.memory_space<vmem>>, vector<1x512xf32>
    %add3A = vector.broadcast %get3A_8 : vector<1x512xf32> to vector<1000x512xf32>
    %add3A_9 = arith.addf %dot_general3A_5, %add3A : vector<1000x512xf32>
    %get3A_10 = arith.constant 0 : index
    %get3A_11 = arith.constant 0 : index
    %get3A_12 = vector.load %arg3[%get3A_10, %get3A_11] : memref<512x512xf32, #tpu.memory_space<vmem>>, vector<512x512xf32>
    %dot_general3A_13 = arith.constant dense<0.000000e+00> : vector<1000x512xf32>
    %dot_general3A_14 = tpu.matmul %get3A_1, %get3A_12, %dot_general3A_13 {dimension_numbers = #tpu.dot_dimension_numbers<[1], [0], [0], [1], [0, 0, 1, 1], [], []>, transpose_lhs_hint = false} : vector<1000x512xf32>, vector<512x512xf32>, vector<1000x512xf32> -> vector<1000x512xf32>
    %convert_element_type3A = arith.truncf %add3A_9 : vector<1000x512xf32> to vector<1000x512xbf16>
    %swap3A = arith.constant 0 : index
    %swap3A_15 = arith.constant 0 : index
    %swap3A_16 = vector.load %arg5[%swap3A, %swap3A_15] : memref<1000x512xbf16, #tpu.memory_space<vmem>>, vector<1000x512xbf16>
    tpu.vector_store %arg5[%swap3A, %swap3A_15], %convert_element_type3A {strides = array<i32>} : memref<1000x512xbf16, #tpu.memory_space<vmem>>, vector<1000x512xbf16>,
    %convert_element_type3A_17 = arith.truncf %dot_general3A_14 : vector<1000x512xf32> to vector<1000x512xbf16>
    %swap3A_18 = arith.constant 0 : index
    %swap3A_19 = arith.constant 0 : index
    %swap3A_20 = vector.load %arg6[%swap3A_18, %swap3A_19] : memref<1000x512xbf16, #tpu.memory_space<vmem>>, vector<1000x512xbf16>
    tpu.vector_store %arg6[%swap3A_18, %swap3A_19], %convert_element_type3A_17 {strides = array<i32>} : memref<1000x512xbf16, #tpu.memory_space<vmem>>, vector<1000x512xbf16>,
    return
  }
  func.func @transform_0(%arg0: i32) -> (i32, i32) {
    %c0_i32 = arith.constant 0 : i32
    %c0_i32_0 = arith.constant 0 : i32
    return %arg0, %c0_i32 : i32, i32
  }
  func.func @transform_1(%arg0: i32) -> (i32, i32) {
    %c0_i32 = arith.constant 0 : i32
    %c0_i32_0 = arith.constant 0 : i32
    %c0_i32_1 = arith.constant 0 : i32
    return %c0_i32, %c0_i32_0 : i32, i32
  }
  func.func @transform_2(%arg0: i32) -> (i32, i32) {
    %c0_i32 = arith.constant 0 : i32
    %c0_i32_0 = arith.constant 0 : i32
    %c0_i32_1 = arith.constant 0 : i32
    return %c0_i32, %c0_i32_0 : i32, i32
  }
  func.func @transform_3(%arg0: i32) -> (i32, i32) {
    %c0_i32 = arith.constant 0 : i32
    %c0_i32_0 = arith.constant 0 : i32
    %c0_i32_1 = arith.constant 0 : i32
    return %c0_i32, %c0_i32_0 : i32, i32
  }
  func.func @transform_4(%arg0: i32) -> (i32, i32) {
    %c0_i32 = arith.constant 0 : i32
    %c0_i32_0 = arith.constant 0 : i32
    return %arg0, %c0_i32 : i32, i32
  }
  func.func @transform_5(%arg0: i32) -> (i32, i32) {
    %c0_i32 = arith.constant 0 : i32
    %c0_i32_0 = arith.constant 0 : i32
    return %arg0, %c0_i32 : i32, i32
  }
}

module attributes {stable_mosaic.version = 14 : i64} {
  func.func @_edge_body(%arg0: i32, %arg1: memref<20x40x256xi32, #tpu.memory_space<vmem>>, %arg2: memref<20x40x256xi32, #tpu.memory_space<vmem>>, %arg3: memref<20x40x128xf32, #tpu.memory_space<vmem>>, %arg4: memref<1x512xf32, #tpu.memory_space<vmem>>, %arg5: memref<512x512xbf16, #tpu.memory_space<vmem>>, %arg6: memref<1x512xf32, #tpu.memory_space<vmem>>, %arg7: memref<1x512xf32, #tpu.memory_space<vmem>>, %arg8: memref<1x1xf32, #tpu.memory_space<vmem>>, %arg9: memref<800x512xf32, #tpu.memory_space<vmem>>, %arg10: memref<800x128xf32, #tpu.memory_space<vmem>>) attributes {dimension_semantics = [#tpu.dimension_semantics<arbitrary>], iteration_bounds = array<i64: 120>, scalar_prefetch = 0 : i64, scratch_operands = 0 : i64, tpu.core_type = #tpu.core_type<tc>, window_params = [{transform_indices = @transform_0, window_bounds = array<i64: 20, 40, 256>}, {transform_indices = @transform_1, window_bounds = array<i64: 20, 40, 256>}, {transform_indices = @transform_2, window_bounds = array<i64: 20, 40, 128>}, {pipeline_mode = #tpu.pipeline_mode<synchronous>, transform_indices = @transform_3, window_bounds = array<i64: 1, 512>}, {pipeline_mode = #tpu.pipeline_mode<synchronous>, transform_indices = @transform_4, window_bounds = array<i64: 512, 512>}, {pipeline_mode = #tpu.pipeline_mode<synchronous>, transform_indices = @transform_5, window_bounds = array<i64: 1, 512>}, {pipeline_mode = #tpu.pipeline_mode<synchronous>, transform_indices = @transform_6, window_bounds = array<i64: 1, 512>}, {pipeline_mode = #tpu.pipeline_mode<synchronous>, transform_indices = @transform_7, window_bounds = array<i64: 1, 1>}, {transform_indices = @transform_8, window_bounds = array<i64: 800, 512>}, {transform_indices = @transform_9, window_bounds = array<i64: 800, 128>}]} {
    %get3A = arith.constant 0 : index
    %get3A_0 = arith.constant 0 : index
    %get3A_1 = arith.constant 0 : index
    %get3A_2 = vector.load %arg1[%get3A, %get3A_0, %get3A_1] : memref<20x40x256xi32, #tpu.memory_space<vmem>>, vector<20x40x256xi32>
    %get3A_3 = arith.constant 0 : index
    %get3A_4 = arith.constant 0 : index
    %get3A_5 = arith.constant 0 : index
    %get3A_6 = vector.load %arg2[%get3A_3, %get3A_4, %get3A_5] : memref<20x40x256xi32, #tpu.memory_space<vmem>>, vector<20x40x256xi32>
    %shift_left3A = arith.constant 16 : i32
    %shift_left3A_7 = vector.broadcast %shift_left3A : i32 to vector<20x40x256xi32>
    %shift_left3A_8 = arith.shli %get3A_2, %shift_left3A_7 : vector<20x40x256xi32>
    %bitcast_convert_type3A = tpu.bitcast %shift_left3A_8 : vector<20x40x256xi32> -> vector<20x40x256xf32>
    %shift_left3A_9 = arith.constant 16 : i32
    %shift_left3A_10 = vector.broadcast %shift_left3A_9 : i32 to vector<20x40x256xi32>
    %shift_left3A_11 = arith.shli %get3A_6, %shift_left3A_10 : vector<20x40x256xi32>
    %bitcast_convert_type3A_12 = tpu.bitcast %shift_left3A_11 : vector<20x40x256xi32> -> vector<20x40x256xf32>
    %add3A = arith.addf %bitcast_convert_type3A, %bitcast_convert_type3A_12 : vector<20x40x256xf32>
    %and3A = arith.constant -65536 : i32
    %and3A_13 = vector.broadcast %and3A : i32 to vector<20x40x256xi32>
    %and3A_14 = arith.andi %get3A_2, %and3A_13 : vector<20x40x256xi32>
    %bitcast_convert_type3A_15 = tpu.bitcast %and3A_14 : vector<20x40x256xi32> -> vector<20x40x256xf32>
    %and3A_16 = arith.constant -65536 : i32
    %and3A_17 = vector.broadcast %and3A_16 : i32 to vector<20x40x256xi32>
    %and3A_18 = arith.andi %get3A_6, %and3A_17 : vector<20x40x256xi32>
    %bitcast_convert_type3A_19 = tpu.bitcast %and3A_18 : vector<20x40x256xi32> -> vector<20x40x256xf32>
    %add3A_20 = arith.addf %bitcast_convert_type3A_15, %bitcast_convert_type3A_19 : vector<20x40x256xf32>
    %concatenate3A = tpu.concatenate %add3A, %add3A_20 in 2 : vector<20x40x256xf32>, vector<20x40x256xf32> -> vector<20x40x512xf32>
    %reshape3A = vector.shape_cast %concatenate3A : vector<20x40x512xf32> to vector<800x512xf32>
    %get3A_21 = arith.constant 0 : index
    %get3A_22 = arith.constant 0 : index
    %get3A_23 = arith.constant 0 : index
    %get3A_24 = vector.load %arg3[%get3A_21, %get3A_22, %get3A_23] : memref<20x40x128xf32, #tpu.memory_space<vmem>>, vector<20x40x128xf32>
    %reshape3A_25 = vector.shape_cast %get3A_24 : vector<20x40x128xf32> to vector<800x128xf32>
    %mul3A = arith.mulf %reshape3A_25, %reshape3A_25 : vector<800x128xf32>
    %reduce_sum3A = arith.constant dense<0.000000e+00> : vector<800xf32>
    %reduce_sum3A_26 = vector.multi_reduction <add>, %mul3A, %reduce_sum3A [1] : vector<800x128xf32> to vector<800xf32>
    %broadcast_in_dim3A = vector.shape_cast %reduce_sum3A_26 : vector<800xf32> to vector<800x1xf32>
    %sqrt3A = math.sqrt %broadcast_in_dim3A : vector<800x1xf32>
    %get3A_27 = arith.constant 0 : index
    %get3A_28 = arith.constant 0 : index
    %get3A_29 = vector.load %arg4[%get3A_27, %get3A_28] : memref<1x512xf32, #tpu.memory_space<vmem>>, vector<1x512xf32>
    %mul3A_30 = vector.broadcast %sqrt3A : vector<800x1xf32> to vector<800x512xf32>
    %mul3A_31 = vector.broadcast %get3A_29 : vector<1x512xf32> to vector<800x512xf32>
    %mul3A_32 = arith.mulf %mul3A_30, %mul3A_31 : vector<800x512xf32>
    %add3A_33 = arith.addf %reshape3A, %mul3A_32 : vector<800x512xf32>
    %logistic3A = arith.negf %add3A_33 : vector<800x512xf32>
    %logistic3A_34 = math.exp %logistic3A : vector<800x512xf32>
    %logistic3A_35 = arith.constant 1.000000e+00 : f32
    %logistic3A_36 = vector.broadcast %logistic3A_35 : f32 to vector<800x512xf32>
    %logistic3A_37 = arith.addf %logistic3A_36, %logistic3A_34 : vector<800x512xf32>
    %logistic3A_38 = arith.divf %logistic3A_36, %logistic3A_37 : vector<800x512xf32>
    %mul3A_39 = arith.mulf %add3A_33, %logistic3A_38 : vector<800x512xf32>
    %convert_element_type3A = arith.truncf %mul3A_39 : vector<800x512xf32> to vector<800x512xbf16>
    %get3A_40 = arith.constant 0 : index
    %get3A_41 = arith.constant 0 : index
    %get3A_42 = vector.load %arg5[%get3A_40, %get3A_41] : memref<512x512xbf16, #tpu.memory_space<vmem>>, vector<512x512xbf16>
    %dot_general3A = arith.constant dense<0.000000e+00> : vector<800x512xf32>
    %dot_general3A_43 = tpu.matmul %convert_element_type3A, %get3A_42, %dot_general3A {dimension_numbers = #tpu.dot_dimension_numbers<[1], [0], [0], [1], [0, 0, 1, 1], [], []>, transpose_lhs_hint = false} : vector<800x512xbf16>, vector<512x512xbf16>, vector<800x512xf32> -> vector<800x512xf32>
    %get3A_44 = arith.constant 0 : index
    %get3A_45 = arith.constant 0 : index
    %get3A_46 = vector.load %arg6[%get3A_44, %get3A_45] : memref<1x512xf32, #tpu.memory_space<vmem>>, vector<1x512xf32>
    %add3A_47 = vector.broadcast %get3A_46 : vector<1x512xf32> to vector<800x512xf32>
    %add3A_48 = arith.addf %dot_general3A_43, %add3A_47 : vector<800x512xf32>
    %swap3A = arith.constant 0 : index
    %swap3A_49 = arith.constant 0 : index
    %swap3A_50 = vector.load %arg9[%swap3A, %swap3A_49] : memref<800x512xf32, #tpu.memory_space<vmem>>, vector<800x512xf32>
    tpu.vector_store %arg9[%swap3A, %swap3A_49], %add3A_48 {strides = array<i32>} : memref<800x512xf32, #tpu.memory_space<vmem>>, vector<800x512xf32>,
    %get3A_51 = arith.constant 0 : index
    %get3A_52 = arith.constant 0 : index
    %get3A_53 = vector.load %arg7[%get3A_51, %get3A_52] : memref<1x512xf32, #tpu.memory_space<vmem>>, vector<1x512xf32>
    %mul3A_54 = vector.broadcast %get3A_53 : vector<1x512xf32> to vector<800x512xf32>
    %mul3A_55 = arith.mulf %add3A_48, %mul3A_54 : vector<800x512xf32>
    %reduce_sum3A_56 = arith.constant dense<0.000000e+00> : vector<800xf32>
    %reduce_sum3A_57 = vector.multi_reduction <add>, %mul3A_55, %reduce_sum3A_56 [1] : vector<800x512xf32> to vector<800xf32>
    %broadcast_in_dim3A_58 = vector.shape_cast %reduce_sum3A_57 : vector<800xf32> to vector<800x1xf32>
    %get3A_59 = arith.constant 0 : index
    %get3A_60 = arith.constant 0 : index
    %get3A_61 = vector.load %arg8[%get3A_59, %get3A_60] : memref<1x1xf32, #tpu.memory_space<vmem>>, vector<1x1xf32>
    %add3A_62 = vector.broadcast %get3A_61 : vector<1x1xf32> to vector<800x1xf32>
    %add3A_63 = arith.addf %broadcast_in_dim3A_58, %add3A_62 : vector<800x1xf32>
    %logistic3A_64 = arith.negf %add3A_63 : vector<800x1xf32>
    %logistic3A_65 = math.exp %logistic3A_64 : vector<800x1xf32>
    %logistic3A_66 = arith.constant 1.000000e+00 : f32
    %logistic3A_67 = vector.broadcast %logistic3A_66 : f32 to vector<800x1xf32>
    %logistic3A_68 = arith.addf %logistic3A_67, %logistic3A_65 : vector<800x1xf32>
    %logistic3A_69 = arith.divf %logistic3A_67, %logistic3A_68 : vector<800x1xf32>
    %mul3A_70 = vector.broadcast %logistic3A_69 : vector<800x1xf32> to vector<800x128xf32>
    %mul3A_71 = arith.mulf %reshape3A_25, %mul3A_70 : vector<800x128xf32>
    %swap3A_72 = arith.constant 0 : index
    %swap3A_73 = arith.constant 0 : index
    %swap3A_74 = vector.load %arg10[%swap3A_72, %swap3A_73] : memref<800x128xf32, #tpu.memory_space<vmem>>, vector<800x128xf32>
    tpu.vector_store %arg10[%swap3A_72, %swap3A_73], %mul3A_71 {strides = array<i32>} : memref<800x128xf32, #tpu.memory_space<vmem>>, vector<800x128xf32>,
    return
  }
  func.func @transform_0(%arg0: i32) -> (i32, i32, i32) {
    %c0_i32 = arith.constant 0 : i32
    %c0_i32_0 = arith.constant 0 : i32
    %c0_i32_1 = arith.constant 0 : i32
    return %arg0, %c0_i32, %c0_i32_0 : i32, i32, i32
  }
  func.func @transform_1(%arg0: i32) -> (i32, i32, i32) {
    %c0_i32 = arith.constant 0 : i32
    %c0_i32_0 = arith.constant 0 : i32
    %c0_i32_1 = arith.constant 0 : i32
    return %arg0, %c0_i32, %c0_i32_0 : i32, i32, i32
  }
  func.func @transform_2(%arg0: i32) -> (i32, i32, i32) {
    %c0_i32 = arith.constant 0 : i32
    %c0_i32_0 = arith.constant 0 : i32
    %c0_i32_1 = arith.constant 0 : i32
    return %arg0, %c0_i32, %c0_i32_0 : i32, i32, i32
  }
  func.func @transform_3(%arg0: i32) -> (i32, i32) {
    %c0_i32 = arith.constant 0 : i32
    %c0_i32_0 = arith.constant 0 : i32
    %c0_i32_1 = arith.constant 0 : i32
    return %c0_i32, %c0_i32_0 : i32, i32
  }
  func.func @transform_4(%arg0: i32) -> (i32, i32) {
    %c0_i32 = arith.constant 0 : i32
    %c0_i32_0 = arith.constant 0 : i32
    %c0_i32_1 = arith.constant 0 : i32
    return %c0_i32, %c0_i32_0 : i32, i32
  }
  func.func @transform_5(%arg0: i32) -> (i32, i32) {
    %c0_i32 = arith.constant 0 : i32
    %c0_i32_0 = arith.constant 0 : i32
    %c0_i32_1 = arith.constant 0 : i32
    return %c0_i32, %c0_i32_0 : i32, i32
  }
  func.func @transform_6(%arg0: i32) -> (i32, i32) {
    %c0_i32 = arith.constant 0 : i32
    %c0_i32_0 = arith.constant 0 : i32
    %c0_i32_1 = arith.constant 0 : i32
    return %c0_i32, %c0_i32_0 : i32, i32
  }
  func.func @transform_7(%arg0: i32) -> (i32, i32) {
    %c0_i32 = arith.constant 0 : i32
    %c0_i32_0 = arith.constant 0 : i32
    %c0_i32_1 = arith.constant 0 : i32
    return %c0_i32, %c0_i32_0 : i32, i32
  }
  func.func @transform_8(%arg0: i32) -> (i32, i32) {
    %c0_i32 = arith.constant 0 : i32
    %c0_i32_0 = arith.constant 0 : i32
    return %arg0, %c0_i32 : i32, i32
  }
  func.func @transform_9(%arg0: i32) -> (i32, i32) {
    %c0_i32 = arith.constant 0 : i32
    %c0_i32_0 = arith.constant 0 : i32
    return %arg0, %c0_i32 : i32, i32
  }
}

module attributes {stable_mosaic.version = 14 : i64} {
  func.func @_edge_body(%arg0: i32, %arg1: memref<20x40x256xi32, #tpu.memory_space<vmem>>, %arg2: memref<20x40x256xi32, #tpu.memory_space<vmem>>, %arg3: memref<20x40x128xf32, #tpu.memory_space<vmem>>, %arg4: memref<1x512xf32, #tpu.memory_space<vmem>>, %arg5: memref<512x512xbf16, #tpu.memory_space<vmem>>, %arg6: memref<1x512xf32, #tpu.memory_space<vmem>>, %arg7: memref<1x512xf32, #tpu.memory_space<vmem>>, %arg8: memref<1x1xf32, #tpu.memory_space<vmem>>, %arg9: memref<800x512xf32, #tpu.memory_space<vmem>>, %arg10: memref<800x128xf32, #tpu.memory_space<vmem>>) attributes {dimension_semantics = [#tpu.dimension_semantics<arbitrary>], iteration_bounds = array<i64: 80>, scalar_prefetch = 0 : i64, scratch_operands = 0 : i64, tpu.core_type = #tpu.core_type<tc>, window_params = [{transform_indices = @transform_0, window_bounds = array<i64: 20, 40, 256>}, {transform_indices = @transform_1, window_bounds = array<i64: 20, 40, 256>}, {transform_indices = @transform_2, window_bounds = array<i64: 20, 40, 128>}, {pipeline_mode = #tpu.pipeline_mode<synchronous>, transform_indices = @transform_3, window_bounds = array<i64: 1, 512>}, {pipeline_mode = #tpu.pipeline_mode<synchronous>, transform_indices = @transform_4, window_bounds = array<i64: 512, 512>}, {pipeline_mode = #tpu.pipeline_mode<synchronous>, transform_indices = @transform_5, window_bounds = array<i64: 1, 512>}, {pipeline_mode = #tpu.pipeline_mode<synchronous>, transform_indices = @transform_6, window_bounds = array<i64: 1, 512>}, {pipeline_mode = #tpu.pipeline_mode<synchronous>, transform_indices = @transform_7, window_bounds = array<i64: 1, 1>}, {transform_indices = @transform_8, window_bounds = array<i64: 800, 512>}, {transform_indices = @transform_9, window_bounds = array<i64: 800, 128>}]} {
    %get3A = arith.constant 0 : index
    %get3A_0 = arith.constant 0 : index
    %get3A_1 = arith.constant 0 : index
    %get3A_2 = vector.load %arg1[%get3A, %get3A_0, %get3A_1] : memref<20x40x256xi32, #tpu.memory_space<vmem>>, vector<20x40x256xi32>
    %get3A_3 = arith.constant 0 : index
    %get3A_4 = arith.constant 0 : index
    %get3A_5 = arith.constant 0 : index
    %get3A_6 = vector.load %arg2[%get3A_3, %get3A_4, %get3A_5] : memref<20x40x256xi32, #tpu.memory_space<vmem>>, vector<20x40x256xi32>
    %shift_left3A = arith.constant 16 : i32
    %shift_left3A_7 = vector.broadcast %shift_left3A : i32 to vector<20x40x256xi32>
    %shift_left3A_8 = arith.shli %get3A_2, %shift_left3A_7 : vector<20x40x256xi32>
    %bitcast_convert_type3A = tpu.bitcast %shift_left3A_8 : vector<20x40x256xi32> -> vector<20x40x256xf32>
    %shift_left3A_9 = arith.constant 16 : i32
    %shift_left3A_10 = vector.broadcast %shift_left3A_9 : i32 to vector<20x40x256xi32>
    %shift_left3A_11 = arith.shli %get3A_6, %shift_left3A_10 : vector<20x40x256xi32>
    %bitcast_convert_type3A_12 = tpu.bitcast %shift_left3A_11 : vector<20x40x256xi32> -> vector<20x40x256xf32>
    %add3A = arith.addf %bitcast_convert_type3A, %bitcast_convert_type3A_12 : vector<20x40x256xf32>
    %and3A = arith.constant -65536 : i32
    %and3A_13 = vector.broadcast %and3A : i32 to vector<20x40x256xi32>
    %and3A_14 = arith.andi %get3A_2, %and3A_13 : vector<20x40x256xi32>
    %bitcast_convert_type3A_15 = tpu.bitcast %and3A_14 : vector<20x40x256xi32> -> vector<20x40x256xf32>
    %and3A_16 = arith.constant -65536 : i32
    %and3A_17 = vector.broadcast %and3A_16 : i32 to vector<20x40x256xi32>
    %and3A_18 = arith.andi %get3A_6, %and3A_17 : vector<20x40x256xi32>
    %bitcast_convert_type3A_19 = tpu.bitcast %and3A_18 : vector<20x40x256xi32> -> vector<20x40x256xf32>
    %add3A_20 = arith.addf %bitcast_convert_type3A_15, %bitcast_convert_type3A_19 : vector<20x40x256xf32>
    %concatenate3A = tpu.concatenate %add3A, %add3A_20 in 2 : vector<20x40x256xf32>, vector<20x40x256xf32> -> vector<20x40x512xf32>
    %reshape3A = vector.shape_cast %concatenate3A : vector<20x40x512xf32> to vector<800x512xf32>
    %get3A_21 = arith.constant 0 : index
    %get3A_22 = arith.constant 0 : index
    %get3A_23 = arith.constant 0 : index
    %get3A_24 = vector.load %arg3[%get3A_21, %get3A_22, %get3A_23] : memref<20x40x128xf32, #tpu.memory_space<vmem>>, vector<20x40x128xf32>
    %reshape3A_25 = vector.shape_cast %get3A_24 : vector<20x40x128xf32> to vector<800x128xf32>
    %mul3A = arith.mulf %reshape3A_25, %reshape3A_25 : vector<800x128xf32>
    %reduce_sum3A = arith.constant dense<0.000000e+00> : vector<800xf32>
    %reduce_sum3A_26 = vector.multi_reduction <add>, %mul3A, %reduce_sum3A [1] : vector<800x128xf32> to vector<800xf32>
    %broadcast_in_dim3A = vector.shape_cast %reduce_sum3A_26 : vector<800xf32> to vector<800x1xf32>
    %sqrt3A = math.sqrt %broadcast_in_dim3A : vector<800x1xf32>
    %get3A_27 = arith.constant 0 : index
    %get3A_28 = arith.constant 0 : index
    %get3A_29 = vector.load %arg4[%get3A_27, %get3A_28] : memref<1x512xf32, #tpu.memory_space<vmem>>, vector<1x512xf32>
    %mul3A_30 = vector.broadcast %sqrt3A : vector<800x1xf32> to vector<800x512xf32>
    %mul3A_31 = vector.broadcast %get3A_29 : vector<1x512xf32> to vector<800x512xf32>
    %mul3A_32 = arith.mulf %mul3A_30, %mul3A_31 : vector<800x512xf32>
    %add3A_33 = arith.addf %reshape3A, %mul3A_32 : vector<800x512xf32>
    %logistic3A = arith.negf %add3A_33 : vector<800x512xf32>
    %logistic3A_34 = math.exp %logistic3A : vector<800x512xf32>
    %logistic3A_35 = arith.constant 1.000000e+00 : f32
    %logistic3A_36 = vector.broadcast %logistic3A_35 : f32 to vector<800x512xf32>
    %logistic3A_37 = arith.addf %logistic3A_36, %logistic3A_34 : vector<800x512xf32>
    %logistic3A_38 = arith.divf %logistic3A_36, %logistic3A_37 : vector<800x512xf32>
    %mul3A_39 = arith.mulf %add3A_33, %logistic3A_38 : vector<800x512xf32>
    %convert_element_type3A = arith.truncf %mul3A_39 : vector<800x512xf32> to vector<800x512xbf16>
    %get3A_40 = arith.constant 0 : index
    %get3A_41 = arith.constant 0 : index
    %get3A_42 = vector.load %arg5[%get3A_40, %get3A_41] : memref<512x512xbf16, #tpu.memory_space<vmem>>, vector<512x512xbf16>
    %dot_general3A = arith.constant dense<0.000000e+00> : vector<800x512xf32>
    %dot_general3A_43 = tpu.matmul %convert_element_type3A, %get3A_42, %dot_general3A {dimension_numbers = #tpu.dot_dimension_numbers<[1], [0], [0], [1], [0, 0, 1, 1], [], []>, transpose_lhs_hint = false} : vector<800x512xbf16>, vector<512x512xbf16>, vector<800x512xf32> -> vector<800x512xf32>
    %get3A_44 = arith.constant 0 : index
    %get3A_45 = arith.constant 0 : index
    %get3A_46 = vector.load %arg6[%get3A_44, %get3A_45] : memref<1x512xf32, #tpu.memory_space<vmem>>, vector<1x512xf32>
    %add3A_47 = vector.broadcast %get3A_46 : vector<1x512xf32> to vector<800x512xf32>
    %add3A_48 = arith.addf %dot_general3A_43, %add3A_47 : vector<800x512xf32>
    %swap3A = arith.constant 0 : index
    %swap3A_49 = arith.constant 0 : index
    %swap3A_50 = vector.load %arg9[%swap3A, %swap3A_49] : memref<800x512xf32, #tpu.memory_space<vmem>>, vector<800x512xf32>
    tpu.vector_store %arg9[%swap3A, %swap3A_49], %add3A_48 {strides = array<i32>} : memref<800x512xf32, #tpu.memory_space<vmem>>, vector<800x512xf32>,
    %get3A_51 = arith.constant 0 : index
    %get3A_52 = arith.constant 0 : index
    %get3A_53 = vector.load %arg7[%get3A_51, %get3A_52] : memref<1x512xf32, #tpu.memory_space<vmem>>, vector<1x512xf32>
    %mul3A_54 = vector.broadcast %get3A_53 : vector<1x512xf32> to vector<800x512xf32>
    %mul3A_55 = arith.mulf %add3A_48, %mul3A_54 : vector<800x512xf32>
    %reduce_sum3A_56 = arith.constant dense<0.000000e+00> : vector<800xf32>
    %reduce_sum3A_57 = vector.multi_reduction <add>, %mul3A_55, %reduce_sum3A_56 [1] : vector<800x512xf32> to vector<800xf32>
    %broadcast_in_dim3A_58 = vector.shape_cast %reduce_sum3A_57 : vector<800xf32> to vector<800x1xf32>
    %get3A_59 = arith.constant 0 : index
    %get3A_60 = arith.constant 0 : index
    %get3A_61 = vector.load %arg8[%get3A_59, %get3A_60] : memref<1x1xf32, #tpu.memory_space<vmem>>, vector<1x1xf32>
    %add3A_62 = vector.broadcast %get3A_61 : vector<1x1xf32> to vector<800x1xf32>
    %add3A_63 = arith.addf %broadcast_in_dim3A_58, %add3A_62 : vector<800x1xf32>
    %logistic3A_64 = arith.negf %add3A_63 : vector<800x1xf32>
    %logistic3A_65 = math.exp %logistic3A_64 : vector<800x1xf32>
    %logistic3A_66 = arith.constant 1.000000e+00 : f32
    %logistic3A_67 = vector.broadcast %logistic3A_66 : f32 to vector<800x1xf32>
    %logistic3A_68 = arith.addf %logistic3A_67, %logistic3A_65 : vector<800x1xf32>
    %logistic3A_69 = arith.divf %logistic3A_67, %logistic3A_68 : vector<800x1xf32>
    %mul3A_70 = vector.broadcast %logistic3A_69 : vector<800x1xf32> to vector<800x128xf32>
    %mul3A_71 = arith.mulf %reshape3A_25, %mul3A_70 : vector<800x128xf32>
    %swap3A_72 = arith.constant 0 : index
    %swap3A_73 = arith.constant 0 : index
    %swap3A_74 = vector.load %arg10[%swap3A_72, %swap3A_73] : memref<800x128xf32, #tpu.memory_space<vmem>>, vector<800x128xf32>
    tpu.vector_store %arg10[%swap3A_72, %swap3A_73], %mul3A_71 {strides = array<i32>} : memref<800x128xf32, #tpu.memory_space<vmem>>, vector<800x128xf32>,
    return
  }
  func.func @transform_0(%arg0: i32) -> (i32, i32, i32) {
    %c0_i32 = arith.constant 0 : i32
    %c0_i32_0 = arith.constant 0 : i32
    %c0_i32_1 = arith.constant 0 : i32
    return %arg0, %c0_i32, %c0_i32_0 : i32, i32, i32
  }
  func.func @transform_1(%arg0: i32) -> (i32, i32, i32) {
    %c0_i32 = arith.constant 0 : i32
    %c0_i32_0 = arith.constant 0 : i32
    %c0_i32_1 = arith.constant 0 : i32
    return %arg0, %c0_i32, %c0_i32_0 : i32, i32, i32
  }
  func.func @transform_2(%arg0: i32) -> (i32, i32, i32) {
    %c0_i32 = arith.constant 0 : i32
    %c0_i32_0 = arith.constant 0 : i32
    %c0_i32_1 = arith.constant 0 : i32
    return %arg0, %c0_i32, %c0_i32_0 : i32, i32, i32
  }
  func.func @transform_3(%arg0: i32) -> (i32, i32) {
    %c0_i32 = arith.constant 0 : i32
    %c0_i32_0 = arith.constant 0 : i32
    %c0_i32_1 = arith.constant 0 : i32
    return %c0_i32, %c0_i32_0 : i32, i32
  }
  func.func @transform_4(%arg0: i32) -> (i32, i32) {
    %c0_i32 = arith.constant 0 : i32
    %c0_i32_0 = arith.constant 0 : i32
    %c0_i32_1 = arith.constant 0 : i32
    return %c0_i32, %c0_i32_0 : i32, i32
  }
  func.func @transform_5(%arg0: i32) -> (i32, i32) {
    %c0_i32 = arith.constant 0 : i32
    %c0_i32_0 = arith.constant 0 : i32
    %c0_i32_1 = arith.constant 0 : i32
    return %c0_i32, %c0_i32_0 : i32, i32
  }
  func.func @transform_6(%arg0: i32) -> (i32, i32) {
    %c0_i32 = arith.constant 0 : i32
    %c0_i32_0 = arith.constant 0 : i32
    %c0_i32_1 = arith.constant 0 : i32
    return %c0_i32, %c0_i32_0 : i32, i32
  }
  func.func @transform_7(%arg0: i32) -> (i32, i32) {
    %c0_i32 = arith.constant 0 : i32
    %c0_i32_0 = arith.constant 0 : i32
    %c0_i32_1 = arith.constant 0 : i32
    return %c0_i32, %c0_i32_0 : i32, i32
  }
  func.func @transform_8(%arg0: i32) -> (i32, i32) {
    %c0_i32 = arith.constant 0 : i32
    %c0_i32_0 = arith.constant 0 : i32
    return %arg0, %c0_i32 : i32, i32
  }
  func.func @transform_9(%arg0: i32) -> (i32, i32) {
    %c0_i32 = arith.constant 0 : i32
    %c0_i32_0 = arith.constant 0 : i32
    return %arg0, %c0_i32 : i32, i32
  }
}

module attributes {stable_mosaic.version = 14 : i64} {
  func.func @_node_body(%arg0: i32, %arg1: memref<1000x512xf32, #tpu.memory_space<vmem>>, %arg2: memref<1000x512xf32, #tpu.memory_space<vmem>>, %arg3: memref<512x512xf32, #tpu.memory_space<vmem>>, %arg4: memref<1x512xf32, #tpu.memory_space<vmem>>, %arg5: memref<512x512xf32, #tpu.memory_space<vmem>>, %arg6: memref<1x512xf32, #tpu.memory_space<vmem>>, %arg7: memref<1000x128xf32, #tpu.memory_space<vmem>>, %arg8: memref<2x1000x128xf32, #tpu.memory_space<vmem>>, %arg9: memref<1000x512xf32, #tpu.memory_space<vmem>>, %arg10: memref<1000x128xf32, #tpu.memory_space<vmem>>) attributes {dimension_semantics = [#tpu.dimension_semantics<arbitrary>], iteration_bounds = array<i64: 10>, scalar_prefetch = 0 : i64, scratch_operands = 0 : i64, tpu.core_type = #tpu.core_type<tc>, window_params = [{transform_indices = @transform_0, window_bounds = array<i64: 1000, 512>}, {transform_indices = @transform_1, window_bounds = array<i64: 1000, 512>}, {pipeline_mode = #tpu.pipeline_mode<synchronous>, transform_indices = @transform_2, window_bounds = array<i64: 512, 512>}, {pipeline_mode = #tpu.pipeline_mode<synchronous>, transform_indices = @transform_3, window_bounds = array<i64: 1, 512>}, {pipeline_mode = #tpu.pipeline_mode<synchronous>, transform_indices = @transform_4, window_bounds = array<i64: 512, 512>}, {pipeline_mode = #tpu.pipeline_mode<synchronous>, transform_indices = @transform_5, window_bounds = array<i64: 1, 512>}, {transform_indices = @transform_6, window_bounds = array<i64: 1000, 128>}, {transform_indices = @transform_7, window_bounds = array<i64: 2, 1000, 128>}, {transform_indices = @transform_8, window_bounds = array<i64: 1000, 512>}, {transform_indices = @transform_9, window_bounds = array<i64: 1000, 128>}]} {
    %get3A = arith.constant 0 : index
    %get3A_0 = arith.constant 0 : index
    %get3A_1 = vector.load %arg1[%get3A, %get3A_0] : memref<1000x512xf32, #tpu.memory_space<vmem>>, vector<1000x512xf32>
    %get3A_2 = arith.constant 0 : index
    %get3A_3 = arith.constant 0 : index
    %get3A_4 = vector.load %arg3[%get3A_2, %get3A_3] : memref<512x512xf32, #tpu.memory_space<vmem>>, vector<512x512xf32>
    %dot_general3A = arith.constant dense<0.000000e+00> : vector<1000x512xf32>
    %dot_general3A_5 = tpu.matmul %get3A_1, %get3A_4, %dot_general3A {dimension_numbers = #tpu.dot_dimension_numbers<[1], [0], [0], [1], [0, 0, 1, 1], [], []>, transpose_lhs_hint = false} : vector<1000x512xf32>, vector<512x512xf32>, vector<1000x512xf32> -> vector<1000x512xf32>
    %get3A_6 = arith.constant 0 : index
    %get3A_7 = arith.constant 0 : index
    %get3A_8 = vector.load %arg4[%get3A_6, %get3A_7] : memref<1x512xf32, #tpu.memory_space<vmem>>, vector<1x512xf32>
    %add3A = vector.broadcast %get3A_8 : vector<1x512xf32> to vector<1000x512xf32>
    %add3A_9 = arith.addf %dot_general3A_5, %add3A : vector<1000x512xf32>
    %logistic3A = arith.negf %add3A_9 : vector<1000x512xf32>
    %logistic3A_10 = math.exp %logistic3A : vector<1000x512xf32>
    %logistic3A_11 = arith.constant 1.000000e+00 : f32
    %logistic3A_12 = vector.broadcast %logistic3A_11 : f32 to vector<1000x512xf32>
    %logistic3A_13 = arith.addf %logistic3A_12, %logistic3A_10 : vector<1000x512xf32>
    %logistic3A_14 = arith.divf %logistic3A_12, %logistic3A_13 : vector<1000x512xf32>
    %mul3A = arith.mulf %add3A_9, %logistic3A_14 : vector<1000x512xf32>
    %get3A_15 = arith.constant 0 : index
    %get3A_16 = arith.constant 0 : index
    %get3A_17 = vector.load %arg2[%get3A_15, %get3A_16] : memref<1000x512xf32, #tpu.memory_space<vmem>>, vector<1000x512xf32>
    %get3A_18 = arith.constant 0 : index
    %get3A_19 = arith.constant 0 : index
    %get3A_20 = vector.load %arg5[%get3A_18, %get3A_19] : memref<512x512xf32, #tpu.memory_space<vmem>>, vector<512x512xf32>
    %dot_general3A_21 = arith.constant dense<0.000000e+00> : vector<1000x512xf32>
    %dot_general3A_22 = tpu.matmul %mul3A, %get3A_20, %dot_general3A_21 {dimension_numbers = #tpu.dot_dimension_numbers<[1], [0], [0], [1], [0, 0, 1, 1], [], []>, transpose_lhs_hint = false} : vector<1000x512xf32>, vector<512x512xf32>, vector<1000x512xf32> -> vector<1000x512xf32>
    %add3A_23 = arith.addf %get3A_17, %dot_general3A_22 : vector<1000x512xf32>
    %get3A_24 = arith.constant 0 : index
    %get3A_25 = arith.constant 0 : index
    %get3A_26 = vector.load %arg6[%get3A_24, %get3A_25] : memref<1x512xf32, #tpu.memory_space<vmem>>, vector<1x512xf32>
    %add3A_27 = vector.broadcast %get3A_26 : vector<1x512xf32> to vector<1000x512xf32>
    %add3A_28 = arith.addf %add3A_23, %add3A_27 : vector<1000x512xf32>
    %swap3A = arith.constant 0 : index
    %swap3A_29 = arith.constant 0 : index
    %swap3A_30 = vector.load %arg9[%swap3A, %swap3A_29] : memref<1000x512xf32, #tpu.memory_space<vmem>>, vector<1000x512xf32>
    tpu.vector_store %arg9[%swap3A, %swap3A_29], %add3A_28 {strides = array<i32>} : memref<1000x512xf32, #tpu.memory_space<vmem>>, vector<1000x512xf32>,
    %get3A_31 = arith.constant 0 : index
    %get3A_32 = arith.constant 0 : index
    %get3A_33 = vector.load %arg7[%get3A_31, %get3A_32] : memref<1000x128xf32, #tpu.memory_space<vmem>>, vector<1000x128xf32>
    %get3A_34 = arith.constant 0 : index
    %get3A_35 = arith.constant 0 : index
    %get3A_36 = arith.constant 0 : index
    %get3A_37 = vector.load %arg8[%get3A_34, %get3A_35, %get3A_36] : memref<2x1000x128xf32, #tpu.memory_space<vmem>>, vector<1x1000x128xf32>
    %get3A_38 = vector.shape_cast %get3A_37 : vector<1x1000x128xf32> to vector<1000x128xf32>
    %add3A_39 = arith.addf %get3A_33, %get3A_38 : vector<1000x128xf32>
    %get3A_40 = arith.constant 1 : index
    %get3A_41 = arith.constant 0 : index
    %get3A_42 = arith.constant 0 : index
    %get3A_43 = vector.load %arg8[%get3A_40, %get3A_41, %get3A_42] : memref<2x1000x128xf32, #tpu.memory_space<vmem>>, vector<1x1000x128xf32>
    %get3A_44 = vector.shape_cast %get3A_43 : vector<1x1000x128xf32> to vector<1000x128xf32>
    %add3A_45 = arith.addf %add3A_39, %get3A_44 : vector<1000x128xf32>
    %swap3A_46 = arith.constant 0 : index
    %swap3A_47 = arith.constant 0 : index
    %swap3A_48 = vector.load %arg10[%swap3A_46, %swap3A_47] : memref<1000x128xf32, #tpu.memory_space<vmem>>, vector<1000x128xf32>
    tpu.vector_store %arg10[%swap3A_46, %swap3A_47], %add3A_45 {strides = array<i32>} : memref<1000x128xf32, #tpu.memory_space<vmem>>, vector<1000x128xf32>,
    return
  }
  func.func @transform_0(%arg0: i32) -> (i32, i32) {
    %c0_i32 = arith.constant 0 : i32
    %c0_i32_0 = arith.constant 0 : i32
    return %arg0, %c0_i32 : i32, i32
  }
  func.func @transform_1(%arg0: i32) -> (i32, i32) {
    %c0_i32 = arith.constant 0 : i32
    %c0_i32_0 = arith.constant 0 : i32
    return %arg0, %c0_i32 : i32, i32
  }
  func.func @transform_2(%arg0: i32) -> (i32, i32) {
    %c0_i32 = arith.constant 0 : i32
    %c0_i32_0 = arith.constant 0 : i32
    %c0_i32_1 = arith.constant 0 : i32
    return %c0_i32, %c0_i32_0 : i32, i32
  }
  func.func @transform_3(%arg0: i32) -> (i32, i32) {
    %c0_i32 = arith.constant 0 : i32
    %c0_i32_0 = arith.constant 0 : i32
    %c0_i32_1 = arith.constant 0 : i32
    return %c0_i32, %c0_i32_0 : i32, i32
  }
  func.func @transform_4(%arg0: i32) -> (i32, i32) {
    %c0_i32 = arith.constant 0 : i32
    %c0_i32_0 = arith.constant 0 : i32
    %c0_i32_1 = arith.constant 0 : i32
    return %c0_i32, %c0_i32_0 : i32, i32
  }
  func.func @transform_5(%arg0: i32) -> (i32, i32) {
    %c0_i32 = arith.constant 0 : i32
    %c0_i32_0 = arith.constant 0 : i32
    %c0_i32_1 = arith.constant 0 : i32
    return %c0_i32, %c0_i32_0 : i32, i32
  }
  func.func @transform_6(%arg0: i32) -> (i32, i32) {
    %c0_i32 = arith.constant 0 : i32
    %c0_i32_0 = arith.constant 0 : i32
    return %arg0, %c0_i32 : i32, i32
  }
  func.func @transform_7(%arg0: i32) -> (i32, i32, i32) {
    %c0_i32 = arith.constant 0 : i32
    %c0_i32_0 = arith.constant 0 : i32
    %c0_i32_1 = arith.constant 0 : i32
    return %c0_i32, %arg0, %c0_i32_0 : i32, i32, i32
  }
  func.func @transform_8(%arg0: i32) -> (i32, i32) {
    %c0_i32 = arith.constant 0 : i32
    %c0_i32_0 = arith.constant 0 : i32
    return %arg0, %c0_i32 : i32, i32
  }
  func.func @transform_9(%arg0: i32) -> (i32, i32) {
    %c0_i32 = arith.constant 0 : i32
    %c0_i32_0 = arith.constant 0 : i32
    return %arg0, %c0_i32 : i32, i32
  }
}

</mosaic_0001>

<sc_bundles>
// kernel: kernel.12.cloned.1.call-start
scs
__scs_entry_jumppad:
0x0: {  	(pc) =	sbr.rel $0x88, $3  }
0x1: {  	(tag) =	ssettag $0x0;
	lr =	simm.s32 $0x1  }
0x2: {  	[smem:$0x3F94] =	sst lr;
	_ =	strace $0xD0000000  }
0x3: {  	_ = 	snop  }
0x4: {  	_ = 	snop  }
0x5: {  	_ = 	snop  }
0x6: {  	_ = 	snop  }
0x7: {  	_ = 	snop  }
__scs_overlays_trampoline_lowered:
0x8: {  	[smem:$0x3FA3] =	sst s0  }
0x9: {  	[smem:$0x3FA4] =	sst s1  }
0xa: {  	[smem:$0x3FA5] =	sst s2  }
0xb: {  	[smem:$0x3FA6] =	sst s3  }
0xc: {  	[smem:$0x3FA7] =	sst s4  }
0xd: {  	[smem:$0x3FA8] =	sst s5  }
0xe: {  	[smem:$0x3FA9] =	sst s6  }
0xf: {  	[smem:$0x3FAA] =	sst s7  }
0x10: {  	[smem:$0x3FAB] =	sst s8  }
0x11: {  	[smem:$0x3FAC] =	sst s9;
	s0 =	simm.s32 @!p0 $0x0  }
0x12: {  	s1 =	sld [smem:$0x3F92];
	s0 =	simm.s32 @p0 $0x1  }
0x13: {  	[smem:$0x3FAD] =	sst s0;
	s0 =	simm.s32 @!p1 $0x0  }
0x14: {  	s2 =	sld [smem:$0x3F91];
	s0 =	simm.s32 @p1 $0x1  }
0x15: {  	[smem:$0x3FAE] =	sst s0;
	s0 =	simm.s32 @!p2 $0x0  }
0x16: {  	s3 =	sld [smem:$0x3FDB];
	s0 =	simm.s32 @p2 $0x1  }
0x17: {  	s4 =	simm.s32 $0x1BF5;
	[smem:$0x3FB0] =	sst s0  }
0x18: {  	s0 =	sld [smem:$0x3F93];
	_ =	swait.ge [sflag:s4], $0x0  }
0x19: {  	s7 =	sld [smem:$0x3F94]  }
0x1a: {  	s8 =	sadd.s32 $0xFFFFE003, lr  }
0x1b: {  	s9 =	sadd.s32 $0xFFFFFEF7, lr;
	s5 =	simm.s32 $0xFFFFFFFF;
	p2 =	slt.u32 s8, $0xFFFFF086  }
0x1c: {  	p1 =	slt.u32 s9, $0xF7A;
	s5 =	simm.s32 @!p2 $0x0  }
0x1d: {  	s5 =	simm.s32 @p1 $0x1;
	p0 =	seq.s32 s7, s2  }
0x1e: {  	s7 =	smul.u32 @!p0 $0xF7A, s2;
	p2 =	seq.s32 @!p0 s5, $0x0  }
0x1f: {  	s9 =	smul.u32 $0xF7A, s1;
	s8 =	simm.s32 @!p0 $0x1BF5;
	p2 =	por !p2, p0  }
0x20: {  	[sflag:s8] =	ssyncset.s32 @!p0 $0xFFFFF086;
	s6 =	sadd.s32 @!p0 s3, s7;
	s7 =	simm.s32 @!p0 $0x108  }
0x21: {  	s3 =	sadd.s32 s3, s9;
	s6 =	sadd.s32 @!p0 $0x88, s6;
	s7 =	simm.s32 @p2 $0x1082  }
0x22: {  	[simem:s7], [sflag:s8] =	dma.local @!p0 [hbm:s6], $0xF7A  }
0x23: {  	s9 =	sor.u32 $0xD0000000, s2;
	s6 =	simm.s32 $0x108;
	_ =	swait.ge @!p0 [sflag:s8], $0x0  }
0x24: {  	s3 =	sadd.s32 $0x88, s3;
	s6 =	simm.s32 @!p1 $0x1082;
	[sflag:s4] =	ssyncset.s32 $0xFFFFF086  }
0x25: {  	[simem:s6], [sflag:s4] =	dma.local [hbm:s3], $0xF7A  }
0x26: {  	[smem:$0x3F94] =	sst s1;
	(tag) =	ssettag s2;
	_ =	strace s9  }
0x27: {  	s1 =	sld [smem:$0x3FA4]  }
0x28: {  	s2 =	sld [smem:$0x3FA5]  }
0x29: {  	s4 =	sld [smem:$0x3FA7]  }
0x2a: {  	p0 =	seq.s32 s5, $0x0;
	s5 =	sld [smem:$0x3FA8]  }
0x2b: {  	s6 =	sld [smem:$0x3FA9]  }
0x2c: {  	s7 =	sld [smem:$0x3FAA]  }
0x2d: {  	s3 =	simm.s32 $0x108;
	s8 =	sld [smem:$0x3FAB]  }
0x2e: {  	s3 =	simm.s32 @!p0 $0x1082;
	s9 =	sld [smem:$0x3FAC]  }
0x2f: {  	lr =	sadd.s32 s0, s3;
	s0 =	sld [smem:$0x3FA3]  }
0x30: {  	s3 =	sld [smem:$0x3FA6]  }
0x31: {  	[smem:$0x3FAF] =	sst s10  }
0x32: {  	s10 =	sld [smem:$0x3FAD];
	_ =	sdelay $0x3  }
0x33: {  	p0 =	seq.s32 s10, $0x1;
	s10 =	sld [smem:$0x3FAF];
	_ =	sdelay $0x3  }
0x34: {  	[smem:$0x3FAF] =	sst s10  }
0x35: {  	s10 =	sld [smem:$0x3FAE];
	_ =	sdelay $0x3  }
0x36: {  	p1 =	seq.s32 s10, $0x1;
	s10 =	sld [smem:$0x3FAF];
	_ =	sdelay $0x3  }
0x37: {  	[smem:$0x3FAF] =	sst s10  }
0x38: {  	s10 =	sld [smem:$0x3FB0]  }
0x39: {  	_ = 	snop;
	(pc) =	sbr.ind lr, $3  }
0x3a: {  	_ = 	snop  }
0x3b: {  	_ = 	snop  }
0x3c: {  	p2 =	seq.s32 s10, $0x1;
	s10 =	sld [smem:$0x3FAF]  }
0x3d: {  	_ =	shalt  }
0x3e: {  	_ =	shalt  }
0x3f: {  	_ =	shalt  }
0x40: {  	_ =	shalt  }
0x41: {  	_ =	shalt  }
0x42: {  	_ =	shalt  }
0x43: {  	_ =	shalt  }
0x44: {  	_ =	shalt  }
0x45: {  	_ =	shalt  }
0x46: {  	_ =	shalt  }
0x47: {  	_ =	shalt  }
0x48: {  	_ =	shalt  }
0x49: {  	_ =	shalt  }
0x4a: {  	_ =	shalt  }
0x4b: {  	_ =	shalt  }
0x4c: {  	_ =	shalt  }
0x4d: {  	_ =	shalt  }
0x4e: {  	_ =	shalt  }
0x4f: {  	_ =	shalt  }
0x50: {  	_ =	shalt  }
0x51: {  	_ =	shalt  }
0x52: {  	_ =	shalt  }
0x53: {  	_ =	shalt  }
0x54: {  	_ =	shalt  }
0x55: {  	_ =	shalt  }
0x56: {  	_ =	shalt  }
0x57: {  	_ =	shalt  }
0x58: {  	_ =	shalt  }
0x59: {  	_ =	shalt  }
0x5a: {  	_ =	shalt  }
0x5b: {  	_ =	shalt  }
0x5c: {  	_ =	shalt  }
0x5d: {  	_ =	shalt  }
0x5e: {  	_ =	shalt  }
0x5f: {  	_ =	shalt  }
0x60: {  	_ =	shalt  }
0x61: {  	_ =	shalt  }
0x62: {  	_ =	shalt  }
0x63: {  	_ =	shalt  }
0x64: {  	_ =	shalt  }
0x65: {  	_ =	shalt  }
0x66: {  	_ =	shalt  }
0x67: {  	_ =	shalt  }
0x68: {  	_ =	shalt  }
0x69: {  	_ =	shalt  }
0x6a: {  	_ =	shalt  }
0x6b: {  	_ =	shalt  }
0x6c: {  	_ =	shalt  }
0x6d: {  	_ =	shalt  }
0x6e: {  	_ =	shalt  }
0x6f: {  	_ =	shalt  }
0x70: {  	_ =	shalt  }
0x71: {  	_ =	shalt  }
0x72: {  	_ =	shalt  }
0x73: {  	_ =	shalt  }
0x74: {  	_ =	shalt  }
0x75: {  	_ =	shalt  }
0x76: {  	_ =	shalt  }
0x77: {  	_ =	shalt  }
0x78: {  	_ =	shalt  }
0x79: {  	_ =	shalt  }
0x7a: {  	_ =	shalt  }
0x7b: {  	_ =	shalt  }
0x7c: {  	_ =	shalt  }
0x7d: {  	_ =	shalt  }
0x7e: {  	_ =	shalt  }
0x7f: {  	_ =	shalt  }
0x80: {  	_ =	shalt  }
0x81: {  	_ =	shalt  }
0x82: {  	_ =	shalt  }
0x83: {  	_ =	shalt  }
0x84: {  	_ =	shalt  }
0x85: {  	_ =	shalt  }
0x86: {  	_ =	shalt  }
0x87: {  	_ =	shalt  }
.Lfunc_end0:
.L_simem_size_0:
called_computation.1_lowered:
.L_overlay_start_0:
0x88: {  	s2 =	sld [smem:$0x3FD9]  }
0x89: {  	s3 =	sld [smem:$0x3FFE];
	_ =	sdelay $0x1  }
0x8a: {  	s1 =	srdreg.scid  }
0x8b: {  	s0 =	sand.u32 $0x1, s1  }
0x8c: {  	s15 =	sshll.u32 s0, $0xA;
	s2 =	sadd.s32 s3, s2  }
0x8d: {  	s2 =	sadd.s32 s2, s15  }
0x8e: {  	[smem:$0x3FBB] =	sst s2  }
0x8f: {  	_ = 	snop  }
0x90: {  	s2 =	sld [smem:$0x3FD0];
	_ =	sdelay $0x2  }
0x91: {  	s16 =	simm.s32 $0xB;
	s4 =	simm.s32 $0x10  }
0x92: {  	[smem:s4], [sflag:s16] =	dma.local [hbm:s2], $0x1  }
0x93: {  	_ =	swait.eq [sflag:s16], $0x1  }
0x94: {  	[sflag:s16] =	ssyncset.done $0x0  }
0x95: {  	[sflag:s16] =	ssyncadd.s32 $0xFFFFFFFF  }
0x96: {  	s17 =	sld [smem:$0x10];
	(tm) =	ssettm $0x1  }
0x97: {  	s18 =	sld [smem:$0x3FFB];
	_ =	sdelay $0x3  }
0x98: {  	_ =	strace s18  }
0x99: {  	s2 =	sld [smem:$0x3FFC];
	_ =	sdelay $0x3  }
0x9a: {  	_ =	strace s2  }
0x9b: {  	s2 =	sld [smem:$0x3FFD];
	_ =	sdelay $0x3  }
0x9c: {  	_ =	strace s2  }
0x9d: {  	_ =	strace $0x8FFFFFFF  }
0x9e: {  	s19 =	sld [smem:$0x3FDB];
	_ =	sdelay $0x1  }
0x9f: {  	s20 =	simm.s32 $_scs_section_size  }
0xa0: {  	s5 =	simm.s32 $_size__tile_overlayer_lowered;
	s6 =	simm.s32 $_tile_overlayer_lowered  }
0xa1: {  	s7 =	simm.s32 $0x1BFF;
	s21 =	sshll.u32 s6, $0x1;
	s4 =	sadd.s32 s20, s19  }
0xa2: {  	s22 =	simm.s32 $0x0;
	s5 =	sshll.u32 s5, $0x1;
	s6 =	sadd.s32 s21, s4  }
0xa3: {  	[timem:s22], [sflag:s7] =	dma.local [hbm:s6], s5  }
0xa4: {  	_ =	swait.ge [sflag:s7], s5  }
0xa5: {  	s5 =	ssub.s32 $0x0, s5;
	[sflag:s7] =	ssyncset.done $0x0  }
0xa6: {  	[sflag:s7] =	ssyncadd.s32 s5;
	_ =	sdelay $0x1  }
0xa7: {  	s23 =	simm.s32 $0x1B8B  }
0xa8: {  	_ =	swait.ge [sflag:s23], $0x1  }
0xa9: {  	[sflag:s23] =	ssyncset.done $0x0  }
0xaa: {  	[sflag:s23] =	ssyncadd.s32 $0xFFFFFFFF  }
0xab: {  	s5 =	sld [smem:$0x0]  }
0xac: {  	s6 =	sand.u32 $0xFFFFFFFE, s1  }
0xad: {  	p0 =	sne.s32 s1, s6  }
0xae: {  	s6 =	sshll.u32 @p0 s6, $0xE  }
0xaf: {  	s6 =	sadd.s32 @p0 $0x11B8D, s6;
	s7 =	sshll.u32 @p0 s5, $0x11  }
0xb0: {  	s6 =	sor.u32 @p0 s7, s6  }
0xb1: {  	[sflag:s6] =	ssyncadd.remote.s32 @p0 $0x1;
	_ =	sdelay $0x1  }
0xb2: {  	s6 =	simm.s32 @p0 $0x1B8D  }
0xb3: {  	_ =	swait.eq @p0 [sflag:s6], $0x1  }
0xb4: {  	[sflag:s6] =	ssyncadd.s32 @p0 $0xFFFFFFFF  }
0xb5: {  	s7 =	sshll.u32 @!p0 s1, $0xE  }
0xb6: {  	s7 =	sor.u32 @!p0 $0x4000, s7;
	s6 =	simm.s32 @!p0 $0x1B8D  }
0xb7: {  	s5 =	sshll.u32 @!p0 s5, $0x11;
	s7 =	sadd.s32 @!p0 $0x11B8D, s7;
	_ =	swait.eq @!p0 [sflag:s6], $0x1  }
0xb8: {  	s5 =	sor.u32 @!p0 s5, s7;
	[sflag:s6] =	ssyncadd.s32 @!p0 $0xFFFFFFFF  }
0xb9: {  	s25 =	simm.s32 $0x1B8E;
	s24 =	sld [smem:$0x3FFE];
	[sflag:s5] =	ssyncadd.remote.s32 @!p0 $0x1  }
0xba: {  	s26 =	simm.s32 $execute0_lowered;
	[smem:$0x3FD2] =	sst s25  }
0xbb: {  	s6 =	sshll.u32 s26, $0x1;
	_ =	strace $0x80000049;
	[dreg:$0x1] =	wrdreg $0xFFFFFFFF  }
0xbc: {  	s28 =	simm.s32 $_size_execute0_lowered;
	s4 =	sadd.s32 s4, s6;
	[dreg:$0x0] =	wrdreg $0x0  }
0xbd: {  	s6 =	sshll.u32 s28, $0x1;
	[dreg:$0x2] =	wrdreg s4  }
0xbe: {  	[dreg:$0x3] =	wrdreg s6  }
0xbf: {  	[dreg:$0x4] =	wrdreg $0xC0  }
0xc0: {  	_ =	task [dreg:s22], $0x5FFFF  }
0xc1: {  	[dreg:$0x1] =	wrdreg $0xFFFFFFFF  }
0xc2: {  	[dreg:$0x0] =	wrdreg $0x60  }
0xc3: {  	[dreg:$0x2] =	wrdreg s17  }
0xc4: {  	[dreg:$0x3] =	wrdreg s24  }
0xc5: {  	[dreg:$0x4] =	wrdreg $0xA  }
0xc6: {  	_ =	task.clear_ibuf [dreg:s22], $0x5FFFF;
	_ =	strace $0x90000049  }
0xc7: {  	s29 =	simm.s32 $0xA;
	_ =	strace $0x8000004B  }
0xc8: {  	_ =	swait.ge [sflag:s29], $0x1  }
0xc9: {  	[sflag:s29] =	ssyncadd.s32 $0xFFFFFFFF  }
0xca: {  	_ =	strace $0x9000004B  }
0xcb: {  	_ =	sfence  }
0xcc: {  	s30 =	sld [smem:$0x0];
	_ =	sdelay $0x2  }
0xcd: {  	s31 =	sshll.u32 s1, $0xD;
	s1 =	sshrl.u32 s1, $0x2  }
0xce: {  	s4 =	sand.u32 $0x4000, s31;
	s1 =	sadd.s32 s1, s30  }
0xcf: {  	s0 =	sor.u32 s4, s0;
	s1 =	sshll.u32 s1, $0x11  }
0xd0: {  	s0 =	sor.u32 s1, s0  }
0xd1: {  	s0 =	sadd.s32 $0x8F2B, s0  }
0xd2: {  	[sflag:s0] =	ssyncadd.remote.s32 $0x1  }
0xd3: {  	_ =	sfence.sel $0xFFFF  }
0xd4: {  	[dreg:$0x0] =	wrdreg $0xFFFFFFFF;
	(pc) =	sbr.abs _section_cstart, $3  }
0xd5: {  	[dreg:$0x1] =	wrdreg $0xFFFFFFFF  }
0xd6: {  	_ =	task.clear_ibuf [dreg:s22], $0x2FFFF;
	_ =	strace $0x9FFFFFFF  }
0xd7: {  	(tm) =	ssettm $0x7FFFFFFF  }
tec
execute0_lowered:
.L_overlay_start_1:
0x0: {  	(tag) =	ssettag $0x1  }
0x1: {  	s1 =	rddreg [dreg:$0x0]  }
0x2: {  	s0 =	rddreg [dreg:$0x1];
	s2 =	simm.s32 $0x0;
	s3 =	srdreg.scid  }
0x3: {  	s6 =	stileid.u32;
	s18 =	simm.s32 $0x5;
	s20 =	simm.s32 $0x200  }
0x4: {  	s25 =	simm.s32 $0x5200;
	s31 =	simm.s32 $0x28;
	s17 =	simm.s32 $0x2A00  }
0x5: {  	s16 =	simm.s32 $0xB600;
	s22 =	simm.s32 $0x1;
	s23 =	simm.s32 $0x3  }
0x6: {  	s24 =	simm.s32 $0x2;
	s21 =	simm.s32 $0x0;
	[smem:$0x7FF] =	sst s2  }
0x7: {  	s4 =	sadd.s32 $0x2000, s0;
	s5 =	sadd.s32 $0x77400, s0;
	s3 =	sand.u32 $0x1, s3  }
0x8: {  	s8 =	sshll.u32 s6, $0x1;
	s6 =	sadd.s32 $0x50200, s0;
	s7 =	sadd.s32 $0x7F7600, s0  }
0x9: {  	s10 =	sadd.s32 $0x7FB600, s0;
	s11 =	sadd.s32 $0x9EF600, s0;
	s13 =	sor.u32 s3, s8  }
0xa: {  	s12 =	sadd.s32 $0xBE3600, s0;
	s3 =	ssub.s32 $0x2, s3;
	s9 =	smul.u32 $0x7D0, s13  }
0xb: {  	_ =	strace $0x8000004A;
	s8 =	sadd.s32 $0x7F9600, s0;
	s14 =	sshrl.u32 s3, $0x1  }
0xc: {  	s15 =	smul.u32 $0x32, s13;
	s26 =	ssub.s32 s3, s14;
	s30 =	sadd.s32 $0x50, s9  }
0xd: {  	s28 =	sshrl.u32 s9, $0x3;
	s0 =	smax.u32 s26, $0x1;
	[dreg:$0x5] =	wrdreg s30  }
0xe: {  	v2 =	vlaneseq.u32;
	s13 =	simm.s32 $0x80;
	s29 =	sadd.s32 s7, s28;
	[dreg:$0x6] =	wrdreg s0  }
0xf: {  	vm0 =	vmmov $0xffff;
	v1 =	vshrl.u32 v2, $0x3;
	s14 =	simm.s32 $0x180;
	s3 =	sadd.s32 s8, s28;
	[dreg:$0x3] =	wrdreg s29  }
0x10: {  	v0 =	vand.u32 $0x7, v2;
	v2 =	vor.u32 $0x8, v2;
	v1 =	vmul.u32 $0x8, v1;
	s26 =	simm.s32 $0x7A00;
	s0 =	simm.s32 $0xA200;
	[dreg:$0x4] =	wrdreg s3  }
.LBB2_1:
0x11: {  	[dreg:$0x7] =	wrdreg s21  }
0x12: {  	s3 =	rddreg [dreg:$0x3]  }
0x13: {  	[tilespmem:s2], [sflag:$0x5] =	stream.linear.gather [hbm4b:s3+s2], $0x28, $0x38;
	[tilespmem:$0xF200] =	vst v63  }
0x14: {  	_ =	swait.ge [sflag:s18], $0x28  }
0x15: {  	[sflag:s18] =	ssyncset.done $0x0  }
0x16: {  	s19 =	simm.s32 $0x100;
	s30 =	rddreg [dreg:$0x4];
	[sflag:s18] =	ssyncadd.s32 $0xFFFFFFD8  }
0x17: {  	[tilespmem:s19], [sflag:$0x5] =	stream.linear.gather [hbm4b:s30+s2], $0x28, $0x38;
	[tilespmem:$0xF200] =	vst v63  }
0x18: {  	_ =	swait.ge [sflag:s18], $0x28  }
0x19: {  	[sflag:s18] =	ssyncset.done $0x0  }
0x1a: {  	[sflag:s18] =	ssyncadd.s32 $0xFFFFFFD8  }
0x1b: {  	v3 =	vld [tilespmem:$0x0];
	_ =	sdelay $0x4  }
0x1c: {  	v4 =	vshll.u32 v3, $0x1  }
0x1d: {  	v3 =	vand.u32 $0x7, v3;
	v4 =	vand.u32 $0xFFFFFFF0, v4  }
0x1e: {  	v3 =	vor.u32 v3, v4  }
0x1f: {  	v4 =	vperm.xlane v3, v0;
	_ =	sdelay $0x1  }
0x20: {  	v3 =	vperm.xlane v3, v2;
	v4 =	vadd.s32 v1, v4;
	_ =	sdelay $0x1  }
0x21: {  	v3 =	vadd.s32 v1, v3;
	_ =	sdelay $0x2  }
0x22: {  	[tilespmem:s20], [sflag:$0x1] =	stream.indirect_vreg.gather [hbm4b:s1+s2], $0x80, v4, vm0, $0xb8;
	[tilespmem:$0xF200] =	vst v63  }
0x23: {  	s21 =	simm.s32 $0xA00  }
0x24: {  	[tilespmem:s21], [sflag:$0x1] =	stream.indirect_vreg.gather [hbm4b:s1+s2], $0x80, v3, vm0, $0xb8;
	[tilespmem:$0xF200] =	vst v63  }
0x25: {  	v3 =	vld [tilespmem:$0x10];
	_ =	sdelay $0x4  }
0x26: {  	v59 =	vshll.u32 v3, $0x1  }
0x27: {  	v3 =	vand.u32 $0x7, v3;
	v4 =	vand.u32 $0xFFFFFFF0, v59  }
0x28: {  	v3 =	vor.u32 v3, v4  }
0x29: {  	v4 =	vperm.xlane v3, v0;
	_ =	sdelay $0x1  }
0x2a: {  	v3 =	vperm.xlane v3, v2;
	v4 =	vadd.s32 v1, v4;
	_ =	sdelay $0x1  }
0x2b: {  	v3 =	vadd.s32 v1, v3;
	_ =	sdelay $0x1  }
0x2c: {  	s29 =	simm.s32 $0x1200  }
0x2d: {  	[tilespmem:s29], [sflag:$0x1] =	stream.indirect_vreg.gather [hbm4b:s1+s2], $0x80, v4, vm0, $0xb8;
	[tilespmem:$0xF200] =	vst v63  }
0x2e: {  	s30 =	simm.s32 $0x1A00  }
0x2f: {  	[tilespmem:s30], [sflag:$0x1] =	stream.indirect_vreg.gather [hbm4b:s1+s2], $0x80, v3, vm0, $0xb8;
	[tilespmem:$0xF200] =	vst v63  }
0x30: {  	v3 =	vld.msk [tilespmem:$0x20], $0xff;
	_ =	sdelay $0x4  }
0x31: {  	v60 =	vshll.u32 v3, $0x1  }
0x32: {  	v3 =	vand.u32 $0x7, v3;
	v4 =	vand.u32 $0xFFFFFFF0, v60  }
0x33: {  	v3 =	vor.u32 v3, v4  }
0x34: {  	v3 =	vperm.xlane v3, v0;
	_ =	sdelay $0x1  }
0x35: {  	v3 =	vadd.s32 v1, v3;
	_ =	sdelay $0x3  }
0x36: {  	s21 =	simm.s32 $0x2200  }
0x37: {  	[tilespmem:s21], [sflag:$0x1] =	stream.indirect_vreg.gather [hbm4b:s1+s2], $0x80, v3, vm0, $0xb8;
	[tilespmem:$0xF200] =	vst v63  }
0x38: {  	v3 =	vld [tilespmem:$0x100];
	_ =	sdelay $0x4  }
0x39: {  	v61 =	vshll.u32 v3, $0x1  }
0x3a: {  	v3 =	vand.u32 $0x7, v3;
	v4 =	vand.u32 $0xFFFFFFF0, v61  }
0x3b: {  	v3 =	vor.u32 v3, v4  }
0x3c: {  	v4 =	vperm.xlane v3, v0;
	_ =	sdelay $0x1  }
0x3d: {  	v3 =	vperm.xlane v3, v2;
	v4 =	vadd.s32 v1, v4;
	_ =	sdelay $0x1  }
0x3e: {  	v3 =	vadd.s32 v1, v3;
	_ =	sdelay $0x2  }
0x3f: {  	[tilespmem:s25], [sflag:$0x1] =	stream.indirect_vreg.gather [hbm4b:s4+s2], $0x80, v4, vm0, $0xb8;
	[tilespmem:$0xF200] =	vst v63  }
0x40: {  	s29 =	simm.s32 $0x5A00  }
0x41: {  	[tilespmem:s29], [sflag:$0x1] =	stream.indirect_vreg.gather [hbm4b:s4+s2], $0x80, v3, vm0, $0xb8;
	[tilespmem:$0xF200] =	vst v63  }
0x42: {  	v3 =	vld [tilespmem:$0x110];
	_ =	sdelay $0x4  }
0x43: {  	v62 =	vshll.u32 v3, $0x1  }
0x44: {  	v3 =	vand.u32 $0x7, v3;
	v4 =	vand.u32 $0xFFFFFFF0, v62  }
0x45: {  	v3 =	vor.u32 v3, v4  }
0x46: {  	v4 =	vperm.xlane v3, v0;
	_ =	sdelay $0x1  }
0x47: {  	v3 =	vperm.xlane v3, v2;
	v4 =	vadd.s32 v1, v4;
	_ =	sdelay $0x1  }
0x48: {  	v3 =	vadd.s32 v1, v3;
	_ =	sdelay $0x1  }
0x49: {  	s30 =	simm.s32 $0x6200  }
0x4a: {  	[tilespmem:s30], [sflag:$0x1] =	stream.indirect_vreg.gather [hbm4b:s4+s2], $0x80, v4, vm0, $0xb8;
	[tilespmem:$0xF200] =	vst v63  }
0x4b: {  	s21 =	simm.s32 $0x6A00  }
0x4c: {  	[tilespmem:s21], [sflag:$0x1] =	stream.indirect_vreg.gather [hbm4b:s4+s2], $0x80, v3, vm0, $0xb8;
	[tilespmem:$0xF200] =	vst v63  }
0x4d: {  	v3 =	vld.msk [tilespmem:$0x120], $0xff;
	_ =	sdelay $0x4  }
0x4e: {  	v63 =	vshll.u32 v3, $0x1  }
0x4f: {  	v3 =	vand.u32 $0x7, v3;
	v4 =	vand.u32 $0xFFFFFFF0, v63  }
0x50: {  	v3 =	vor.u32 v3, v4  }
0x51: {  	v3 =	vperm.xlane v3, v0;
	_ =	sdelay $0x1  }
0x52: {  	v3 =	vadd.s32 v1, v3;
	_ =	sdelay $0x3  }
0x53: {  	s29 =	simm.s32 $0x7200  }
0x54: {  	[tilespmem:s29], [sflag:$0x1] =	stream.indirect_vreg.gather [hbm4b:s4+s2], $0x80, v3, vm0, $0xb8;
	[tilespmem:$0xF200] =	vst v63  }
0x55: {  	_ = 	snop  }
0x56: {  	[tilespmem:s0], [sflag:$0x1] =	stream.indirect.gather [hbm4b:s5+s31], $0x80, s2, s31, $0xb8;
	[tilespmem:$0xF200] =	vst v63  }
0x57: {  	s28 =	simm.s32 $0x0;
	s30 =	simm.s32 $0xCA00  }
0x58: {  	[tilespmem:s30], [sflag:$0x1] =	stream.indirect.gather [hbm4b:s6+s31], $0x80, s19, s31, $0xb8;
	[tilespmem:$0xF200] =	vst v63  }
.LBB2_2:
0x59: {  	p0 =	seq.s32 s28, $0x0  }
0x5a: {  	s3 =	simm.s32 @!p0 $0x4  }
0x5b: {  	_ =	swait.ge @!p0 [sflag:s3], $0x2800  }
0x5c: {  	[sflag:s3] =	ssyncset.done @!p0 $0x0  }
0x5d: {  	s30 =	sshll.u32 s28, $0x1;
	[sflag:s3] =	ssyncadd.s32 @!p0 $0xFFFFD800  }
0x5e: {  	s29 =	sor.u32 $0x1, s30;
	_ =	swait.ge @!p0 [sflag:s3], $0x2800  }
0x5f: {  	s19 =	smul.u32 $0x28, s29;
	[sflag:s3] =	ssyncset.done @!p0 $0x0  }
0x60: {  	[sflag:s3] =	ssyncadd.s32 @!p0 $0xFFFFD800  }
0x61: {  	s19 =	sadd.s32 s9, s19;
	_ =	swait.ge @!p0 [sflag:s3], $0x1400  }
0x62: {  	s21 =	sshrl.u32 s19, $0x3;
	[sflag:s3] =	ssyncset.done @!p0 $0x0  }
0x63: {  	s19 =	simm.s32 $0x0;
	[sflag:s3] =	ssyncadd.s32 @!p0 $0xFFFFEC00;
	s3 =	sadd.s32 s7, s21  }
0x64: {  	[tilespmem:s13], [sflag:$0x5] =	stream.linear.gather [hbm4b:s3+s19], $0x28, $0x38;
	[tilespmem:$0xF200] =	vst v63  }
0x65: {  	_ =	swait.ge [sflag:s18], $0x28  }
0x66: {  	[sflag:s18] =	ssyncset.done $0x0  }
0x67: {  	s21 =	sadd.s32 s8, s21;
	[sflag:s18] =	ssyncadd.s32 $0xFFFFFFD8  }
0x68: {  	[tilespmem:s14], [sflag:$0x5] =	stream.linear.gather [hbm4b:s21+s19], $0x28, $0x38;
	[tilespmem:$0xF200] =	vst v63  }
0x69: {  	_ =	swait.ge [sflag:s18], $0x28  }
0x6a: {  	[sflag:s18] =	ssyncset.done $0x0  }
0x6b: {  	[sflag:s18] =	ssyncadd.s32 $0xFFFFFFD8  }
0x6c: {  	v3 =	vld [tilespmem:$0x80];
	_ =	sdelay $0x4  }
0x6d: {  	v4 =	vshll.u32 v3, $0x1  }
0x6e: {  	v3 =	vand.u32 $0x7, v3;
	v4 =	vand.u32 $0xFFFFFFF0, v4  }
0x6f: {  	v3 =	vor.u32 v3, v4  }
0x70: {  	v4 =	vperm.xlane v3, v0;
	_ =	sdelay $0x1  }
0x71: {  	v3 =	vperm.xlane v3, v2;
	v4 =	vadd.s32 v1, v4;
	_ =	sdelay $0x1  }
0x72: {  	v3 =	vadd.s32 v1, v3;
	_ =	sdelay $0x2  }
0x73: {  	[tilespmem:s17], [sflag:$0x2] =	stream.indirect_vreg.gather [hbm4b:s1+s19], $0x80, v4, vm0, $0xb8;
	[tilespmem:$0xF200] =	vst v63  }
0x74: {  	s21 =	simm.s32 $0x3200  }
0x75: {  	[tilespmem:s21], [sflag:$0x2] =	stream.indirect_vreg.gather [hbm4b:s1+s19], $0x80, v3, vm0, $0xb8;
	[tilespmem:$0xF200] =	vst v63  }
0x76: {  	v3 =	vld [tilespmem:$0x90];
	_ =	sdelay $0x4  }
0x77: {  	v4 =	vshll.u32 v3, $0x1  }
0x78: {  	v3 =	vand.u32 $0x7, v3;
	v4 =	vand.u32 $0xFFFFFFF0, v4  }
0x79: {  	v3 =	vor.u32 v3, v4  }
0x7a: {  	v4 =	vperm.xlane v3, v0;
	_ =	sdelay $0x1  }
0x7b: {  	v3 =	vperm.xlane v3, v2;
	v4 =	vadd.s32 v1, v4;
	_ =	sdelay $0x1  }
0x7c: {  	v3 =	vadd.s32 v1, v3;
	_ =	sdelay $0x1  }
0x7d: {  	s21 =	simm.s32 $0x3A00  }
0x7e: {  	[tilespmem:s21], [sflag:$0x2] =	stream.indirect_vreg.gather [hbm4b:s1+s19], $0x80, v4, vm0, $0xb8;
	[tilespmem:$0xF200] =	vst v63  }
0x7f: {  	s21 =	simm.s32 $0x4200  }
0x80: {  	[tilespmem:s21], [sflag:$0x2] =	stream.indirect_vreg.gather [hbm4b:s1+s19], $0x80, v3, vm0, $0xb8;
	[tilespmem:$0xF200] =	vst v63  }
0x81: {  	v3 =	vld.msk [tilespmem:$0xA0], $0xff;
	_ =	sdelay $0x4  }
0x82: {  	v4 =	vshll.u32 v3, $0x1  }
0x83: {  	v3 =	vand.u32 $0x7, v3;
	v4 =	vand.u32 $0xFFFFFFF0, v4  }
0x84: {  	v3 =	vor.u32 v3, v4  }
0x85: {  	v3 =	vperm.xlane v3, v0;
	_ =	sdelay $0x1  }
0x86: {  	v3 =	vadd.s32 v1, v3;
	_ =	sdelay $0x3  }
0x87: {  	s21 =	simm.s32 $0x4A00  }
0x88: {  	[tilespmem:s21], [sflag:$0x2] =	stream.indirect_vreg.gather [hbm4b:s1+s19], $0x80, v3, vm0, $0xb8;
	[tilespmem:$0xF200] =	vst v63  }
0x89: {  	v3 =	vld [tilespmem:$0x180];
	_ =	sdelay $0x4  }
0x8a: {  	v4 =	vshll.u32 v3, $0x1  }
0x8b: {  	v3 =	vand.u32 $0x7, v3;
	v4 =	vand.u32 $0xFFFFFFF0, v4  }
0x8c: {  	v3 =	vor.u32 v3, v4  }
0x8d: {  	v4 =	vperm.xlane v3, v0;
	_ =	sdelay $0x1  }
0x8e: {  	v3 =	vperm.xlane v3, v2;
	v4 =	vadd.s32 v1, v4;
	_ =	sdelay $0x1  }
0x8f: {  	v3 =	vadd.s32 v1, v3;
	_ =	sdelay $0x2  }
0x90: {  	[tilespmem:s26], [sflag:$0x2] =	stream.indirect_vreg.gather [hbm4b:s4+s19], $0x80, v4, vm0, $0xb8;
	[tilespmem:$0xF200] =	vst v63  }
0x91: {  	s21 =	simm.s32 $0x8200  }
0x92: {  	[tilespmem:s21], [sflag:$0x2] =	stream.indirect_vreg.gather [hbm4b:s4+s19], $0x80, v3, vm0, $0xb8;
	[tilespmem:$0xF200] =	vst v63  }
0x93: {  	v3 =	vld [tilespmem:$0x190];
	_ =	sdelay $0x4  }
0x94: {  	v4 =	vshll.u32 v3, $0x1  }
0x95: {  	v3 =	vand.u32 $0x7, v3;
	v4 =	vand.u32 $0xFFFFFFF0, v4  }
0x96: {  	v3 =	vor.u32 v3, v4  }
0x97: {  	v4 =	vperm.xlane v3, v0;
	_ =	sdelay $0x1  }
0x98: {  	v3 =	vperm.xlane v3, v2;
	v4 =	vadd.s32 v1, v4;
	_ =	sdelay $0x1  }
0x99: {  	v3 =	vadd.s32 v1, v3;
	_ =	sdelay $0x1  }
0x9a: {  	s21 =	simm.s32 $0x8A00  }
0x9b: {  	[tilespmem:s21], [sflag:$0x2] =	stream.indirect_vreg.gather [hbm4b:s4+s19], $0x80, v4, vm0, $0xb8;
	[tilespmem:$0xF200] =	vst v63  }
0x9c: {  	s21 =	simm.s32 $0x9200  }
0x9d: {  	[tilespmem:s21], [sflag:$0x2] =	stream.indirect_vreg.gather [hbm4b:s4+s19], $0x80, v3, vm0, $0xb8;
	[tilespmem:$0xF200] =	vst v63  }
0x9e: {  	v3 =	vld.msk [tilespmem:$0x1A0], $0xff;
	_ =	sdelay $0x4  }
0x9f: {  	v4 =	vshll.u32 v3, $0x1  }
0xa0: {  	v3 =	vand.u32 $0x7, v3;
	v4 =	vand.u32 $0xFFFFFFF0, v4  }
0xa1: {  	v3 =	vor.u32 v3, v4  }
0xa2: {  	v3 =	vperm.xlane v3, v0;
	_ =	sdelay $0x1  }
0xa3: {  	v3 =	vadd.s32 v1, v3;
	_ =	sdelay $0x3  }
0xa4: {  	s21 =	simm.s32 $0x9A00  }
0xa5: {  	[tilespmem:s21], [sflag:$0x2] =	stream.indirect_vreg.gather [hbm4b:s4+s19], $0x80, v3, vm0, $0xb8;
	[tilespmem:$0xF200] =	vst v63  }
0xa6: {  	_ = 	snop  }
0xa7: {  	[tilespmem:s16], [sflag:$0x2] =	stream.indirect.gather [hbm4b:s5+s31], $0x80, s13, s31, $0xb8;
	[tilespmem:$0xF200] =	vst v63  }
0xa8: {  	s21 =	simm.s32 $0xDE00  }
0xa9: {  	[tilespmem:s21], [sflag:$0x2] =	stream.indirect.gather [hbm4b:s6+s31], $0x80, s14, s31, $0xb8;
	[tilespmem:$0xF200] =	vst v63  }
0xaa: {  	_ =	swait.ge [sflag:s22], $0x2800  }
0xab: {  	[sflag:s22] =	ssyncset.done $0x0  }
0xac: {  	[sflag:s22] =	ssyncadd.s32 $0xFFFFD800  }
0xad: {  	_ =	swait.ge [sflag:s22], $0x2800  }
0xae: {  	[sflag:s22] =	ssyncset.done $0x0  }
0xaf: {  	[sflag:s22] =	ssyncadd.s32 $0xFFFFD800  }
0xb0: {  	_ =	swait.ge [sflag:s22], $0x1400  }
0xb1: {  	[sflag:s22] =	ssyncset.done $0x0  }
0xb2: {  	[sflag:s22] =	ssyncadd.s32 $0xFFFFEC00  }
0xb3: {  	_ =	swait.ge [sflag:s22], $0x1400  }
0xb4: {  	[sflag:s22] =	ssyncset.done $0x0  }
0xb5: {  	s19 =	simm.s32 $0x0;
	[sflag:s22] =	ssyncadd.s32 $0xFFFFEC00  }
0xb6: {  	s3 =	simm.s32 $0x200;
	v3 =	vld [tilespmem:s19+$0xCA00]  }
.LBB2_3:
0xb7: {  	p0 =	sne.s32 s3, $0x4E00;
	v4 =	vld [tilespmem:s19+$0xA200];
	_ =	sdelay $0x2  }
.Ltmp0:
0xb8: {  	(pc) =	sbr.rel @p0 .LBB2_3-.Ltmp0, $4  }
0xb9: {  	_ = 	snop  }
0xba: {  	v4 =	vadd.f32 v3, v4  }
0xbb: {  	s21 =	sshra.s32 s3, $0x2  }
0xbc: {  	s3 =	sadd.s32 $0x200, s3;
	v3 =	vld [tilespmem:s21+$0xCA00];
	[tilespmem:s19+$0xA200] =	vst v4;
	s19 =	smov.u32 s21  }
0xbd: {  	v4 =	vld [tilespmem:s19+$0xA200];
	_ =	sdelay $0x3  }
0xbe: {  	s3 =	sadd.s32 s15, s30  }
0xbf: {  	s21 =	smul.u32 $0x500, s3;
	v3 =	vadd.f32 v3, v4;
	_ =	sdelay $0x1  }
0xc0: {  	s30 =	sadd.s32 s10, s21;
	[tilespmem:s19+$0xA200] =	vst v3  }
0xc1: {  	[hbm4b:s30+s2] =	stream.linear.scatter [tilespmem:s20], [sflag:$0x3], $0x2800, $0x38;
	[tilespmem:$0xF200] =	vst v63  }
0xc2: {  	s3 =	smul.u32 $0x280, s3;
	s30 =	sadd.s32 s11, s21  }
0xc3: {  	[hbm4b:s30+s2] =	stream.linear.scatter [tilespmem:s25], [sflag:$0x3], $0x2800, $0x38;
	[tilespmem:$0xF200] =	vst v63  }
0xc4: {  	s3 =	sadd.s32 s12, s3  }
0xc5: {  	[hbm4b:s3+s2] =	stream.linear.scatter [tilespmem:s0], [sflag:$0x3], $0x1400, $0x38;
	[tilespmem:$0xF200] =	vst v63  }
0xc6: {  	_ =	swait.ge [sflag:s23], $0x2800  }
0xc7: {  	[sflag:s23] =	ssyncset.done $0x0  }
0xc8: {  	[sflag:s23] =	ssyncadd.s32 $0xFFFFD800  }
0xc9: {  	p0 =	seq.s32 s28, $0x18;
	_ =	swait.ge [sflag:s23], $0x2800  }
.Ltmp1:
0xca: {  	[sflag:s23] =	ssyncset.done $0x0;
	(pc) =	sbr.rel @p0 .LBB2_6-.Ltmp1, $4  }
0xcb: {  	[sflag:s23] =	ssyncadd.s32 $0xFFFFD800  }
0xcc: {  	_ =	swait.ge [sflag:s23], $0x1400  }
0xcd: {  	[sflag:s23] =	ssyncset.done $0x0  }
0xce: {  	[sflag:s23] =	ssyncadd.s32 $0xFFFFEC00  }
0xcf: {  	s3 =	smul.u32 $0x50, s28  }
0xd0: {  	s19 =	rddreg [dreg:$0x5]  }
0xd1: {  	s3 =	sadd.s32 s3, s19  }
0xd2: {  	s3 =	sshrl.u32 s3, $0x3  }
0xd3: {  	s21 =	sadd.s32 s7, s3  }
0xd4: {  	[tilespmem:s2], [sflag:$0x5] =	stream.linear.gather [hbm4b:s21+s2], $0x28, $0x38;
	[tilespmem:$0xF200] =	vst v63  }
0xd5: {  	_ =	swait.ge [sflag:s18], $0x28  }
0xd6: {  	[sflag:s18] =	ssyncset.done $0x0  }
0xd7: {  	s19 =	simm.s32 $0x100;
	s3 =	sadd.s32 s8, s3;
	[sflag:s18] =	ssyncadd.s32 $0xFFFFFFD8  }
0xd8: {  	[tilespmem:s19], [sflag:$0x5] =	stream.linear.gather [hbm4b:s3+s2], $0x28, $0x38;
	[tilespmem:$0xF200] =	vst v63  }
0xd9: {  	_ =	swait.ge [sflag:s18], $0x28  }
0xda: {  	[sflag:s18] =	ssyncset.done $0x0  }
0xdb: {  	[sflag:s18] =	ssyncadd.s32 $0xFFFFFFD8  }
0xdc: {  	v3 =	vld [tilespmem:$0x0];
	_ =	sdelay $0x4  }
0xdd: {  	v4 =	vshll.u32 v3, $0x1  }
0xde: {  	v3 =	vand.u32 $0x7, v3;
	v4 =	vand.u32 $0xFFFFFFF0, v4  }
0xdf: {  	v3 =	vor.u32 v3, v4  }
0xe0: {  	v4 =	vperm.xlane v3, v0;
	_ =	sdelay $0x1  }
0xe1: {  	v3 =	vperm.xlane v3, v2;
	v4 =	vadd.s32 v1, v4;
	_ =	sdelay $0x1  }
0xe2: {  	v3 =	vadd.s32 v1, v3;
	_ =	sdelay $0x2  }
0xe3: {  	[tilespmem:s20], [sflag:$0x1] =	stream.indirect_vreg.gather [hbm4b:s1+s2], $0x80, v4, vm0, $0xb8;
	[tilespmem:$0xF200] =	vst v63  }
0xe4: {  	s30 =	simm.s32 $0xA00  }
0xe5: {  	[tilespmem:s30], [sflag:$0x1] =	stream.indirect_vreg.gather [hbm4b:s1+s2], $0x80, v3, vm0, $0xb8;
	[tilespmem:$0xF200] =	vst v63  }
0xe6: {  	v3 =	vld [tilespmem:$0x10];
	_ =	sdelay $0x4  }
0xe7: {  	v59 =	vshll.u32 v3, $0x1  }
0xe8: {  	v3 =	vand.u32 $0x7, v3;
	v4 =	vand.u32 $0xFFFFFFF0, v59  }
0xe9: {  	v3 =	vor.u32 v3, v4  }
0xea: {  	v4 =	vperm.xlane v3, v0;
	_ =	sdelay $0x1  }
0xeb: {  	v3 =	vperm.xlane v3, v2;
	v4 =	vadd.s32 v1, v4;
	_ =	sdelay $0x1  }
0xec: {  	v3 =	vadd.s32 v1, v3;
	_ =	sdelay $0x1  }
0xed: {  	s21 =	simm.s32 $0x1200  }
0xee: {  	[tilespmem:s21], [sflag:$0x1] =	stream.indirect_vreg.gather [hbm4b:s1+s2], $0x80, v4, vm0, $0xb8;
	[tilespmem:$0xF200] =	vst v63  }
0xef: {  	s30 =	simm.s32 $0x1A00  }
0xf0: {  	[tilespmem:s30], [sflag:$0x1] =	stream.indirect_vreg.gather [hbm4b:s1+s2], $0x80, v3, vm0, $0xb8;
	[tilespmem:$0xF200] =	vst v63  }
0xf1: {  	v3 =	vld.msk [tilespmem:$0x20], $0xff;
	_ =	sdelay $0x4  }
0xf2: {  	v60 =	vshll.u32 v3, $0x1  }
0xf3: {  	v3 =	vand.u32 $0x7, v3;
	v4 =	vand.u32 $0xFFFFFFF0, v60  }
0xf4: {  	v3 =	vor.u32 v3, v4  }
0xf5: {  	v3 =	vperm.xlane v3, v0;
	_ =	sdelay $0x1  }
0xf6: {  	v3 =	vadd.s32 v1, v3;
	_ =	sdelay $0x3  }
0xf7: {  	s21 =	simm.s32 $0x2200  }
0xf8: {  	[tilespmem:s21], [sflag:$0x1] =	stream.indirect_vreg.gather [hbm4b:s1+s2], $0x80, v3, vm0, $0xb8;
	[tilespmem:$0xF200] =	vst v63  }
0xf9: {  	v3 =	vld [tilespmem:$0x100];
	_ =	sdelay $0x4  }
0xfa: {  	v61 =	vshll.u32 v3, $0x1  }
0xfb: {  	v3 =	vand.u32 $0x7, v3;
	v4 =	vand.u32 $0xFFFFFFF0, v61  }
0xfc: {  	v3 =	vor.u32 v3, v4  }
0xfd: {  	v4 =	vperm.xlane v3, v0;
	_ =	sdelay $0x1  }
0xfe: {  	v3 =	vperm.xlane v3, v2;
	v4 =	vadd.s32 v1, v4;
	_ =	sdelay $0x1  }
0xff: {  	v3 =	vadd.s32 v1, v3;
	_ =	sdelay $0x2  }
0x100: {  	[tilespmem:s25], [sflag:$0x1] =	stream.indirect_vreg.gather [hbm4b:s4+s2], $0x80, v4, vm0, $0xb8;
	[tilespmem:$0xF200] =	vst v63  }
0x101: {  	s30 =	simm.s32 $0x5A00  }
0x102: {  	[tilespmem:s30], [sflag:$0x1] =	stream.indirect_vreg.gather [hbm4b:s4+s2], $0x80, v3, vm0, $0xb8;
	[tilespmem:$0xF200] =	vst v63  }
0x103: {  	v3 =	vld [tilespmem:$0x110];
	_ =	sdelay $0x4  }
0x104: {  	v62 =	vshll.u32 v3, $0x1  }
0x105: {  	v3 =	vand.u32 $0x7, v3;
	v4 =	vand.u32 $0xFFFFFFF0, v62  }
0x106: {  	v3 =	vor.u32 v3, v4  }
0x107: {  	v4 =	vperm.xlane v3, v0;
	_ =	sdelay $0x1  }
0x108: {  	v3 =	vperm.xlane v3, v2;
	v4 =	vadd.s32 v1, v4;
	_ =	sdelay $0x1  }
0x109: {  	v3 =	vadd.s32 v1, v3;
	_ =	sdelay $0x1  }
0x10a: {  	s21 =	simm.s32 $0x6200  }
0x10b: {  	[tilespmem:s21], [sflag:$0x1] =	stream.indirect_vreg.gather [hbm4b:s4+s2], $0x80, v4, vm0, $0xb8;
	[tilespmem:$0xF200] =	vst v63  }
0x10c: {  	s30 =	simm.s32 $0x6A00  }
0x10d: {  	[tilespmem:s30], [sflag:$0x1] =	stream.indirect_vreg.gather [hbm4b:s4+s2], $0x80, v3, vm0, $0xb8;
	[tilespmem:$0xF200] =	vst v63  }
0x10e: {  	v3 =	vld.msk [tilespmem:$0x120], $0xff;
	_ =	sdelay $0x4  }
0x10f: {  	v63 =	vshll.u32 v3, $0x1  }
0x110: {  	v3 =	vand.u32 $0x7, v3;
	v4 =	vand.u32 $0xFFFFFFF0, v63  }
0x111: {  	v3 =	vor.u32 v3, v4  }
0x112: {  	v3 =	vperm.xlane v3, v0;
	_ =	sdelay $0x1  }
0x113: {  	v3 =	vadd.s32 v1, v3;
	_ =	sdelay $0x3  }
0x114: {  	s21 =	simm.s32 $0x7200  }
0x115: {  	[tilespmem:s21], [sflag:$0x1] =	stream.indirect_vreg.gather [hbm4b:s4+s2], $0x80, v3, vm0, $0xb8;
	[tilespmem:$0xF200] =	vst v63  }
0x116: {  	_ = 	snop  }
0x117: {  	[tilespmem:s0], [sflag:$0x1] =	stream.indirect.gather [hbm4b:s5+s31], $0x80, s2, s31, $0xb8;
	[tilespmem:$0xF200] =	vst v63  }
0x118: {  	s30 =	simm.s32 $0xCA00  }
0x119: {  	[tilespmem:s30], [sflag:$0x1] =	stream.indirect.gather [hbm4b:s6+s31], $0x80, s19, s31, $0xb8;
	[tilespmem:$0xF200] =	vst v63  }
.LBB2_6:
0x11a: {  	_ =	swait.ge [sflag:s24], $0x2800  }
0x11b: {  	[sflag:s24] =	ssyncset.done $0x0  }
0x11c: {  	[sflag:s24] =	ssyncadd.s32 $0xFFFFD800  }
0x11d: {  	_ =	swait.ge [sflag:s24], $0x2800  }
0x11e: {  	[sflag:s24] =	ssyncset.done $0x0  }
0x11f: {  	[sflag:s24] =	ssyncadd.s32 $0xFFFFD800  }
0x120: {  	_ =	swait.ge [sflag:s24], $0x1400  }
0x121: {  	[sflag:s24] =	ssyncset.done $0x0  }
0x122: {  	[sflag:s24] =	ssyncadd.s32 $0xFFFFEC00  }
0x123: {  	_ =	swait.ge [sflag:s24], $0x1400  }
0x124: {  	[sflag:s24] =	ssyncset.done $0x0  }
0x125: {  	s19 =	simm.s32 $0x0;
	[sflag:s24] =	ssyncadd.s32 $0xFFFFEC00  }
0x126: {  	s3 =	simm.s32 $0x200;
	v3 =	vld [tilespmem:s19+$0xDE00]  }
.LBB2_7:
0x127: {  	p0 =	sne.s32 s3, $0x4E00;
	v4 =	vld [tilespmem:s19+$0xB600];
	_ =	sdelay $0x2  }
.Ltmp2:
0x128: {  	(pc) =	sbr.rel @p0 .LBB2_7-.Ltmp2, $4  }
0x129: {  	_ = 	snop  }
0x12a: {  	v4 =	vadd.f32 v3, v4  }
0x12b: {  	s21 =	sshra.s32 s3, $0x2  }
0x12c: {  	s3 =	sadd.s32 $0x200, s3;
	v3 =	vld [tilespmem:s21+$0xDE00];
	[tilespmem:s19+$0xB600] =	vst v4;
	s19 =	smov.u32 s21  }
0x12d: {  	v4 =	vld [tilespmem:s19+$0xB600];
	_ =	sdelay $0x3  }
0x12e: {  	s3 =	sadd.s32 s15, s29  }
0x12f: {  	s21 =	smul.u32 $0x500, s3;
	v3 =	vadd.f32 v3, v4  }
0x130: {  	s28 =	sadd.s32 $0x1, s28  }
0x131: {  	p0 =	sne.s32 s28, $0x19;
	s29 =	sadd.s32 s10, s21;
	[tilespmem:s19+$0xB600] =	vst v3  }
0x132: {  	[hbm4b:s29+s2] =	stream.linear.scatter [tilespmem:s17], [sflag:$0x4], $0x2800, $0x38;
	[tilespmem:$0xF200] =	vst v63  }
.Ltmp3:
0x133: {  	_ = 	snop;
	(pc) =	sbr.rel @p0 .LBB2_2-.Ltmp3, $4  }
0x134: {  	s3 =	smul.u32 $0x280, s3;
	s30 =	sadd.s32 s11, s21  }
0x135: {  	[hbm4b:s30+s2] =	stream.linear.scatter [tilespmem:s26], [sflag:$0x4], $0x2800, $0x38;
	[tilespmem:$0xF200] =	vst v63  }
0x136: {  	s3 =	sadd.s32 s12, s3  }
0x137: {  	[hbm4b:s3+s2] =	stream.linear.scatter [tilespmem:s16], [sflag:$0x4], $0x1400, $0x38;
	[tilespmem:$0xF200] =	vst v63  }
0x138: {  	s19 =	simm.s32 $0x4  }
0x139: {  	_ =	swait.ge [sflag:s19], $0x2800  }
0x13a: {  	[sflag:s19] =	ssyncset.done $0x0  }
0x13b: {  	[sflag:s19] =	ssyncadd.s32 $0xFFFFD800  }
0x13c: {  	_ =	swait.ge [sflag:s19], $0x2800  }
0x13d: {  	[sflag:s19] =	ssyncset.done $0x0  }
0x13e: {  	[sflag:s19] =	ssyncadd.s32 $0xFFFFD800  }
0x13f: {  	_ =	swait.ge [sflag:s19], $0x1400  }
0x140: {  	s21 =	rddreg [dreg:$0x7]  }
0x141: {  	s3 =	rddreg [dreg:$0x6];
	s21 =	sadd.s32 $0x1, s21  }
0x142: {  	p0 =	sne.s32 s21, s3  }
.Ltmp4:
0x143: {  	_ = 	snop;
	(pc) =	sbr.rel @p0 .LBB2_1-.Ltmp4, $3  }
0x144: {  	_ =	sdelay $0x1  }
0x145: {  	[sflag:s19] =	ssyncset.done $0x0  }
0x146: {  	[sflag:s19] =	ssyncadd.s32 $0xFFFFEC00  }
0x147: {  	_ =	sfence.sel $0x180000  }
0x148: {  	[bflag:$0x0] =	sbarrier.arrive $0xFFFF  }
0x149: {  	_ =	strace $0x9000004A  }
0x14a: {  	s0 =	stileid.u32;
	[bflag:$0x2] =	sbarrier.arrive $0xFFFF  }
0x14b: {  	p0 =	sne.s32 s0, $0x0;
	s0 =	rddreg [dreg:$0x2]  }
0x14c: {  	s0 =	sadd.s32 @!p0 $0x100000, s0  }
0x14d: {  	[sflag:s0] =	ssyncadd.tile.s32 @!p0 $0x1;
	_ =	shalt  }
.Lfunc_end2:
_tile_overlayer_lowered:
.L_overlay_start_2:
0x14e: {  	(tag) =	ssettag $0x2  }
0x14f: {  	s0 =	rddreg [dreg:$0x0];
	s2 =	stileid.u32  }
0x150: {  	s1 =	rddreg [dreg:$0x1];
	p0 =	sne.s32 s2, $0x0  }
0x151: {  	s3 =	rddreg [dreg:$0x2];
	[bflag:$0x3] =	sbarrier.arrive $0xFFFF;
	s2 =	simm.s32 @!p0 $0x1C05  }
0x152: {  	[timem:s3], [sflag:s2] =	dma.local @!p0 [hbm:s0], s1  }
0x153: {  	s0 =	simm.s32 @!p0 $0x5  }
0x154: {  	_ =	swait.ge @!p0 [sflag:s0], s1  }
0x155: {  	s1 =	ssub.s32 @!p0 $0x0, s1;
	[sflag:s0] =	ssyncset.done @!p0 $0x0  }
0x156: {  	[sflag:s0] =	ssyncadd.s32 @!p0 s1  }
0x157: {  	[bflag:$0x3] =	sbarrier.arrive $0xFFFF  }
0x158: {  	_ =	shalt  }

// kernel: kernel.15.cloned.1.call-start
scs
__scs_entry_jumppad:
0x0: {  	(pc) =	sbr.rel $0x88, $3  }
0x1: {  	(tag) =	ssettag $0x0;
	lr =	simm.s32 $0x1  }
0x2: {  	[smem:$0x3F94] =	sst lr;
	_ =	strace $0xD0000000  }
0x3: {  	_ = 	snop  }
0x4: {  	_ = 	snop  }
0x5: {  	_ = 	snop  }
0x6: {  	_ = 	snop  }
0x7: {  	_ = 	snop  }
__scs_overlays_trampoline_lowered:
0x8: {  	[smem:$0x3FA3] =	sst s0  }
0x9: {  	[smem:$0x3FA4] =	sst s1  }
0xa: {  	[smem:$0x3FA5] =	sst s2  }
0xb: {  	[smem:$0x3FA6] =	sst s3  }
0xc: {  	[smem:$0x3FA7] =	sst s4  }
0xd: {  	[smem:$0x3FA8] =	sst s5  }
0xe: {  	[smem:$0x3FA9] =	sst s6  }
0xf: {  	[smem:$0x3FAA] =	sst s7  }
0x10: {  	[smem:$0x3FAB] =	sst s8  }
0x11: {  	[smem:$0x3FAC] =	sst s9;
	s0 =	simm.s32 @!p0 $0x0  }
0x12: {  	s1 =	sld [smem:$0x3F92];
	s0 =	simm.s32 @p0 $0x1  }
0x13: {  	[smem:$0x3FAD] =	sst s0;
	s0 =	simm.s32 @!p1 $0x0  }
0x14: {  	s2 =	sld [smem:$0x3F91];
	s0 =	simm.s32 @p1 $0x1  }
0x15: {  	[smem:$0x3FAE] =	sst s0;
	s0 =	simm.s32 @!p2 $0x0  }
0x16: {  	s3 =	sld [smem:$0x3FDB];
	s0 =	simm.s32 @p2 $0x1  }
0x17: {  	s4 =	simm.s32 $0x1BF5;
	[smem:$0x3FB0] =	sst s0  }
0x18: {  	s0 =	sld [smem:$0x3F93];
	_ =	swait.ge [sflag:s4], $0x0  }
0x19: {  	s7 =	sld [smem:$0x3F94]  }
0x1a: {  	s8 =	sadd.s32 $0xFFFFE003, lr  }
0x1b: {  	s9 =	sadd.s32 $0xFFFFFEF7, lr;
	s5 =	simm.s32 $0xFFFFFFFF;
	p2 =	slt.u32 s8, $0xFFFFF086  }
0x1c: {  	p1 =	slt.u32 s9, $0xF7A;
	s5 =	simm.s32 @!p2 $0x0  }
0x1d: {  	s5 =	simm.s32 @p1 $0x1;
	p0 =	seq.s32 s7, s2  }
0x1e: {  	s7 =	smul.u32 @!p0 $0xF7A, s2;
	p2 =	seq.s32 @!p0 s5, $0x0  }
0x1f: {  	s9 =	smul.u32 $0xF7A, s1;
	s8 =	simm.s32 @!p0 $0x1BF5;
	p2 =	por !p2, p0  }
0x20: {  	[sflag:s8] =	ssyncset.s32 @!p0 $0xFFFFF086;
	s6 =	sadd.s32 @!p0 s3, s7;
	s7 =	simm.s32 @!p0 $0x108  }
0x21: {  	s3 =	sadd.s32 s3, s9;
	s6 =	sadd.s32 @!p0 $0x88, s6;
	s7 =	simm.s32 @p2 $0x1082  }
0x22: {  	[simem:s7], [sflag:s8] =	dma.local @!p0 [hbm:s6], $0xF7A  }
0x23: {  	s9 =	sor.u32 $0xD0000000, s2;
	s6 =	simm.s32 $0x108;
	_ =	swait.ge @!p0 [sflag:s8], $0x0  }
0x24: {  	s3 =	sadd.s32 $0x88, s3;
	s6 =	simm.s32 @!p1 $0x1082;
	[sflag:s4] =	ssyncset.s32 $0xFFFFF086  }
0x25: {  	[simem:s6], [sflag:s4] =	dma.local [hbm:s3], $0xF7A  }
0x26: {  	[smem:$0x3F94] =	sst s1;
	(tag) =	ssettag s2;
	_ =	strace s9  }
0x27: {  	s1 =	sld [smem:$0x3FA4]  }
0x28: {  	s2 =	sld [smem:$0x3FA5]  }
0x29: {  	s4 =	sld [smem:$0x3FA7]  }
0x2a: {  	p0 =	seq.s32 s5, $0x0;
	s5 =	sld [smem:$0x3FA8]  }
0x2b: {  	s6 =	sld [smem:$0x3FA9]  }
0x2c: {  	s7 =	sld [smem:$0x3FAA]  }
0x2d: {  	s3 =	simm.s32 $0x108;
	s8 =	sld [smem:$0x3FAB]  }
0x2e: {  	s3 =	simm.s32 @!p0 $0x1082;
	s9 =	sld [smem:$0x3FAC]  }
0x2f: {  	lr =	sadd.s32 s0, s3;
	s0 =	sld [smem:$0x3FA3]  }
0x30: {  	s3 =	sld [smem:$0x3FA6]  }
0x31: {  	[smem:$0x3FAF] =	sst s10  }
0x32: {  	s10 =	sld [smem:$0x3FAD];
	_ =	sdelay $0x3  }
0x33: {  	p0 =	seq.s32 s10, $0x1;
	s10 =	sld [smem:$0x3FAF];
	_ =	sdelay $0x3  }
0x34: {  	[smem:$0x3FAF] =	sst s10  }
0x35: {  	s10 =	sld [smem:$0x3FAE];
	_ =	sdelay $0x3  }
0x36: {  	p1 =	seq.s32 s10, $0x1;
	s10 =	sld [smem:$0x3FAF];
	_ =	sdelay $0x3  }
0x37: {  	[smem:$0x3FAF] =	sst s10  }
0x38: {  	s10 =	sld [smem:$0x3FB0]  }
0x39: {  	_ = 	snop;
	(pc) =	sbr.ind lr, $3  }
0x3a: {  	_ = 	snop  }
0x3b: {  	_ = 	snop  }
0x3c: {  	p2 =	seq.s32 s10, $0x1;
	s10 =	sld [smem:$0x3FAF]  }
0x3d: {  	_ =	shalt  }
0x3e: {  	_ =	shalt  }
0x3f: {  	_ =	shalt  }
0x40: {  	_ =	shalt  }
0x41: {  	_ =	shalt  }
0x42: {  	_ =	shalt  }
0x43: {  	_ =	shalt  }
0x44: {  	_ =	shalt  }
0x45: {  	_ =	shalt  }
0x46: {  	_ =	shalt  }
0x47: {  	_ =	shalt  }
0x48: {  	_ =	shalt  }
0x49: {  	_ =	shalt  }
0x4a: {  	_ =	shalt  }
0x4b: {  	_ =	shalt  }
0x4c: {  	_ =	shalt  }
0x4d: {  	_ =	shalt  }
0x4e: {  	_ =	shalt  }
0x4f: {  	_ =	shalt  }
0x50: {  	_ =	shalt  }
0x51: {  	_ =	shalt  }
0x52: {  	_ =	shalt  }
0x53: {  	_ =	shalt  }
0x54: {  	_ =	shalt  }
0x55: {  	_ =	shalt  }
0x56: {  	_ =	shalt  }
0x57: {  	_ =	shalt  }
0x58: {  	_ =	shalt  }
0x59: {  	_ =	shalt  }
0x5a: {  	_ =	shalt  }
0x5b: {  	_ =	shalt  }
0x5c: {  	_ =	shalt  }
0x5d: {  	_ =	shalt  }
0x5e: {  	_ =	shalt  }
0x5f: {  	_ =	shalt  }
0x60: {  	_ =	shalt  }
0x61: {  	_ =	shalt  }
0x62: {  	_ =	shalt  }
0x63: {  	_ =	shalt  }
0x64: {  	_ =	shalt  }
0x65: {  	_ =	shalt  }
0x66: {  	_ =	shalt  }
0x67: {  	_ =	shalt  }
0x68: {  	_ =	shalt  }
0x69: {  	_ =	shalt  }
0x6a: {  	_ =	shalt  }
0x6b: {  	_ =	shalt  }
0x6c: {  	_ =	shalt  }
0x6d: {  	_ =	shalt  }
0x6e: {  	_ =	shalt  }
0x6f: {  	_ =	shalt  }
0x70: {  	_ =	shalt  }
0x71: {  	_ =	shalt  }
0x72: {  	_ =	shalt  }
0x73: {  	_ =	shalt  }
0x74: {  	_ =	shalt  }
0x75: {  	_ =	shalt  }
0x76: {  	_ =	shalt  }
0x77: {  	_ =	shalt  }
0x78: {  	_ =	shalt  }
0x79: {  	_ =	shalt  }
0x7a: {  	_ =	shalt  }
0x7b: {  	_ =	shalt  }
0x7c: {  	_ =	shalt  }
0x7d: {  	_ =	shalt  }
0x7e: {  	_ =	shalt  }
0x7f: {  	_ =	shalt  }
0x80: {  	_ =	shalt  }
0x81: {  	_ =	shalt  }
0x82: {  	_ =	shalt  }
0x83: {  	_ =	shalt  }
0x84: {  	_ =	shalt  }
0x85: {  	_ =	shalt  }
0x86: {  	_ =	shalt  }
0x87: {  	_ =	shalt  }
.Lfunc_end0:
.L_simem_size_0:
called_computation.2_lowered:
.L_overlay_start_0:
0x88: {  	s2 =	sld [smem:$0x3FD9]  }
0x89: {  	s3 =	sld [smem:$0x3FFE];
	_ =	sdelay $0x1  }
0x8a: {  	s1 =	srdreg.scid  }
0x8b: {  	s0 =	sand.u32 $0x1, s1  }
0x8c: {  	s14 =	sshll.u32 s0, $0xA;
	s2 =	sadd.s32 s3, s2  }
0x8d: {  	s2 =	sadd.s32 s2, s14  }
0x8e: {  	[smem:$0x3FBB] =	sst s2  }
0x8f: {  	_ = 	snop  }
0x90: {  	s2 =	sld [smem:$0x3FD0];
	_ =	sdelay $0x2  }
0x91: {  	s15 =	simm.s32 $0xB;
	s4 =	simm.s32 $0x10  }
0x92: {  	[smem:s4], [sflag:s15] =	dma.local [hbm:s2], $0x1  }
0x93: {  	_ =	swait.eq [sflag:s15], $0x1  }
0x94: {  	[sflag:s15] =	ssyncset.done $0x0  }
0x95: {  	[sflag:s15] =	ssyncadd.s32 $0xFFFFFFFF  }
0x96: {  	s16 =	sld [smem:$0x10];
	(tm) =	ssettm $0x1  }
0x97: {  	s17 =	sld [smem:$0x3FFB];
	_ =	sdelay $0x3  }
0x98: {  	_ =	strace s17  }
0x99: {  	s3 =	sld [smem:$0x3FFC];
	_ =	sdelay $0x3  }
0x9a: {  	_ =	strace s3  }
0x9b: {  	s3 =	sld [smem:$0x3FFD];
	_ =	sdelay $0x3  }
0x9c: {  	_ =	strace s3  }
0x9d: {  	_ =	strace $0x8FFFFFFF  }
0x9e: {  	s18 =	sld [smem:$0x3FDB];
	_ =	sdelay $0x1  }
0x9f: {  	s19 =	simm.s32 $_scs_section_size  }
0xa0: {  	s5 =	simm.s32 $_size__tile_overlayer_lowered;
	s6 =	simm.s32 $_tile_overlayer_lowered  }
0xa1: {  	s22 =	simm.s32 $0x1BFF;
	s21 =	sshll.u32 s6, $0x1;
	s3 =	sadd.s32 s19, s18  }
0xa2: {  	s7 =	simm.s32 $0x0;
	s20 =	sshll.u32 s5, $0x1;
	s5 =	sadd.s32 s21, s3  }
0xa3: {  	[timem:s7], [sflag:s22] =	dma.local [hbm:s5], s20  }
0xa4: {  	_ =	swait.ge [sflag:s22], s20  }
0xa5: {  	s4 =	ssub.s32 $0x0, s20;
	[sflag:s22] =	ssyncset.done $0x0  }
0xa6: {  	[sflag:s22] =	ssyncadd.s32 s4;
	_ =	sdelay $0x1  }
0xa7: {  	s23 =	simm.s32 $0x1B8B  }
0xa8: {  	_ =	swait.ge [sflag:s23], $0x1  }
0xa9: {  	[sflag:s23] =	ssyncset.done $0x0  }
0xaa: {  	s25 =	simm.s32 $0x1B8E;
	s24 =	sld [smem:$0x3FFE];
	[sflag:s23] =	ssyncadd.s32 $0xFFFFFFFF  }
0xab: {  	s26 =	simm.s32 $execute0_lowered;
	[smem:$0x3FD2] =	sst s25  }
0xac: {  	s5 =	sshll.u32 s26, $0x1;
	_ =	strace $0x8000004C;
	[dreg:$0x1] =	wrdreg $0xFFFFFFFF  }
0xad: {  	s28 =	simm.s32 $_size_execute0_lowered;
	s3 =	sadd.s32 s3, s5;
	[dreg:$0x0] =	wrdreg $0x0  }
0xae: {  	s5 =	sshll.u32 s28, $0x1;
	[dreg:$0x2] =	wrdreg s3  }
0xaf: {  	[dreg:$0x3] =	wrdreg s5  }
0xb0: {  	[dreg:$0x4] =	wrdreg $0xC0  }
0xb1: {  	_ =	task [dreg:s7], $0x5FFFF  }
0xb2: {  	[dreg:$0x1] =	wrdreg $0xFFFFFFFF  }
0xb3: {  	[dreg:$0x0] =	wrdreg $0x60  }
0xb4: {  	[dreg:$0x2] =	wrdreg s24  }
0xb5: {  	[dreg:$0x3] =	wrdreg s16  }
0xb6: {  	[dreg:$0x4] =	wrdreg $0x72000  }
0xb7: {  	[dreg:$0x5] =	wrdreg $0x9  }
0xb8: {  	_ =	task.clear_ibuf [dreg:s7], $0x6FFFF;
	_ =	strace $0x9000004C  }
0xb9: {  	s29 =	simm.s32 $0x9;
	_ =	strace $0x8000004E  }
0xba: {  	_ =	swait.ge [sflag:s29], $0x1  }
0xbb: {  	[sflag:s29] =	ssyncadd.s32 $0xFFFFFFFF  }
0xbc: {  	_ =	strace $0x9000004E  }
0xbd: {  	_ =	sfence  }
0xbe: {  	s30 =	sld [smem:$0x0];
	_ =	sdelay $0x2  }
0xbf: {  	s31 =	sshll.u32 s1, $0xD;
	s1 =	sshrl.u32 s1, $0x2  }
0xc0: {  	s3 =	sand.u32 $0x4000, s31;
	s1 =	sadd.s32 s1, s30  }
0xc1: {  	s0 =	sor.u32 s3, s0;
	s1 =	sshll.u32 s1, $0x11  }
0xc2: {  	s0 =	sor.u32 s1, s0  }
0xc3: {  	s0 =	sadd.s32 $0x8F2B, s0  }
0xc4: {  	[sflag:s0] =	ssyncadd.remote.s32 $0x1  }
0xc5: {  	_ =	sfence.sel $0xFFFF  }
0xc6: {  	[dreg:$0x0] =	wrdreg $0xFFFFFFFF;
	(pc) =	sbr.abs _section_cstart, $3  }
0xc7: {  	[dreg:$0x1] =	wrdreg $0xFFFFFFFF  }
0xc8: {  	_ =	task.clear_ibuf [dreg:s7], $0x2FFFF;
	_ =	strace $0x9FFFFFFF  }
0xc9: {  	(tm) =	ssettm $0x7FFFFFFF  }
tec
execute0_lowered:
.L_overlay_start_1:
0x0: {  	(tag) =	ssettag $0x1  }
0x1: {  	s29 =	stileid.u32  }
0x2: {  	s2 =	smul.u32 $0x1770, s29  }
0x3: {  	s9 =	smul.u32 $0x2EE000, s29  }
0x4: {  	s5 =	smul.u32 $0xFA0, s29  }
0x5: {  	s13 =	smul.u32 $0x1F4000, s29  }
0x6: {  	s18 =	smul.u32 $0xBB8, s29  }
0x7: {  	s0 =	srdreg.scid;
	s31 =	smul.u32 $0x14000, s29  }
0x8: {  	s4 =	rddreg [dreg:$0x0];
	s7 =	sand.u32 $0x1, s0;
	s24 =	smul.u32 $0x7D0, s29  }
0x9: {  	s10 =	rddreg [dreg:$0x1];
	s14 =	smul.u32 $0xBB80, s7  }
0xa: {  	s11 =	sadd.s32 $0x586600, s4;
	s0 =	ssub.s32 $0x2, s7;
	s20 =	smul.u32 $0x7D00, s7  }
0xb: {  	s12 =	sshll.u32 s7, $0xB;
	s21 =	smul.u32 $0x140000, s7;
	s1 =	sshrl.u32 s0, $0x1  }
0xc: {  	s17 =	sor.u32 s12, s9;
	s3 =	sadd.s32 $0xA0, s2;
	s15 =	sor.u32 s12, s13  }
0xd: {  	s6 =	sadd.s32 $0x50, s5;
	s8 =	sadd.s32 $0xA0, s5;
	s19 =	sor.u32 $0x400, s12  }
0xe: {  	s5 =	sshrl.u32 s5, $0x3;
	s0 =	ssub.s32 s0, s1;
	s1 =	smul.u32 $0x50000, s29  }
0xf: {  	s22 =	sor.u32 s9, s19;
	s23 =	sor.u32 s13, s19;
	s14 =	sadd.s32 s18, s14  }
0x10: {  	s13 =	sadd.s32 $0xCDD600, s4;
	s16 =	sor.u32 s12, s1;
	s25 =	sor.u32 s1, s19  }
0x11: {  	s16 =	sshrl.u32 s16, $0x3;
	s26 =	sshrl.u32 s25, $0x3;
	s25 =	sadd.s32 s31, s21  }
0x12: {  	s21 =	sshll.u32 s6, $0x9;
	s31 =	sshll.u32 s8, $0x9;
	s16 =	sadd.s32 s11, s16  }
0x13: {  	s9 =	sadd.s32 s11, s26;
	s11 =	sshrl.u32 s25, $0x3;
	[dreg:$0x4] =	wrdreg s16  }
0x14: {  	s25 =	sor.u32 s12, s31;
	[dreg:$0x5] =	wrdreg s9;
	s16 =	sadd.s32 $0x50, s2  }
0x15: {  	s9 =	sadd.s32 s24, s20;
	s10 =	sadd.s32 s10, s11;
	s20 =	sshll.u32 s3, $0x9  }
0x16: {  	s24 =	sor.u32 s12, s21;
	s2 =	sshrl.u32 s2, $0x3;
	s26 =	sshll.u32 s16, $0x9  }
0x17: {  	[dreg:$0x6] =	wrdreg s10;
	s18 =	sor.u32 s12, s20;
	s11 =	sor.u32 s19, s20  }
0x18: {  	s20 =	sor.u32 s19, s21;
	s24 =	sshrl.u32 s24, $0x3;
	s16 =	sshrl.u32 s16, $0x3  }
0x19: {  	s10 =	sor.u32 s12, s26;
	s12 =	sor.u32 s19, s26;
	s26 =	sshrl.u32 s17, $0x3  }
0x1a: {  	s19 =	sor.u32 s19, s31;
	s31 =	sshrl.u32 s22, $0x3;
	s18 =	sshrl.u32 s18, $0x3  }
0x1b: {  	s11 =	sshrl.u32 s11, $0x3;
	s20 =	sshrl.u32 s20, $0x3;
	s26 =	sadd.s32 s13, s26  }
0x1c: {  	s10 =	sshrl.u32 s10, $0x3;
	s21 =	sadd.s32 s13, s31;
	[dreg:$0x7] =	wrdreg s26  }
0x1d: {  	s22 =	sadd.s32 s13, s18;
	s31 =	sadd.s32 $0x1E000, s17;
	[dreg:$0x8] =	wrdreg s21  }
0x1e: {  	s18 =	sadd.s32 s13, s11;
	s19 =	sshrl.u32 s19, $0x3;
	[dreg:$0xa] =	wrdreg s22  }
0x1f: {  	s10 =	sadd.s32 s13, s10;
	s26 =	sshrl.u32 s12, $0x3;
	[dreg:$0xc] =	wrdreg s18  }
0x20: {  	s21 =	sshrl.u32 s31, $0x3;
	s22 =	sadd.s32 $0x28000, s17;
	s31 =	sshll.u32 s14, $0x4  }
0x21: {  	[dreg:$0x9] =	wrdreg s10;
	s10 =	sadd.s32 s13, s26;
	s26 =	sadd.s32 $0x1E400, s17  }
0x22: {  	s11 =	sshrl.u32 s22, $0x3;
	s17 =	sadd.s32 $0x28400, s17;
	s22 =	sadd.s32 $0x28, s14  }
0x23: {  	[dreg:$0xb] =	wrdreg s10;
	s10 =	sadd.s32 s21, s13;
	s12 =	sshrl.u32 s26, $0x3  }
0x24: {  	s11 =	sadd.s32 s11, s13;
	s17 =	sshrl.u32 s17, $0x3;
	s26 =	smul.u32 $0xBB800, s7  }
0x25: {  	s21 =	sadd.s32 $0x50, s14;
	s7 =	smul.u32 $0x7D000, s7;
	s12 =	sadd.s32 s12, s13  }
0x26: {  	s13 =	sadd.s32 s17, s13;
	s17 =	sadd.s32 $0x12B9600, s4;
	s28 =	sshll.u32 s21, $0x4  }
0x27: {  	s21 =	sshrl.u32 s21, $0x3;
	s18 =	sadd.s32 s17, s31;
	s31 =	sshll.u32 s22, $0x4  }
0x28: {  	[dreg:$0xd] =	wrdreg s18;
	s18 =	sadd.s32 s17, s31;
	s31 =	sadd.s32 s17, s28  }
0x29: {  	s17 =	sadd.s32 s26, s17;
	s26 =	sadd.s32 $0xA4600, s4;
	[dreg:$0xe] =	wrdreg s18  }
0x2a: {  	[dreg:$0xf] =	wrdreg s31;
	s31 =	sshrl.u32 s15, $0x3;
	s19 =	sadd.s32 s26, s19  }
0x2b: {  	s18 =	sshrl.u32 s23, $0x3;
	s23 =	sadd.s32 s26, s31;
	[dreg:$0x15] =	wrdreg s19  }
0x2c: {  	s18 =	sadd.s32 s26, s18;
	s31 =	sshrl.u32 s25, $0x3;
	[dreg:$0x10] =	wrdreg s23  }
0x2d: {  	s25 =	sadd.s32 $0x1E000, s15;
	[dreg:$0x11] =	wrdreg s18;
	s18 =	sadd.s32 s26, s24  }
0x2e: {  	s23 =	sadd.s32 s26, s20;
	s24 =	sadd.s32 $0x28000, s15;
	s19 =	sshrl.u32 s25, $0x3  }
0x2f: {  	s20 =	sadd.s32 $0x28400, s15;
	s15 =	sadd.s32 $0x1E400, s15;
	[dreg:$0x12] =	wrdreg s18  }
0x30: {  	s18 =	sadd.s32 s26, s31;
	[dreg:$0x14] =	wrdreg s23;
	s23 =	smul.u32 $0xBB80, s29  }
0x31: {  	s15 =	sshrl.u32 s15, $0x3;
	[dreg:$0x13] =	wrdreg s18;
	s18 =	sshrl.u32 s24, $0x3  }
0x32: {  	s24 =	sadd.s32 s19, s26;
	s19 =	sshrl.u32 s20, $0x3;
	s20 =	sshrl.u32 s14, $0x3  }
0x33: {  	s31 =	sadd.s32 s18, s26;
	s25 =	sadd.s32 s19, s26;
	s26 =	sadd.s32 s15, s26  }
0x34: {  	s15 =	sadd.s32 s23, s17;
	s17 =	sadd.s32 $0xA1600, s4;
	s18 =	sshrl.u32 s3, $0x3  }
0x35: {  	s19 =	sshrl.u32 s22, $0x3;
	s22 =	sadd.s32 $0x78, s14;
	s2 =	sadd.s32 s17, s2  }
0x36: {  	s14 =	sadd.s32 $0xA0, s14;
	s23 =	sadd.s32 s17, s20;
	[dreg:$0x17] =	wrdreg s2  }
0x37: {  	s20 =	sadd.s32 s17, s19;
	s19 =	sshrl.u32 s14, $0x3;
	[dreg:$0x18] =	wrdreg s23  }
0x38: {  	s2 =	sadd.s32 s17, s16;
	[dreg:$0x1b] =	wrdreg s20;
	s23 =	smul.u32 $0x2EE, s29  }
0x39: {  	s3 =	sadd.s32 s19, s17;
	s16 =	sadd.s32 $0x48C600, s4;
	s20 =	sshll.u32 s9, $0x4  }
0x3a: {  	s4 =	sadd.s32 $0x7F7600, s4;
	[dreg:$0x19] =	wrdreg s2;
	s2 =	sadd.s32 s17, s18  }
0x3b: {  	s19 =	sadd.s32 $0x50, s9;
	s5 =	sadd.s32 s4, s5;
	[dreg:$0x1a] =	wrdreg s2  }
0x3c: {  	s18 =	sshrl.u32 s22, $0x3;
	s2 =	sadd.s32 s17, s21;
	[smem:$0x7E8] =	sst s5  }
0x3d: {  	s14 =	sadd.s32 s23, s17;
	s23 =	sshll.u32 s19, $0x4;
	[dreg:$0x1c] =	wrdreg s2  }
0x3e: {  	s2 =	sadd.s32 s18, s17;
	s17 =	sadd.s32 $0x28, s9;
	s18 =	sadd.s32 s16, s20  }
0x3f: {  	s20 =	smul.u32 $0x7D00, s29;
	s21 =	sshll.u32 s17, $0x4;
	[dreg:$0x1d] =	wrdreg s18  }
0x40: {  	s18 =	sadd.s32 s16, s23;
	s23 =	sshrl.u32 s9, $0x3;
	s22 =	sadd.s32 s16, s21  }
0x41: {  	[dreg:$0x1f] =	wrdreg s18;
	s16 =	sadd.s32 s7, s16;
	s7 =	simm.s32 $0x0  }
0x42: {  	s21 =	sshrl.u32 s6, $0x3;
	s18 =	sshrl.u32 s19, $0x3;
	[dreg:$0x1e] =	wrdreg s22  }
0x43: {  	[smem:$0x7FF] =	sst s7;
	s22 =	sshrl.u32 s8, $0x3;
	s8 =	sadd.s32 s4, s23  }
0x44: {  	s19 =	smul.u32 $0x1F4, s29;
	s5 =	sadd.s32 s4, s21;
	[smem:$0x7E9] =	sst s8  }
0x45: {  	s16 =	sadd.s32 s20, s16;
	s20 =	sadd.s32 s4, s18;
	[smem:$0x7EA] =	sst s5  }
0x46: {  	s17 =	sshrl.u32 s17, $0x3;
	[smem:$0x7ED] =	sst s20  }
0x47: {  	s8 =	sadd.s32 s4, s22;
	s22 =	sadd.s32 s19, s4;
	s19 =	rddreg [dreg:$0x2]  }
0x48: {  	s5 =	sadd.s32 s4, s17;
	[smem:$0x7EB] =	sst s8  }
0x49: {  	s0 =	smax.u32 s0, $0x1;
	[smem:$0x7EC] =	sst s5  }
0x4a: {  	s6 =	sadd.s32 $0x780, s15;
	_ =	strace $0x8000004D;
	[smem:$0x7EE] =	sst s0  }
0x4b: {  	s1 =	sshrl.u32 s1, $0x2;
	s8 =	sadd.s32 $0xA00, s16;
	[smem:$0x7F1] =	sst s6  }
0x4c: {  	s23 =	sadd.s32 $0x78, s9;
	s1 =	sadd.s32 s1, s19;
	[smem:$0x7F2] =	sst s8  }
0x4d: {  	s21 =	sadd.s32 $0xA0, s9;
	s29 =	sshrl.u32 s23, $0x3;
	[smem:$0x7FB] =	sst s1  }
0x4e: {  	s5 =	sshrl.u32 s21, $0x3;
	s20 =	sadd.s32 s29, s4;
	[dreg:$0x16] =	wrdreg s31  }
0x4f: {  	s18 =	sadd.s32 s5, s4;
	s4 =	sadd.s32 $0x1E, s14;
	[smem:$0x7FD] =	sst s25  }
0x50: {  	s5 =	sadd.s32 $0x28, s22;
	[smem:$0x7EF] =	sst s4  }
0x51: {  	s9 =	sadd.s32 $0x2000, s1;
	[smem:$0x7F0] =	sst s5  }
0x52: {  	s14 =	sadd.s32 $0x4000, s1;
	[smem:$0x7F3] =	sst s9  }
0x53: {  	s15 =	sadd.s32 $0x6000, s1;
	[smem:$0x7F4] =	sst s14  }
0x54: {  	s16 =	sadd.s32 $0x8000, s1;
	[smem:$0x7F5] =	sst s15  }
0x55: {  	s30 =	simm.s32 $0x180;
	s17 =	sadd.s32 $0xA000, s1;
	[smem:$0x7F6] =	sst s16  }
0x56: {  	s28 =	simm.s32 $0x28;
	s21 =	sadd.s32 $0xC000, s1;
	[smem:$0x7F7] =	sst s17  }
0x57: {  	s22 =	sadd.s32 $0xE000, s1;
	s23 =	sadd.s32 $0x10000, s1;
	[smem:$0x7F8] =	sst s21  }
0x58: {  	s29 =	sadd.s32 $0x12000, s1;
	s8 =	simm.s32 $0x5;
	[smem:$0x7F9] =	sst s22  }
.Ltmp0:
0x59: {  	s0 =	simm.s32 $0x200;
	[smem:$0x7FA] =	sst s23;
	(pc) =	sbr.rel .LBB2_1-.Ltmp0, $4  }
0x5a: {  	s1 =	simm.s32 $0x1;
	s6 =	simm.s32 $0x100;
	[smem:$0x7FC] =	sst s29  }
0x5b: {  	s14 =	simm.s32 $0x400;
	s15 =	simm.s32 $0x1000;
	s5 =	simm.s32 $0x50  }
0x5c: {  	s9 =	simm.s32 $0x2A00;
	s16 =	simm.s32 $0x2;
	s17 =	simm.s32 $0x3  }
0x5d: {  	v0 =	vimm.f32 $0.0e+00;
	s22 =	simm.s32 $0x4;
	s4 =	simm.s32 $0x80;
	s23 =	simm.s32 $0x0  }
.LBB2_18:
0x5e: {  	_ =	swait.ge [sflag:s22], $0x1400  }
0x5f: {  	[sflag:s22] =	ssyncset.done $0x0  }
0x60: {  	[sflag:s22] =	ssyncadd.s32 $0xFFFFEC00  }
0x61: {  	[bflag:$0x0] =	sbarrier.arrive $0xFFFF  }
0x62: {  	s23 =	sld [smem:$0x7E4]  }
0x63: {  	s29 =	sld [smem:$0x7E5];
	_ =	sdelay $0x1  }
0x64: {  	s21 =	rddreg [dreg:$0x6]  }
0x65: {  	[hbm:s21], [sflag:s23] =	dma.local [spmem:s29], $0x2800  }
0x66: {  	_ =	swait.ge [sflag:s8], $0x2800  }
0x67: {  	s29 =	sld [smem:$0x7E7]  }
0x68: {  	s31 =	sld [smem:$0x7EE];
	_ =	sdelay $0x1  }
0x69: {  	s23 =	sadd.s32 $0x1, s29  }
0x6a: {  	p0 =	sne.s32 s23, s31  }
.Ltmp1:
0x6b: {  	_ = 	snop;
	(pc) =	sbr.rel @!p0 .LBB2_19-.Ltmp1, $3  }
0x6c: {  	_ =	sdelay $0x1  }
0x6d: {  	[sflag:s8] =	ssyncset.done $0x0  }
0x6e: {  	[sflag:s8] =	ssyncadd.s32 $0xFFFFD800  }
.LBB2_1:
0x6f: {  	[smem:$0x7E7] =	sst s23;
	s21 =	simm.s32 $0x0;
	s29 =	simm.s32 $0x200  }
.LBB2_2:
0x70: {  	p0 =	sne.s32 s29, $0x7E00;
	[tilespmem:s21+$0x5270] =	vst v0  }
0x71: {  	[tilespmem:s21+$0x5200] =	vst v0  }
0x72: {  	[tilespmem:s21+$0x5210] =	vst v0  }
.Ltmp2:
0x73: {  	[tilespmem:s21+$0x5220] =	vst v0;
	(pc) =	sbr.rel @p0 .LBB2_2-.Ltmp2, $4  }
0x74: {  	[tilespmem:s21+$0x5230] =	vst v0  }
0x75: {  	[tilespmem:s21+$0x5240] =	vst v0  }
0x76: {  	[tilespmem:s21+$0x5250] =	vst v0  }
0x77: {  	[tilespmem:s21+$0x5260] =	vst v0;
	s21 =	sshra.s32 s29, $0x2;
	s29 =	sadd.s32 $0x200, s29  }
0x78: {  	[tilespmem:s21+$0x5270] =	vst v0  }
0x79: {  	[tilespmem:s21+$0x5200] =	vst v0  }
0x7a: {  	[tilespmem:s21+$0x5210] =	vst v0  }
0x7b: {  	[tilespmem:s21+$0x5220] =	vst v0  }
0x7c: {  	[tilespmem:s21+$0x5230] =	vst v0  }
0x7d: {  	[tilespmem:s21+$0x5240] =	vst v0;
	s25 =	sld [smem:$0x7FB]  }
0x7e: {  	[tilespmem:s21+$0x5250] =	vst v0  }
0x7f: {  	[tilespmem:s21+$0x5260] =	vst v0;
	s23 =	simm.s32 $0x5200  }
0x80: {  	[spmem:s25] =	stream.linear.scatter [tilespmem:s23], [sflag:$0x5], $0x2000, $0x38;
	[tilespmem:$0x1B200] =	vst v63  }
0x81: {  	_ =	swait.ge [sflag:s8], $0x2000  }
0x82: {  	s25 =	sld [smem:$0x7F3]  }
0x83: {  	[sflag:s8] =	ssyncset.done $0x0  }
0x84: {  	[sflag:s8] =	ssyncadd.s32 $0xFFFFE000  }
0x85: {  	[spmem:s25] =	stream.linear.scatter [tilespmem:s23], [sflag:$0x5], $0x2000, $0x38;
	[tilespmem:$0x1B200] =	vst v63  }
0x86: {  	_ =	swait.ge [sflag:s8], $0x2000  }
0x87: {  	s25 =	sld [smem:$0x7F4]  }
0x88: {  	[sflag:s8] =	ssyncset.done $0x0  }
0x89: {  	[sflag:s8] =	ssyncadd.s32 $0xFFFFE000  }
0x8a: {  	[spmem:s25] =	stream.linear.scatter [tilespmem:s23], [sflag:$0x5], $0x2000, $0x38;
	[tilespmem:$0x1B200] =	vst v63  }
0x8b: {  	_ =	swait.ge [sflag:s8], $0x2000  }
0x8c: {  	s25 =	sld [smem:$0x7F5]  }
0x8d: {  	[sflag:s8] =	ssyncset.done $0x0  }
0x8e: {  	[sflag:s8] =	ssyncadd.s32 $0xFFFFE000  }
0x8f: {  	[spmem:s25] =	stream.linear.scatter [tilespmem:s23], [sflag:$0x5], $0x2000, $0x38;
	[tilespmem:$0x1B200] =	vst v63  }
0x90: {  	_ =	swait.ge [sflag:s8], $0x2000  }
0x91: {  	s25 =	sld [smem:$0x7F6]  }
0x92: {  	[sflag:s8] =	ssyncset.done $0x0  }
0x93: {  	[sflag:s8] =	ssyncadd.s32 $0xFFFFE000  }
0x94: {  	[spmem:s25] =	stream.linear.scatter [tilespmem:s23], [sflag:$0x5], $0x2000, $0x38;
	[tilespmem:$0x1B200] =	vst v63  }
0x95: {  	_ =	swait.ge [sflag:s8], $0x2000  }
0x96: {  	s25 =	sld [smem:$0x7F7]  }
0x97: {  	[sflag:s8] =	ssyncset.done $0x0  }
0x98: {  	[sflag:s8] =	ssyncadd.s32 $0xFFFFE000  }
0x99: {  	[spmem:s25] =	stream.linear.scatter [tilespmem:s23], [sflag:$0x5], $0x2000, $0x38;
	[tilespmem:$0x1B200] =	vst v63  }
0x9a: {  	_ =	swait.ge [sflag:s8], $0x2000  }
0x9b: {  	s25 =	sld [smem:$0x7F8]  }
0x9c: {  	[sflag:s8] =	ssyncset.done $0x0  }
0x9d: {  	[sflag:s8] =	ssyncadd.s32 $0xFFFFE000  }
0x9e: {  	[spmem:s25] =	stream.linear.scatter [tilespmem:s23], [sflag:$0x5], $0x2000, $0x38;
	[tilespmem:$0x1B200] =	vst v63  }
0x9f: {  	_ =	swait.ge [sflag:s8], $0x2000  }
0xa0: {  	s25 =	sld [smem:$0x7F9]  }
0xa1: {  	[sflag:s8] =	ssyncset.done $0x0  }
0xa2: {  	[sflag:s8] =	ssyncadd.s32 $0xFFFFE000  }
0xa3: {  	[spmem:s25] =	stream.linear.scatter [tilespmem:s23], [sflag:$0x5], $0x2000, $0x38;
	[tilespmem:$0x1B200] =	vst v63  }
0xa4: {  	_ =	swait.ge [sflag:s8], $0x2000  }
0xa5: {  	s25 =	sld [smem:$0x7FA]  }
0xa6: {  	[sflag:s8] =	ssyncset.done $0x0  }
0xa7: {  	[sflag:s8] =	ssyncadd.s32 $0xFFFFE000  }
0xa8: {  	[spmem:s25] =	stream.linear.scatter [tilespmem:s23], [sflag:$0x5], $0x2000, $0x38;
	[tilespmem:$0x1B200] =	vst v63  }
0xa9: {  	_ =	swait.ge [sflag:s8], $0x2000  }
0xaa: {  	s25 =	sld [smem:$0x7FC]  }
0xab: {  	[sflag:s8] =	ssyncset.done $0x0  }
0xac: {  	[sflag:s8] =	ssyncadd.s32 $0xFFFFE000  }
0xad: {  	[spmem:s25] =	stream.linear.scatter [tilespmem:s23], [sflag:$0x5], $0x2000, $0x38;
	[tilespmem:$0x1B200] =	vst v63  }
0xae: {  	_ =	swait.ge [sflag:s8], $0x2000  }
0xaf: {  	[sflag:s8] =	ssyncset.done $0x0  }
0xb0: {  	[sflag:s8] =	ssyncadd.s32 $0xFFFFE000  }
0xb1: {  	[bflag:$0x0] =	sbarrier.arrive $0xFFFF  }
0xb2: {  	s21 =	simm.s32 $0x0;
	s25 =	rddreg [dreg:$0x17]  }
0xb3: {  	[tilespmem:s21], [sflag:$0x1] =	stream.linear.gather [hbm4b:s25+s21], $0x50, $0x38;
	[tilespmem:$0x1B200] =	vst v63  }
0xb4: {  	s25 =	rddreg [dreg:$0x7]  }
0xb5: {  	[tilespmem:s0], [sflag:$0x1] =	stream.strided.gather [hbm4b:s25+s14], $0x2800, s15, s14, $0x38;
	[tilespmem:$0x1B200] =	vst v63  }
0xb6: {  	_ =	swait.ge [sflag:s1], $0x50  }
0xb7: {  	[sflag:s1] =	ssyncset.done $0x0  }
0xb8: {  	[sflag:s1] =	ssyncadd.s32 $0xFFFFFFB0  }
0xb9: {  	_ =	swait.ge [sflag:s1], $0x2800  }
0xba: {  	[sflag:s1] =	ssyncset.done $0x0  }
0xbb: {  	[sflag:s1] =	ssyncadd.s32 $0xFFFFD800  }
0xbc: {  	[spmem:s19] =	stream.indirect.scatter.add.f32 [tilespmem:s0], [sflag:$0x3], $0x80, s21, s5, $0xb8;
	[tilespmem:$0x1B200] =	vst v63  }
0xbd: {  	s25 =	rddreg [dreg:$0x19]  }
0xbe: {  	[tilespmem:s6], [sflag:$0x2] =	stream.linear.gather [hbm4b:s25+s21], $0x50, $0x38;
	[tilespmem:$0x1B200] =	vst v63  }
0xbf: {  	s25 =	rddreg [dreg:$0x9]  }
0xc0: {  	[tilespmem:s9], [sflag:$0x2] =	stream.strided.gather [hbm4b:s25+s14], $0x2800, s15, s14, $0x38;
	[tilespmem:$0x1B200] =	vst v63  }
0xc1: {  	_ =	swait.ge [sflag:s16], $0x50  }
0xc2: {  	[sflag:s16] =	ssyncset.done $0x0  }
0xc3: {  	[sflag:s16] =	ssyncadd.s32 $0xFFFFFFB0  }
0xc4: {  	_ =	swait.ge [sflag:s16], $0x2800  }
0xc5: {  	[sflag:s16] =	ssyncset.done $0x0  }
0xc6: {  	[sflag:s16] =	ssyncadd.s32 $0xFFFFD800  }
0xc7: {  	[spmem:s19] =	stream.indirect.scatter.add.f32 [tilespmem:s9], [sflag:$0x4], $0x80, s6, s5, $0xb8;
	[tilespmem:$0x1B200] =	vst v63  }
0xc8: {  	_ =	swait.ge [sflag:s17], $0x2800  }
0xc9: {  	[sflag:s17] =	ssyncset.done $0x0  }
0xca: {  	s25 =	rddreg [dreg:$0x1a];
	[sflag:s17] =	ssyncadd.s32 $0xFFFFD800  }
0xcb: {  	[tilespmem:s21], [sflag:$0x1] =	stream.linear.gather [hbm4b:s25+s21], $0x50, $0x38;
	[tilespmem:$0x1B200] =	vst v63  }
0xcc: {  	s23 =	rddreg [dreg:$0xa]  }
0xcd: {  	[tilespmem:s0], [sflag:$0x1] =	stream.strided.gather [hbm4b:s23+s14], $0x2800, s15, s14, $0x38;
	[tilespmem:$0x1B200] =	vst v63  }
0xce: {  	_ =	swait.ge [sflag:s1], $0x50  }
0xcf: {  	[sflag:s1] =	ssyncset.done $0x0  }
0xd0: {  	[sflag:s1] =	ssyncadd.s32 $0xFFFFFFB0  }
0xd1: {  	_ =	swait.ge [sflag:s1], $0x2800  }
0xd2: {  	[sflag:s1] =	ssyncset.done $0x0  }
0xd3: {  	[sflag:s1] =	ssyncadd.s32 $0xFFFFD800  }
0xd4: {  	[spmem:s19] =	stream.indirect.scatter.add.f32 [tilespmem:s0], [sflag:$0x3], $0x80, s7, s5, $0xb8;
	[tilespmem:$0x1B200] =	vst v63  }
0xd5: {  	_ =	swait.ge [sflag:s22], $0x2800  }
0xd6: {  	s23 =	sld [smem:$0x7EF]  }
0xd7: {  	[sflag:s22] =	ssyncset.done $0x0  }
0xd8: {  	[sflag:s22] =	ssyncadd.s32 $0xFFFFD800  }
0xd9: {  	[tilespmem:s6], [sflag:$0x2] =	stream.linear.gather [hbm4b:s23+s7], $0x50, $0x38;
	[tilespmem:$0x1B200] =	vst v63  }
0xda: {  	s25 =	sadd.s32 $0x0, s10  }
0xdb: {  	[tilespmem:s9], [sflag:$0x2] =	stream.strided.gather [hbm4b:s25+s14], $0x2800, s15, s14, $0x38;
	[tilespmem:$0x1B200] =	vst v63  }
0xdc: {  	_ =	swait.ge [sflag:s16], $0x50  }
0xdd: {  	[sflag:s16] =	ssyncset.done $0x0  }
0xde: {  	[sflag:s16] =	ssyncadd.s32 $0xFFFFFFB0  }
0xdf: {  	_ =	swait.ge [sflag:s16], $0x2800  }
0xe0: {  	[sflag:s16] =	ssyncset.done $0x0  }
0xe1: {  	[sflag:s16] =	ssyncadd.s32 $0xFFFFD800  }
0xe2: {  	[spmem:s19] =	stream.indirect.scatter.add.f32 [tilespmem:s9], [sflag:$0x4], $0x80, s6, s5, $0xb8;
	[tilespmem:$0x1B200] =	vst v63  }
0xe3: {  	s31 =	sadd.s32 $0x0, s11;
	_ =	swait.ge [sflag:s17], $0x2800  }
0xe4: {  	s21 =	simm.s32 $0x2800;
	s25 =	sadd.s32 $0xA, s23;
	[sflag:s17] =	ssyncset.done $0x0  }
0xe5: {  	s29 =	sadd.s32 $0x14, s23;
	[smem:$0x7E6] =	sst s25;
	[sflag:s17] =	ssyncadd.s32 $0xFFFFD800  }
0xe6: {  	[tilespmem:s7], [sflag:$0x1] =	stream.linear.gather [hbm4b:s25+s7], $0x50, $0x38;
	[tilespmem:$0x1B200] =	vst v63  }
.LBB2_4:
0xe7: {  	[tilespmem:s0], [sflag:$0x1] =	stream.strided.gather [hbm4b:s31+s14], $0x2800, s15, s14, $0x38;
	[tilespmem:$0x1B200] =	vst v63  }
0xe8: {  	s31 =	smov.u32 s21  }
0xe9: {  	p0 =	sne.s32 s21, $0x57800;
	s21 =	sadd.s32 $0x2800, s21;
	_ =	swait.ge [sflag:s1], $0x50  }
0xea: {  	[sflag:s1] =	ssyncset.done $0x0  }
0xeb: {  	[sflag:s1] =	ssyncadd.s32 $0xFFFFFFB0  }
0xec: {  	_ =	swait.ge [sflag:s1], $0x2800  }
0xed: {  	[sflag:s1] =	ssyncset.done $0x0  }
0xee: {  	[sflag:s1] =	ssyncadd.s32 $0xFFFFD800  }
0xef: {  	[spmem:s19] =	stream.indirect.scatter.add.f32 [tilespmem:s0], [sflag:$0x3], $0x80, s7, s5, $0xb8;
	[tilespmem:$0x1B200] =	vst v63  }
0xf0: {  	_ =	swait.ge [sflag:s22], $0x2800  }
0xf1: {  	[sflag:s22] =	ssyncset.done $0x0  }
0xf2: {  	[sflag:s22] =	ssyncadd.s32 $0xFFFFD800  }
0xf3: {  	[tilespmem:s6], [sflag:$0x2] =	stream.linear.gather [hbm4b:s29+s7], $0x50, $0x38;
	[tilespmem:$0x1B200] =	vst v63  }
0xf4: {  	s23 =	sadd.s32 s31, s10  }
0xf5: {  	[tilespmem:s9], [sflag:$0x2] =	stream.strided.gather [hbm4b:s23+s14], $0x2800, s15, s14, $0x38;
	[tilespmem:$0x1B200] =	vst v63  }
0xf6: {  	_ =	swait.ge [sflag:s16], $0x50  }
0xf7: {  	[sflag:s16] =	ssyncset.done $0x0  }
0xf8: {  	[sflag:s16] =	ssyncadd.s32 $0xFFFFFFB0  }
0xf9: {  	_ =	swait.ge [sflag:s16], $0x2800  }
0xfa: {  	[sflag:s16] =	ssyncset.done $0x0  }
0xfb: {  	[sflag:s16] =	ssyncadd.s32 $0xFFFFD800  }
0xfc: {  	[spmem:s19] =	stream.indirect.scatter.add.f32 [tilespmem:s9], [sflag:$0x4], $0x80, s6, s5, $0xb8;
	[tilespmem:$0x1B200] =	vst v63  }
.Ltmp3:
0xfd: {  	_ =	swait.ge [sflag:s17], $0x2800;
	(pc) =	sbr.rel @p0 .LBB2_4-.Ltmp3, $4  }
0xfe: {  	[sflag:s17] =	ssyncset.done $0x0  }
0xff: {  	s23 =	sadd.s32 $0xA, s29;
	[sflag:s17] =	ssyncadd.s32 $0xFFFFD800  }
0x100: {  	[tilespmem:s7], [sflag:$0x1] =	stream.linear.gather [hbm4b:s23+s7], $0x50, $0x38;
	[tilespmem:$0x1B200] =	vst v63  }
0x101: {  	s31 =	sadd.s32 s31, s11;
	s29 =	sadd.s32 $0x14, s29  }
0x102: {  	[tilespmem:s0], [sflag:$0x1] =	stream.strided.gather [hbm4b:s31+s14], $0x2800, s15, s14, $0x38;
	[tilespmem:$0x1B200] =	vst v63  }
0x103: {  	_ =	swait.ge [sflag:s1], $0x50  }
0x104: {  	[sflag:s1] =	ssyncset.done $0x0  }
0x105: {  	[sflag:s1] =	ssyncadd.s32 $0xFFFFFFB0  }
0x106: {  	_ =	swait.ge [sflag:s1], $0x2800  }
0x107: {  	[sflag:s1] =	ssyncset.done $0x0  }
0x108: {  	s21 =	simm.s32 $0x0;
	[sflag:s1] =	ssyncadd.s32 $0xFFFFD800  }
0x109: {  	[spmem:s19] =	stream.indirect.scatter.add.f32 [tilespmem:s0], [sflag:$0x3], $0x80, s21, s5, $0xb8;
	[tilespmem:$0x1B200] =	vst v63  }
0x10a: {  	_ =	swait.ge [sflag:s22], $0x2800  }
0x10b: {  	[sflag:s22] =	ssyncset.done $0x0  }
0x10c: {  	[sflag:s22] =	ssyncadd.s32 $0xFFFFD800  }
0x10d: {  	_ =	swait.ge [sflag:s17], $0x2800  }
0x10e: {  	s23 =	sld [smem:$0x7E8]  }
0x10f: {  	[sflag:s17] =	ssyncset.done $0x0  }
0x110: {  	[sflag:s17] =	ssyncadd.s32 $0xFFFFD800  }
0x111: {  	[tilespmem:s21], [sflag:$0x1] =	stream.linear.gather [hbm4b:s23+s21], $0x50, $0x38;
	[tilespmem:$0x1B200] =	vst v63  }
0x112: {  	s25 =	rddreg [dreg:$0x10]  }
0x113: {  	[tilespmem:s0], [sflag:$0x1] =	stream.strided.gather [hbm4b:s25+s14], $0x2800, s15, s14, $0x38;
	[tilespmem:$0x1B200] =	vst v63  }
0x114: {  	_ =	swait.ge [sflag:s1], $0x50  }
0x115: {  	[sflag:s1] =	ssyncset.done $0x0  }
0x116: {  	[sflag:s1] =	ssyncadd.s32 $0xFFFFFFB0  }
0x117: {  	_ =	swait.ge [sflag:s1], $0x2800  }
0x118: {  	[sflag:s1] =	ssyncset.done $0x0  }
0x119: {  	s25 =	sld [smem:$0x7EA];
	[sflag:s1] =	ssyncadd.s32 $0xFFFFD800  }
0x11a: {  	[spmem:s19] =	stream.indirect.scatter.add.f32 [tilespmem:s0], [sflag:$0x3], $0x80, s21, s5, $0xb8;
	[tilespmem:$0x1B200] =	vst v63  }
0x11b: {  	_ = 	snop  }
0x11c: {  	[tilespmem:s6], [sflag:$0x2] =	stream.linear.gather [hbm4b:s25+s21], $0x50, $0x38;
	[tilespmem:$0x1B200] =	vst v63  }
0x11d: {  	s25 =	rddreg [dreg:$0x12]  }
0x11e: {  	[tilespmem:s9], [sflag:$0x2] =	stream.strided.gather [hbm4b:s25+s14], $0x2800, s15, s14, $0x38;
	[tilespmem:$0x1B200] =	vst v63  }
0x11f: {  	_ =	swait.ge [sflag:s16], $0x50  }
0x120: {  	[sflag:s16] =	ssyncset.done $0x0  }
0x121: {  	[sflag:s16] =	ssyncadd.s32 $0xFFFFFFB0  }
0x122: {  	_ =	swait.ge [sflag:s16], $0x2800  }
0x123: {  	[sflag:s16] =	ssyncset.done $0x0  }
0x124: {  	[sflag:s16] =	ssyncadd.s32 $0xFFFFD800  }
0x125: {  	[spmem:s19] =	stream.indirect.scatter.add.f32 [tilespmem:s9], [sflag:$0x4], $0x80, s6, s5, $0xb8;
	[tilespmem:$0x1B200] =	vst v63  }
0x126: {  	_ =	swait.ge [sflag:s17], $0x2800  }
0x127: {  	s25 =	sld [smem:$0x7EB]  }
0x128: {  	[sflag:s17] =	ssyncset.done $0x0;
	s29 =	sld [smem:$0x7F0]  }
0x129: {  	s31 =	rddreg [dreg:$0x16];
	[sflag:s17] =	ssyncadd.s32 $0xFFFFD800  }
0x12a: {  	[tilespmem:s21], [sflag:$0x1] =	stream.linear.gather [hbm4b:s25+s21], $0x50, $0x38;
	[tilespmem:$0x1B200] =	vst v63  }
0x12b: {  	s25 =	rddreg [dreg:$0x13]  }
0x12c: {  	[tilespmem:s0], [sflag:$0x1] =	stream.strided.gather [hbm4b:s25+s14], $0x2800, s15, s14, $0x38;
	[tilespmem:$0x1B200] =	vst v63  }
.LBB2_6:
0x12d: {  	_ =	swait.ge [sflag:s1], $0x50  }
0x12e: {  	[sflag:s1] =	ssyncset.done $0x0  }
0x12f: {  	[sflag:s1] =	ssyncadd.s32 $0xFFFFFFB0  }
0x130: {  	_ =	swait.ge [sflag:s1], $0x2800  }
0x131: {  	[sflag:s1] =	ssyncset.done $0x0  }
0x132: {  	[sflag:s1] =	ssyncadd.s32 $0xFFFFD800  }
0x133: {  	[spmem:s19] =	stream.indirect.scatter.add.f32 [tilespmem:s0], [sflag:$0x3], $0x80, s7, s5, $0xb8;
	[tilespmem:$0x1B200] =	vst v63  }
0x134: {  	_ =	swait.ge [sflag:s22], $0x2800  }
0x135: {  	[sflag:s22] =	ssyncset.done $0x0  }
0x136: {  	s23 =	sadd.s32 $0xFFFFFFF6, s29;
	[sflag:s22] =	ssyncadd.s32 $0xFFFFD800  }
0x137: {  	[tilespmem:s6], [sflag:$0x2] =	stream.linear.gather [hbm4b:s23+s7], $0x50, $0x38;
	[tilespmem:$0x1B200] =	vst v63  }
0x138: {  	s25 =	sadd.s32 s21, s24  }
0x139: {  	[tilespmem:s9], [sflag:$0x2] =	stream.strided.gather [hbm4b:s25+s14], $0x2800, s15, s14, $0x38;
	[tilespmem:$0x1B200] =	vst v63  }
0x13a: {  	_ =	swait.ge [sflag:s16], $0x50  }
0x13b: {  	[sflag:s16] =	ssyncset.done $0x0  }
0x13c: {  	[sflag:s16] =	ssyncadd.s32 $0xFFFFFFB0  }
0x13d: {  	_ =	swait.ge [sflag:s16], $0x2800  }
0x13e: {  	p0 =	seq.s32 s21, $0x39800;
	[sflag:s16] =	ssyncset.done $0x0  }
.Ltmp4:
0x13f: {  	[sflag:s16] =	ssyncadd.s32 $0xFFFFD800;
	(pc) =	sbr.rel @p0 .LBB2_8-.Ltmp4, $4  }
0x140: {  	[spmem:s19] =	stream.indirect.scatter.add.f32 [tilespmem:s9], [sflag:$0x4], $0x80, s6, s5, $0xb8;
	[tilespmem:$0x1B200] =	vst v63  }
0x141: {  	_ =	swait.ge [sflag:s17], $0x2800  }
0x142: {  	[sflag:s17] =	ssyncset.done $0x0  }
0x143: {  	[sflag:s17] =	ssyncadd.s32 $0xFFFFD800  }
.Ltmp5:
0x144: {  	(pc) =	sbr.rel .LBB2_6-.Ltmp5, $4  }
0x145: {  	_ = 	snop  }
0x146: {  	[tilespmem:s7], [sflag:$0x1] =	stream.linear.gather [hbm4b:s29+s7], $0x50, $0x38;
	[tilespmem:$0x1B200] =	vst v63  }
0x147: {  	s23 =	sadd.s32 s21, s31;
	s21 =	sadd.s32 $0x2800, s21;
	s29 =	sadd.s32 $0x14, s29  }
0x148: {  	[tilespmem:s0], [sflag:$0x1] =	stream.strided.gather [hbm4b:s23+s14], $0x2800, s15, s14, $0x38;
	[tilespmem:$0x1B200] =	vst v63  }
.LBB2_8:
0x149: {  	_ =	swait.ge [sflag:s22], $0x2800  }
0x14a: {  	[sflag:s22] =	ssyncset.done $0x0  }
0x14b: {  	[sflag:s22] =	ssyncadd.s32 $0xFFFFD800  }
0x14c: {  	[bflag:$0x0] =	sbarrier.arrive $0xFFFF  }
0x14d: {  	s21 =	stileid.u32;
	s23 =	sld [smem:$0x7FB]  }
0x14e: {  	s21 =	sshll.u32 s21, $0x6  }
0x14f: {  	s31 =	sor.u32 $0x1C05, s21;
	s21 =	rddreg [dreg:$0x4]  }
0x150: {  	[smem:$0x7E4] =	sst s31;
	s25 =	sshrl.u32 s23, $0x3  }
0x151: {  	s29 =	simm.s32 $0x8;
	[smem:$0x7E5] =	sst s25  }
0x152: {  	[hbm:s21@s0], [sflag:s31] =	dma.strided [spmem:s25@s4], $0x2800, s29, $0x10   }
0x153: {  	_ =	swait.ge [sflag:s8], $0x2800  }
0x154: {  	[sflag:s8] =	ssyncset.done $0x0  }
0x155: {  	s29 =	simm.s32 $0x5200;
	[sflag:s8] =	ssyncadd.s32 $0xFFFFD800  }
0x156: {  	[spmem:s23] =	stream.linear.scatter [tilespmem:s29], [sflag:$0x5], $0x2000, $0x38;
	[tilespmem:$0x1B200] =	vst v63  }
0x157: {  	_ =	swait.ge [sflag:s8], $0x2000  }
0x158: {  	s23 =	sld [smem:$0x7F3]  }
0x159: {  	[sflag:s8] =	ssyncset.done $0x0  }
0x15a: {  	[sflag:s8] =	ssyncadd.s32 $0xFFFFE000  }
0x15b: {  	[spmem:s23] =	stream.linear.scatter [tilespmem:s29], [sflag:$0x5], $0x2000, $0x38;
	[tilespmem:$0x1B200] =	vst v63  }
0x15c: {  	_ =	swait.ge [sflag:s8], $0x2000  }
0x15d: {  	s25 =	sld [smem:$0x7F4]  }
0x15e: {  	[sflag:s8] =	ssyncset.done $0x0  }
0x15f: {  	[sflag:s8] =	ssyncadd.s32 $0xFFFFE000  }
0x160: {  	[spmem:s25] =	stream.linear.scatter [tilespmem:s29], [sflag:$0x5], $0x2000, $0x38;
	[tilespmem:$0x1B200] =	vst v63  }
0x161: {  	_ =	swait.ge [sflag:s8], $0x2000  }
0x162: {  	s23 =	sld [smem:$0x7F5]  }
0x163: {  	[sflag:s8] =	ssyncset.done $0x0  }
0x164: {  	[sflag:s8] =	ssyncadd.s32 $0xFFFFE000  }
0x165: {  	[spmem:s23] =	stream.linear.scatter [tilespmem:s29], [sflag:$0x5], $0x2000, $0x38;
	[tilespmem:$0x1B200] =	vst v63  }
0x166: {  	_ =	swait.ge [sflag:s8], $0x2000  }
0x167: {  	s25 =	sld [smem:$0x7F6]  }
0x168: {  	[sflag:s8] =	ssyncset.done $0x0  }
0x169: {  	[sflag:s8] =	ssyncadd.s32 $0xFFFFE000  }
0x16a: {  	[spmem:s25] =	stream.linear.scatter [tilespmem:s29], [sflag:$0x5], $0x2000, $0x38;
	[tilespmem:$0x1B200] =	vst v63  }
0x16b: {  	_ =	swait.ge [sflag:s8], $0x2000  }
0x16c: {  	s23 =	sld [smem:$0x7F7]  }
0x16d: {  	[sflag:s8] =	ssyncset.done $0x0  }
0x16e: {  	[sflag:s8] =	ssyncadd.s32 $0xFFFFE000  }
0x16f: {  	[spmem:s23] =	stream.linear.scatter [tilespmem:s29], [sflag:$0x5], $0x2000, $0x38;
	[tilespmem:$0x1B200] =	vst v63  }
0x170: {  	_ =	swait.ge [sflag:s8], $0x2000  }
0x171: {  	s25 =	sld [smem:$0x7F8]  }
0x172: {  	[sflag:s8] =	ssyncset.done $0x0  }
0x173: {  	[sflag:s8] =	ssyncadd.s32 $0xFFFFE000  }
0x174: {  	[spmem:s25] =	stream.linear.scatter [tilespmem:s29], [sflag:$0x5], $0x2000, $0x38;
	[tilespmem:$0x1B200] =	vst v63  }
0x175: {  	_ =	swait.ge [sflag:s8], $0x2000  }
0x176: {  	s23 =	sld [smem:$0x7F9]  }
0x177: {  	[sflag:s8] =	ssyncset.done $0x0  }
0x178: {  	[sflag:s8] =	ssyncadd.s32 $0xFFFFE000  }
0x179: {  	[spmem:s23] =	stream.linear.scatter [tilespmem:s29], [sflag:$0x5], $0x2000, $0x38;
	[tilespmem:$0x1B200] =	vst v63  }
0x17a: {  	_ =	swait.ge [sflag:s8], $0x2000  }
0x17b: {  	s25 =	sld [smem:$0x7FA]  }
0x17c: {  	[sflag:s8] =	ssyncset.done $0x0  }
0x17d: {  	[sflag:s8] =	ssyncadd.s32 $0xFFFFE000  }
0x17e: {  	[spmem:s25] =	stream.linear.scatter [tilespmem:s29], [sflag:$0x5], $0x2000, $0x38;
	[tilespmem:$0x1B200] =	vst v63  }
0x17f: {  	_ =	swait.ge [sflag:s8], $0x2000  }
0x180: {  	s23 =	sld [smem:$0x7FC]  }
0x181: {  	[sflag:s8] =	ssyncset.done $0x0  }
0x182: {  	[sflag:s8] =	ssyncadd.s32 $0xFFFFE000  }
0x183: {  	[spmem:s23] =	stream.linear.scatter [tilespmem:s29], [sflag:$0x5], $0x2000, $0x38;
	[tilespmem:$0x1B200] =	vst v63  }
0x184: {  	_ =	swait.ge [sflag:s8], $0x2000  }
0x185: {  	[sflag:s8] =	ssyncset.done $0x0  }
0x186: {  	[sflag:s8] =	ssyncadd.s32 $0xFFFFE000  }
0x187: {  	[bflag:$0x0] =	sbarrier.arrive $0xFFFF  }
0x188: {  	s21 =	simm.s32 $0x0;
	s25 =	rddreg [dreg:$0x17]  }
0x189: {  	[tilespmem:s21], [sflag:$0x1] =	stream.linear.gather [hbm4b:s25+s21], $0x50, $0x38;
	[tilespmem:$0x1B200] =	vst v63  }
0x18a: {  	s25 =	rddreg [dreg:$0x8]  }
0x18b: {  	[tilespmem:s0], [sflag:$0x1] =	stream.strided.gather [hbm4b:s25+s14], $0x2800, s15, s14, $0x38;
	[tilespmem:$0x1B200] =	vst v63  }
0x18c: {  	_ =	swait.ge [sflag:s1], $0x50  }
0x18d: {  	[sflag:s1] =	ssyncset.done $0x0  }
0x18e: {  	[sflag:s1] =	ssyncadd.s32 $0xFFFFFFB0  }
0x18f: {  	_ =	swait.ge [sflag:s1], $0x2800  }
0x190: {  	[sflag:s1] =	ssyncset.done $0x0  }
0x191: {  	[sflag:s1] =	ssyncadd.s32 $0xFFFFD800  }
0x192: {  	[spmem:s19] =	stream.indirect.scatter.add.f32 [tilespmem:s0], [sflag:$0x3], $0x80, s21, s5, $0xb8;
	[tilespmem:$0x1B200] =	vst v63  }
0x193: {  	s25 =	rddreg [dreg:$0x19]  }
0x194: {  	[tilespmem:s6], [sflag:$0x2] =	stream.linear.gather [hbm4b:s25+s21], $0x50, $0x38;
	[tilespmem:$0x1B200] =	vst v63  }
0x195: {  	s25 =	rddreg [dreg:$0xb]  }
0x196: {  	[tilespmem:s9], [sflag:$0x2] =	stream.strided.gather [hbm4b:s25+s14], $0x2800, s15, s14, $0x38;
	[tilespmem:$0x1B200] =	vst v63  }
0x197: {  	_ =	swait.ge [sflag:s16], $0x50  }
0x198: {  	[sflag:s16] =	ssyncset.done $0x0  }
0x199: {  	[sflag:s16] =	ssyncadd.s32 $0xFFFFFFB0  }
0x19a: {  	_ =	swait.ge [sflag:s16], $0x2800  }
0x19b: {  	[sflag:s16] =	ssyncset.done $0x0  }
0x19c: {  	[sflag:s16] =	ssyncadd.s32 $0xFFFFD800  }
0x19d: {  	[spmem:s19] =	stream.indirect.scatter.add.f32 [tilespmem:s9], [sflag:$0x4], $0x80, s6, s5, $0xb8;
	[tilespmem:$0x1B200] =	vst v63  }
0x19e: {  	_ =	swait.ge [sflag:s17], $0x2800  }
0x19f: {  	[sflag:s17] =	ssyncset.done $0x0  }
0x1a0: {  	s25 =	rddreg [dreg:$0x1a];
	[sflag:s17] =	ssyncadd.s32 $0xFFFFD800  }
0x1a1: {  	[tilespmem:s21], [sflag:$0x1] =	stream.linear.gather [hbm4b:s25+s21], $0x50, $0x38;
	[tilespmem:$0x1B200] =	vst v63  }
0x1a2: {  	s23 =	rddreg [dreg:$0xc]  }
0x1a3: {  	[tilespmem:s0], [sflag:$0x1] =	stream.strided.gather [hbm4b:s23+s14], $0x2800, s15, s14, $0x38;
	[tilespmem:$0x1B200] =	vst v63  }
0x1a4: {  	_ =	swait.ge [sflag:s1], $0x50  }
0x1a5: {  	[sflag:s1] =	ssyncset.done $0x0  }
0x1a6: {  	[sflag:s1] =	ssyncadd.s32 $0xFFFFFFB0  }
0x1a7: {  	_ =	swait.ge [sflag:s1], $0x2800  }
0x1a8: {  	[sflag:s1] =	ssyncset.done $0x0  }
0x1a9: {  	[sflag:s1] =	ssyncadd.s32 $0xFFFFD800  }
0x1aa: {  	[spmem:s19] =	stream.indirect.scatter.add.f32 [tilespmem:s0], [sflag:$0x3], $0x80, s7, s5, $0xb8;
	[tilespmem:$0x1B200] =	vst v63  }
0x1ab: {  	_ =	swait.ge [sflag:s22], $0x2800  }
0x1ac: {  	s23 =	sld [smem:$0x7EF]  }
0x1ad: {  	[sflag:s22] =	ssyncset.done $0x0  }
0x1ae: {  	[sflag:s22] =	ssyncadd.s32 $0xFFFFD800  }
0x1af: {  	[tilespmem:s6], [sflag:$0x2] =	stream.linear.gather [hbm4b:s23+s7], $0x50, $0x38;
	[tilespmem:$0x1B200] =	vst v63  }
0x1b0: {  	s25 =	sadd.s32 $0x0, s12  }
0x1b1: {  	[tilespmem:s9], [sflag:$0x2] =	stream.strided.gather [hbm4b:s25+s14], $0x2800, s15, s14, $0x38;
	[tilespmem:$0x1B200] =	vst v63  }
0x1b2: {  	_ =	swait.ge [sflag:s16], $0x50  }
0x1b3: {  	[sflag:s16] =	ssyncset.done $0x0  }
0x1b4: {  	[sflag:s16] =	ssyncadd.s32 $0xFFFFFFB0  }
0x1b5: {  	_ =	swait.ge [sflag:s16], $0x2800  }
0x1b6: {  	[sflag:s16] =	ssyncset.done $0x0  }
0x1b7: {  	[sflag:s16] =	ssyncadd.s32 $0xFFFFD800  }
0x1b8: {  	[spmem:s19] =	stream.indirect.scatter.add.f32 [tilespmem:s9], [sflag:$0x4], $0x80, s6, s5, $0xb8;
	[tilespmem:$0x1B200] =	vst v63  }
0x1b9: {  	_ =	swait.ge [sflag:s17], $0x2800  }
0x1ba: {  	s25 =	sld [smem:$0x7E6]  }
0x1bb: {  	s31 =	sadd.s32 $0x0, s13;
	[sflag:s17] =	ssyncset.done $0x0  }
0x1bc: {  	s21 =	simm.s32 $0x2800;
	s29 =	sadd.s32 $0x14, s23;
	[sflag:s17] =	ssyncadd.s32 $0xFFFFD800  }
0x1bd: {  	[tilespmem:s7], [sflag:$0x1] =	stream.linear.gather [hbm4b:s25+s7], $0x50, $0x38;
	[tilespmem:$0x1B200] =	vst v63  }
.LBB2_9:
0x1be: {  	[tilespmem:s0], [sflag:$0x1] =	stream.strided.gather [hbm4b:s31+s14], $0x2800, s15, s14, $0x38;
	[tilespmem:$0x1B200] =	vst v63  }
0x1bf: {  	s23 =	smov.u32 s21  }
0x1c0: {  	p0 =	sne.s32 s21, $0x57800;
	s21 =	sadd.s32 $0x2800, s21;
	_ =	swait.ge [sflag:s1], $0x50  }
0x1c1: {  	[sflag:s1] =	ssyncset.done $0x0  }
0x1c2: {  	[sflag:s1] =	ssyncadd.s32 $0xFFFFFFB0  }
0x1c3: {  	_ =	swait.ge [sflag:s1], $0x2800  }
0x1c4: {  	[sflag:s1] =	ssyncset.done $0x0  }
0x1c5: {  	[sflag:s1] =	ssyncadd.s32 $0xFFFFD800  }
0x1c6: {  	[spmem:s19] =	stream.indirect.scatter.add.f32 [tilespmem:s0], [sflag:$0x3], $0x80, s7, s5, $0xb8;
	[tilespmem:$0x1B200] =	vst v63  }
0x1c7: {  	_ =	swait.ge [sflag:s22], $0x2800  }
0x1c8: {  	[sflag:s22] =	ssyncset.done $0x0  }
0x1c9: {  	[sflag:s22] =	ssyncadd.s32 $0xFFFFD800  }
0x1ca: {  	[tilespmem:s6], [sflag:$0x2] =	stream.linear.gather [hbm4b:s29+s7], $0x50, $0x38;
	[tilespmem:$0x1B200] =	vst v63  }
0x1cb: {  	s31 =	sadd.s32 s23, s12  }
0x1cc: {  	[tilespmem:s9], [sflag:$0x2] =	stream.strided.gather [hbm4b:s31+s14], $0x2800, s15, s14, $0x38;
	[tilespmem:$0x1B200] =	vst v63  }
0x1cd: {  	_ =	swait.ge [sflag:s16], $0x50  }
0x1ce: {  	[sflag:s16] =	ssyncset.done $0x0  }
0x1cf: {  	[sflag:s16] =	ssyncadd.s32 $0xFFFFFFB0  }
0x1d0: {  	_ =	swait.ge [sflag:s16], $0x2800  }
0x1d1: {  	[sflag:s16] =	ssyncset.done $0x0  }
0x1d2: {  	[sflag:s16] =	ssyncadd.s32 $0xFFFFD800  }
0x1d3: {  	[spmem:s19] =	stream.indirect.scatter.add.f32 [tilespmem:s9], [sflag:$0x4], $0x80, s6, s5, $0xb8;
	[tilespmem:$0x1B200] =	vst v63  }
.Ltmp6:
0x1d4: {  	_ =	swait.ge [sflag:s17], $0x2800;
	(pc) =	sbr.rel @p0 .LBB2_9-.Ltmp6, $4  }
0x1d5: {  	[sflag:s17] =	ssyncset.done $0x0  }
0x1d6: {  	s31 =	sadd.s32 $0xA, s29;
	[sflag:s17] =	ssyncadd.s32 $0xFFFFD800  }
0x1d7: {  	[tilespmem:s7], [sflag:$0x1] =	stream.linear.gather [hbm4b:s31+s7], $0x50, $0x38;
	[tilespmem:$0x1B200] =	vst v63  }
0x1d8: {  	s29 =	sadd.s32 $0x14, s29;
	s31 =	sadd.s32 s23, s13  }
0x1d9: {  	[tilespmem:s0], [sflag:$0x1] =	stream.strided.gather [hbm4b:s31+s14], $0x2800, s15, s14, $0x38;
	[tilespmem:$0x1B200] =	vst v63  }
0x1da: {  	_ =	swait.ge [sflag:s1], $0x50  }
0x1db: {  	[sflag:s1] =	ssyncset.done $0x0  }
0x1dc: {  	[sflag:s1] =	ssyncadd.s32 $0xFFFFFFB0  }
0x1dd: {  	_ =	swait.ge [sflag:s1], $0x2800  }
0x1de: {  	[sflag:s1] =	ssyncset.done $0x0  }
0x1df: {  	s21 =	simm.s32 $0x0;
	[sflag:s1] =	ssyncadd.s32 $0xFFFFD800  }
0x1e0: {  	[spmem:s19] =	stream.indirect.scatter.add.f32 [tilespmem:s0], [sflag:$0x3], $0x80, s21, s5, $0xb8;
	[tilespmem:$0x1B200] =	vst v63  }
0x1e1: {  	_ =	swait.ge [sflag:s22], $0x2800  }
0x1e2: {  	[sflag:s22] =	ssyncset.done $0x0  }
0x1e3: {  	[sflag:s22] =	ssyncadd.s32 $0xFFFFD800  }
0x1e4: {  	_ =	swait.ge [sflag:s17], $0x2800  }
0x1e5: {  	s23 =	sld [smem:$0x7E8]  }
0x1e6: {  	[sflag:s17] =	ssyncset.done $0x0  }
0x1e7: {  	[sflag:s17] =	ssyncadd.s32 $0xFFFFD800  }
0x1e8: {  	[tilespmem:s21], [sflag:$0x1] =	stream.linear.gather [hbm4b:s23+s21], $0x50, $0x38;
	[tilespmem:$0x1B200] =	vst v63  }
0x1e9: {  	s31 =	rddreg [dreg:$0x11]  }
0x1ea: {  	[tilespmem:s0], [sflag:$0x1] =	stream.strided.gather [hbm4b:s31+s14], $0x2800, s15, s14, $0x38;
	[tilespmem:$0x1B200] =	vst v63  }
0x1eb: {  	_ =	swait.ge [sflag:s1], $0x50  }
0x1ec: {  	[sflag:s1] =	ssyncset.done $0x0  }
0x1ed: {  	[sflag:s1] =	ssyncadd.s32 $0xFFFFFFB0  }
0x1ee: {  	_ =	swait.ge [sflag:s1], $0x2800  }
0x1ef: {  	[sflag:s1] =	ssyncset.done $0x0  }
0x1f0: {  	s25 =	sld [smem:$0x7EA];
	[sflag:s1] =	ssyncadd.s32 $0xFFFFD800  }
0x1f1: {  	[spmem:s19] =	stream.indirect.scatter.add.f32 [tilespmem:s0], [sflag:$0x3], $0x80, s21, s5, $0xb8;
	[tilespmem:$0x1B200] =	vst v63  }
0x1f2: {  	_ = 	snop  }
0x1f3: {  	[tilespmem:s6], [sflag:$0x2] =	stream.linear.gather [hbm4b:s25+s21], $0x50, $0x38;
	[tilespmem:$0x1B200] =	vst v63  }
0x1f4: {  	s31 =	rddreg [dreg:$0x14]  }
0x1f5: {  	[tilespmem:s9], [sflag:$0x2] =	stream.strided.gather [hbm4b:s31+s14], $0x2800, s15, s14, $0x38;
	[tilespmem:$0x1B200] =	vst v63  }
0x1f6: {  	_ =	swait.ge [sflag:s16], $0x50  }
0x1f7: {  	[sflag:s16] =	ssyncset.done $0x0  }
0x1f8: {  	[sflag:s16] =	ssyncadd.s32 $0xFFFFFFB0  }
0x1f9: {  	_ =	swait.ge [sflag:s16], $0x2800  }
0x1fa: {  	[sflag:s16] =	ssyncset.done $0x0  }
0x1fb: {  	[sflag:s16] =	ssyncadd.s32 $0xFFFFD800  }
0x1fc: {  	[spmem:s19] =	stream.indirect.scatter.add.f32 [tilespmem:s9], [sflag:$0x4], $0x80, s6, s5, $0xb8;
	[tilespmem:$0x1B200] =	vst v63  }
0x1fd: {  	_ =	swait.ge [sflag:s17], $0x2800  }
0x1fe: {  	s25 =	sld [smem:$0x7EB]  }
0x1ff: {  	[sflag:s17] =	ssyncset.done $0x0;
	s31 =	rddreg [dreg:$0x15]  }
0x200: {  	s29 =	sld [smem:$0x7F0];
	[sflag:s17] =	ssyncadd.s32 $0xFFFFD800  }
0x201: {  	[tilespmem:s21], [sflag:$0x1] =	stream.linear.gather [hbm4b:s25+s21], $0x50, $0x38;
	[tilespmem:$0x1B200] =	vst v63  }
0x202: {  	s25 =	sld [smem:$0x7FD]  }
0x203: {  	[tilespmem:s0], [sflag:$0x1] =	stream.strided.gather [hbm4b:s31+s14], $0x2800, s15, s14, $0x38;
	[tilespmem:$0x1B200] =	vst v63  }
.LBB2_11:
0x204: {  	_ =	swait.ge [sflag:s1], $0x50  }
0x205: {  	[sflag:s1] =	ssyncset.done $0x0  }
0x206: {  	[sflag:s1] =	ssyncadd.s32 $0xFFFFFFB0  }
0x207: {  	_ =	swait.ge [sflag:s1], $0x2800  }
0x208: {  	[sflag:s1] =	ssyncset.done $0x0  }
0x209: {  	[sflag:s1] =	ssyncadd.s32 $0xFFFFD800  }
0x20a: {  	[spmem:s19] =	stream.indirect.scatter.add.f32 [tilespmem:s0], [sflag:$0x3], $0x80, s7, s5, $0xb8;
	[tilespmem:$0x1B200] =	vst v63  }
0x20b: {  	_ =	swait.ge [sflag:s22], $0x2800  }
0x20c: {  	[sflag:s22] =	ssyncset.done $0x0  }
0x20d: {  	s23 =	sadd.s32 $0xFFFFFFF6, s29;
	[sflag:s22] =	ssyncadd.s32 $0xFFFFD800  }
0x20e: {  	[tilespmem:s6], [sflag:$0x2] =	stream.linear.gather [hbm4b:s23+s7], $0x50, $0x38;
	[tilespmem:$0x1B200] =	vst v63  }
0x20f: {  	s31 =	sadd.s32 s21, s26  }
0x210: {  	[tilespmem:s9], [sflag:$0x2] =	stream.strided.gather [hbm4b:s31+s14], $0x2800, s15, s14, $0x38;
	[tilespmem:$0x1B200] =	vst v63  }
0x211: {  	_ =	swait.ge [sflag:s16], $0x50  }
0x212: {  	[sflag:s16] =	ssyncset.done $0x0  }
0x213: {  	[sflag:s16] =	ssyncadd.s32 $0xFFFFFFB0  }
0x214: {  	_ =	swait.ge [sflag:s16], $0x2800  }
0x215: {  	p0 =	seq.s32 s21, $0x39800;
	[sflag:s16] =	ssyncset.done $0x0  }
.Ltmp7:
0x216: {  	[sflag:s16] =	ssyncadd.s32 $0xFFFFD800;
	(pc) =	sbr.rel @p0 .LBB2_13-.Ltmp7, $4  }
0x217: {  	[spmem:s19] =	stream.indirect.scatter.add.f32 [tilespmem:s9], [sflag:$0x4], $0x80, s6, s5, $0xb8;
	[tilespmem:$0x1B200] =	vst v63  }
0x218: {  	_ =	swait.ge [sflag:s17], $0x2800  }
0x219: {  	[sflag:s17] =	ssyncset.done $0x0  }
0x21a: {  	[sflag:s17] =	ssyncadd.s32 $0xFFFFD800  }
.Ltmp8:
0x21b: {  	(pc) =	sbr.rel .LBB2_11-.Ltmp8, $4  }
0x21c: {  	_ = 	snop  }
0x21d: {  	[tilespmem:s7], [sflag:$0x1] =	stream.linear.gather [hbm4b:s29+s7], $0x50, $0x38;
	[tilespmem:$0x1B200] =	vst v63  }
0x21e: {  	s23 =	sadd.s32 s21, s25;
	s21 =	sadd.s32 $0x2800, s21;
	s29 =	sadd.s32 $0x14, s29  }
0x21f: {  	[tilespmem:s0], [sflag:$0x1] =	stream.strided.gather [hbm4b:s23+s14], $0x2800, s15, s14, $0x38;
	[tilespmem:$0x1B200] =	vst v63  }
.LBB2_13:
0x220: {  	_ =	swait.ge [sflag:s22], $0x2800  }
0x221: {  	[sflag:s22] =	ssyncset.done $0x0  }
0x222: {  	[sflag:s22] =	ssyncadd.s32 $0xFFFFD800  }
0x223: {  	[bflag:$0x0] =	sbarrier.arrive $0xFFFF  }
0x224: {  	s29 =	sld [smem:$0x7E4]  }
0x225: {  	s31 =	sld [smem:$0x7E5];
	_ =	sdelay $0x1  }
0x226: {  	s23 =	simm.s32 $0x8;
	s21 =	rddreg [dreg:$0x5]  }
0x227: {  	[hbm:s21@s0], [sflag:s29] =	dma.strided [spmem:s31@s4], $0x2800, s23, $0x10   }
0x228: {  	_ =	swait.ge [sflag:s8], $0x2800  }
0x229: {  	s25 =	sld [smem:$0x7FB]  }
0x22a: {  	[sflag:s8] =	ssyncset.done $0x0  }
0x22b: {  	s23 =	simm.s32 $0x5200;
	[sflag:s8] =	ssyncadd.s32 $0xFFFFD800  }
0x22c: {  	[spmem:s25] =	stream.linear.scatter [tilespmem:s23], [sflag:$0x5], $0x2000, $0x38;
	[tilespmem:$0x1B200] =	vst v63  }
0x22d: {  	_ =	swait.ge [sflag:s8], $0x2000  }
0x22e: {  	s25 =	sld [smem:$0x7F3]  }
0x22f: {  	[sflag:s8] =	ssyncset.done $0x0  }
0x230: {  	[sflag:s8] =	ssyncadd.s32 $0xFFFFE000  }
0x231: {  	[spmem:s25] =	stream.linear.scatter [tilespmem:s23], [sflag:$0x5], $0x2000, $0x38;
	[tilespmem:$0x1B200] =	vst v63  }
0x232: {  	_ =	swait.ge [sflag:s8], $0x2000  }
0x233: {  	s25 =	sld [smem:$0x7F4]  }
0x234: {  	[sflag:s8] =	ssyncset.done $0x0  }
0x235: {  	[sflag:s8] =	ssyncadd.s32 $0xFFFFE000  }
0x236: {  	[spmem:s25] =	stream.linear.scatter [tilespmem:s23], [sflag:$0x5], $0x2000, $0x38;
	[tilespmem:$0x1B200] =	vst v63  }
0x237: {  	_ =	swait.ge [sflag:s8], $0x2000  }
0x238: {  	s25 =	sld [smem:$0x7F5]  }
0x239: {  	[sflag:s8] =	ssyncset.done $0x0  }
0x23a: {  	[sflag:s8] =	ssyncadd.s32 $0xFFFFE000  }
0x23b: {  	[spmem:s25] =	stream.linear.scatter [tilespmem:s23], [sflag:$0x5], $0x2000, $0x38;
	[tilespmem:$0x1B200] =	vst v63  }
0x23c: {  	_ =	swait.ge [sflag:s8], $0x2000  }
0x23d: {  	s25 =	sld [smem:$0x7F6]  }
0x23e: {  	[sflag:s8] =	ssyncset.done $0x0  }
0x23f: {  	[sflag:s8] =	ssyncadd.s32 $0xFFFFE000  }
0x240: {  	[spmem:s25] =	stream.linear.scatter [tilespmem:s23], [sflag:$0x5], $0x2000, $0x38;
	[tilespmem:$0x1B200] =	vst v63  }
0x241: {  	_ =	swait.ge [sflag:s8], $0x2000  }
0x242: {  	s25 =	sld [smem:$0x7F7]  }
0x243: {  	[sflag:s8] =	ssyncset.done $0x0  }
0x244: {  	[sflag:s8] =	ssyncadd.s32 $0xFFFFE000  }
0x245: {  	[spmem:s25] =	stream.linear.scatter [tilespmem:s23], [sflag:$0x5], $0x2000, $0x38;
	[tilespmem:$0x1B200] =	vst v63  }
0x246: {  	_ =	swait.ge [sflag:s8], $0x2000  }
0x247: {  	s25 =	sld [smem:$0x7F8]  }
0x248: {  	[sflag:s8] =	ssyncset.done $0x0  }
0x249: {  	[sflag:s8] =	ssyncadd.s32 $0xFFFFE000  }
0x24a: {  	[spmem:s25] =	stream.linear.scatter [tilespmem:s23], [sflag:$0x5], $0x2000, $0x38;
	[tilespmem:$0x1B200] =	vst v63  }
0x24b: {  	_ =	swait.ge [sflag:s8], $0x2000  }
0x24c: {  	s25 =	sld [smem:$0x7F9]  }
0x24d: {  	[sflag:s8] =	ssyncset.done $0x0  }
0x24e: {  	[sflag:s8] =	ssyncadd.s32 $0xFFFFE000  }
0x24f: {  	[spmem:s25] =	stream.linear.scatter [tilespmem:s23], [sflag:$0x5], $0x2000, $0x38;
	[tilespmem:$0x1B200] =	vst v63  }
0x250: {  	_ =	swait.ge [sflag:s8], $0x2000  }
0x251: {  	s25 =	sld [smem:$0x7FA]  }
0x252: {  	[sflag:s8] =	ssyncset.done $0x0  }
0x253: {  	[sflag:s8] =	ssyncadd.s32 $0xFFFFE000  }
0x254: {  	[spmem:s25] =	stream.linear.scatter [tilespmem:s23], [sflag:$0x5], $0x2000, $0x38;
	[tilespmem:$0x1B200] =	vst v63  }
0x255: {  	_ =	swait.ge [sflag:s8], $0x2000  }
0x256: {  	s25 =	sld [smem:$0x7FC]  }
0x257: {  	[sflag:s8] =	ssyncset.done $0x0  }
0x258: {  	[sflag:s8] =	ssyncadd.s32 $0xFFFFE000  }
0x259: {  	[spmem:s25] =	stream.linear.scatter [tilespmem:s23], [sflag:$0x5], $0x2000, $0x38;
	[tilespmem:$0x1B200] =	vst v63  }
0x25a: {  	_ =	swait.ge [sflag:s8], $0x2000  }
0x25b: {  	[sflag:s8] =	ssyncset.done $0x0  }
0x25c: {  	[sflag:s8] =	ssyncadd.s32 $0xFFFFE000  }
0x25d: {  	[bflag:$0x0] =	sbarrier.arrive $0xFFFF  }
0x25e: {  	s21 =	simm.s32 $0x0;
	s25 =	rddreg [dreg:$0x18]  }
0x25f: {  	[tilespmem:s4], [sflag:$0x1] =	stream.linear.gather [hbm4b:s25+s21], $0x28, $0x38;
	[tilespmem:$0x1B200] =	vst v63  }
0x260: {  	s25 =	rddreg [dreg:$0xd]  }
0x261: {  	[tilespmem:s0], [sflag:$0x1] =	stream.linear.gather [hbm4b:s25+s21], $0x1400, $0x38;
	[tilespmem:$0x1B200] =	vst v63  }
0x262: {  	_ =	swait.ge [sflag:s1], $0x28  }
0x263: {  	[sflag:s1] =	ssyncset.done $0x0  }
0x264: {  	[sflag:s1] =	ssyncadd.s32 $0xFFFFFFD8  }
0x265: {  	_ =	swait.ge [sflag:s1], $0x1400  }
0x266: {  	[sflag:s1] =	ssyncset.done $0x0  }
0x267: {  	[sflag:s1] =	ssyncadd.s32 $0xFFFFEC00  }
0x268: {  	[spmem:s19] =	stream.indirect.scatter.add.f32 [tilespmem:s0], [sflag:$0x3], $0x80, s4, s28, $0xb8;
	[tilespmem:$0x1B200] =	vst v63  }
0x269: {  	s25 =	rddreg [dreg:$0x1b]  }
0x26a: {  	[tilespmem:s30], [sflag:$0x2] =	stream.linear.gather [hbm4b:s25+s21], $0x28, $0x38;
	[tilespmem:$0x1B200] =	vst v63  }
0x26b: {  	s25 =	rddreg [dreg:$0xe]  }
0x26c: {  	[tilespmem:s9], [sflag:$0x2] =	stream.linear.gather [hbm4b:s25+s21], $0x1400, $0x38;
	[tilespmem:$0x1B200] =	vst v63  }
0x26d: {  	_ =	swait.ge [sflag:s16], $0x28  }
0x26e: {  	[sflag:s16] =	ssyncset.done $0x0  }
0x26f: {  	[sflag:s16] =	ssyncadd.s32 $0xFFFFFFD8  }
0x270: {  	_ =	swait.ge [sflag:s16], $0x1400  }
0x271: {  	[sflag:s16] =	ssyncset.done $0x0  }
0x272: {  	[sflag:s16] =	ssyncadd.s32 $0xFFFFEC00  }
0x273: {  	[spmem:s19] =	stream.indirect.scatter.add.f32 [tilespmem:s9], [sflag:$0x4], $0x80, s30, s28, $0xb8;
	[tilespmem:$0x1B200] =	vst v63  }
0x274: {  	_ =	swait.ge [sflag:s17], $0x1400  }
0x275: {  	[sflag:s17] =	ssyncset.done $0x0  }
0x276: {  	s25 =	rddreg [dreg:$0x1c];
	[sflag:s17] =	ssyncadd.s32 $0xFFFFEC00  }
0x277: {  	[tilespmem:s4], [sflag:$0x1] =	stream.linear.gather [hbm4b:s25+s21], $0x28, $0x38;
	[tilespmem:$0x1B200] =	vst v63  }
0x278: {  	s25 =	rddreg [dreg:$0xf]  }
0x279: {  	[tilespmem:s0], [sflag:$0x1] =	stream.linear.gather [hbm4b:s25+s21], $0x1400, $0x38;
	[tilespmem:$0x1B200] =	vst v63  }
0x27a: {  	_ =	swait.ge [sflag:s1], $0x28  }
0x27b: {  	[sflag:s1] =	ssyncset.done $0x0  }
0x27c: {  	[sflag:s1] =	ssyncadd.s32 $0xFFFFFFD8  }
0x27d: {  	_ =	swait.ge [sflag:s1], $0x1400  }
0x27e: {  	[sflag:s1] =	ssyncset.done $0x0  }
0x27f: {  	[sflag:s1] =	ssyncadd.s32 $0xFFFFEC00  }
0x280: {  	[spmem:s19] =	stream.indirect.scatter.add.f32 [tilespmem:s0], [sflag:$0x3], $0x80, s4, s28, $0xb8;
	[tilespmem:$0x1B200] =	vst v63  }
0x281: {  	_ =	swait.ge [sflag:s22], $0x1400  }
0x282: {  	[sflag:s22] =	ssyncset.done $0x0  }
0x283: {  	s23 =	sadd.s32 $0x0, s2;
	[sflag:s22] =	ssyncadd.s32 $0xFFFFEC00  }
0x284: {  	[tilespmem:s30], [sflag:$0x2] =	stream.linear.gather [hbm4b:s23+s7], $0x28, $0x38;
	[tilespmem:$0x1B200] =	vst v63  }
0x285: {  	s23 =	sld [smem:$0x7F1];
	_ =	sdelay $0x2  }
0x286: {  	[tilespmem:s9], [sflag:$0x2] =	stream.linear.gather [hbm4b:s23+s7], $0x1400, $0x38;
	[tilespmem:$0x1B200] =	vst v63  }
0x287: {  	_ =	swait.ge [sflag:s16], $0x28  }
0x288: {  	[sflag:s16] =	ssyncset.done $0x0  }
0x289: {  	[sflag:s16] =	ssyncadd.s32 $0xFFFFFFD8  }
0x28a: {  	_ =	swait.ge [sflag:s16], $0x1400  }
0x28b: {  	[sflag:s16] =	ssyncset.done $0x0  }
0x28c: {  	[sflag:s16] =	ssyncadd.s32 $0xFFFFEC00  }
0x28d: {  	[spmem:s19] =	stream.indirect.scatter.add.f32 [tilespmem:s9], [sflag:$0x4], $0x80, s30, s28, $0xb8;
	[tilespmem:$0x1B200] =	vst v63  }
0x28e: {  	_ =	swait.ge [sflag:s17], $0x1400  }
0x28f: {  	s25 =	sadd.s32 $0x0, s3;
	s21 =	simm.s32 $0xA;
	[sflag:s17] =	ssyncset.done $0x0  }
0x290: {  	s31 =	sadd.s32 $0x280, s23;
	s29 =	sadd.s32 $0x500, s23;
	[sflag:s17] =	ssyncadd.s32 $0xFFFFEC00  }
0x291: {  	[tilespmem:s4], [sflag:$0x1] =	stream.linear.gather [hbm4b:s25+s7], $0x28, $0x38;
	[tilespmem:$0x1B200] =	vst v63  }
.LBB2_14:
0x292: {  	[tilespmem:s0], [sflag:$0x1] =	stream.linear.gather [hbm4b:s31+s7], $0x1400, $0x38;
	[tilespmem:$0x1B200] =	vst v63  }
0x293: {  	s23 =	smov.u32 s21  }
0x294: {  	p0 =	sne.s32 s21, $0x15E;
	s21 =	sadd.s32 $0xA, s21;
	_ =	swait.ge [sflag:s1], $0x28  }
0x295: {  	[sflag:s1] =	ssyncset.done $0x0  }
0x296: {  	[sflag:s1] =	ssyncadd.s32 $0xFFFFFFD8  }
0x297: {  	_ =	swait.ge [sflag:s1], $0x1400  }
0x298: {  	[sflag:s1] =	ssyncset.done $0x0  }
0x299: {  	[sflag:s1] =	ssyncadd.s32 $0xFFFFEC00  }
0x29a: {  	[spmem:s19] =	stream.indirect.scatter.add.f32 [tilespmem:s0], [sflag:$0x3], $0x80, s4, s28, $0xb8;
	[tilespmem:$0x1B200] =	vst v63  }
0x29b: {  	_ =	swait.ge [sflag:s22], $0x1400  }
0x29c: {  	[sflag:s22] =	ssyncset.done $0x0  }
0x29d: {  	s31 =	sadd.s32 s23, s2;
	[sflag:s22] =	ssyncadd.s32 $0xFFFFEC00  }
0x29e: {  	[tilespmem:s30], [sflag:$0x2] =	stream.linear.gather [hbm4b:s31+s7], $0x28, $0x38;
	[tilespmem:$0x1B200] =	vst v63  }
0x29f: {  	_ = 	snop  }
0x2a0: {  	[tilespmem:s9], [sflag:$0x2] =	stream.linear.gather [hbm4b:s29+s7], $0x1400, $0x38;
	[tilespmem:$0x1B200] =	vst v63  }
0x2a1: {  	_ =	swait.ge [sflag:s16], $0x28  }
0x2a2: {  	[sflag:s16] =	ssyncset.done $0x0  }
0x2a3: {  	[sflag:s16] =	ssyncadd.s32 $0xFFFFFFD8  }
0x2a4: {  	_ =	swait.ge [sflag:s16], $0x1400  }
0x2a5: {  	[sflag:s16] =	ssyncset.done $0x0  }
0x2a6: {  	[sflag:s16] =	ssyncadd.s32 $0xFFFFEC00  }
0x2a7: {  	[spmem:s19] =	stream.indirect.scatter.add.f32 [tilespmem:s9], [sflag:$0x4], $0x80, s30, s28, $0xb8;
	[tilespmem:$0x1B200] =	vst v63  }
.Ltmp9:
0x2a8: {  	_ =	swait.ge [sflag:s17], $0x1400;
	(pc) =	sbr.rel @p0 .LBB2_14-.Ltmp9, $4  }
0x2a9: {  	[sflag:s17] =	ssyncset.done $0x0  }
0x2aa: {  	s23 =	sadd.s32 s23, s3;
	[sflag:s17] =	ssyncadd.s32 $0xFFFFEC00  }
0x2ab: {  	[tilespmem:s4], [sflag:$0x1] =	stream.linear.gather [hbm4b:s23+s7], $0x28, $0x38;
	[tilespmem:$0x1B200] =	vst v63  }
0x2ac: {  	s31 =	sadd.s32 $0x280, s29;
	s29 =	sadd.s32 $0x500, s29  }
0x2ad: {  	[tilespmem:s0], [sflag:$0x1] =	stream.linear.gather [hbm4b:s31+s7], $0x1400, $0x38;
	[tilespmem:$0x1B200] =	vst v63  }
0x2ae: {  	_ =	swait.ge [sflag:s1], $0x28  }
0x2af: {  	[sflag:s1] =	ssyncset.done $0x0  }
0x2b0: {  	[sflag:s1] =	ssyncadd.s32 $0xFFFFFFD8  }
0x2b1: {  	_ =	swait.ge [sflag:s1], $0x1400  }
0x2b2: {  	[sflag:s1] =	ssyncset.done $0x0  }
0x2b3: {  	[sflag:s1] =	ssyncadd.s32 $0xFFFFEC00  }
0x2b4: {  	[spmem:s19] =	stream.indirect.scatter.add.f32 [tilespmem:s0], [sflag:$0x3], $0x80, s4, s28, $0xb8;
	[tilespmem:$0x1B200] =	vst v63  }
0x2b5: {  	_ =	swait.ge [sflag:s22], $0x1400  }
0x2b6: {  	[sflag:s22] =	ssyncset.done $0x0  }
0x2b7: {  	[sflag:s22] =	ssyncadd.s32 $0xFFFFEC00  }
0x2b8: {  	_ =	swait.ge [sflag:s17], $0x1400  }
0x2b9: {  	s23 =	sld [smem:$0x7E9]  }
0x2ba: {  	[sflag:s17] =	ssyncset.done $0x0  }
0x2bb: {  	s21 =	simm.s32 $0x0;
	[sflag:s17] =	ssyncadd.s32 $0xFFFFEC00  }
0x2bc: {  	[tilespmem:s4], [sflag:$0x1] =	stream.linear.gather [hbm4b:s23+s21], $0x28, $0x38;
	[tilespmem:$0x1B200] =	vst v63  }
0x2bd: {  	s31 =	rddreg [dreg:$0x1d]  }
0x2be: {  	[tilespmem:s0], [sflag:$0x1] =	stream.linear.gather [hbm4b:s31+s21], $0x1400, $0x38;
	[tilespmem:$0x1B200] =	vst v63  }
0x2bf: {  	_ =	swait.ge [sflag:s1], $0x28  }
0x2c0: {  	[sflag:s1] =	ssyncset.done $0x0  }
0x2c1: {  	[sflag:s1] =	ssyncadd.s32 $0xFFFFFFD8  }
0x2c2: {  	_ =	swait.ge [sflag:s1], $0x1400  }
0x2c3: {  	[sflag:s1] =	ssyncset.done $0x0  }
0x2c4: {  	s25 =	sld [smem:$0x7EC];
	[sflag:s1] =	ssyncadd.s32 $0xFFFFEC00  }
0x2c5: {  	[spmem:s19] =	stream.indirect.scatter.add.f32 [tilespmem:s0], [sflag:$0x3], $0x80, s4, s28, $0xb8;
	[tilespmem:$0x1B200] =	vst v63  }
0x2c6: {  	_ = 	snop  }
0x2c7: {  	[tilespmem:s30], [sflag:$0x2] =	stream.linear.gather [hbm4b:s25+s21], $0x28, $0x38;
	[tilespmem:$0x1B200] =	vst v63  }
0x2c8: {  	s31 =	rddreg [dreg:$0x1e]  }
0x2c9: {  	[tilespmem:s9], [sflag:$0x2] =	stream.linear.gather [hbm4b:s31+s21], $0x1400, $0x38;
	[tilespmem:$0x1B200] =	vst v63  }
0x2ca: {  	_ =	swait.ge [sflag:s16], $0x28  }
0x2cb: {  	[sflag:s16] =	ssyncset.done $0x0  }
0x2cc: {  	[sflag:s16] =	ssyncadd.s32 $0xFFFFFFD8  }
0x2cd: {  	_ =	swait.ge [sflag:s16], $0x1400  }
0x2ce: {  	[sflag:s16] =	ssyncset.done $0x0  }
0x2cf: {  	[sflag:s16] =	ssyncadd.s32 $0xFFFFEC00  }
0x2d0: {  	[spmem:s19] =	stream.indirect.scatter.add.f32 [tilespmem:s9], [sflag:$0x4], $0x80, s30, s28, $0xb8;
	[tilespmem:$0x1B200] =	vst v63  }
0x2d1: {  	_ =	swait.ge [sflag:s17], $0x1400  }
0x2d2: {  	s25 =	sld [smem:$0x7ED]  }
0x2d3: {  	[sflag:s17] =	ssyncset.done $0x0  }
0x2d4: {  	s31 =	rddreg [dreg:$0x1f];
	[sflag:s17] =	ssyncadd.s32 $0xFFFFEC00  }
0x2d5: {  	[tilespmem:s4], [sflag:$0x1] =	stream.linear.gather [hbm4b:s25+s21], $0x28, $0x38;
	[tilespmem:$0x1B200] =	vst v63  }
0x2d6: {  	s29 =	sld [smem:$0x7F2]  }
0x2d7: {  	[tilespmem:s0], [sflag:$0x1] =	stream.linear.gather [hbm4b:s31+s21], $0x1400, $0x38;
	[tilespmem:$0x1B200] =	vst v63  }
.LBB2_16:
0x2d8: {  	_ =	swait.ge [sflag:s1], $0x28  }
0x2d9: {  	[sflag:s1] =	ssyncset.done $0x0  }
0x2da: {  	[sflag:s1] =	ssyncadd.s32 $0xFFFFFFD8  }
0x2db: {  	_ =	swait.ge [sflag:s1], $0x1400  }
0x2dc: {  	[sflag:s1] =	ssyncset.done $0x0  }
0x2dd: {  	[sflag:s1] =	ssyncadd.s32 $0xFFFFEC00  }
0x2de: {  	[spmem:s19] =	stream.indirect.scatter.add.f32 [tilespmem:s0], [sflag:$0x3], $0x80, s4, s28, $0xb8;
	[tilespmem:$0x1B200] =	vst v63  }
0x2df: {  	_ =	swait.ge [sflag:s22], $0x1400  }
0x2e0: {  	[sflag:s22] =	ssyncset.done $0x0  }
0x2e1: {  	s23 =	sadd.s32 s21, s20;
	[sflag:s22] =	ssyncadd.s32 $0xFFFFEC00  }
0x2e2: {  	[tilespmem:s30], [sflag:$0x2] =	stream.linear.gather [hbm4b:s23+s7], $0x28, $0x38;
	[tilespmem:$0x1B200] =	vst v63  }
0x2e3: {  	s31 =	sadd.s32 $0xFFFFFD80, s29  }
0x2e4: {  	[tilespmem:s9], [sflag:$0x2] =	stream.linear.gather [hbm4b:s31+s7], $0x1400, $0x38;
	[tilespmem:$0x1B200] =	vst v63  }
0x2e5: {  	_ =	swait.ge [sflag:s16], $0x28  }
0x2e6: {  	[sflag:s16] =	ssyncset.done $0x0  }
0x2e7: {  	[sflag:s16] =	ssyncadd.s32 $0xFFFFFFD8  }
0x2e8: {  	_ =	swait.ge [sflag:s16], $0x1400  }
0x2e9: {  	p0 =	seq.s32 s21, $0xE6;
	[sflag:s16] =	ssyncset.done $0x0  }
.Ltmp10:
0x2ea: {  	[sflag:s16] =	ssyncadd.s32 $0xFFFFEC00;
	(pc) =	sbr.rel @p0 .LBB2_18-.Ltmp10, $4  }
0x2eb: {  	[spmem:s19] =	stream.indirect.scatter.add.f32 [tilespmem:s9], [sflag:$0x4], $0x80, s30, s28, $0xb8;
	[tilespmem:$0x1B200] =	vst v63  }
0x2ec: {  	_ =	swait.ge [sflag:s17], $0x1400  }
0x2ed: {  	[sflag:s17] =	ssyncset.done $0x0  }
0x2ee: {  	[sflag:s17] =	ssyncadd.s32 $0xFFFFEC00  }
.Ltmp11:
0x2ef: {  	s23 =	sadd.s32 s21, s18;
	(pc) =	sbr.rel .LBB2_16-.Ltmp11, $4  }
0x2f0: {  	[tilespmem:s4], [sflag:$0x1] =	stream.linear.gather [hbm4b:s23+s7], $0x28, $0x38;
	[tilespmem:$0x1B200] =	vst v63  }
0x2f1: {  	_ = 	snop  }
0x2f2: {  	[tilespmem:s0], [sflag:$0x1] =	stream.linear.gather [hbm4b:s29+s7], $0x1400, $0x38;
	[tilespmem:$0x1B200] =	vst v63  }
0x2f3: {  	s21 =	sadd.s32 $0xA, s21;
	s29 =	sadd.s32 $0x500, s29  }
.LBB2_19:
0x2f4: {  	_ =	sfence.sel $0x180000  }
0x2f5: {  	[bflag:$0x0] =	sbarrier.arrive $0xFFFF  }
0x2f6: {  	_ =	strace $0x9000004D  }
0x2f7: {  	s0 =	stileid.u32;
	[bflag:$0x2] =	sbarrier.arrive $0xFFFF  }
0x2f8: {  	p0 =	sne.s32 s0, $0x0;
	s0 =	rddreg [dreg:$0x3]  }
0x2f9: {  	s0 =	sadd.s32 @!p0 $0x100000, s0  }
0x2fa: {  	[sflag:s0] =	ssyncadd.tile.s32 @!p0 $0x1;
	_ =	shalt  }
.Lfunc_end2:
_tile_overlayer_lowered:
.L_overlay_start_2:
0x2fb: {  	(tag) =	ssettag $0x2  }
0x2fc: {  	s0 =	rddreg [dreg:$0x0];
	s2 =	stileid.u32  }
0x2fd: {  	s1 =	rddreg [dreg:$0x1];
	p0 =	sne.s32 s2, $0x0  }
0x2fe: {  	s3 =	rddreg [dreg:$0x2];
	[bflag:$0x3] =	sbarrier.arrive $0xFFFF;
	s2 =	simm.s32 @!p0 $0x1C05  }
0x2ff: {  	[timem:s3], [sflag:s2] =	dma.local @!p0 [hbm:s0], s1  }
0x300: {  	s0 =	simm.s32 @!p0 $0x5  }
0x301: {  	_ =	swait.ge @!p0 [sflag:s0], s1  }
0x302: {  	s1 =	ssub.s32 @!p0 $0x0, s1;
	[sflag:s0] =	ssyncset.done @!p0 $0x0  }
0x303: {  	[sflag:s0] =	ssyncadd.s32 @!p0 s1  }
0x304: {  	[bflag:$0x3] =	sbarrier.arrive $0xFFFF  }
0x305: {  	_ =	shalt  }

// kernel: kernel.9.cloned.1.call-start
scs
__scs_entry_jumppad:
0x0: {  	(pc) =	sbr.rel $0x88, $3  }
0x1: {  	(tag) =	ssettag $0x0;
	lr =	simm.s32 $0x1  }
0x2: {  	[smem:$0x3F94] =	sst lr;
	_ =	strace $0xD0000000  }
0x3: {  	_ = 	snop  }
0x4: {  	_ = 	snop  }
0x5: {  	_ = 	snop  }
0x6: {  	_ = 	snop  }
0x7: {  	_ = 	snop  }
__scs_overlays_trampoline_lowered:
0x8: {  	[smem:$0x3FA3] =	sst s0  }
0x9: {  	[smem:$0x3FA4] =	sst s1  }
0xa: {  	[smem:$0x3FA5] =	sst s2  }
0xb: {  	[smem:$0x3FA6] =	sst s3  }
0xc: {  	[smem:$0x3FA7] =	sst s4  }
0xd: {  	[smem:$0x3FA8] =	sst s5  }
0xe: {  	[smem:$0x3FA9] =	sst s6  }
0xf: {  	[smem:$0x3FAA] =	sst s7  }
0x10: {  	[smem:$0x3FAB] =	sst s8  }
0x11: {  	[smem:$0x3FAC] =	sst s9;
	s0 =	simm.s32 @!p0 $0x0  }
0x12: {  	s1 =	sld [smem:$0x3F92];
	s0 =	simm.s32 @p0 $0x1  }
0x13: {  	[smem:$0x3FAD] =	sst s0;
	s0 =	simm.s32 @!p1 $0x0  }
0x14: {  	s2 =	sld [smem:$0x3F91];
	s0 =	simm.s32 @p1 $0x1  }
0x15: {  	[smem:$0x3FAE] =	sst s0;
	s0 =	simm.s32 @!p2 $0x0  }
0x16: {  	s3 =	sld [smem:$0x3FDB];
	s0 =	simm.s32 @p2 $0x1  }
0x17: {  	s4 =	simm.s32 $0x1BF5;
	[smem:$0x3FB0] =	sst s0  }
0x18: {  	s0 =	sld [smem:$0x3F93];
	_ =	swait.ge [sflag:s4], $0x0  }
0x19: {  	s7 =	sld [smem:$0x3F94]  }
0x1a: {  	s8 =	sadd.s32 $0xFFFFE003, lr  }
0x1b: {  	s9 =	sadd.s32 $0xFFFFFEF7, lr;
	s5 =	simm.s32 $0xFFFFFFFF;
	p2 =	slt.u32 s8, $0xFFFFF086  }
0x1c: {  	p1 =	slt.u32 s9, $0xF7A;
	s5 =	simm.s32 @!p2 $0x0  }
0x1d: {  	s5 =	simm.s32 @p1 $0x1;
	p0 =	seq.s32 s7, s2  }
0x1e: {  	s7 =	smul.u32 @!p0 $0xF7A, s2;
	p2 =	seq.s32 @!p0 s5, $0x0  }
0x1f: {  	s9 =	smul.u32 $0xF7A, s1;
	s8 =	simm.s32 @!p0 $0x1BF5;
	p2 =	por !p2, p0  }
0x20: {  	[sflag:s8] =	ssyncset.s32 @!p0 $0xFFFFF086;
	s6 =	sadd.s32 @!p0 s3, s7;
	s7 =	simm.s32 @!p0 $0x108  }
0x21: {  	s3 =	sadd.s32 s3, s9;
	s6 =	sadd.s32 @!p0 $0x88, s6;
	s7 =	simm.s32 @p2 $0x1082  }
0x22: {  	[simem:s7], [sflag:s8] =	dma.local @!p0 [hbm:s6], $0xF7A  }
0x23: {  	s9 =	sor.u32 $0xD0000000, s2;
	s6 =	simm.s32 $0x108;
	_ =	swait.ge @!p0 [sflag:s8], $0x0  }
0x24: {  	s3 =	sadd.s32 $0x88, s3;
	s6 =	simm.s32 @!p1 $0x1082;
	[sflag:s4] =	ssyncset.s32 $0xFFFFF086  }
0x25: {  	[simem:s6], [sflag:s4] =	dma.local [hbm:s3], $0xF7A  }
0x26: {  	[smem:$0x3F94] =	sst s1;
	(tag) =	ssettag s2;
	_ =	strace s9  }
0x27: {  	s1 =	sld [smem:$0x3FA4]  }
0x28: {  	s2 =	sld [smem:$0x3FA5]  }
0x29: {  	s4 =	sld [smem:$0x3FA7]  }
0x2a: {  	p0 =	seq.s32 s5, $0x0;
	s5 =	sld [smem:$0x3FA8]  }
0x2b: {  	s6 =	sld [smem:$0x3FA9]  }
0x2c: {  	s7 =	sld [smem:$0x3FAA]  }
0x2d: {  	s3 =	simm.s32 $0x108;
	s8 =	sld [smem:$0x3FAB]  }
0x2e: {  	s3 =	simm.s32 @!p0 $0x1082;
	s9 =	sld [smem:$0x3FAC]  }
0x2f: {  	lr =	sadd.s32 s0, s3;
	s0 =	sld [smem:$0x3FA3]  }
0x30: {  	s3 =	sld [smem:$0x3FA6]  }
0x31: {  	[smem:$0x3FAF] =	sst s10  }
0x32: {  	s10 =	sld [smem:$0x3FAD];
	_ =	sdelay $0x3  }
0x33: {  	p0 =	seq.s32 s10, $0x1;
	s10 =	sld [smem:$0x3FAF];
	_ =	sdelay $0x3  }
0x34: {  	[smem:$0x3FAF] =	sst s10  }
0x35: {  	s10 =	sld [smem:$0x3FAE];
	_ =	sdelay $0x3  }
0x36: {  	p1 =	seq.s32 s10, $0x1;
	s10 =	sld [smem:$0x3FAF];
	_ =	sdelay $0x3  }
0x37: {  	[smem:$0x3FAF] =	sst s10  }
0x38: {  	s10 =	sld [smem:$0x3FB0]  }
0x39: {  	_ = 	snop;
	(pc) =	sbr.ind lr, $3  }
0x3a: {  	_ = 	snop  }
0x3b: {  	_ = 	snop  }
0x3c: {  	p2 =	seq.s32 s10, $0x1;
	s10 =	sld [smem:$0x3FAF]  }
0x3d: {  	_ =	shalt  }
0x3e: {  	_ =	shalt  }
0x3f: {  	_ =	shalt  }
0x40: {  	_ =	shalt  }
0x41: {  	_ =	shalt  }
0x42: {  	_ =	shalt  }
0x43: {  	_ =	shalt  }
0x44: {  	_ =	shalt  }
0x45: {  	_ =	shalt  }
0x46: {  	_ =	shalt  }
0x47: {  	_ =	shalt  }
0x48: {  	_ =	shalt  }
0x49: {  	_ =	shalt  }
0x4a: {  	_ =	shalt  }
0x4b: {  	_ =	shalt  }
0x4c: {  	_ =	shalt  }
0x4d: {  	_ =	shalt  }
0x4e: {  	_ =	shalt  }
0x4f: {  	_ =	shalt  }
0x50: {  	_ =	shalt  }
0x51: {  	_ =	shalt  }
0x52: {  	_ =	shalt  }
0x53: {  	_ =	shalt  }
0x54: {  	_ =	shalt  }
0x55: {  	_ =	shalt  }
0x56: {  	_ =	shalt  }
0x57: {  	_ =	shalt  }
0x58: {  	_ =	shalt  }
0x59: {  	_ =	shalt  }
0x5a: {  	_ =	shalt  }
0x5b: {  	_ =	shalt  }
0x5c: {  	_ =	shalt  }
0x5d: {  	_ =	shalt  }
0x5e: {  	_ =	shalt  }
0x5f: {  	_ =	shalt  }
0x60: {  	_ =	shalt  }
0x61: {  	_ =	shalt  }
0x62: {  	_ =	shalt  }
0x63: {  	_ =	shalt  }
0x64: {  	_ =	shalt  }
0x65: {  	_ =	shalt  }
0x66: {  	_ =	shalt  }
0x67: {  	_ =	shalt  }
0x68: {  	_ =	shalt  }
0x69: {  	_ =	shalt  }
0x6a: {  	_ =	shalt  }
0x6b: {  	_ =	shalt  }
0x6c: {  	_ =	shalt  }
0x6d: {  	_ =	shalt  }
0x6e: {  	_ =	shalt  }
0x6f: {  	_ =	shalt  }
0x70: {  	_ =	shalt  }
0x71: {  	_ =	shalt  }
0x72: {  	_ =	shalt  }
0x73: {  	_ =	shalt  }
0x74: {  	_ =	shalt  }
0x75: {  	_ =	shalt  }
0x76: {  	_ =	shalt  }
0x77: {  	_ =	shalt  }
0x78: {  	_ =	shalt  }
0x79: {  	_ =	shalt  }
0x7a: {  	_ =	shalt  }
0x7b: {  	_ =	shalt  }
0x7c: {  	_ =	shalt  }
0x7d: {  	_ =	shalt  }
0x7e: {  	_ =	shalt  }
0x7f: {  	_ =	shalt  }
0x80: {  	_ =	shalt  }
0x81: {  	_ =	shalt  }
0x82: {  	_ =	shalt  }
0x83: {  	_ =	shalt  }
0x84: {  	_ =	shalt  }
0x85: {  	_ =	shalt  }
0x86: {  	_ =	shalt  }
0x87: {  	_ =	shalt  }
.Lfunc_end0:
.L_simem_size_0:
called_computation_lowered:
.L_overlay_start_0:
0x88: {  	s2 =	sld [smem:$0x3FD9]  }
0x89: {  	s3 =	sld [smem:$0x3FFE];
	_ =	sdelay $0x1  }
0x8a: {  	s1 =	srdreg.scid  }
0x8b: {  	s0 =	sand.u32 $0x1, s1  }
0x8c: {  	s14 =	sshll.u32 s0, $0xA;
	s2 =	sadd.s32 s3, s2  }
0x8d: {  	s2 =	sadd.s32 s2, s14  }
0x8e: {  	[smem:$0x3FBB] =	sst s2  }
0x8f: {  	_ = 	snop  }
0x90: {  	s2 =	sld [smem:$0x3FD0];
	_ =	sdelay $0x2  }
0x91: {  	s15 =	simm.s32 $0xB;
	s4 =	simm.s32 $0x10  }
0x92: {  	[smem:s4], [sflag:s15] =	dma.local [hbm:s2], $0x1  }
0x93: {  	_ =	swait.eq [sflag:s15], $0x1  }
0x94: {  	[sflag:s15] =	ssyncset.done $0x0  }
0x95: {  	[sflag:s15] =	ssyncadd.s32 $0xFFFFFFFF  }
0x96: {  	s16 =	sld [smem:$0x10];
	(tm) =	ssettm $0x1  }
0x97: {  	s17 =	sld [smem:$0x3FFB];
	_ =	sdelay $0x3  }
0x98: {  	_ =	strace s17  }
0x99: {  	s3 =	sld [smem:$0x3FFC];
	_ =	sdelay $0x3  }
0x9a: {  	_ =	strace s3  }
0x9b: {  	s3 =	sld [smem:$0x3FFD];
	_ =	sdelay $0x3  }
0x9c: {  	_ =	strace s3  }
0x9d: {  	_ =	strace $0x8FFFFFFF  }
0x9e: {  	s18 =	sld [smem:$0x3FDB];
	_ =	sdelay $0x1  }
0x9f: {  	s19 =	simm.s32 $_scs_section_size  }
0xa0: {  	s5 =	simm.s32 $_size__tile_overlayer_lowered;
	s6 =	simm.s32 $_tile_overlayer_lowered  }
0xa1: {  	s22 =	simm.s32 $0x1BFF;
	s21 =	sshll.u32 s6, $0x1;
	s3 =	sadd.s32 s19, s18  }
0xa2: {  	s7 =	simm.s32 $0x0;
	s20 =	sshll.u32 s5, $0x1;
	s5 =	sadd.s32 s21, s3  }
0xa3: {  	[timem:s7], [sflag:s22] =	dma.local [hbm:s5], s20  }
0xa4: {  	_ =	swait.ge [sflag:s22], s20  }
0xa5: {  	s4 =	ssub.s32 $0x0, s20;
	[sflag:s22] =	ssyncset.done $0x0  }
0xa6: {  	[sflag:s22] =	ssyncadd.s32 s4;
	_ =	sdelay $0x1  }
0xa7: {  	s23 =	simm.s32 $0x1B8B  }
0xa8: {  	_ =	swait.ge [sflag:s23], $0x1  }
0xa9: {  	[sflag:s23] =	ssyncset.done $0x0  }
0xaa: {  	s25 =	simm.s32 $0x1B8E;
	s24 =	sld [smem:$0x3FFE];
	[sflag:s23] =	ssyncadd.s32 $0xFFFFFFFF  }
0xab: {  	s26 =	simm.s32 $execute0_lowered;
	[smem:$0x3FD2] =	sst s25  }
0xac: {  	s5 =	sshll.u32 s26, $0x1;
	_ =	strace $0x80000046;
	[dreg:$0x1] =	wrdreg $0xFFFFFFFF  }
0xad: {  	s28 =	simm.s32 $_size_execute0_lowered;
	s3 =	sadd.s32 s3, s5;
	[dreg:$0x0] =	wrdreg $0x0  }
0xae: {  	s5 =	sshll.u32 s28, $0x1;
	[dreg:$0x2] =	wrdreg s3  }
0xaf: {  	[dreg:$0x3] =	wrdreg s5  }
0xb0: {  	[dreg:$0x4] =	wrdreg $0xC0  }
0xb1: {  	_ =	task [dreg:s7], $0x5FFFF  }
0xb2: {  	[dreg:$0x1] =	wrdreg $0xFFFFFFFF  }
0xb3: {  	[dreg:$0x0] =	wrdreg $0x60  }
0xb4: {  	[dreg:$0x2] =	wrdreg s16  }
0xb5: {  	[dreg:$0x3] =	wrdreg s24  }
0xb6: {  	[dreg:$0x4] =	wrdreg $0x9  }
0xb7: {  	_ =	task.clear_ibuf [dreg:s7], $0x5FFFF;
	_ =	strace $0x90000046  }
0xb8: {  	s29 =	simm.s32 $0x9;
	_ =	strace $0x80000048  }
0xb9: {  	_ =	swait.ge [sflag:s29], $0x1  }
0xba: {  	[sflag:s29] =	ssyncadd.s32 $0xFFFFFFFF  }
0xbb: {  	_ =	strace $0x90000048  }
0xbc: {  	_ =	sfence  }
0xbd: {  	s30 =	sld [smem:$0x0];
	_ =	sdelay $0x2  }
0xbe: {  	s31 =	sshll.u32 s1, $0xD;
	s1 =	sshrl.u32 s1, $0x2  }
0xbf: {  	s3 =	sand.u32 $0x4000, s31;
	s1 =	sadd.s32 s1, s30  }
0xc0: {  	s0 =	sor.u32 s3, s0;
	s1 =	sshll.u32 s1, $0x11  }
0xc1: {  	s0 =	sor.u32 s1, s0  }
0xc2: {  	s0 =	sadd.s32 $0x8F2B, s0  }
0xc3: {  	[sflag:s0] =	ssyncadd.remote.s32 $0x1  }
0xc4: {  	_ =	sfence.sel $0xFFFF  }
0xc5: {  	[dreg:$0x0] =	wrdreg $0xFFFFFFFF;
	(pc) =	sbr.abs _section_cstart, $3  }
0xc6: {  	[dreg:$0x1] =	wrdreg $0xFFFFFFFF  }
0xc7: {  	_ =	task.clear_ibuf [dreg:s7], $0x2FFFF;
	_ =	strace $0x9FFFFFFF  }
0xc8: {  	(tm) =	ssettm $0x7FFFFFFF  }
0xc9: {  	_ =	shalt  }
tec
execute0_lowered:
.L_overlay_start_1:
0x0: {  	(tag) =	ssettag $0x1  }
0x1: {  	s1 =	rddreg [dreg:$0x0]  }
0x2: {  	s0 =	rddreg [dreg:$0x1];
	s2 =	simm.s32 $0x0  }
0x3: {  	s3 =	srdreg.scid;
	s6 =	stileid.u32;
	s21 =	simm.s32 $0x5  }
0x4: {  	s29 =	simm.s32 $0x5200;
	s18 =	simm.s32 $0x1;
	s19 =	simm.s32 $0x80  }
0x5: {  	s20 =	simm.s32 $0x180;
	s28 =	simm.s32 $0x7A00;
	[smem:$0x7FF] =	sst s2  }
0x6: {  	s4 =	sadd.s32 $0x2000, s0;
	s5 =	sadd.s32 $0x77400, s0;
	s3 =	sand.u32 $0x1, s3  }
0x7: {  	s8 =	sshll.u32 s6, $0x1;
	s6 =	sadd.s32 $0x50200, s0;
	s7 =	sadd.s32 $0xA1600, s0  }
0x8: {  	s9 =	sadd.s32 $0xA4600, s0;
	s11 =	sadd.s32 $0x392600, s0;
	s12 =	sor.u32 s3, s8  }
0x9: {  	s13 =	sadd.s32 $0x680600, s0;
	s3 =	ssub.s32 $0x2, s3;
	s10 =	smul.u32 $0x4B, s12  }
0xa: {  	_ =	strace $0x80000047;
	s15 =	smul.u32 $0xBB8, s12;
	s22 =	sshrl.u32 s3, $0x1  }
0xb: {  	s8 =	sadd.s32 $0x9E600, s0;
	s12 =	simm.s32 $0x0;
	s0 =	ssub.s32 s3, s22  }
0xc: {  	s22 =	simm.s32 $0x100;
	s23 =	sadd.s32 $0x4A, s10;
	s24 =	sshrl.u32 s15, $0x3  }
0xd: {  	[dreg:$0x3] =	wrdreg s15;
	s26 =	sadd.s32 $0x50, s15;
	s0 =	smax.u32 s0, $0x1  }
0xe: {  	s15 =	simm.s32 $0xA200;
	s14 =	smul.u32 $0x500, s23;
	[dreg:$0x6] =	wrdreg s26  }
0xf: {  	s16 =	sadd.s32 s7, s24;
	s3 =	sadd.s32 s8, s24;
	[dreg:$0xa] =	wrdreg s0  }
0x10: {  	s25 =	smul.u32 $0x280, s23;
	s23 =	simm.s32 $0x200;
	[dreg:$0x4] =	wrdreg s16  }
0x11: {  	s24 =	simm.s32 $0x2A00;
	[dreg:$0x5] =	wrdreg s3;
	s30 =	sadd.s32 s9, s14  }
0x12: {  	v2 =	vlaneseq.u32;
	s26 =	simm.s32 $0xB600;
	s31 =	sadd.s32 s11, s14;
	[dreg:$0x7] =	wrdreg s30  }
0x13: {  	vm0 =	vmmov $0xffff;
	v1 =	vshrl.u32 v2, $0x3;
	s3 =	sadd.s32 s13, s25;
	s14 =	simm.s32 $0x28;
	[dreg:$0x8] =	wrdreg s31  }
0x14: {  	v0 =	vand.u32 $0x7, v2;
	v2 =	vor.u32 $0x8, v2;
	v1 =	vmul.u32 $0x8, v1;
	s25 =	simm.s32 $0x2;
	[dreg:$0x9] =	wrdreg s3;
	s3 =	simm.s32 $0x3  }
.LBB2_1:
0x15: {  	[dreg:$0xb] =	wrdreg s12  }
0x16: {  	s0 =	rddreg [dreg:$0x4]  }
0x17: {  	[tilespmem:s2], [sflag:$0x5] =	stream.linear.gather [hbm4b:s0+s2], $0x28, $0x38;
	[tilespmem:$0xF200] =	vst v63  }
0x18: {  	_ =	swait.ge [sflag:s21], $0x28  }
0x19: {  	[sflag:s21] =	ssyncset.done $0x0  }
0x1a: {  	s17 =	rddreg [dreg:$0x5];
	[sflag:s21] =	ssyncadd.s32 $0xFFFFFFD8  }
0x1b: {  	[tilespmem:s22], [sflag:$0x5] =	stream.linear.gather [hbm4b:s17+s2], $0x28, $0x38;
	[tilespmem:$0xF200] =	vst v63  }
0x1c: {  	_ =	swait.ge [sflag:s21], $0x28  }
0x1d: {  	[sflag:s21] =	ssyncset.done $0x0  }
0x1e: {  	[sflag:s21] =	ssyncadd.s32 $0xFFFFFFD8  }
0x1f: {  	v3 =	vld [tilespmem:$0x0];
	_ =	sdelay $0x4  }
0x20: {  	v4 =	vshll.u32 v3, $0x1  }
0x21: {  	v3 =	vand.u32 $0x7, v3;
	v4 =	vand.u32 $0xFFFFFFF0, v4  }
0x22: {  	v3 =	vor.u32 v3, v4  }
0x23: {  	v4 =	vperm.xlane v3, v0;
	_ =	sdelay $0x1  }
0x24: {  	v3 =	vperm.xlane v3, v2;
	v4 =	vadd.s32 v1, v4;
	_ =	sdelay $0x1  }
0x25: {  	v3 =	vadd.s32 v1, v3;
	_ =	sdelay $0x2  }
0x26: {  	[tilespmem:s23], [sflag:$0x1] =	stream.indirect_vreg.gather [hbm4b:s1+s2], $0x80, v4, vm0, $0xb8;
	[tilespmem:$0xF200] =	vst v63  }
0x27: {  	s31 =	simm.s32 $0xA00  }
0x28: {  	[tilespmem:s31], [sflag:$0x1] =	stream.indirect_vreg.gather [hbm4b:s1+s2], $0x80, v3, vm0, $0xb8;
	[tilespmem:$0xF200] =	vst v63  }
0x29: {  	v3 =	vld [tilespmem:$0x10];
	_ =	sdelay $0x4  }
0x2a: {  	v59 =	vshll.u32 v3, $0x1  }
0x2b: {  	v3 =	vand.u32 $0x7, v3;
	v4 =	vand.u32 $0xFFFFFFF0, v59  }
0x2c: {  	v3 =	vor.u32 v3, v4  }
0x2d: {  	v4 =	vperm.xlane v3, v0;
	_ =	sdelay $0x1  }
0x2e: {  	v3 =	vperm.xlane v3, v2;
	v4 =	vadd.s32 v1, v4;
	_ =	sdelay $0x1  }
0x2f: {  	v3 =	vadd.s32 v1, v3;
	_ =	sdelay $0x1  }
0x30: {  	s12 =	simm.s32 $0x1200  }
0x31: {  	[tilespmem:s12], [sflag:$0x1] =	stream.indirect_vreg.gather [hbm4b:s1+s2], $0x80, v4, vm0, $0xb8;
	[tilespmem:$0xF200] =	vst v63  }
0x32: {  	s16 =	simm.s32 $0x1A00  }
0x33: {  	[tilespmem:s16], [sflag:$0x1] =	stream.indirect_vreg.gather [hbm4b:s1+s2], $0x80, v3, vm0, $0xb8;
	[tilespmem:$0xF200] =	vst v63  }
0x34: {  	v3 =	vld.msk [tilespmem:$0x20], $0xff;
	_ =	sdelay $0x4  }
0x35: {  	v60 =	vshll.u32 v3, $0x1  }
0x36: {  	v3 =	vand.u32 $0x7, v3;
	v4 =	vand.u32 $0xFFFFFFF0, v60  }
0x37: {  	v3 =	vor.u32 v3, v4  }
0x38: {  	v3 =	vperm.xlane v3, v0;
	_ =	sdelay $0x1  }
0x39: {  	v3 =	vadd.s32 v1, v3;
	_ =	sdelay $0x3  }
0x3a: {  	s17 =	simm.s32 $0x2200  }
0x3b: {  	[tilespmem:s17], [sflag:$0x1] =	stream.indirect_vreg.gather [hbm4b:s1+s2], $0x80, v3, vm0, $0xb8;
	[tilespmem:$0xF200] =	vst v63  }
0x3c: {  	v3 =	vld [tilespmem:$0x100];
	_ =	sdelay $0x4  }
0x3d: {  	v61 =	vshll.u32 v3, $0x1  }
0x3e: {  	v3 =	vand.u32 $0x7, v3;
	v4 =	vand.u32 $0xFFFFFFF0, v61  }
0x3f: {  	v3 =	vor.u32 v3, v4  }
0x40: {  	v4 =	vperm.xlane v3, v0;
	_ =	sdelay $0x1  }
0x41: {  	v3 =	vperm.xlane v3, v2;
	v4 =	vadd.s32 v1, v4;
	_ =	sdelay $0x1  }
0x42: {  	v3 =	vadd.s32 v1, v3;
	_ =	sdelay $0x2  }
0x43: {  	[tilespmem:s29], [sflag:$0x1] =	stream.indirect_vreg.gather [hbm4b:s4+s2], $0x80, v4, vm0, $0xb8;
	[tilespmem:$0xF200] =	vst v63  }
0x44: {  	s31 =	simm.s32 $0x5A00  }
0x45: {  	[tilespmem:s31], [sflag:$0x1] =	stream.indirect_vreg.gather [hbm4b:s4+s2], $0x80, v3, vm0, $0xb8;
	[tilespmem:$0xF200] =	vst v63  }
0x46: {  	v3 =	vld [tilespmem:$0x110];
	_ =	sdelay $0x4  }
0x47: {  	v62 =	vshll.u32 v3, $0x1  }
0x48: {  	v3 =	vand.u32 $0x7, v3;
	v4 =	vand.u32 $0xFFFFFFF0, v62  }
0x49: {  	v3 =	vor.u32 v3, v4  }
0x4a: {  	v4 =	vperm.xlane v3, v0;
	_ =	sdelay $0x1  }
0x4b: {  	v3 =	vperm.xlane v3, v2;
	v4 =	vadd.s32 v1, v4;
	_ =	sdelay $0x1  }
0x4c: {  	v3 =	vadd.s32 v1, v3;
	_ =	sdelay $0x1  }
0x4d: {  	s12 =	simm.s32 $0x6200  }
0x4e: {  	[tilespmem:s12], [sflag:$0x1] =	stream.indirect_vreg.gather [hbm4b:s4+s2], $0x80, v4, vm0, $0xb8;
	[tilespmem:$0xF200] =	vst v63  }
0x4f: {  	s16 =	simm.s32 $0x6A00  }
0x50: {  	[tilespmem:s16], [sflag:$0x1] =	stream.indirect_vreg.gather [hbm4b:s4+s2], $0x80, v3, vm0, $0xb8;
	[tilespmem:$0xF200] =	vst v63  }
0x51: {  	v3 =	vld.msk [tilespmem:$0x120], $0xff;
	_ =	sdelay $0x4  }
0x52: {  	v63 =	vshll.u32 v3, $0x1  }
0x53: {  	v3 =	vand.u32 $0x7, v3;
	v4 =	vand.u32 $0xFFFFFFF0, v63  }
0x54: {  	v3 =	vor.u32 v3, v4  }
0x55: {  	v3 =	vperm.xlane v3, v0;
	_ =	sdelay $0x1  }
0x56: {  	v3 =	vadd.s32 v1, v3;
	_ =	sdelay $0x3  }
0x57: {  	s17 =	simm.s32 $0x7200  }
0x58: {  	[tilespmem:s17], [sflag:$0x1] =	stream.indirect_vreg.gather [hbm4b:s4+s2], $0x80, v3, vm0, $0xb8;
	[tilespmem:$0xF200] =	vst v63  }
0x59: {  	_ = 	snop  }
0x5a: {  	[tilespmem:s15], [sflag:$0x1] =	stream.indirect.gather [hbm4b:s5+s14], $0x80, s2, s14, $0xb8;
	[tilespmem:$0xF200] =	vst v63  }
0x5b: {  	s30 =	simm.s32 $0x0;
	s31 =	simm.s32 $0xCA00  }
0x5c: {  	[tilespmem:s31], [sflag:$0x1] =	stream.indirect.gather [hbm4b:s6+s14], $0x80, s22, s14, $0xb8;
	[tilespmem:$0xF200] =	vst v63  }
.LBB2_2:
0x5d: {  	p0 =	seq.s32 s30, $0x0  }
0x5e: {  	s0 =	simm.s32 @!p0 $0x4  }
0x5f: {  	_ =	swait.ge @!p0 [sflag:s0], $0x2800  }
0x60: {  	[sflag:s0] =	ssyncset.done @!p0 $0x0  }
0x61: {  	[sflag:s0] =	ssyncadd.s32 @!p0 $0xFFFFD800  }
0x62: {  	s31 =	sshll.u32 s30, $0x1;
	_ =	swait.ge @!p0 [sflag:s0], $0x2800  }
0x63: {  	s17 =	sor.u32 @!p0 $0x1, s31;
	[sflag:s0] =	ssyncset.done @!p0 $0x0  }
0x64: {  	s17 =	simm.s32 @p0 $0x1;
	[sflag:s0] =	ssyncadd.s32 @!p0 $0xFFFFD800  }
0x65: {  	s12 =	smul.u32 $0x28, s17;
	_ =	swait.ge @!p0 [sflag:s0], $0x1400  }
0x66: {  	s16 =	rddreg [dreg:$0x3]  }
0x67: {  	s12 =	sadd.s32 s16, s12  }
0x68: {  	[sflag:s0] =	ssyncset.done @!p0 $0x0;
	s12 =	sshrl.u32 s12, $0x3  }
0x69: {  	[sflag:s0] =	ssyncadd.s32 @!p0 $0xFFFFEC00;
	s0 =	simm.s32 $0x0;
	s16 =	sadd.s32 s7, s12  }
0x6a: {  	[tilespmem:s19], [sflag:$0x5] =	stream.linear.gather [hbm4b:s16+s0], $0x28, $0x38;
	[tilespmem:$0xF200] =	vst v63  }
0x6b: {  	_ =	swait.ge [sflag:s21], $0x28  }
0x6c: {  	[sflag:s21] =	ssyncset.done $0x0  }
0x6d: {  	s12 =	sadd.s32 s8, s12;
	[sflag:s21] =	ssyncadd.s32 $0xFFFFFFD8  }
0x6e: {  	[tilespmem:s20], [sflag:$0x5] =	stream.linear.gather [hbm4b:s12+s0], $0x28, $0x38;
	[tilespmem:$0xF200] =	vst v63  }
0x6f: {  	_ =	swait.ge [sflag:s21], $0x28  }
0x70: {  	[sflag:s21] =	ssyncset.done $0x0  }
0x71: {  	[sflag:s21] =	ssyncadd.s32 $0xFFFFFFD8  }
0x72: {  	v3 =	vld [tilespmem:$0x80];
	_ =	sdelay $0x4  }
0x73: {  	v4 =	vshll.u32 v3, $0x1  }
0x74: {  	v3 =	vand.u32 $0x7, v3;
	v4 =	vand.u32 $0xFFFFFFF0, v4  }
0x75: {  	v3 =	vor.u32 v3, v4  }
0x76: {  	v4 =	vperm.xlane v3, v0;
	_ =	sdelay $0x1  }
0x77: {  	v3 =	vperm.xlane v3, v2;
	v4 =	vadd.s32 v1, v4;
	_ =	sdelay $0x1  }
0x78: {  	v3 =	vadd.s32 v1, v3;
	_ =	sdelay $0x2  }
0x79: {  	[tilespmem:s24], [sflag:$0x2] =	stream.indirect_vreg.gather [hbm4b:s1+s0], $0x80, v4, vm0, $0xb8;
	[tilespmem:$0xF200] =	vst v63  }
0x7a: {  	s16 =	simm.s32 $0x3200  }
0x7b: {  	[tilespmem:s16], [sflag:$0x2] =	stream.indirect_vreg.gather [hbm4b:s1+s0], $0x80, v3, vm0, $0xb8;
	[tilespmem:$0xF200] =	vst v63  }
0x7c: {  	v3 =	vld [tilespmem:$0x90];
	_ =	sdelay $0x4  }
0x7d: {  	v4 =	vshll.u32 v3, $0x1  }
0x7e: {  	v3 =	vand.u32 $0x7, v3;
	v4 =	vand.u32 $0xFFFFFFF0, v4  }
0x7f: {  	v3 =	vor.u32 v3, v4  }
0x80: {  	v4 =	vperm.xlane v3, v0;
	_ =	sdelay $0x1  }
0x81: {  	v3 =	vperm.xlane v3, v2;
	v4 =	vadd.s32 v1, v4;
	_ =	sdelay $0x1  }
0x82: {  	v3 =	vadd.s32 v1, v3;
	_ =	sdelay $0x1  }
0x83: {  	s16 =	simm.s32 $0x3A00  }
0x84: {  	[tilespmem:s16], [sflag:$0x2] =	stream.indirect_vreg.gather [hbm4b:s1+s0], $0x80, v4, vm0, $0xb8;
	[tilespmem:$0xF200] =	vst v63  }
0x85: {  	s16 =	simm.s32 $0x4200  }
0x86: {  	[tilespmem:s16], [sflag:$0x2] =	stream.indirect_vreg.gather [hbm4b:s1+s0], $0x80, v3, vm0, $0xb8;
	[tilespmem:$0xF200] =	vst v63  }
0x87: {  	v3 =	vld.msk [tilespmem:$0xA0], $0xff;
	_ =	sdelay $0x4  }
0x88: {  	v4 =	vshll.u32 v3, $0x1  }
0x89: {  	v3 =	vand.u32 $0x7, v3;
	v4 =	vand.u32 $0xFFFFFFF0, v4  }
0x8a: {  	v3 =	vor.u32 v3, v4  }
0x8b: {  	v3 =	vperm.xlane v3, v0;
	_ =	sdelay $0x1  }
0x8c: {  	v3 =	vadd.s32 v1, v3;
	_ =	sdelay $0x3  }
0x8d: {  	s16 =	simm.s32 $0x4A00  }
0x8e: {  	[tilespmem:s16], [sflag:$0x2] =	stream.indirect_vreg.gather [hbm4b:s1+s0], $0x80, v3, vm0, $0xb8;
	[tilespmem:$0xF200] =	vst v63  }
0x8f: {  	v3 =	vld [tilespmem:$0x180];
	_ =	sdelay $0x4  }
0x90: {  	v4 =	vshll.u32 v3, $0x1  }
0x91: {  	v3 =	vand.u32 $0x7, v3;
	v4 =	vand.u32 $0xFFFFFFF0, v4  }
0x92: {  	v3 =	vor.u32 v3, v4  }
0x93: {  	v4 =	vperm.xlane v3, v0;
	_ =	sdelay $0x1  }
0x94: {  	v3 =	vperm.xlane v3, v2;
	v4 =	vadd.s32 v1, v4;
	_ =	sdelay $0x1  }
0x95: {  	v3 =	vadd.s32 v1, v3;
	_ =	sdelay $0x2  }
0x96: {  	[tilespmem:s28], [sflag:$0x2] =	stream.indirect_vreg.gather [hbm4b:s4+s0], $0x80, v4, vm0, $0xb8;
	[tilespmem:$0xF200] =	vst v63  }
0x97: {  	s16 =	simm.s32 $0x8200  }
0x98: {  	[tilespmem:s16], [sflag:$0x2] =	stream.indirect_vreg.gather [hbm4b:s4+s0], $0x80, v3, vm0, $0xb8;
	[tilespmem:$0xF200] =	vst v63  }
0x99: {  	v3 =	vld [tilespmem:$0x190];
	_ =	sdelay $0x4  }
0x9a: {  	v4 =	vshll.u32 v3, $0x1  }
0x9b: {  	v3 =	vand.u32 $0x7, v3;
	v4 =	vand.u32 $0xFFFFFFF0, v4  }
0x9c: {  	v3 =	vor.u32 v3, v4  }
0x9d: {  	v4 =	vperm.xlane v3, v0;
	_ =	sdelay $0x1  }
0x9e: {  	v3 =	vperm.xlane v3, v2;
	v4 =	vadd.s32 v1, v4;
	_ =	sdelay $0x1  }
0x9f: {  	v3 =	vadd.s32 v1, v3;
	_ =	sdelay $0x1  }
0xa0: {  	s16 =	simm.s32 $0x8A00  }
0xa1: {  	[tilespmem:s16], [sflag:$0x2] =	stream.indirect_vreg.gather [hbm4b:s4+s0], $0x80, v4, vm0, $0xb8;
	[tilespmem:$0xF200] =	vst v63  }
0xa2: {  	s16 =	simm.s32 $0x9200  }
0xa3: {  	[tilespmem:s16], [sflag:$0x2] =	stream.indirect_vreg.gather [hbm4b:s4+s0], $0x80, v3, vm0, $0xb8;
	[tilespmem:$0xF200] =	vst v63  }
0xa4: {  	v3 =	vld.msk [tilespmem:$0x1A0], $0xff;
	_ =	sdelay $0x4  }
0xa5: {  	v4 =	vshll.u32 v3, $0x1  }
0xa6: {  	v3 =	vand.u32 $0x7, v3;
	v4 =	vand.u32 $0xFFFFFFF0, v4  }
0xa7: {  	v3 =	vor.u32 v3, v4  }
0xa8: {  	v3 =	vperm.xlane v3, v0;
	_ =	sdelay $0x1  }
0xa9: {  	v3 =	vadd.s32 v1, v3;
	_ =	sdelay $0x3  }
0xaa: {  	s16 =	simm.s32 $0x9A00  }
0xab: {  	[tilespmem:s16], [sflag:$0x2] =	stream.indirect_vreg.gather [hbm4b:s4+s0], $0x80, v3, vm0, $0xb8;
	[tilespmem:$0xF200] =	vst v63  }
0xac: {  	_ = 	snop  }
0xad: {  	[tilespmem:s26], [sflag:$0x2] =	stream.indirect.gather [hbm4b:s5+s14], $0x80, s19, s14, $0xb8;
	[tilespmem:$0xF200] =	vst v63  }
0xae: {  	s16 =	simm.s32 $0xDE00  }
0xaf: {  	[tilespmem:s16], [sflag:$0x2] =	stream.indirect.gather [hbm4b:s6+s14], $0x80, s20, s14, $0xb8;
	[tilespmem:$0xF200] =	vst v63  }
0xb0: {  	_ =	swait.ge [sflag:s18], $0x2800  }
0xb1: {  	[sflag:s18] =	ssyncset.done $0x0  }
0xb2: {  	[sflag:s18] =	ssyncadd.s32 $0xFFFFD800  }
0xb3: {  	_ =	swait.ge [sflag:s18], $0x2800  }
0xb4: {  	[sflag:s18] =	ssyncset.done $0x0  }
0xb5: {  	[sflag:s18] =	ssyncadd.s32 $0xFFFFD800  }
0xb6: {  	_ =	swait.ge [sflag:s18], $0x1400  }
0xb7: {  	[sflag:s18] =	ssyncset.done $0x0  }
0xb8: {  	[sflag:s18] =	ssyncadd.s32 $0xFFFFEC00  }
0xb9: {  	_ =	swait.ge [sflag:s18], $0x1400  }
0xba: {  	[sflag:s18] =	ssyncset.done $0x0  }
0xbb: {  	s0 =	simm.s32 $0x0;
	[sflag:s18] =	ssyncadd.s32 $0xFFFFEC00  }
0xbc: {  	s12 =	simm.s32 $0x200;
	v3 =	vld [tilespmem:s0+$0xCA00]  }
.LBB2_3:
0xbd: {  	p0 =	sne.s32 s12, $0x4E00;
	v4 =	vld [tilespmem:s0+$0xA200];
	_ =	sdelay $0x2  }
.Ltmp0:
0xbe: {  	(pc) =	sbr.rel @p0 .LBB2_3-.Ltmp0, $4  }
0xbf: {  	_ = 	snop  }
0xc0: {  	v4 =	vadd.f32 v3, v4  }
0xc1: {  	s16 =	sshra.s32 s12, $0x2  }
0xc2: {  	s12 =	sadd.s32 $0x200, s12;
	v3 =	vld [tilespmem:s16+$0xCA00];
	[tilespmem:s0+$0xA200] =	vst v4;
	s0 =	smov.u32 s16  }
0xc3: {  	v4 =	vld [tilespmem:s0+$0xA200];
	_ =	sdelay $0x3  }
0xc4: {  	s12 =	sadd.s32 s10, s31  }
0xc5: {  	s16 =	smul.u32 $0x500, s12;
	v3 =	vadd.f32 v3, v4;
	_ =	sdelay $0x1  }
0xc6: {  	s31 =	simm.s32 $0x0;
	[tilespmem:s0+$0xA200] =	vst v3;
	s0 =	sadd.s32 s9, s16  }
0xc7: {  	[hbm4b:s0+s31] =	stream.linear.scatter [tilespmem:s23], [sflag:$0x3], $0x2800, $0x38;
	[tilespmem:$0xF200] =	vst v63  }
0xc8: {  	s12 =	smul.u32 $0x280, s12;
	s16 =	sadd.s32 s11, s16  }
0xc9: {  	[hbm4b:s16+s31] =	stream.linear.scatter [tilespmem:s29], [sflag:$0x3], $0x2800, $0x38;
	[tilespmem:$0xF200] =	vst v63  }
0xca: {  	s16 =	sadd.s32 s13, s12  }
0xcb: {  	[hbm4b:s16+s31] =	stream.linear.scatter [tilespmem:s15], [sflag:$0x3], $0x1400, $0x38;
	[tilespmem:$0xF200] =	vst v63  }
0xcc: {  	_ =	swait.ge [sflag:s3], $0x2800  }
0xcd: {  	[sflag:s3] =	ssyncset.done $0x0  }
0xce: {  	[sflag:s3] =	ssyncadd.s32 $0xFFFFD800  }
0xcf: {  	_ =	swait.ge [sflag:s3], $0x2800  }
0xd0: {  	[sflag:s3] =	ssyncset.done $0x0  }
0xd1: {  	[sflag:s3] =	ssyncadd.s32 $0xFFFFD800  }
0xd2: {  	s12 =	smul.u32 $0x50, s30;
	_ =	swait.ge [sflag:s3], $0x1400  }
0xd3: {  	s16 =	rddreg [dreg:$0x6]  }
0xd4: {  	s0 =	sadd.s32 s12, s16  }
0xd5: {  	[sflag:s3] =	ssyncset.done $0x0;
	s0 =	sshrl.u32 s0, $0x3  }
0xd6: {  	[sflag:s3] =	ssyncadd.s32 $0xFFFFEC00;
	s16 =	sadd.s32 s7, s0  }
0xd7: {  	[tilespmem:s31], [sflag:$0x5] =	stream.linear.gather [hbm4b:s16+s31], $0x28, $0x38;
	[tilespmem:$0xF200] =	vst v63  }
0xd8: {  	_ =	swait.ge [sflag:s21], $0x28  }
0xd9: {  	[sflag:s21] =	ssyncset.done $0x0  }
0xda: {  	s0 =	sadd.s32 s8, s0;
	[sflag:s21] =	ssyncadd.s32 $0xFFFFFFD8  }
0xdb: {  	[tilespmem:s22], [sflag:$0x5] =	stream.linear.gather [hbm4b:s0+s31], $0x28, $0x38;
	[tilespmem:$0xF200] =	vst v63  }
0xdc: {  	_ =	swait.ge [sflag:s21], $0x28  }
0xdd: {  	[sflag:s21] =	ssyncset.done $0x0  }
0xde: {  	[sflag:s21] =	ssyncadd.s32 $0xFFFFFFD8  }
0xdf: {  	v3 =	vld [tilespmem:$0x0];
	_ =	sdelay $0x4  }
0xe0: {  	v4 =	vshll.u32 v3, $0x1  }
0xe1: {  	v3 =	vand.u32 $0x7, v3;
	v4 =	vand.u32 $0xFFFFFFF0, v4  }
0xe2: {  	v3 =	vor.u32 v3, v4  }
0xe3: {  	v4 =	vperm.xlane v3, v0;
	_ =	sdelay $0x1  }
0xe4: {  	v3 =	vperm.xlane v3, v2;
	v4 =	vadd.s32 v1, v4;
	_ =	sdelay $0x1  }
0xe5: {  	v3 =	vadd.s32 v1, v3;
	_ =	sdelay $0x2  }
0xe6: {  	[tilespmem:s23], [sflag:$0x1] =	stream.indirect_vreg.gather [hbm4b:s1+s31], $0x80, v4, vm0, $0xb8;
	[tilespmem:$0xF200] =	vst v63  }
0xe7: {  	s12 =	simm.s32 $0xA00  }
0xe8: {  	[tilespmem:s12], [sflag:$0x1] =	stream.indirect_vreg.gather [hbm4b:s1+s31], $0x80, v3, vm0, $0xb8;
	[tilespmem:$0xF200] =	vst v63  }
0xe9: {  	v3 =	vld [tilespmem:$0x10];
	_ =	sdelay $0x4  }
0xea: {  	v4 =	vshll.u32 v3, $0x1  }
0xeb: {  	v3 =	vand.u32 $0x7, v3;
	v4 =	vand.u32 $0xFFFFFFF0, v4  }
0xec: {  	v3 =	vor.u32 v3, v4  }
0xed: {  	v4 =	vperm.xlane v3, v0;
	_ =	sdelay $0x1  }
0xee: {  	v3 =	vperm.xlane v3, v2;
	v4 =	vadd.s32 v1, v4;
	_ =	sdelay $0x1  }
0xef: {  	v3 =	vadd.s32 v1, v3;
	_ =	sdelay $0x1  }
0xf0: {  	s16 =	simm.s32 $0x1200  }
0xf1: {  	[tilespmem:s16], [sflag:$0x1] =	stream.indirect_vreg.gather [hbm4b:s1+s31], $0x80, v4, vm0, $0xb8;
	[tilespmem:$0xF200] =	vst v63  }
0xf2: {  	s12 =	simm.s32 $0x1A00  }
0xf3: {  	[tilespmem:s12], [sflag:$0x1] =	stream.indirect_vreg.gather [hbm4b:s1+s31], $0x80, v3, vm0, $0xb8;
	[tilespmem:$0xF200] =	vst v63  }
0xf4: {  	v3 =	vld.msk [tilespmem:$0x20], $0xff;
	_ =	sdelay $0x4  }
0xf5: {  	v4 =	vshll.u32 v3, $0x1  }
0xf6: {  	v3 =	vand.u32 $0x7, v3;
	v4 =	vand.u32 $0xFFFFFFF0, v4  }
0xf7: {  	v3 =	vor.u32 v3, v4  }
0xf8: {  	v3 =	vperm.xlane v3, v0;
	_ =	sdelay $0x1  }
0xf9: {  	v3 =	vadd.s32 v1, v3;
	_ =	sdelay $0x3  }
0xfa: {  	s16 =	simm.s32 $0x2200  }
0xfb: {  	[tilespmem:s16], [sflag:$0x1] =	stream.indirect_vreg.gather [hbm4b:s1+s31], $0x80, v3, vm0, $0xb8;
	[tilespmem:$0xF200] =	vst v63  }
0xfc: {  	v3 =	vld [tilespmem:$0x100];
	_ =	sdelay $0x4  }
0xfd: {  	v4 =	vshll.u32 v3, $0x1  }
0xfe: {  	v3 =	vand.u32 $0x7, v3;
	v4 =	vand.u32 $0xFFFFFFF0, v4  }
0xff: {  	v3 =	vor.u32 v3, v4  }
0x100: {  	v4 =	vperm.xlane v3, v0;
	_ =	sdelay $0x1  }
0x101: {  	v3 =	vperm.xlane v3, v2;
	v4 =	vadd.s32 v1, v4;
	_ =	sdelay $0x1  }
0x102: {  	v3 =	vadd.s32 v1, v3;
	_ =	sdelay $0x2  }
0x103: {  	[tilespmem:s29], [sflag:$0x1] =	stream.indirect_vreg.gather [hbm4b:s4+s31], $0x80, v4, vm0, $0xb8;
	[tilespmem:$0xF200] =	vst v63  }
0x104: {  	s12 =	simm.s32 $0x5A00  }
0x105: {  	[tilespmem:s12], [sflag:$0x1] =	stream.indirect_vreg.gather [hbm4b:s4+s31], $0x80, v3, vm0, $0xb8;
	[tilespmem:$0xF200] =	vst v63  }
0x106: {  	v3 =	vld [tilespmem:$0x110];
	_ =	sdelay $0x4  }
0x107: {  	v4 =	vshll.u32 v3, $0x1  }
0x108: {  	v3 =	vand.u32 $0x7, v3;
	v4 =	vand.u32 $0xFFFFFFF0, v4  }
0x109: {  	v3 =	vor.u32 v3, v4  }
0x10a: {  	v4 =	vperm.xlane v3, v0;
	_ =	sdelay $0x1  }
0x10b: {  	v3 =	vperm.xlane v3, v2;
	v4 =	vadd.s32 v1, v4;
	_ =	sdelay $0x1  }
0x10c: {  	v3 =	vadd.s32 v1, v3;
	_ =	sdelay $0x1  }
0x10d: {  	s16 =	simm.s32 $0x6200  }
0x10e: {  	[tilespmem:s16], [sflag:$0x1] =	stream.indirect_vreg.gather [hbm4b:s4+s31], $0x80, v4, vm0, $0xb8;
	[tilespmem:$0xF200] =	vst v63  }
0x10f: {  	s12 =	simm.s32 $0x6A00  }
0x110: {  	[tilespmem:s12], [sflag:$0x1] =	stream.indirect_vreg.gather [hbm4b:s4+s31], $0x80, v3, vm0, $0xb8;
	[tilespmem:$0xF200] =	vst v63  }
0x111: {  	v3 =	vld.msk [tilespmem:$0x120], $0xff;
	_ =	sdelay $0x4  }
0x112: {  	v4 =	vshll.u32 v3, $0x1  }
0x113: {  	v3 =	vand.u32 $0x7, v3;
	v4 =	vand.u32 $0xFFFFFFF0, v4  }
0x114: {  	v3 =	vor.u32 v3, v4  }
0x115: {  	v3 =	vperm.xlane v3, v0;
	_ =	sdelay $0x1  }
0x116: {  	v3 =	vadd.s32 v1, v3;
	_ =	sdelay $0x3  }
0x117: {  	s16 =	simm.s32 $0x7200  }
0x118: {  	[tilespmem:s16], [sflag:$0x1] =	stream.indirect_vreg.gather [hbm4b:s4+s31], $0x80, v3, vm0, $0xb8;
	[tilespmem:$0xF200] =	vst v63  }
0x119: {  	_ = 	snop  }
0x11a: {  	[tilespmem:s15], [sflag:$0x1] =	stream.indirect.gather [hbm4b:s5+s14], $0x80, s31, s14, $0xb8;
	[tilespmem:$0xF200] =	vst v63  }
0x11b: {  	s31 =	simm.s32 $0xCA00  }
0x11c: {  	[tilespmem:s31], [sflag:$0x1] =	stream.indirect.gather [hbm4b:s6+s14], $0x80, s22, s14, $0xb8;
	[tilespmem:$0xF200] =	vst v63  }
0x11d: {  	_ =	swait.ge [sflag:s25], $0x2800  }
0x11e: {  	[sflag:s25] =	ssyncset.done $0x0  }
0x11f: {  	[sflag:s25] =	ssyncadd.s32 $0xFFFFD800  }
0x120: {  	_ =	swait.ge [sflag:s25], $0x2800  }
0x121: {  	[sflag:s25] =	ssyncset.done $0x0  }
0x122: {  	[sflag:s25] =	ssyncadd.s32 $0xFFFFD800  }
0x123: {  	_ =	swait.ge [sflag:s25], $0x1400  }
0x124: {  	[sflag:s25] =	ssyncset.done $0x0  }
0x125: {  	[sflag:s25] =	ssyncadd.s32 $0xFFFFEC00  }
0x126: {  	_ =	swait.ge [sflag:s25], $0x1400  }
0x127: {  	[sflag:s25] =	ssyncset.done $0x0  }
0x128: {  	s0 =	simm.s32 $0x0;
	[sflag:s25] =	ssyncadd.s32 $0xFFFFEC00  }
0x129: {  	s12 =	simm.s32 $0x200;
	v3 =	vld [tilespmem:s0+$0xDE00]  }
.LBB2_5:
0x12a: {  	p0 =	sne.s32 s12, $0x4E00;
	v4 =	vld [tilespmem:s0+$0xB600];
	_ =	sdelay $0x2  }
.Ltmp1:
0x12b: {  	(pc) =	sbr.rel @p0 .LBB2_5-.Ltmp1, $4  }
0x12c: {  	_ = 	snop  }
0x12d: {  	v4 =	vadd.f32 v3, v4  }
0x12e: {  	s16 =	sshra.s32 s12, $0x2  }
0x12f: {  	s12 =	sadd.s32 $0x200, s12;
	v3 =	vld [tilespmem:s16+$0xDE00];
	[tilespmem:s0+$0xB600] =	vst v4;
	s0 =	smov.u32 s16  }
0x130: {  	v4 =	vld [tilespmem:s0+$0xB600];
	_ =	sdelay $0x3  }
0x131: {  	s12 =	sadd.s32 s10, s17  }
0x132: {  	s16 =	smul.u32 $0x500, s12;
	v3 =	vadd.f32 v3, v4  }
0x133: {  	s30 =	sadd.s32 $0x1, s30  }
0x134: {  	p0 =	sne.s32 s30, $0x25;
	s31 =	sadd.s32 s9, s16;
	[tilespmem:s0+$0xB600] =	vst v3  }
0x135: {  	[hbm4b:s31+s2] =	stream.linear.scatter [tilespmem:s24], [sflag:$0x4], $0x2800, $0x38;
	[tilespmem:$0xF200] =	vst v63  }
.Ltmp2:
0x136: {  	_ = 	snop;
	(pc) =	sbr.rel @p0 .LBB2_2-.Ltmp2, $4  }
0x137: {  	s12 =	smul.u32 $0x280, s12;
	s17 =	sadd.s32 s11, s16  }
0x138: {  	[hbm4b:s17+s2] =	stream.linear.scatter [tilespmem:s28], [sflag:$0x4], $0x2800, $0x38;
	[tilespmem:$0xF200] =	vst v63  }
0x139: {  	s31 =	sadd.s32 s13, s12  }
0x13a: {  	[hbm4b:s31+s2] =	stream.linear.scatter [tilespmem:s26], [sflag:$0x4], $0x1400, $0x38;
	[tilespmem:$0xF200] =	vst v63  }
0x13b: {  	s0 =	simm.s32 $0x4  }
0x13c: {  	_ =	swait.ge [sflag:s0], $0x2800  }
0x13d: {  	[sflag:s0] =	ssyncset.done $0x0  }
0x13e: {  	[sflag:s0] =	ssyncadd.s32 $0xFFFFD800  }
0x13f: {  	_ =	swait.ge [sflag:s0], $0x2800  }
0x140: {  	[sflag:s0] =	ssyncset.done $0x0  }
0x141: {  	[sflag:s0] =	ssyncadd.s32 $0xFFFFD800  }
0x142: {  	_ =	swait.ge [sflag:s0], $0x1400  }
0x143: {  	[sflag:s0] =	ssyncset.done $0x0  }
0x144: {  	[sflag:s0] =	ssyncadd.s32 $0xFFFFEC00  }
0x145: {  	_ =	swait.ge [sflag:s18], $0x2800  }
0x146: {  	[sflag:s18] =	ssyncset.done $0x0  }
0x147: {  	[sflag:s18] =	ssyncadd.s32 $0xFFFFD800  }
0x148: {  	_ =	swait.ge [sflag:s18], $0x2800  }
0x149: {  	[sflag:s18] =	ssyncset.done $0x0  }
0x14a: {  	[sflag:s18] =	ssyncadd.s32 $0xFFFFD800  }
0x14b: {  	_ =	swait.ge [sflag:s18], $0x1400  }
0x14c: {  	[sflag:s18] =	ssyncset.done $0x0  }
0x14d: {  	[sflag:s18] =	ssyncadd.s32 $0xFFFFEC00  }
0x14e: {  	_ =	swait.ge [sflag:s18], $0x1400  }
0x14f: {  	[sflag:s18] =	ssyncset.done $0x0  }
0x150: {  	s0 =	simm.s32 $0x0;
	[sflag:s18] =	ssyncadd.s32 $0xFFFFEC00  }
0x151: {  	s12 =	simm.s32 $0x200;
	v3 =	vld [tilespmem:s0+$0xCA00]  }
.LBB2_8:
0x152: {  	p0 =	sne.s32 s12, $0x4E00;
	v4 =	vld [tilespmem:s0+$0xA200];
	_ =	sdelay $0x2  }
.Ltmp3:
0x153: {  	(pc) =	sbr.rel @p0 .LBB2_8-.Ltmp3, $4  }
0x154: {  	_ = 	snop  }
0x155: {  	v4 =	vadd.f32 v3, v4  }
0x156: {  	s16 =	sshra.s32 s12, $0x2  }
0x157: {  	s12 =	sadd.s32 $0x200, s12;
	v3 =	vld [tilespmem:s16+$0xCA00];
	[tilespmem:s0+$0xA200] =	vst v4;
	s0 =	smov.u32 s16  }
0x158: {  	v4 =	vld [tilespmem:s0+$0xA200];
	_ =	sdelay $0x4  }
0x159: {  	v3 =	vadd.f32 v3, v4;
	_ =	sdelay $0x1  }
0x15a: {  	s16 =	rddreg [dreg:$0x7];
	[tilespmem:s0+$0xA200] =	vst v3  }
0x15b: {  	[hbm4b:s16+s2] =	stream.linear.scatter [tilespmem:s23], [sflag:$0x3], $0x2800, $0x38;
	[tilespmem:$0xF200] =	vst v63  }
0x15c: {  	s17 =	rddreg [dreg:$0x8]  }
0x15d: {  	[hbm4b:s17+s2] =	stream.linear.scatter [tilespmem:s29], [sflag:$0x3], $0x2800, $0x38;
	[tilespmem:$0xF200] =	vst v63  }
0x15e: {  	s30 =	rddreg [dreg:$0x9]  }
0x15f: {  	[hbm4b:s30+s2] =	stream.linear.scatter [tilespmem:s15], [sflag:$0x3], $0x1400, $0x38;
	[tilespmem:$0xF200] =	vst v63  }
0x160: {  	_ =	swait.ge [sflag:s3], $0x2800  }
0x161: {  	[sflag:s3] =	ssyncset.done $0x0  }
0x162: {  	[sflag:s3] =	ssyncadd.s32 $0xFFFFD800  }
0x163: {  	_ =	swait.ge [sflag:s3], $0x2800  }
0x164: {  	[sflag:s3] =	ssyncset.done $0x0  }
0x165: {  	[sflag:s3] =	ssyncadd.s32 $0xFFFFD800  }
0x166: {  	_ =	swait.ge [sflag:s3], $0x1400  }
0x167: {  	s12 =	rddreg [dreg:$0xb]  }
0x168: {  	s31 =	rddreg [dreg:$0xa];
	s12 =	sadd.s32 $0x1, s12  }
0x169: {  	p0 =	sne.s32 s12, s31  }
.Ltmp4:
0x16a: {  	_ = 	snop;
	(pc) =	sbr.rel @p0 .LBB2_1-.Ltmp4, $3  }
0x16b: {  	_ =	sdelay $0x1  }
0x16c: {  	[sflag:s3] =	ssyncset.done $0x0  }
0x16d: {  	[sflag:s3] =	ssyncadd.s32 $0xFFFFEC00  }
0x16e: {  	_ =	sfence.sel $0x180000  }
0x16f: {  	[bflag:$0x0] =	sbarrier.arrive $0xFFFF  }
0x170: {  	_ =	strace $0x90000047  }
0x171: {  	s0 =	stileid.u32;
	[bflag:$0x2] =	sbarrier.arrive $0xFFFF  }
0x172: {  	p0 =	sne.s32 s0, $0x0;
	s0 =	rddreg [dreg:$0x2]  }
0x173: {  	s0 =	sadd.s32 @!p0 $0x100000, s0  }
0x174: {  	[sflag:s0] =	ssyncadd.tile.s32 @!p0 $0x1;
	_ =	shalt  }
.Lfunc_end2:
_tile_overlayer_lowered:
.L_overlay_start_2:
0x175: {  	(tag) =	ssettag $0x2  }
0x176: {  	s0 =	rddreg [dreg:$0x0];
	s2 =	stileid.u32  }
0x177: {  	s1 =	rddreg [dreg:$0x1];
	p0 =	sne.s32 s2, $0x0  }
0x178: {  	s3 =	rddreg [dreg:$0x2];
	[bflag:$0x3] =	sbarrier.arrive $0xFFFF;
	s2 =	simm.s32 @!p0 $0x1C05  }
0x179: {  	[timem:s3], [sflag:s2] =	dma.local @!p0 [hbm:s0], s1  }
0x17a: {  	s0 =	simm.s32 @!p0 $0x5  }
0x17b: {  	_ =	swait.ge @!p0 [sflag:s0], s1  }
0x17c: {  	s1 =	ssub.s32 @!p0 $0x0, s1;
	[sflag:s0] =	ssyncset.done @!p0 $0x0  }
0x17d: {  	[sflag:s0] =	ssyncadd.s32 @!p0 s1  }
0x17e: {  	[bflag:$0x3] =	sbarrier.arrive $0xFFFF  }
0x17f: {  	_ =	shalt  }

</sc_bundles>
